<compile_context>
chip_gen: v7x
topology: tpu7x:2x2x1
jax: 0.10.2.dev20260603
libtpu: 0.0.44.dev20260713+nightly
codegen_flags: <defaults>
</compile_context>

<pallas_src>
import functools

import jax
import jax.numpy as jnp
from jax import lax
from jax.experimental import pallas as pl
from jax.experimental.pallas import tpu as pltpu
from jax.experimental.pallas import tpu_sc as plsc

N = 65536
NNZ = 4294967
K = 4096
R = 16384
L = 3

NUM_CORES = 2
NUM_SUB = 16
NUM_TILES = NUM_CORES * NUM_SUB
CHUNK = 4096
CHUNKS_PER_TILE = 32
EDGES_PER_TILE = CHUNK * CHUNKS_PER_TILE
NNZ_MAIN = NUM_TILES * EDGES_PER_TILE
NNZ_TAIL = NNZ - NNZ_MAIN
TAIL_PAD = NUM_TILES * CHUNK
ZSL = N // NUM_SUB

_mesh = plsc.VectorSubcoreMesh(
    core_axis_name="c", subcore_axis_name="s", num_cores=NUM_CORES)


@functools.partial(
    pl.kernel,
    out_type=(jax.ShapeDtypeStruct((NUM_TILES, 16), jnp.float32),
              jax.ShapeDtypeStruct((NUM_CORES, N), jnp.float32)),
    mesh=_mesh,
    scratch_types=[
        pltpu.VMEM((N,), jnp.float32),
        [pltpu.VMEM((CHUNK,), jnp.int32)] * 2,
        [pltpu.VMEM((CHUNK,), jnp.float32)] * 2,
        [pltpu.VMEM((CHUNK,), jnp.float32)] * 2,
        [pltpu.VMEM((CHUNK,), jnp.int32)] * 2,
        pltpu.VMEM((R // NUM_SUB,), jnp.float32),
        pltpu.VMEM((R // NUM_SUB,), jnp.int32),
        pltpu.VMEM((K // NUM_SUB,), jnp.float32),
        pltpu.VMEM((K // NUM_SUB,), jnp.int32),
        pltpu.VMEM((16,), jnp.float32),
        pltpu.VMEM((ZSL,), jnp.float32),
        pltpu.VMEM((ZSL,), jnp.float32),
        pltpu.VMEM((ZSL,), jnp.int32),
        pltpu.VMEM_SHARED((N,), jnp.float32),
        [pltpu.SemaphoreType.DMA] * 2,
        [pltpu.SemaphoreType.DMA] * 2,
        pltpu.SemaphoreType.REGULAR,
    ],
    compiler_params=pltpu.CompilerParams(needs_layout_passes=False),
)
def _sc_model(xs_h, cti_h, g_h, dec_h, col_h, w_h, row_h,
              colt_h, wt_h, rowt_h, out_h, part_h,
              h_old, col_b, w_b, prod_b, row_b, xs_buf, cti_buf,
              g_buf, dec_buf, acc_buf, zero_buf, tmp_buf, idx_buf, h_acc,
              sem_ld, sem_sc, sem_cb):
    cid = lax.axis_index("c")
    sid = lax.axis_index("s")
    gid = cid * NUM_SUB + sid
    zero16 = jnp.zeros((16,), jnp.float32)
    iota16 = lax.broadcasted_iota(jnp.int32, (16,), 0)

    def _z(j, _):
        zero_buf[pl.ds(j * 16, 16)] = zero16
        idx_buf[pl.ds(j * 16, 16)] = sid * ZSL + j * 16 + iota16
        return 0
    lax.fori_loop(0, ZSL // 16, _z, 0)
    pltpu.sync_copy(zero_buf, h_acc.at[pl.ds(sid * ZSL, ZSL)])
    plsc.subcore_barrier()

    rpt = R // NUM_SUB
    pltpu.sync_copy(xs_h.at[pl.ds(sid * rpt, rpt)], xs_buf)
    pltpu.sync_copy(cti_h.at[pl.ds(sid * rpt, rpt)], cti_buf)
    pltpu.sync_copy(xs_buf, h_acc.at[cti_buf], add=True)
    plsc.subcore_barrier()

    def _start_loads(p, off, srcs):
        ch, wh, rh = srcs
        pltpu.async_copy(ch.at[pl.ds(off, CHUNK)], col_b[p], sem_ld[p])
        pltpu.async_copy(wh.at[pl.ds(off, CHUNK)], w_b[p], sem_ld[p])
        pltpu.async_copy(rh.at[pl.ds(off, CHUNK)], row_b[p], sem_ld[p])

    def _wait_loads(p, off, srcs):
        ch, wh, rh = srcs
        pltpu.make_async_copy(ch.at[pl.ds(off, CHUNK)], col_b[p],
                              sem_ld[p]).wait()
        pltpu.make_async_copy(wh.at[pl.ds(off, CHUNK)], w_b[p],
                              sem_ld[p]).wait()
        pltpu.make_async_copy(rh.at[pl.ds(off, CHUNK)], row_b[p],
                              sem_ld[p]).wait()

    def _wait_scatter(p):
        pltpu.make_async_copy(prod_b[p], h_acc.at[row_b[p]],
                              sem_sc[p]).wait()

    main_srcs = (col_h, w_h, row_h)
    tail_srcs = (colt_h, wt_h, rowt_h)
    NCH = CHUNKS_PER_TILE + 1

    def _src_off(i, base):
        if i < CHUNKS_PER_TILE:
            return main_srcs, base + i * CHUNK
        return tail_srcs, gid * CHUNK

    def _step(_s, _c):
        base = gid * EDGES_PER_TILE
        _start_loads(0, base, main_srcs)
        pltpu.sync_copy(h_acc, h_old)
        plsc.subcore_barrier()
        pltpu.sync_copy(zero_buf, h_acc.at[pl.ds(sid * ZSL, ZSL)])
        plsc.subcore_barrier()

        for i in range(NCH):
            p = i % 2
            s_i, o_i = _src_off(i, base)
            _wait_loads(p, o_i, s_i)
            if i >= 1:
                _wait_scatter(1 - p)
            if i + 1 < NCH:
                s_n, o_n = _src_off(i + 1, base)
                _start_loads(1 - p, o_n, s_n)

            @plsc.parallel_loop(0, CHUNK // 16, unroll=8)
            def _gm(j):
                idx = col_b[p][pl.ds(j * 16, 16)]
                hv = plsc.load_gather(h_old, [idx])
                wv = w_b[p][pl.ds(j * 16, 16)]
                prod_b[p][pl.ds(j * 16, 16)] = hv * wv

            pltpu.async_copy(prod_b[p], h_acc.at[row_b[p]], sem_sc[p],
                             add=True)
        _wait_scatter((NCH - 1) % 2)
        plsc.subcore_barrier()

        @pl.when(_s < L - 1)
        def _combine():
            pltpu.sync_copy(h_acc.at[pl.ds(sid * ZSL, ZSL)],
                            part_h.at[cid].at[pl.ds(sid * ZSL, ZSL)])
            plsc.subcore_barrier()
            pltpu.core_barrier(sem_cb, core_axis_name="c")
            pltpu.sync_copy(part_h.at[1 - cid].at[pl.ds(sid * ZSL, ZSL)],
                            tmp_buf)
            pltpu.sync_copy(tmp_buf, h_acc.at[idx_buf], add=True)
            plsc.subcore_barrier()
        return 0
    lax.fori_loop(0, L, _step, 0)

    pltpu.sync_copy(h_acc, h_old)
    kpt = K // NUM_SUB
    pltpu.sync_copy(g_h.at[pl.ds(sid * kpt, kpt)], g_buf)
    pltpu.sync_copy(dec_h.at[pl.ds(sid * kpt, kpt)], dec_buf)

    def _dot(j, acc):
        idx = dec_buf[pl.ds(j * 16, 16)]
        hv = plsc.load_gather(h_old, [idx])
        gv = g_buf[pl.ds(j * 16, 16)]
        return acc + hv * gv
    acc = lax.fori_loop(0, kpt // 16, _dot, zero16)
    acc_buf[...] = acc
    pltpu.sync_copy(acc_buf, out_h.at[gid])


def kernel(x, adj_w, w_ret, b_ret, dec_val, fc_w, fc_b,
           cell_type_indices, adj_row, adj_col, dec_col):
    xs = x[0] * w_ret + b_ret
    cti = cell_type_indices.astype(jnp.int32)
    g = fc_w[0] * dec_val
    dec = dec_col.astype(jnp.int32)
    pad = TAIL_PAD - NNZ_TAIL
    col_i = adj_col.astype(jnp.int32)
    row_i = adj_row.astype(jnp.int32)
    col_t = jnp.concatenate(
        [lax.slice(col_i, (NNZ_MAIN,), (NNZ,)), jnp.zeros((pad,), jnp.int32)])
    w_t = jnp.concatenate(
        [lax.slice(adj_w, (NNZ_MAIN,), (NNZ,)), jnp.zeros((pad,), jnp.float32)])
    row_t = jnp.concatenate(
        [lax.slice(row_i, (NNZ_MAIN,), (NNZ,)), jnp.zeros((pad,), jnp.int32)])
    parts, _ = _sc_model(xs, cti, g, dec, col_i, adj_w, row_i,
                         col_t, w_t, row_t)
    return jnp.sum(parts)[None] + fc_b

# --- scband reference (transcript-rebuilt; emitter-appended) ---
"""Pipeline reference for scband-full-adult-model-26474178412845 (READ-ONLY COPY).

The authoritative reference and input builder live on the scoring server;
editing this copy changes nothing except your own understanding.
"""

import jax, jax.numpy as jnp
import numpy as np

N = 65536          # neurons (adjacency shape)
NNZ = 4294967      # n*n*0.001 connectome synapses
K = 4096           # decision_making_tensor rows (== nnz, one nonzero per row)
R = 16384          # retina input size (len(cell_type_indices))
L = 3              # layer_number: propagation steps through the connectome


def setup_inputs(seed: int = 0) -> dict:
    key = jax.random.key(seed)
    ks = jax.random.split(key, 10)
    x = jax.random.normal(ks[0], (1, R), dtype=jnp.float32)
    cell_type_indices = jax.random.randint(ks[1], (R,), 0, N)
    adj_row = jax.random.randint(ks[2], (NNZ,), 0, N)
    adj_col = jax.random.randint(ks[3], (NNZ,), 0, N)
    # log_transform_weights=True: shared_weights = log1p(adjacency.data) at init time
    adj_w = jnp.log1p(jax.random.uniform(ks[4], (NNZ,), dtype=jnp.float32, minval=0.0, maxval=4.0))
    # RetinaConnectionLayer(cell_type_indices, 1, 1): scalar affine on the scattered retina drive
    w_ret = jax.random.normal(ks[5], (), dtype=jnp.float32) * 0.1 + 1.0
    b_ret = jnp.zeros((), dtype=jnp.float32)
    # decision_making_tensor: sparse [K, N], exactly one nonzero per row (selection/readout matrix)
    dec_col = jax.random.randint(ks[6], (K,), 0, N)
    dec_val = jax.random.uniform(ks[7], (K,), dtype=jnp.float32)
    # final_fc: Linear(nnz(decision)=K, 1)
    fc_w = jax.random.normal(ks[8], (1, K), dtype=jnp.float32) * (1.0 / np.sqrt(K))
    fc_b = jnp.zeros((1,), dtype=jnp.float32)
    return {
        "x": x,
        "adj_w": adj_w,
        "w_ret": w_ret,
        "b_ret": b_ret,
        "dec_val": dec_val,
        "fc_w": fc_w,
        "fc_b": fc_b,
        "cell_type_indices": cell_type_indices,
        "adj_row": adj_row,
        "adj_col": adj_col,
        "dec_col": dec_col,
    }


def reference(x, adj_w, w_ret, b_ret, dec_val, fc_w, fc_b,
              cell_type_indices, adj_row, adj_col, dec_col):
    # RetinaConnectionLayer: scatter retina drive into the full neuron state vector
    h = jnp.zeros((N,), dtype=x.dtype).at[cell_type_indices].add(x[0] * w_ret + b_ret)
    # AdultConnectome / SparseMatrixMul: layer_number sparse matvec propagation steps
    # A[row, col] = w  ;  h <- A @ h
    for _ in range(L):
        h = jax.ops.segment_sum(adj_w * jnp.take(h, adj_col), adj_row, num_segments=N)
    # torch.sparse.mm(decision_making_tensor, h): one nonzero per row -> pure gather*scale
    y = dec_val * jnp.take(h, dec_col)  # [K] == to_dense().squeeze(1)
    # final_fc
    out = fc_w @ y + fc_b  # [1]
    return out

if __name__ == "__main__":
    import jax
    _d = setup_inputs()
    print(jax.jit(kernel)(*tuple(_d.values())))

</pallas_src>

<mosaic_0001>
#map = affine_map<(d0, d1) -> (0)>
#map1 = affine_map<(d0, d1) -> (0, 0)>
module attributes {stable_mosaic.version = 14 : i64} {
  func.func @_sc_model(%arg0: i32, %arg1: i32, %arg2: memref<16384xf32, #tpu.memory_space<hbm>>, %arg3: memref<16384xi32, #tpu.memory_space<hbm>>, %arg4: memref<4096xf32, #tpu.memory_space<hbm>>, %arg5: memref<4096xi32, #tpu.memory_space<hbm>>, %arg6: memref<4294967xi32, #tpu.memory_space<hbm>>, %arg7: memref<4294967xf32, #tpu.memory_space<hbm>>, %arg8: memref<4294967xi32, #tpu.memory_space<hbm>>, %arg9: memref<131072xi32, #tpu.memory_space<hbm>>, %arg10: memref<131072xf32, #tpu.memory_space<hbm>>, %arg11: memref<131072xi32, #tpu.memory_space<hbm>>, %arg12: memref<32x16xf32, #tpu.memory_space<hbm>>, %arg13: memref<2x65536xf32, #tpu.memory_space<hbm>>, %arg14: memref<65536xf32, #tpu.memory_space<vmem>>, %arg15: memref<4096xi32, #tpu.memory_space<vmem>>, %arg16: memref<4096xi32, #tpu.memory_space<vmem>>, %arg17: memref<4096xf32, #tpu.memory_space<vmem>>, %arg18: memref<4096xf32, #tpu.memory_space<vmem>>, %arg19: memref<4096xf32, #tpu.memory_space<vmem>>, %arg20: memref<4096xf32, #tpu.memory_space<vmem>>, %arg21: memref<4096xi32, #tpu.memory_space<vmem>>, %arg22: memref<4096xi32, #tpu.memory_space<vmem>>, %arg23: memref<1024xf32, #tpu.memory_space<vmem>>, %arg24: memref<1024xi32, #tpu.memory_space<vmem>>, %arg25: memref<256xf32, #tpu.memory_space<vmem>>, %arg26: memref<256xi32, #tpu.memory_space<vmem>>, %arg27: memref<16xf32, #tpu.memory_space<vmem>>, %arg28: memref<4096xf32, #tpu.memory_space<vmem>>, %arg29: memref<4096xf32, #tpu.memory_space<vmem>>, %arg30: memref<4096xi32, #tpu.memory_space<vmem>>, %arg31: memref<65536xf32, #tpu.memory_space<vmem_shared>>, %arg32: memref<!tpu.dma_semaphore, #tpu.memory_space<semaphore_mem>>, %arg33: memref<!tpu.dma_semaphore, #tpu.memory_space<semaphore_mem>>, %arg34: memref<!tpu.dma_semaphore, #tpu.memory_space<semaphore_mem>>, %arg35: memref<!tpu.dma_semaphore, #tpu.memory_space<semaphore_mem>>, %arg36: memref<!tpu.semaphore, #tpu.memory_space<semaphore_mem>>) attributes {dimension_semantics = [#tpu.dimension_semantics<core_parallel>, #tpu.dimension_semantics<subcore_parallel>], iteration_bounds = array<i64: 2, 16>, scalar_prefetch = 0 : i64, scratch_operands = 23 : i64, tpu.core_type = #tpu.core_type<sc_vector_subcore>, window_params = [{transform_indices = #map}, {transform_indices = #map}, {transform_indices = #map}, {transform_indices = #map}, {transform_indices = #map}, {transform_indices = #map}, {transform_indices = #map}, {transform_indices = #map}, {transform_indices = #map}, {transform_indices = #map}, {transform_indices = #map1}, {transform_indices = #map1}]} {
    %mul3A = arith.constant 16 : i32
    %mul3A_0 = arith.muli %arg0, %mul3A : i32
    %add3A = arith.addi %mul3A_0, %arg1 : i32
    %broadcast_in_dim3A = arith.constant 0.000000e+00 : f32
    %broadcast_in_dim3A_1 = vector.broadcast %broadcast_in_dim3A : f32 to vector<16xf32>
    %iota3A = tpu.iota {dimensions = array<i32: 0>} : vector<16xi32>
    %scan3A = arith.constant 0 : i32
    %scan3A_2 = arith.constant 0 : i32
    %scan3A_3 = arith.constant 256 : i32
    %scan3A_4 = arith.addi %scan3A_2, %scan3A_3 : i32
    %scan3A_5 = arith.constant 1 : i32
    %scan3A_6 = scf.for %scan3A_33 = %scan3A_2 to %scan3A_4 step %scan3A_5 iter_args(%scan3A_34 = %scan3A) -> (i32)  : i32 {
      %mul3A_35 = arith.constant 16 : i32
      %mul3A_36 = arith.muli %scan3A_33, %mul3A_35 : i32
      %swap3A_37 = arith.index_cast %mul3A_36 : i32 to index
      %swap3A_38 = tpu.vector_load %arg28[%swap3A_37] {strides = array<i32>} : memref<4096xf32, #tpu.memory_space<vmem>>, vector<16xf32>,
      tpu.vector_store %arg28[%swap3A_37], %broadcast_in_dim3A_1 {strides = array<i32>} : memref<4096xf32, #tpu.memory_space<vmem>>, vector<16xf32>,
      %mul3A_39 = arith.constant 4096 : i32
      %mul3A_40 = arith.muli %arg1, %mul3A_39 : i32
      %mul3A_41 = arith.constant 16 : i32
      %mul3A_42 = arith.muli %scan3A_33, %mul3A_41 : i32
      %add3A_43 = arith.addi %mul3A_40, %mul3A_42 : i32
      %add3A_44 = vector.broadcast %add3A_43 : i32 to vector<16xi32>
      %add3A_45 = arith.addi %add3A_44, %iota3A : vector<16xi32>
      %mul3A_46 = arith.constant 16 : i32
      %mul3A_47 = arith.muli %scan3A_33, %mul3A_46 : i32
      %swap3A_48 = arith.index_cast %mul3A_47 : i32 to index
      %swap3A_49 = tpu.vector_load %arg30[%swap3A_48] {strides = array<i32>} : memref<4096xi32, #tpu.memory_space<vmem>>, vector<16xi32>,
      tpu.vector_store %arg30[%swap3A_48], %add3A_45 {strides = array<i32>} : memref<4096xi32, #tpu.memory_space<vmem>>, vector<16xi32>,
      %scan3A_50 = arith.constant 0 : i32
      scf.yield %scan3A_50 : i32
    }
    %scan3A_7 = arith.constant 256 : i32
    %mul3A_8 = arith.constant 4096 : i32
    %mul3A_9 = arith.muli %arg1, %mul3A_8 : i32
    "tpu.region"() ({
      %run_scoped3A = tpu.sem_alloc : memref<!tpu.dma_semaphore, #tpu.memory_space<semaphore_mem>>
      %dma_start3A = tpu.memref_slice %arg31[%mul3A_9] : memref<65536xf32, #tpu.memory_space<vmem_shared>> -> memref<4096xf32, #tpu.memory_space<vmem_shared>>
      %dma_start3A_33 = tpu.memref_slice %arg31[%mul3A_9] : memref<65536xf32, #tpu.memory_space<vmem_shared>> -> memref<4096xf32, #tpu.memory_space<vmem_shared>>
      tpu.enqueue_dma source(%arg28 : memref<4096xf32, #tpu.memory_space<vmem>>) target(%dma_start3A_33 : memref<4096xf32, #tpu.memory_space<vmem_shared>>) target_semaphore(%run_scoped3A : memref<!tpu.dma_semaphore, #tpu.memory_space<semaphore_mem>>)
      %dma_wait3A = tpu.memref_slice %arg31[%mul3A_9] : memref<65536xf32, #tpu.memory_space<vmem_shared>> -> memref<4096xf32, #tpu.memory_space<vmem_shared>>
      %dma_wait3A_34 = tpu.memref_slice %arg31[%mul3A_9] : memref<65536xf32, #tpu.memory_space<vmem_shared>> -> memref<4096xf32, #tpu.memory_space<vmem_shared>>
      tpu.wait_dma2 semaphore(%run_scoped3A : memref<!tpu.dma_semaphore, #tpu.memory_space<semaphore_mem>>) src(%arg28 : memref<4096xf32, #tpu.memory_space<vmem>>) dst(%dma_wait3A_34 : memref<4096xf32, #tpu.memory_space<vmem_shared>>)
      tpu.yield
    }) : () -> ()
    %barrier3A = arith.constant 0 : index
    tpu.barrier barrier_id(%barrier3A)
    %mul3A_10 = arith.constant 1024 : i32
    %mul3A_11 = arith.muli %arg1, %mul3A_10 : i32
    "tpu.region"() ({
      %run_scoped3A = tpu.sem_alloc : memref<!tpu.dma_semaphore, #tpu.memory_space<semaphore_mem>>
      %dma_start3A = tpu.memref_slice %arg2[%mul3A_11] : memref<16384xf32, #tpu.memory_space<hbm>> -> memref<1024xf32, #tpu.memory_space<hbm>>
      %dma_start3A_33 = tpu.memref_slice %arg2[%mul3A_11] : memref<16384xf32, #tpu.memory_space<hbm>> -> memref<1024xf32, #tpu.memory_space<hbm>>
      tpu.enqueue_dma source(%dma_start3A_33 : memref<1024xf32, #tpu.memory_space<hbm>>) target(%arg23 : memref<1024xf32, #tpu.memory_space<vmem>>) target_semaphore(%run_scoped3A : memref<!tpu.dma_semaphore, #tpu.memory_space<semaphore_mem>>)
      %dma_wait3A = tpu.memref_slice %arg2[%mul3A_11] : memref<16384xf32, #tpu.memory_space<hbm>> -> memref<1024xf32, #tpu.memory_space<hbm>>
      %dma_wait3A_34 = tpu.memref_slice %arg2[%mul3A_11] : memref<16384xf32, #tpu.memory_space<hbm>> -> memref<1024xf32, #tpu.memory_space<hbm>>
      tpu.wait_dma2 semaphore(%run_scoped3A : memref<!tpu.dma_semaphore, #tpu.memory_space<semaphore_mem>>) src(%dma_wait3A_34 : memref<1024xf32, #tpu.memory_space<hbm>>) dst(%arg23 : memref<1024xf32, #tpu.memory_space<vmem>>)
      tpu.yield
    }) : () -> ()
    %mul3A_12 = arith.constant 1024 : i32
    %mul3A_13 = arith.muli %arg1, %mul3A_12 : i32
    "tpu.region"() ({
      %run_scoped3A = tpu.sem_alloc : memref<!tpu.dma_semaphore, #tpu.memory_space<semaphore_mem>>
      %dma_start3A = tpu.memref_slice %arg3[%mul3A_13] : memref<16384xi32, #tpu.memory_space<hbm>> -> memref<1024xi32, #tpu.memory_space<hbm>>
      %dma_start3A_33 = tpu.memref_slice %arg3[%mul3A_13] : memref<16384xi32, #tpu.memory_space<hbm>> -> memref<1024xi32, #tpu.memory_space<hbm>>
      tpu.enqueue_dma source(%dma_start3A_33 : memref<1024xi32, #tpu.memory_space<hbm>>) target(%arg24 : memref<1024xi32, #tpu.memory_space<vmem>>) target_semaphore(%run_scoped3A : memref<!tpu.dma_semaphore, #tpu.memory_space<semaphore_mem>>)
      %dma_wait3A = tpu.memref_slice %arg3[%mul3A_13] : memref<16384xi32, #tpu.memory_space<hbm>> -> memref<1024xi32, #tpu.memory_space<hbm>>
      %dma_wait3A_34 = tpu.memref_slice %arg3[%mul3A_13] : memref<16384xi32, #tpu.memory_space<hbm>> -> memref<1024xi32, #tpu.memory_space<hbm>>
      tpu.wait_dma2 semaphore(%run_scoped3A : memref<!tpu.dma_semaphore, #tpu.memory_space<semaphore_mem>>) src(%dma_wait3A_34 : memref<1024xi32, #tpu.memory_space<hbm>>) dst(%arg24 : memref<1024xi32, #tpu.memory_space<vmem>>)
      tpu.yield
    }) : () -> ()
    "tpu.region"() ({
      %run_scoped3A = tpu.sem_alloc : memref<!tpu.dma_semaphore, #tpu.memory_space<semaphore_mem>>
      %dma_start3A = arith.constant 0 : i32
      %dma_start3A_33 = tpu.memref_slice %arg31[%dma_start3A] : memref<65536xf32, #tpu.memory_space<vmem_shared>> -> memref<65536xf32, #tpu.memory_space<vmem_shared>>
      tpu.enqueue_indirect_dma source(%arg23 : memref<1024xf32, #tpu.memory_space<vmem>>) target(%dma_start3A_33 : memref<65536xf32, #tpu.memory_space<vmem_shared>>) offsets(%arg24 : memref<1024xi32, #tpu.memory_space<vmem>>) semaphore(%run_scoped3A : memref<!tpu.dma_semaphore, #tpu.memory_space<semaphore_mem>>) {add = true}
      %dma_wait3A = arith.constant 0 : i32
      %dma_wait3A_34 = tpu.memref_slice %arg31[%dma_wait3A] : memref<65536xf32, #tpu.memory_space<vmem_shared>> -> memref<65536xf32, #tpu.memory_space<vmem_shared>>
      tpu.wait_indirect_dma semaphore(%run_scoped3A : memref<!tpu.dma_semaphore, #tpu.memory_space<semaphore_mem>>) src(%arg23 : memref<1024xf32, #tpu.memory_space<vmem>>) dst(%dma_wait3A_34 : memref<65536xf32, #tpu.memory_space<vmem_shared>>)
      tpu.yield
    }) : () -> ()
    %barrier3A_14 = arith.constant 0 : index
    tpu.barrier barrier_id(%barrier3A_14)
    %scan3A_15 = arith.constant 0 : i32
    %scan3A_16 = arith.constant 0 : i32
    %scan3A_17 = arith.constant 3 : i32
    %scan3A_18 = arith.addi %scan3A_16, %scan3A_17 : i32
    %scan3A_19 = arith.constant 1 : i32
    %scan3A_20 = scf.for %scan3A_33 = %scan3A_16 to %scan3A_18 step %scan3A_19 iter_args(%scan3A_34 = %scan3A_15) -> (i32)  : i32 {
      %mul3A_35 = arith.constant 131072 : i32
      %mul3A_36 = arith.muli %add3A, %mul3A_35 : i32
      %dma_start3A = tpu.memref_slice %arg6[%mul3A_36] : memref<4294967xi32, #tpu.memory_space<hbm>> -> memref<4096xi32, #tpu.memory_space<hbm>>
      %dma_start3A_37 = tpu.memref_slice %arg6[%mul3A_36] : memref<4294967xi32, #tpu.memory_space<hbm>> -> memref<4096xi32, #tpu.memory_space<hbm>>
      tpu.enqueue_dma source(%dma_start3A_37 : memref<4096xi32, #tpu.memory_space<hbm>>) target(%arg15 : memref<4096xi32, #tpu.memory_space<vmem>>) target_semaphore(%arg32 : memref<!tpu.dma_semaphore, #tpu.memory_space<semaphore_mem>>)
      %dma_start3A_38 = tpu.memref_slice %arg7[%mul3A_36] : memref<4294967xf32, #tpu.memory_space<hbm>> -> memref<4096xf32, #tpu.memory_space<hbm>>
      %dma_start3A_39 = tpu.memref_slice %arg7[%mul3A_36] : memref<4294967xf32, #tpu.memory_space<hbm>> -> memref<4096xf32, #tpu.memory_space<hbm>>
      tpu.enqueue_dma source(%dma_start3A_39 : memref<4096xf32, #tpu.memory_space<hbm>>) target(%arg17 : memref<4096xf32, #tpu.memory_space<vmem>>) target_semaphore(%arg32 : memref<!tpu.dma_semaphore, #tpu.memory_space<semaphore_mem>>)
      %dma_start3A_40 = tpu.memref_slice %arg8[%mul3A_36] : memref<4294967xi32, #tpu.memory_space<hbm>> -> memref<4096xi32, #tpu.memory_space<hbm>>
      %dma_start3A_41 = tpu.memref_slice %arg8[%mul3A_36] : memref<4294967xi32, #tpu.memory_space<hbm>> -> memref<4096xi32, #tpu.memory_space<hbm>>
      tpu.enqueue_dma source(%dma_start3A_41 : memref<4096xi32, #tpu.memory_space<hbm>>) target(%arg21 : memref<4096xi32, #tpu.memory_space<vmem>>) target_semaphore(%arg32 : memref<!tpu.dma_semaphore, #tpu.memory_space<semaphore_mem>>)
      "tpu.region"() ({
        %run_scoped3A = tpu.sem_alloc : memref<!tpu.dma_semaphore, #tpu.memory_space<semaphore_mem>>
        tpu.enqueue_dma source(%arg31 : memref<65536xf32, #tpu.memory_space<vmem_shared>>) target(%arg14 : memref<65536xf32, #tpu.memory_space<vmem>>) target_semaphore(%run_scoped3A : memref<!tpu.dma_semaphore, #tpu.memory_space<semaphore_mem>>)
        tpu.wait_dma2 semaphore(%run_scoped3A : memref<!tpu.dma_semaphore, #tpu.memory_space<semaphore_mem>>) src(%arg31 : memref<65536xf32, #tpu.memory_space<vmem_shared>>) dst(%arg14 : memref<65536xf32, #tpu.memory_space<vmem>>)
        tpu.yield
      }) : () -> ()
      %barrier3A_42 = arith.constant 0 : index
      tpu.barrier barrier_id(%barrier3A_42)
      %mul3A_43 = arith.constant 4096 : i32
      %mul3A_44 = arith.muli %arg1, %mul3A_43 : i32
      "tpu.region"() ({
        %run_scoped3A = tpu.sem_alloc : memref<!tpu.dma_semaphore, #tpu.memory_space<semaphore_mem>>
        %dma_start3A_799 = tpu.memref_slice %arg31[%mul3A_44] : memref<65536xf32, #tpu.memory_space<vmem_shared>> -> memref<4096xf32, #tpu.memory_space<vmem_shared>>
        %dma_start3A_800 = tpu.memref_slice %arg31[%mul3A_44] : memref<65536xf32, #tpu.memory_space<vmem_shared>> -> memref<4096xf32, #tpu.memory_space<vmem_shared>>
        tpu.enqueue_dma source(%arg28 : memref<4096xf32, #tpu.memory_space<vmem>>) target(%dma_start3A_800 : memref<4096xf32, #tpu.memory_space<vmem_shared>>) target_semaphore(%run_scoped3A : memref<!tpu.dma_semaphore, #tpu.memory_space<semaphore_mem>>)
        %dma_wait3A_801 = tpu.memref_slice %arg31[%mul3A_44] : memref<65536xf32, #tpu.memory_space<vmem_shared>> -> memref<4096xf32, #tpu.memory_space<vmem_shared>>
        %dma_wait3A_802 = tpu.memref_slice %arg31[%mul3A_44] : memref<65536xf32, #tpu.memory_space<vmem_shared>> -> memref<4096xf32, #tpu.memory_space<vmem_shared>>
        tpu.wait_dma2 semaphore(%run_scoped3A : memref<!tpu.dma_semaphore, #tpu.memory_space<semaphore_mem>>) src(%arg28 : memref<4096xf32, #tpu.memory_space<vmem>>) dst(%dma_wait3A_802 : memref<4096xf32, #tpu.memory_space<vmem_shared>>)
        tpu.yield
      }) : () -> ()
      %barrier3A_45 = arith.constant 0 : index
      tpu.barrier barrier_id(%barrier3A_45)
      %add3A_46 = arith.constant 0 : i32
      %add3A_47 = arith.addi %mul3A_36, %add3A_46 : i32
      %dma_wait3A = tpu.memref_slice %arg6[%add3A_47] : memref<4294967xi32, #tpu.memory_space<hbm>> -> memref<4096xi32, #tpu.memory_space<hbm>>
      %dma_wait3A_48 = tpu.memref_slice %arg6[%add3A_47] : memref<4294967xi32, #tpu.memory_space<hbm>> -> memref<4096xi32, #tpu.memory_space<hbm>>
      tpu.wait_dma2 semaphore(%arg32 : memref<!tpu.dma_semaphore, #tpu.memory_space<semaphore_mem>>) src(%dma_wait3A_48 : memref<4096xi32, #tpu.memory_space<hbm>>) dst(%arg15 : memref<4096xi32, #tpu.memory_space<vmem>>)
      %dma_wait3A_49 = tpu.memref_slice %arg7[%add3A_47] : memref<4294967xf32, #tpu.memory_space<hbm>> -> memref<4096xf32, #tpu.memory_space<hbm>>
      %dma_wait3A_50 = tpu.memref_slice %arg7[%add3A_47] : memref<4294967xf32, #tpu.memory_space<hbm>> -> memref<4096xf32, #tpu.memory_space<hbm>>
      tpu.wait_dma2 semaphore(%arg32 : memref<!tpu.dma_semaphore, #tpu.memory_space<semaphore_mem>>) src(%dma_wait3A_50 : memref<4096xf32, #tpu.memory_space<hbm>>) dst(%arg17 : memref<4096xf32, #tpu.memory_space<vmem>>)
      %dma_wait3A_51 = tpu.memref_slice %arg8[%add3A_47] : memref<4294967xi32, #tpu.memory_space<hbm>> -> memref<4096xi32, #tpu.memory_space<hbm>>
      %dma_wait3A_52 = tpu.memref_slice %arg8[%add3A_47] : memref<4294967xi32, #tpu.memory_space<hbm>> -> memref<4096xi32, #tpu.memory_space<hbm>>
      tpu.wait_dma2 semaphore(%arg32 : memref<!tpu.dma_semaphore, #tpu.memory_space<semaphore_mem>>) src(%dma_wait3A_52 : memref<4096xi32, #tpu.memory_space<hbm>>) dst(%arg21 : memref<4096xi32, #tpu.memory_space<vmem>>)
      %add3A_53 = arith.constant 4096 : i32
      %add3A_54 = arith.addi %mul3A_36, %add3A_53 : i32
      %dma_start3A_55 = tpu.memref_slice %arg6[%add3A_54] : memref<4294967xi32, #tpu.memory_space<hbm>> -> memref<4096xi32, #tpu.memory_space<hbm>>
      %dma_start3A_56 = tpu.memref_slice %arg6[%add3A_54] : memref<4294967xi32, #tpu.memory_space<hbm>> -> memref<4096xi32, #tpu.memory_space<hbm>>
      tpu.enqueue_dma source(%dma_start3A_56 : memref<4096xi32, #tpu.memory_space<hbm>>) target(%arg16 : memref<4096xi32, #tpu.memory_space<vmem>>) target_semaphore(%arg33 : memref<!tpu.dma_semaphore, #tpu.memory_space<semaphore_mem>>)
      %dma_start3A_57 = tpu.memref_slice %arg7[%add3A_54] : memref<4294967xf32, #tpu.memory_space<hbm>> -> memref<4096xf32, #tpu.memory_space<hbm>>
      %dma_start3A_58 = tpu.memref_slice %arg7[%add3A_54] : memref<4294967xf32, #tpu.memory_space<hbm>> -> memref<4096xf32, #tpu.memory_space<hbm>>
      tpu.enqueue_dma source(%dma_start3A_58 : memref<4096xf32, #tpu.memory_space<hbm>>) target(%arg18 : memref<4096xf32, #tpu.memory_space<vmem>>) target_semaphore(%arg33 : memref<!tpu.dma_semaphore, #tpu.memory_space<semaphore_mem>>)
      %dma_start3A_59 = tpu.memref_slice %arg8[%add3A_54] : memref<4294967xi32, #tpu.memory_space<hbm>> -> memref<4096xi32, #tpu.memory_space<hbm>>
      %dma_start3A_60 = tpu.memref_slice %arg8[%add3A_54] : memref<4294967xi32, #tpu.memory_space<hbm>> -> memref<4096xi32, #tpu.memory_space<hbm>>
      tpu.enqueue_dma source(%dma_start3A_60 : memref<4096xi32, #tpu.memory_space<hbm>>) target(%arg22 : memref<4096xi32, #tpu.memory_space<vmem>>) target_semaphore(%arg33 : memref<!tpu.dma_semaphore, #tpu.memory_space<semaphore_mem>>)
      %parallel_loop3A = arith.constant 0 : i32
      %parallel_loop3A_61 = arith.constant 256 : i32
      %parallel_loop3A_62 = arith.constant 1 : i32
      scf.for %parallel_loop3A_799 = %parallel_loop3A to %parallel_loop3A_61 step %parallel_loop3A_62  : i32 {
        %parallel_loop3A_800 = arith.constant 16 : i32
        %parallel_loop3A_801 = arith.muli %parallel_loop3A_799, %parallel_loop3A_800 : i32
        %parallel_loop3A_802 = arith.index_cast %parallel_loop3A_801 : i32 to index
        %parallel_loop3A_803 = tpu.vector_load %arg15[%parallel_loop3A_802] {strides = array<i32>} : memref<4096xi32, #tpu.memory_space<vmem>>, vector<16xi32>,
        %parallel_loop3A_804 = tpu.vector_load_idx %arg14[%parallel_loop3A_803] : memref<65536xf32, #tpu.memory_space<vmem>>[vector<16xi32>], vector<16xf32>,
        %parallel_loop3A_805 = arith.constant 16 : i32
        %parallel_loop3A_806 = arith.muli %parallel_loop3A_799, %parallel_loop3A_805 : i32
        %parallel_loop3A_807 = arith.index_cast %parallel_loop3A_806 : i32 to index
        %parallel_loop3A_808 = tpu.vector_load %arg17[%parallel_loop3A_807] {strides = array<i32>} : memref<4096xf32, #tpu.memory_space<vmem>>, vector<16xf32>,
        %parallel_loop3A_809 = arith.mulf %parallel_loop3A_804, %parallel_loop3A_808 : vector<16xf32>
        %parallel_loop3A_810 = arith.constant 16 : i32
        %parallel_loop3A_811 = arith.muli %parallel_loop3A_799, %parallel_loop3A_810 : i32
        %parallel_loop3A_812 = arith.index_cast %parallel_loop3A_811 : i32 to index
        %parallel_loop3A_813 = tpu.vector_load %arg19[%parallel_loop3A_812] {strides = array<i32>} : memref<4096xf32, #tpu.memory_space<vmem>>, vector<16xf32>,
        tpu.vector_store %arg19[%parallel_loop3A_812], %parallel_loop3A_809 {strides = array<i32>} : memref<4096xf32, #tpu.memory_space<vmem>>, vector<16xf32>,
      } {sc.loop_unroll_factor = 8 : i64, sc.parallel_access}
      %dma_start3A_63 = arith.constant 0 : i32
      %dma_start3A_64 = tpu.memref_slice %arg31[%dma_start3A_63] : memref<65536xf32, #tpu.memory_space<vmem_shared>> -> memref<65536xf32, #tpu.memory_space<vmem_shared>>
      tpu.enqueue_indirect_dma source(%arg19 : memref<4096xf32, #tpu.memory_space<vmem>>) target(%dma_start3A_64 : memref<65536xf32, #tpu.memory_space<vmem_shared>>) offsets(%arg21 : memref<4096xi32, #tpu.memory_space<vmem>>) semaphore(%arg34 : memref<!tpu.dma_semaphore, #tpu.memory_space<semaphore_mem>>) {add = true}
      %add3A_65 = arith.constant 4096 : i32
      %add3A_66 = arith.addi %mul3A_36, %add3A_65 : i32
      %dma_wait3A_67 = tpu.memref_slice %arg6[%add3A_66] : memref<4294967xi32, #tpu.memory_space<hbm>> -> memref<4096xi32, #tpu.memory_space<hbm>>
      %dma_wait3A_68 = tpu.memref_slice %arg6[%add3A_66] : memref<4294967xi32, #tpu.memory_space<hbm>> -> memref<4096xi32, #tpu.memory_space<hbm>>
      tpu.wait_dma2 semaphore(%arg33 : memref<!tpu.dma_semaphore, #tpu.memory_space<semaphore_mem>>) src(%dma_wait3A_68 : memref<4096xi32, #tpu.memory_space<hbm>>) dst(%arg16 : memref<4096xi32, #tpu.memory_space<vmem>>)
      %dma_wait3A_69 = tpu.memref_slice %arg7[%add3A_66] : memref<4294967xf32, #tpu.memory_space<hbm>> -> memref<4096xf32, #tpu.memory_space<hbm>>
      %dma_wait3A_70 = tpu.memref_slice %arg7[%add3A_66] : memref<4294967xf32, #tpu.memory_space<hbm>> -> memref<4096xf32, #tpu.memory_space<hbm>>
      tpu.wait_dma2 semaphore(%arg33 : memref<!tpu.dma_semaphore, #tpu.memory_space<semaphore_mem>>) src(%dma_wait3A_70 : memref<4096xf32, #tpu.memory_space<hbm>>) dst(%arg18 : memref<4096xf32, #tpu.memory_space<vmem>>)
      %dma_wait3A_71 = tpu.memref_slice %arg8[%add3A_66] : memref<4294967xi32, #tpu.memory_space<hbm>> -> memref<4096xi32, #tpu.memory_space<hbm>>
      %dma_wait3A_72 = tpu.memref_slice %arg8[%add3A_66] : memref<4294967xi32, #tpu.memory_space<hbm>> -> memref<4096xi32, #tpu.memory_space<hbm>>
      tpu.wait_dma2 semaphore(%arg33 : memref<!tpu.dma_semaphore, #tpu.memory_space<semaphore_mem>>) src(%dma_wait3A_72 : memref<4096xi32, #tpu.memory_space<hbm>>) dst(%arg22 : memref<4096xi32, #tpu.memory_space<vmem>>)
      %dma_wait3A_73 = arith.constant 0 : i32
      %dma_wait3A_74 = tpu.memref_slice %arg31[%dma_wait3A_73] : memref<65536xf32, #tpu.memory_space<vmem_shared>> -> memref<65536xf32, #tpu.memory_space<vmem_shared>>
      tpu.wait_indirect_dma semaphore(%arg34 : memref<!tpu.dma_semaphore, #tpu.memory_space<semaphore_mem>>) src(%arg19 : memref<4096xf32, #tpu.memory_space<vmem>>) dst(%dma_wait3A_74 : memref<65536xf32, #tpu.memory_space<vmem_shared>>)
      %add3A_75 = arith.constant 8192 : i32
      %add3A_76 = arith.addi %mul3A_36, %add3A_75 : i32
      %dma_start3A_77 = tpu.memref_slice %arg6[%add3A_76] : memref<4294967xi32, #tpu.memory_space<hbm>> -> memref<4096xi32, #tpu.memory_space<hbm>>
      %dma_start3A_78 = tpu.memref_slice %arg6[%add3A_76] : memref<4294967xi32, #tpu.memory_space<hbm>> -> memref<4096xi32, #tpu.memory_space<hbm>>
      tpu.enqueue_dma source(%dma_start3A_78 : memref<4096xi32, #tpu.memory_space<hbm>>) target(%arg15 : memref<4096xi32, #tpu.memory_space<vmem>>) target_semaphore(%arg32 : memref<!tpu.dma_semaphore, #tpu.memory_space<semaphore_mem>>)
      %dma_start3A_79 = tpu.memref_slice %arg7[%add3A_76] : memref<4294967xf32, #tpu.memory_space<hbm>> -> memref<4096xf32, #tpu.memory_space<hbm>>
      %dma_start3A_80 = tpu.memref_slice %arg7[%add3A_76] : memref<4294967xf32, #tpu.memory_space<hbm>> -> memref<4096xf32, #tpu.memory_space<hbm>>
      tpu.enqueue_dma source(%dma_start3A_80 : memref<4096xf32, #tpu.memory_space<hbm>>) target(%arg17 : memref<4096xf32, #tpu.memory_space<vmem>>) target_semaphore(%arg32 : memref<!tpu.dma_semaphore, #tpu.memory_space<semaphore_mem>>)
      %dma_start3A_81 = tpu.memref_slice %arg8[%add3A_76] : memref<4294967xi32, #tpu.memory_space<hbm>> -> memref<4096xi32, #tpu.memory_space<hbm>>
      %dma_start3A_82 = tpu.memref_slice %arg8[%add3A_76] : memref<4294967xi32, #tpu.memory_space<hbm>> -> memref<4096xi32, #tpu.memory_space<hbm>>
      tpu.enqueue_dma source(%dma_start3A_82 : memref<4096xi32, #tpu.memory_space<hbm>>) target(%arg21 : memref<4096xi32, #tpu.memory_space<vmem>>) target_semaphore(%arg32 : memref<!tpu.dma_semaphore, #tpu.memory_space<semaphore_mem>>)
      %parallel_loop3A_83 = arith.constant 0 : i32
      %parallel_loop3A_84 = arith.constant 256 : i32
      %parallel_loop3A_85 = arith.constant 1 : i32
      scf.for %parallel_loop3A_799 = %parallel_loop3A_83 to %parallel_loop3A_84 step %parallel_loop3A_85  : i32 {
        %parallel_loop3A_800 = arith.constant 16 : i32
        %parallel_loop3A_801 = arith.muli %parallel_loop3A_799, %parallel_loop3A_800 : i32
        %parallel_loop3A_802 = arith.index_cast %parallel_loop3A_801 : i32 to index
        %parallel_loop3A_803 = tpu.vector_load %arg16[%parallel_loop3A_802] {strides = array<i32>} : memref<4096xi32, #tpu.memory_space<vmem>>, vector<16xi32>,
        %parallel_loop3A_804 = tpu.vector_load_idx %arg14[%parallel_loop3A_803] : memref<65536xf32, #tpu.memory_space<vmem>>[vector<16xi32>], vector<16xf32>,
        %parallel_loop3A_805 = arith.constant 16 : i32
        %parallel_loop3A_806 = arith.muli %parallel_loop3A_799, %parallel_loop3A_805 : i32
        %parallel_loop3A_807 = arith.index_cast %parallel_loop3A_806 : i32 to index
        %parallel_loop3A_808 = tpu.vector_load %arg18[%parallel_loop3A_807] {strides = array<i32>} : memref<4096xf32, #tpu.memory_space<vmem>>, vector<16xf32>,
        %parallel_loop3A_809 = arith.mulf %parallel_loop3A_804, %parallel_loop3A_808 : vector<16xf32>
        %parallel_loop3A_810 = arith.constant 16 : i32
        %parallel_loop3A_811 = arith.muli %parallel_loop3A_799, %parallel_loop3A_810 : i32
        %parallel_loop3A_812 = arith.index_cast %parallel_loop3A_811 : i32 to index
        %parallel_loop3A_813 = tpu.vector_load %arg20[%parallel_loop3A_812] {strides = array<i32>} : memref<4096xf32, #tpu.memory_space<vmem>>, vector<16xf32>,
        tpu.vector_store %arg20[%parallel_loop3A_812], %parallel_loop3A_809 {strides = array<i32>} : memref<4096xf32, #tpu.memory_space<vmem>>, vector<16xf32>,
      } {sc.loop_unroll_factor = 8 : i64, sc.parallel_access}
      %dma_start3A_86 = arith.constant 0 : i32
      %dma_start3A_87 = tpu.memref_slice %arg31[%dma_start3A_86] : memref<65536xf32, #tpu.memory_space<vmem_shared>> -> memref<65536xf32, #tpu.memory_space<vmem_shared>>
      tpu.enqueue_indirect_dma source(%arg20 : memref<4096xf32, #tpu.memory_space<vmem>>) target(%dma_start3A_87 : memref<65536xf32, #tpu.memory_space<vmem_shared>>) offsets(%arg22 : memref<4096xi32, #tpu.memory_space<vmem>>) semaphore(%arg35 : memref<!tpu.dma_semaphore, #tpu.memory_space<semaphore_mem>>) {add = true}
      %add3A_88 = arith.constant 8192 : i32
      %add3A_89 = arith.addi %mul3A_36, %add3A_88 : i32
      %dma_wait3A_90 = tpu.memref_slice %arg6[%add3A_89] : memref<4294967xi32, #tpu.memory_space<hbm>> -> memref<4096xi32, #tpu.memory_space<hbm>>
      %dma_wait3A_91 = tpu.memref_slice %arg6[%add3A_89] : memref<4294967xi32, #tpu.memory_space<hbm>> -> memref<4096xi32, #tpu.memory_space<hbm>>
      tpu.wait_dma2 semaphore(%arg32 : memref<!tpu.dma_semaphore, #tpu.memory_space<semaphore_mem>>) src(%dma_wait3A_91 : memref<4096xi32, #tpu.memory_space<hbm>>) dst(%arg15 : memref<4096xi32, #tpu.memory_space<vmem>>)
      %dma_wait3A_92 = tpu.memref_slice %arg7[%add3A_89] : memref<4294967xf32, #tpu.memory_space<hbm>> -> memref<4096xf32, #tpu.memory_space<hbm>>
      %dma_wait3A_93 = tpu.memref_slice %arg7[%add3A_89] : memref<4294967xf32, #tpu.memory_space<hbm>> -> memref<4096xf32, #tpu.memory_space<hbm>>
      tpu.wait_dma2 semaphore(%arg32 : memref<!tpu.dma_semaphore, #tpu.memory_space<semaphore_mem>>) src(%dma_wait3A_93 : memref<4096xf32, #tpu.memory_space<hbm>>) dst(%arg17 : memref<4096xf32, #tpu.memory_space<vmem>>)
      %dma_wait3A_94 = tpu.memref_slice %arg8[%add3A_89] : memref<4294967xi32, #tpu.memory_space<hbm>> -> memref<4096xi32, #tpu.memory_space<hbm>>
      %dma_wait3A_95 = tpu.memref_slice %arg8[%add3A_89] : memref<4294967xi32, #tpu.memory_space<hbm>> -> memref<4096xi32, #tpu.memory_space<hbm>>
      tpu.wait_dma2 semaphore(%arg32 : memref<!tpu.dma_semaphore, #tpu.memory_space<semaphore_mem>>) src(%dma_wait3A_95 : memref<4096xi32, #tpu.memory_space<hbm>>) dst(%arg21 : memref<4096xi32, #tpu.memory_space<vmem>>)
      %dma_wait3A_96 = arith.constant 0 : i32
      %dma_wait3A_97 = tpu.memref_slice %arg31[%dma_wait3A_96] : memref<65536xf32, #tpu.memory_space<vmem_shared>> -> memref<65536xf32, #tpu.memory_space<vmem_shared>>
      tpu.wait_indirect_dma semaphore(%arg35 : memref<!tpu.dma_semaphore, #tpu.memory_space<semaphore_mem>>) src(%arg20 : memref<4096xf32, #tpu.memory_space<vmem>>) dst(%dma_wait3A_97 : memref<65536xf32, #tpu.memory_space<vmem_shared>>)
      %add3A_98 = arith.constant 12288 : i32
      %add3A_99 = arith.addi %mul3A_36, %add3A_98 : i32
      %dma_start3A_100 = tpu.memref_slice %arg6[%add3A_99] : memref<4294967xi32, #tpu.memory_space<hbm>> -> memref<4096xi32, #tpu.memory_space<hbm>>
      %dma_start3A_101 = tpu.memref_slice %arg6[%add3A_99] : memref<4294967xi32, #tpu.memory_space<hbm>> -> memref<4096xi32, #tpu.memory_space<hbm>>
      tpu.enqueue_dma source(%dma_start3A_101 : memref<4096xi32, #tpu.memory_space<hbm>>) target(%arg16 : memref<4096xi32, #tpu.memory_space<vmem>>) target_semaphore(%arg33 : memref<!tpu.dma_semaphore, #tpu.memory_space<semaphore_mem>>)
      %dma_start3A_102 = tpu.memref_slice %arg7[%add3A_99] : memref<4294967xf32, #tpu.memory_space<hbm>> -> memref<4096xf32, #tpu.memory_space<hbm>>
      %dma_start3A_103 = tpu.memref_slice %arg7[%add3A_99] : memref<4294967xf32, #tpu.memory_space<hbm>> -> memref<4096xf32, #tpu.memory_space<hbm>>
      tpu.enqueue_dma source(%dma_start3A_103 : memref<4096xf32, #tpu.memory_space<hbm>>) target(%arg18 : memref<4096xf32, #tpu.memory_space<vmem>>) target_semaphore(%arg33 : memref<!tpu.dma_semaphore, #tpu.memory_space<semaphore_mem>>)
      %dma_start3A_104 = tpu.memref_slice %arg8[%add3A_99] : memref<4294967xi32, #tpu.memory_space<hbm>> -> memref<4096xi32, #tpu.memory_space<hbm>>
      %dma_start3A_105 = tpu.memref_slice %arg8[%add3A_99] : memref<4294967xi32, #tpu.memory_space<hbm>> -> memref<4096xi32, #tpu.memory_space<hbm>>
      tpu.enqueue_dma source(%dma_start3A_105 : memref<4096xi32, #tpu.memory_space<hbm>>) target(%arg22 : memref<4096xi32, #tpu.memory_space<vmem>>) target_semaphore(%arg33 : memref<!tpu.dma_semaphore, #tpu.memory_space<semaphore_mem>>)
      %parallel_loop3A_106 = arith.constant 0 : i32
      %parallel_loop3A_107 = arith.constant 256 : i32
      %parallel_loop3A_108 = arith.constant 1 : i32
      scf.for %parallel_loop3A_799 = %parallel_loop3A_106 to %parallel_loop3A_107 step %parallel_loop3A_108  : i32 {
        %parallel_loop3A_800 = arith.constant 16 : i32
        %parallel_loop3A_801 = arith.muli %parallel_loop3A_799, %parallel_loop3A_800 : i32
        %parallel_loop3A_802 = arith.index_cast %parallel_loop3A_801 : i32 to index
        %parallel_loop3A_803 = tpu.vector_load %arg15[%parallel_loop3A_802] {strides = array<i32>} : memref<4096xi32, #tpu.memory_space<vmem>>, vector<16xi32>,
        %parallel_loop3A_804 = tpu.vector_load_idx %arg14[%parallel_loop3A_803] : memref<65536xf32, #tpu.memory_space<vmem>>[vector<16xi32>], vector<16xf32>,
        %parallel_loop3A_805 = arith.constant 16 : i32
        %parallel_loop3A_806 = arith.muli %parallel_loop3A_799, %parallel_loop3A_805 : i32
        %parallel_loop3A_807 = arith.index_cast %parallel_loop3A_806 : i32 to index
        %parallel_loop3A_808 = tpu.vector_load %arg17[%parallel_loop3A_807] {strides = array<i32>} : memref<4096xf32, #tpu.memory_space<vmem>>, vector<16xf32>,
        %parallel_loop3A_809 = arith.mulf %parallel_loop3A_804, %parallel_loop3A_808 : vector<16xf32>
        %parallel_loop3A_810 = arith.constant 16 : i32
        %parallel_loop3A_811 = arith.muli %parallel_loop3A_799, %parallel_loop3A_810 : i32
        %parallel_loop3A_812 = arith.index_cast %parallel_loop3A_811 : i32 to index
        %parallel_loop3A_813 = tpu.vector_load %arg19[%parallel_loop3A_812] {strides = array<i32>} : memref<4096xf32, #tpu.memory_space<vmem>>, vector<16xf32>,
        tpu.vector_store %arg19[%parallel_loop3A_812], %parallel_loop3A_809 {strides = array<i32>} : memref<4096xf32, #tpu.memory_space<vmem>>, vector<16xf32>,
      } {sc.loop_unroll_factor = 8 : i64, sc.parallel_access}
      %dma_start3A_109 = arith.constant 0 : i32
      %dma_start3A_110 = tpu.memref_slice %arg31[%dma_start3A_109] : memref<65536xf32, #tpu.memory_space<vmem_shared>> -> memref<65536xf32, #tpu.memory_space<vmem_shared>>
      tpu.enqueue_indirect_dma source(%arg19 : memref<4096xf32, #tpu.memory_space<vmem>>) target(%dma_start3A_110 : memref<65536xf32, #tpu.memory_space<vmem_shared>>) offsets(%arg21 : memref<4096xi32, #tpu.memory_space<vmem>>) semaphore(%arg34 : memref<!tpu.dma_semaphore, #tpu.memory_space<semaphore_mem>>) {add = true}
      %add3A_111 = arith.constant 12288 : i32
      %add3A_112 = arith.addi %mul3A_36, %add3A_111 : i32
      %dma_wait3A_113 = tpu.memref_slice %arg6[%add3A_112] : memref<4294967xi32, #tpu.memory_space<hbm>> -> memref<4096xi32, #tpu.memory_space<hbm>>
      %dma_wait3A_114 = tpu.memref_slice %arg6[%add3A_112] : memref<4294967xi32, #tpu.memory_space<hbm>> -> memref<4096xi32, #tpu.memory_space<hbm>>
      tpu.wait_dma2 semaphore(%arg33 : memref<!tpu.dma_semaphore, #tpu.memory_space<semaphore_mem>>) src(%dma_wait3A_114 : memref<4096xi32, #tpu.memory_space<hbm>>) dst(%arg16 : memref<4096xi32, #tpu.memory_space<vmem>>)
      %dma_wait3A_115 = tpu.memref_slice %arg7[%add3A_112] : memref<4294967xf32, #tpu.memory_space<hbm>> -> memref<4096xf32, #tpu.memory_space<hbm>>
      %dma_wait3A_116 = tpu.memref_slice %arg7[%add3A_112] : memref<4294967xf32, #tpu.memory_space<hbm>> -> memref<4096xf32, #tpu.memory_space<hbm>>
      tpu.wait_dma2 semaphore(%arg33 : memref<!tpu.dma_semaphore, #tpu.memory_space<semaphore_mem>>) src(%dma_wait3A_116 : memref<4096xf32, #tpu.memory_space<hbm>>) dst(%arg18 : memref<4096xf32, #tpu.memory_space<vmem>>)
      %dma_wait3A_117 = tpu.memref_slice %arg8[%add3A_112] : memref<4294967xi32, #tpu.memory_space<hbm>> -> memref<4096xi32, #tpu.memory_space<hbm>>
      %dma_wait3A_118 = tpu.memref_slice %arg8[%add3A_112] : memref<4294967xi32, #tpu.memory_space<hbm>> -> memref<4096xi32, #tpu.memory_space<hbm>>
      tpu.wait_dma2 semaphore(%arg33 : memref<!tpu.dma_semaphore, #tpu.memory_space<semaphore_mem>>) src(%dma_wait3A_118 : memref<4096xi32, #tpu.memory_space<hbm>>) dst(%arg22 : memref<4096xi32, #tpu.memory_space<vmem>>)
      %dma_wait3A_119 = arith.constant 0 : i32
      %dma_wait3A_120 = tpu.memref_slice %arg31[%dma_wait3A_119] : memref<65536xf32, #tpu.memory_space<vmem_shared>> -> memref<65536xf32, #tpu.memory_space<vmem_shared>>
      tpu.wait_indirect_dma semaphore(%arg34 : memref<!tpu.dma_semaphore, #tpu.memory_space<semaphore_mem>>) src(%arg19 : memref<4096xf32, #tpu.memory_space<vmem>>) dst(%dma_wait3A_120 : memref<65536xf32, #tpu.memory_space<vmem_shared>>)
      %add3A_121 = arith.constant 16384 : i32
      %add3A_122 = arith.addi %mul3A_36, %add3A_121 : i32
      %dma_start3A_123 = tpu.memref_slice %arg6[%add3A_122] : memref<4294967xi32, #tpu.memory_space<hbm>> -> memref<4096xi32, #tpu.memory_space<hbm>>
      %dma_start3A_124 = tpu.memref_slice %arg6[%add3A_122] : memref<4294967xi32, #tpu.memory_space<hbm>> -> memref<4096xi32, #tpu.memory_space<hbm>>
      tpu.enqueue_dma source(%dma_start3A_124 : memref<4096xi32, #tpu.memory_space<hbm>>) target(%arg15 : memref<4096xi32, #tpu.memory_space<vmem>>) target_semaphore(%arg32 : memref<!tpu.dma_semaphore, #tpu.memory_space<semaphore_mem>>)
      %dma_start3A_125 = tpu.memref_slice %arg7[%add3A_122] : memref<4294967xf32, #tpu.memory_space<hbm>> -> memref<4096xf32, #tpu.memory_space<hbm>>
      %dma_start3A_126 = tpu.memref_slice %arg7[%add3A_122] : memref<4294967xf32, #tpu.memory_space<hbm>> -> memref<4096xf32, #tpu.memory_space<hbm>>
      tpu.enqueue_dma source(%dma_start3A_126 : memref<4096xf32, #tpu.memory_space<hbm>>) target(%arg17 : memref<4096xf32, #tpu.memory_space<vmem>>) target_semaphore(%arg32 : memref<!tpu.dma_semaphore, #tpu.memory_space<semaphore_mem>>)
      %dma_start3A_127 = tpu.memref_slice %arg8[%add3A_122] : memref<4294967xi32, #tpu.memory_space<hbm>> -> memref<4096xi32, #tpu.memory_space<hbm>>
      %dma_start3A_128 = tpu.memref_slice %arg8[%add3A_122] : memref<4294967xi32, #tpu.memory_space<hbm>> -> memref<4096xi32, #tpu.memory_space<hbm>>
      tpu.enqueue_dma source(%dma_start3A_128 : memref<4096xi32, #tpu.memory_space<hbm>>) target(%arg21 : memref<4096xi32, #tpu.memory_space<vmem>>) target_semaphore(%arg32 : memref<!tpu.dma_semaphore, #tpu.memory_space<semaphore_mem>>)
      %parallel_loop3A_129 = arith.constant 0 : i32
      %parallel_loop3A_130 = arith.constant 256 : i32
      %parallel_loop3A_131 = arith.constant 1 : i32
      scf.for %parallel_loop3A_799 = %parallel_loop3A_129 to %parallel_loop3A_130 step %parallel_loop3A_131  : i32 {
        %parallel_loop3A_800 = arith.constant 16 : i32
        %parallel_loop3A_801 = arith.muli %parallel_loop3A_799, %parallel_loop3A_800 : i32
        %parallel_loop3A_802 = arith.index_cast %parallel_loop3A_801 : i32 to index
        %parallel_loop3A_803 = tpu.vector_load %arg16[%parallel_loop3A_802] {strides = array<i32>} : memref<4096xi32, #tpu.memory_space<vmem>>, vector<16xi32>,
        %parallel_loop3A_804 = tpu.vector_load_idx %arg14[%parallel_loop3A_803] : memref<65536xf32, #tpu.memory_space<vmem>>[vector<16xi32>], vector<16xf32>,
        %parallel_loop3A_805 = arith.constant 16 : i32
        %parallel_loop3A_806 = arith.muli %parallel_loop3A_799, %parallel_loop3A_805 : i32
        %parallel_loop3A_807 = arith.index_cast %parallel_loop3A_806 : i32 to index
        %parallel_loop3A_808 = tpu.vector_load %arg18[%parallel_loop3A_807] {strides = array<i32>} : memref<4096xf32, #tpu.memory_space<vmem>>, vector<16xf32>,
        %parallel_loop3A_809 = arith.mulf %parallel_loop3A_804, %parallel_loop3A_808 : vector<16xf32>
        %parallel_loop3A_810 = arith.constant 16 : i32
        %parallel_loop3A_811 = arith.muli %parallel_loop3A_799, %parallel_loop3A_810 : i32
        %parallel_loop3A_812 = arith.index_cast %parallel_loop3A_811 : i32 to index
        %parallel_loop3A_813 = tpu.vector_load %arg20[%parallel_loop3A_812] {strides = array<i32>} : memref<4096xf32, #tpu.memory_space<vmem>>, vector<16xf32>,
        tpu.vector_store %arg20[%parallel_loop3A_812], %parallel_loop3A_809 {strides = array<i32>} : memref<4096xf32, #tpu.memory_space<vmem>>, vector<16xf32>,
      } {sc.loop_unroll_factor = 8 : i64, sc.parallel_access}
      %dma_start3A_132 = arith.constant 0 : i32
      %dma_start3A_133 = tpu.memref_slice %arg31[%dma_start3A_132] : memref<65536xf32, #tpu.memory_space<vmem_shared>> -> memref<65536xf32, #tpu.memory_space<vmem_shared>>
      tpu.enqueue_indirect_dma source(%arg20 : memref<4096xf32, #tpu.memory_space<vmem>>) target(%dma_start3A_133 : memref<65536xf32, #tpu.memory_space<vmem_shared>>) offsets(%arg22 : memref<4096xi32, #tpu.memory_space<vmem>>) semaphore(%arg35 : memref<!tpu.dma_semaphore, #tpu.memory_space<semaphore_mem>>) {add = true}
      %add3A_134 = arith.constant 16384 : i32
      %add3A_135 = arith.addi %mul3A_36, %add3A_134 : i32
      %dma_wait3A_136 = tpu.memref_slice %arg6[%add3A_135] : memref<4294967xi32, #tpu.memory_space<hbm>> -> memref<4096xi32, #tpu.memory_space<hbm>>
      %dma_wait3A_137 = tpu.memref_slice %arg6[%add3A_135] : memref<4294967xi32, #tpu.memory_space<hbm>> -> memref<4096xi32, #tpu.memory_space<hbm>>
      tpu.wait_dma2 semaphore(%arg32 : memref<!tpu.dma_semaphore, #tpu.memory_space<semaphore_mem>>) src(%dma_wait3A_137 : memref<4096xi32, #tpu.memory_space<hbm>>) dst(%arg15 : memref<4096xi32, #tpu.memory_space<vmem>>)
      %dma_wait3A_138 = tpu.memref_slice %arg7[%add3A_135] : memref<4294967xf32, #tpu.memory_space<hbm>> -> memref<4096xf32, #tpu.memory_space<hbm>>
      %dma_wait3A_139 = tpu.memref_slice %arg7[%add3A_135] : memref<4294967xf32, #tpu.memory_space<hbm>> -> memref<4096xf32, #tpu.memory_space<hbm>>
      tpu.wait_dma2 semaphore(%arg32 : memref<!tpu.dma_semaphore, #tpu.memory_space<semaphore_mem>>) src(%dma_wait3A_139 : memref<4096xf32, #tpu.memory_space<hbm>>) dst(%arg17 : memref<4096xf32, #tpu.memory_space<vmem>>)
      %dma_wait3A_140 = tpu.memref_slice %arg8[%add3A_135] : memref<4294967xi32, #tpu.memory_space<hbm>> -> memref<4096xi32, #tpu.memory_space<hbm>>
      %dma_wait3A_141 = tpu.memref_slice %arg8[%add3A_135] : memref<4294967xi32, #tpu.memory_space<hbm>> -> memref<4096xi32, #tpu.memory_space<hbm>>
      tpu.wait_dma2 semaphore(%arg32 : memref<!tpu.dma_semaphore, #tpu.memory_space<semaphore_mem>>) src(%dma_wait3A_141 : memref<4096xi32, #tpu.memory_space<hbm>>) dst(%arg21 : memref<4096xi32, #tpu.memory_space<vmem>>)
      %dma_wait3A_142 = arith.constant 0 : i32
      %dma_wait3A_143 = tpu.memref_slice %arg31[%dma_wait3A_142] : memref<65536xf32, #tpu.memory_space<vmem_shared>> -> memref<65536xf32, #tpu.memory_space<vmem_shared>>
      tpu.wait_indirect_dma semaphore(%arg35 : memref<!tpu.dma_semaphore, #tpu.memory_space<semaphore_mem>>) src(%arg20 : memref<4096xf32, #tpu.memory_space<vmem>>) dst(%dma_wait3A_143 : memref<65536xf32, #tpu.memory_space<vmem_shared>>)
      %add3A_144 = arith.constant 20480 : i32
      %add3A_145 = arith.addi %mul3A_36, %add3A_144 : i32
      %dma_start3A_146 = tpu.memref_slice %arg6[%add3A_145] : memref<4294967xi32, #tpu.memory_space<hbm>> -> memref<4096xi32, #tpu.memory_space<hbm>>
      %dma_start3A_147 = tpu.memref_slice %arg6[%add3A_145] : memref<4294967xi32, #tpu.memory_space<hbm>> -> memref<4096xi32, #tpu.memory_space<hbm>>
      tpu.enqueue_dma source(%dma_start3A_147 : memref<4096xi32, #tpu.memory_space<hbm>>) target(%arg16 : memref<4096xi32, #tpu.memory_space<vmem>>) target_semaphore(%arg33 : memref<!tpu.dma_semaphore, #tpu.memory_space<semaphore_mem>>)
      %dma_start3A_148 = tpu.memref_slice %arg7[%add3A_145] : memref<4294967xf32, #tpu.memory_space<hbm>> -> memref<4096xf32, #tpu.memory_space<hbm>>
      %dma_start3A_149 = tpu.memref_slice %arg7[%add3A_145] : memref<4294967xf32, #tpu.memory_space<hbm>> -> memref<4096xf32, #tpu.memory_space<hbm>>
      tpu.enqueue_dma source(%dma_start3A_149 : memref<4096xf32, #tpu.memory_space<hbm>>) target(%arg18 : memref<4096xf32, #tpu.memory_space<vmem>>) target_semaphore(%arg33 : memref<!tpu.dma_semaphore, #tpu.memory_space<semaphore_mem>>)
      %dma_start3A_150 = tpu.memref_slice %arg8[%add3A_145] : memref<4294967xi32, #tpu.memory_space<hbm>> -> memref<4096xi32, #tpu.memory_space<hbm>>
      %dma_start3A_151 = tpu.memref_slice %arg8[%add3A_145] : memref<4294967xi32, #tpu.memory_space<hbm>> -> memref<4096xi32, #tpu.memory_space<hbm>>
      tpu.enqueue_dma source(%dma_start3A_151 : memref<4096xi32, #tpu.memory_space<hbm>>) target(%arg22 : memref<4096xi32, #tpu.memory_space<vmem>>) target_semaphore(%arg33 : memref<!tpu.dma_semaphore, #tpu.memory_space<semaphore_mem>>)
      %parallel_loop3A_152 = arith.constant 0 : i32
      %parallel_loop3A_153 = arith.constant 256 : i32
      %parallel_loop3A_154 = arith.constant 1 : i32
      scf.for %parallel_loop3A_799 = %parallel_loop3A_152 to %parallel_loop3A_153 step %parallel_loop3A_154  : i32 {
        %parallel_loop3A_800 = arith.constant 16 : i32
        %parallel_loop3A_801 = arith.muli %parallel_loop3A_799, %parallel_loop3A_800 : i32
        %parallel_loop3A_802 = arith.index_cast %parallel_loop3A_801 : i32 to index
        %parallel_loop3A_803 = tpu.vector_load %arg15[%parallel_loop3A_802] {strides = array<i32>} : memref<4096xi32, #tpu.memory_space<vmem>>, vector<16xi32>,
        %parallel_loop3A_804 = tpu.vector_load_idx %arg14[%parallel_loop3A_803] : memref<65536xf32, #tpu.memory_space<vmem>>[vector<16xi32>], vector<16xf32>,
        %parallel_loop3A_805 = arith.constant 16 : i32
        %parallel_loop3A_806 = arith.muli %parallel_loop3A_799, %parallel_loop3A_805 : i32
        %parallel_loop3A_807 = arith.index_cast %parallel_loop3A_806 : i32 to index
        %parallel_loop3A_808 = tpu.vector_load %arg17[%parallel_loop3A_807] {strides = array<i32>} : memref<4096xf32, #tpu.memory_space<vmem>>, vector<16xf32>,
        %parallel_loop3A_809 = arith.mulf %parallel_loop3A_804, %parallel_loop3A_808 : vector<16xf32>
        %parallel_loop3A_810 = arith.constant 16 : i32
        %parallel_loop3A_811 = arith.muli %parallel_loop3A_799, %parallel_loop3A_810 : i32
        %parallel_loop3A_812 = arith.index_cast %parallel_loop3A_811 : i32 to index
        %parallel_loop3A_813 = tpu.vector_load %arg19[%parallel_loop3A_812] {strides = array<i32>} : memref<4096xf32, #tpu.memory_space<vmem>>, vector<16xf32>,
        tpu.vector_store %arg19[%parallel_loop3A_812], %parallel_loop3A_809 {strides = array<i32>} : memref<4096xf32, #tpu.memory_space<vmem>>, vector<16xf32>,
      } {sc.loop_unroll_factor = 8 : i64, sc.parallel_access}
      %dma_start3A_155 = arith.constant 0 : i32
      %dma_start3A_156 = tpu.memref_slice %arg31[%dma_start3A_155] : memref<65536xf32, #tpu.memory_space<vmem_shared>> -> memref<65536xf32, #tpu.memory_space<vmem_shared>>
      tpu.enqueue_indirect_dma source(%arg19 : memref<4096xf32, #tpu.memory_space<vmem>>) target(%dma_start3A_156 : memref<65536xf32, #tpu.memory_space<vmem_shared>>) offsets(%arg21 : memref<4096xi32, #tpu.memory_space<vmem>>) semaphore(%arg34 : memref<!tpu.dma_semaphore, #tpu.memory_space<semaphore_mem>>) {add = true}
      %add3A_157 = arith.constant 20480 : i32
      %add3A_158 = arith.addi %mul3A_36, %add3A_157 : i32
      %dma_wait3A_159 = tpu.memref_slice %arg6[%add3A_158] : memref<4294967xi32, #tpu.memory_space<hbm>> -> memref<4096xi32, #tpu.memory_space<hbm>>
      %dma_wait3A_160 = tpu.memref_slice %arg6[%add3A_158] : memref<4294967xi32, #tpu.memory_space<hbm>> -> memref<4096xi32, #tpu.memory_space<hbm>>
      tpu.wait_dma2 semaphore(%arg33 : memref<!tpu.dma_semaphore, #tpu.memory_space<semaphore_mem>>) src(%dma_wait3A_160 : memref<4096xi32, #tpu.memory_space<hbm>>) dst(%arg16 : memref<4096xi32, #tpu.memory_space<vmem>>)
      %dma_wait3A_161 = tpu.memref_slice %arg7[%add3A_158] : memref<4294967xf32, #tpu.memory_space<hbm>> -> memref<4096xf32, #tpu.memory_space<hbm>>
      %dma_wait3A_162 = tpu.memref_slice %arg7[%add3A_158] : memref<4294967xf32, #tpu.memory_space<hbm>> -> memref<4096xf32, #tpu.memory_space<hbm>>
      tpu.wait_dma2 semaphore(%arg33 : memref<!tpu.dma_semaphore, #tpu.memory_space<semaphore_mem>>) src(%dma_wait3A_162 : memref<4096xf32, #tpu.memory_space<hbm>>) dst(%arg18 : memref<4096xf32, #tpu.memory_space<vmem>>)
      %dma_wait3A_163 = tpu.memref_slice %arg8[%add3A_158] : memref<4294967xi32, #tpu.memory_space<hbm>> -> memref<4096xi32, #tpu.memory_space<hbm>>
      %dma_wait3A_164 = tpu.memref_slice %arg8[%add3A_158] : memref<4294967xi32, #tpu.memory_space<hbm>> -> memref<4096xi32, #tpu.memory_space<hbm>>
      tpu.wait_dma2 semaphore(%arg33 : memref<!tpu.dma_semaphore, #tpu.memory_space<semaphore_mem>>) src(%dma_wait3A_164 : memref<4096xi32, #tpu.memory_space<hbm>>) dst(%arg22 : memref<4096xi32, #tpu.memory_space<vmem>>)
      %dma_wait3A_165 = arith.constant 0 : i32
      %dma_wait3A_166 = tpu.memref_slice %arg31[%dma_wait3A_165] : memref<65536xf32, #tpu.memory_space<vmem_shared>> -> memref<65536xf32, #tpu.memory_space<vmem_shared>>
      tpu.wait_indirect_dma semaphore(%arg34 : memref<!tpu.dma_semaphore, #tpu.memory_space<semaphore_mem>>) src(%arg19 : memref<4096xf32, #tpu.memory_space<vmem>>) dst(%dma_wait3A_166 : memref<65536xf32, #tpu.memory_space<vmem_shared>>)
      %add3A_167 = arith.constant 24576 : i32
      %add3A_168 = arith.addi %mul3A_36, %add3A_167 : i32
      %dma_start3A_169 = tpu.memref_slice %arg6[%add3A_168] : memref<4294967xi32, #tpu.memory_space<hbm>> -> memref<4096xi32, #tpu.memory_space<hbm>>
      %dma_start3A_170 = tpu.memref_slice %arg6[%add3A_168] : memref<4294967xi32, #tpu.memory_space<hbm>> -> memref<4096xi32, #tpu.memory_space<hbm>>
      tpu.enqueue_dma source(%dma_start3A_170 : memref<4096xi32, #tpu.memory_space<hbm>>) target(%arg15 : memref<4096xi32, #tpu.memory_space<vmem>>) target_semaphore(%arg32 : memref<!tpu.dma_semaphore, #tpu.memory_space<semaphore_mem>>)
      %dma_start3A_171 = tpu.memref_slice %arg7[%add3A_168] : memref<4294967xf32, #tpu.memory_space<hbm>> -> memref<4096xf32, #tpu.memory_space<hbm>>
      %dma_start3A_172 = tpu.memref_slice %arg7[%add3A_168] : memref<4294967xf32, #tpu.memory_space<hbm>> -> memref<4096xf32, #tpu.memory_space<hbm>>
      tpu.enqueue_dma source(%dma_start3A_172 : memref<4096xf32, #tpu.memory_space<hbm>>) target(%arg17 : memref<4096xf32, #tpu.memory_space<vmem>>) target_semaphore(%arg32 : memref<!tpu.dma_semaphore, #tpu.memory_space<semaphore_mem>>)
      %dma_start3A_173 = tpu.memref_slice %arg8[%add3A_168] : memref<4294967xi32, #tpu.memory_space<hbm>> -> memref<4096xi32, #tpu.memory_space<hbm>>
      %dma_start3A_174 = tpu.memref_slice %arg8[%add3A_168] : memref<4294967xi32, #tpu.memory_space<hbm>> -> memref<4096xi32, #tpu.memory_space<hbm>>
      tpu.enqueue_dma source(%dma_start3A_174 : memref<4096xi32, #tpu.memory_space<hbm>>) target(%arg21 : memref<4096xi32, #tpu.memory_space<vmem>>) target_semaphore(%arg32 : memref<!tpu.dma_semaphore, #tpu.memory_space<semaphore_mem>>)
      %parallel_loop3A_175 = arith.constant 0 : i32
      %parallel_loop3A_176 = arith.constant 256 : i32
      %parallel_loop3A_177 = arith.constant 1 : i32
      scf.for %parallel_loop3A_799 = %parallel_loop3A_175 to %parallel_loop3A_176 step %parallel_loop3A_177  : i32 {
        %parallel_loop3A_800 = arith.constant 16 : i32
        %parallel_loop3A_801 = arith.muli %parallel_loop3A_799, %parallel_loop3A_800 : i32
        %parallel_loop3A_802 = arith.index_cast %parallel_loop3A_801 : i32 to index
        %parallel_loop3A_803 = tpu.vector_load %arg16[%parallel_loop3A_802] {strides = array<i32>} : memref<4096xi32, #tpu.memory_space<vmem>>, vector<16xi32>,
        %parallel_loop3A_804 = tpu.vector_load_idx %arg14[%parallel_loop3A_803] : memref<65536xf32, #tpu.memory_space<vmem>>[vector<16xi32>], vector<16xf32>,
        %parallel_loop3A_805 = arith.constant 16 : i32
        %parallel_loop3A_806 = arith.muli %parallel_loop3A_799, %parallel_loop3A_805 : i32
        %parallel_loop3A_807 = arith.index_cast %parallel_loop3A_806 : i32 to index
        %parallel_loop3A_808 = tpu.vector_load %arg18[%parallel_loop3A_807] {strides = array<i32>} : memref<4096xf32, #tpu.memory_space<vmem>>, vector<16xf32>,
        %parallel_loop3A_809 = arith.mulf %parallel_loop3A_804, %parallel_loop3A_808 : vector<16xf32>
        %parallel_loop3A_810 = arith.constant 16 : i32
        %parallel_loop3A_811 = arith.muli %parallel_loop3A_799, %parallel_loop3A_810 : i32
        %parallel_loop3A_812 = arith.index_cast %parallel_loop3A_811 : i32 to index
        %parallel_loop3A_813 = tpu.vector_load %arg20[%parallel_loop3A_812] {strides = array<i32>} : memref<4096xf32, #tpu.memory_space<vmem>>, vector<16xf32>,
        tpu.vector_store %arg20[%parallel_loop3A_812], %parallel_loop3A_809 {strides = array<i32>} : memref<4096xf32, #tpu.memory_space<vmem>>, vector<16xf32>,
      } {sc.loop_unroll_factor = 8 : i64, sc.parallel_access}
      %dma_start3A_178 = arith.constant 0 : i32
      %dma_start3A_179 = tpu.memref_slice %arg31[%dma_start3A_178] : memref<65536xf32, #tpu.memory_space<vmem_shared>> -> memref<65536xf32, #tpu.memory_space<vmem_shared>>
      tpu.enqueue_indirect_dma source(%arg20 : memref<4096xf32, #tpu.memory_space<vmem>>) target(%dma_start3A_179 : memref<65536xf32, #tpu.memory_space<vmem_shared>>) offsets(%arg22 : memref<4096xi32, #tpu.memory_space<vmem>>) semaphore(%arg35 : memref<!tpu.dma_semaphore, #tpu.memory_space<semaphore_mem>>) {add = true}
      %add3A_180 = arith.constant 24576 : i32
      %add3A_181 = arith.addi %mul3A_36, %add3A_180 : i32
      %dma_wait3A_182 = tpu.memref_slice %arg6[%add3A_181] : memref<4294967xi32, #tpu.memory_space<hbm>> -> memref<4096xi32, #tpu.memory_space<hbm>>
      %dma_wait3A_183 = tpu.memref_slice %arg6[%add3A_181] : memref<4294967xi32, #tpu.memory_space<hbm>> -> memref<4096xi32, #tpu.memory_space<hbm>>
      tpu.wait_dma2 semaphore(%arg32 : memref<!tpu.dma_semaphore, #tpu.memory_space<semaphore_mem>>) src(%dma_wait3A_183 : memref<4096xi32, #tpu.memory_space<hbm>>) dst(%arg15 : memref<4096xi32, #tpu.memory_space<vmem>>)
      %dma_wait3A_184 = tpu.memref_slice %arg7[%add3A_181] : memref<4294967xf32, #tpu.memory_space<hbm>> -> memref<4096xf32, #tpu.memory_space<hbm>>
      %dma_wait3A_185 = tpu.memref_slice %arg7[%add3A_181] : memref<4294967xf32, #tpu.memory_space<hbm>> -> memref<4096xf32, #tpu.memory_space<hbm>>
      tpu.wait_dma2 semaphore(%arg32 : memref<!tpu.dma_semaphore, #tpu.memory_space<semaphore_mem>>) src(%dma_wait3A_185 : memref<4096xf32, #tpu.memory_space<hbm>>) dst(%arg17 : memref<4096xf32, #tpu.memory_space<vmem>>)
      %dma_wait3A_186 = tpu.memref_slice %arg8[%add3A_181] : memref<4294967xi32, #tpu.memory_space<hbm>> -> memref<4096xi32, #tpu.memory_space<hbm>>
      %dma_wait3A_187 = tpu.memref_slice %arg8[%add3A_181] : memref<4294967xi32, #tpu.memory_space<hbm>> -> memref<4096xi32, #tpu.memory_space<hbm>>
      tpu.wait_dma2 semaphore(%arg32 : memref<!tpu.dma_semaphore, #tpu.memory_space<semaphore_mem>>) src(%dma_wait3A_187 : memref<4096xi32, #tpu.memory_space<hbm>>) dst(%arg21 : memref<4096xi32, #tpu.memory_space<vmem>>)
      %dma_wait3A_188 = arith.constant 0 : i32
      %dma_wait3A_189 = tpu.memref_slice %arg31[%dma_wait3A_188] : memref<65536xf32, #tpu.memory_space<vmem_shared>> -> memref<65536xf32, #tpu.memory_space<vmem_shared>>
      tpu.wait_indirect_dma semaphore(%arg35 : memref<!tpu.dma_semaphore, #tpu.memory_space<semaphore_mem>>) src(%arg20 : memref<4096xf32, #tpu.memory_space<vmem>>) dst(%dma_wait3A_189 : memref<65536xf32, #tpu.memory_space<vmem_shared>>)
      %add3A_190 = arith.constant 28672 : i32
      %add3A_191 = arith.addi %mul3A_36, %add3A_190 : i32
      %dma_start3A_192 = tpu.memref_slice %arg6[%add3A_191] : memref<4294967xi32, #tpu.memory_space<hbm>> -> memref<4096xi32, #tpu.memory_space<hbm>>
      %dma_start3A_193 = tpu.memref_slice %arg6[%add3A_191] : memref<4294967xi32, #tpu.memory_space<hbm>> -> memref<4096xi32, #tpu.memory_space<hbm>>
      tpu.enqueue_dma source(%dma_start3A_193 : memref<4096xi32, #tpu.memory_space<hbm>>) target(%arg16 : memref<4096xi32, #tpu.memory_space<vmem>>) target_semaphore(%arg33 : memref<!tpu.dma_semaphore, #tpu.memory_space<semaphore_mem>>)
      %dma_start3A_194 = tpu.memref_slice %arg7[%add3A_191] : memref<4294967xf32, #tpu.memory_space<hbm>> -> memref<4096xf32, #tpu.memory_space<hbm>>
      %dma_start3A_195 = tpu.memref_slice %arg7[%add3A_191] : memref<4294967xf32, #tpu.memory_space<hbm>> -> memref<4096xf32, #tpu.memory_space<hbm>>
      tpu.enqueue_dma source(%dma_start3A_195 : memref<4096xf32, #tpu.memory_space<hbm>>) target(%arg18 : memref<4096xf32, #tpu.memory_space<vmem>>) target_semaphore(%arg33 : memref<!tpu.dma_semaphore, #tpu.memory_space<semaphore_mem>>)
      %dma_start3A_196 = tpu.memref_slice %arg8[%add3A_191] : memref<4294967xi32, #tpu.memory_space<hbm>> -> memref<4096xi32, #tpu.memory_space<hbm>>
      %dma_start3A_197 = tpu.memref_slice %arg8[%add3A_191] : memref<4294967xi32, #tpu.memory_space<hbm>> -> memref<4096xi32, #tpu.memory_space<hbm>>
      tpu.enqueue_dma source(%dma_start3A_197 : memref<4096xi32, #tpu.memory_space<hbm>>) target(%arg22 : memref<4096xi32, #tpu.memory_space<vmem>>) target_semaphore(%arg33 : memref<!tpu.dma_semaphore, #tpu.memory_space<semaphore_mem>>)
      %parallel_loop3A_198 = arith.constant 0 : i32
      %parallel_loop3A_199 = arith.constant 256 : i32
      %parallel_loop3A_200 = arith.constant 1 : i32
      scf.for %parallel_loop3A_799 = %parallel_loop3A_198 to %parallel_loop3A_199 step %parallel_loop3A_200  : i32 {
        %parallel_loop3A_800 = arith.constant 16 : i32
        %parallel_loop3A_801 = arith.muli %parallel_loop3A_799, %parallel_loop3A_800 : i32
        %parallel_loop3A_802 = arith.index_cast %parallel_loop3A_801 : i32 to index
        %parallel_loop3A_803 = tpu.vector_load %arg15[%parallel_loop3A_802] {strides = array<i32>} : memref<4096xi32, #tpu.memory_space<vmem>>, vector<16xi32>,
        %parallel_loop3A_804 = tpu.vector_load_idx %arg14[%parallel_loop3A_803] : memref<65536xf32, #tpu.memory_space<vmem>>[vector<16xi32>], vector<16xf32>,
        %parallel_loop3A_805 = arith.constant 16 : i32
        %parallel_loop3A_806 = arith.muli %parallel_loop3A_799, %parallel_loop3A_805 : i32
        %parallel_loop3A_807 = arith.index_cast %parallel_loop3A_806 : i32 to index
        %parallel_loop3A_808 = tpu.vector_load %arg17[%parallel_loop3A_807] {strides = array<i32>} : memref<4096xf32, #tpu.memory_space<vmem>>, vector<16xf32>,
        %parallel_loop3A_809 = arith.mulf %parallel_loop3A_804, %parallel_loop3A_808 : vector<16xf32>
        %parallel_loop3A_810 = arith.constant 16 : i32
        %parallel_loop3A_811 = arith.muli %parallel_loop3A_799, %parallel_loop3A_810 : i32
        %parallel_loop3A_812 = arith.index_cast %parallel_loop3A_811 : i32 to index
        %parallel_loop3A_813 = tpu.vector_load %arg19[%parallel_loop3A_812] {strides = array<i32>} : memref<4096xf32, #tpu.memory_space<vmem>>, vector<16xf32>,
        tpu.vector_store %arg19[%parallel_loop3A_812], %parallel_loop3A_809 {strides = array<i32>} : memref<4096xf32, #tpu.memory_space<vmem>>, vector<16xf32>,
      } {sc.loop_unroll_factor = 8 : i64, sc.parallel_access}
      %dma_start3A_201 = arith.constant 0 : i32
      %dma_start3A_202 = tpu.memref_slice %arg31[%dma_start3A_201] : memref<65536xf32, #tpu.memory_space<vmem_shared>> -> memref<65536xf32, #tpu.memory_space<vmem_shared>>
      tpu.enqueue_indirect_dma source(%arg19 : memref<4096xf32, #tpu.memory_space<vmem>>) target(%dma_start3A_202 : memref<65536xf32, #tpu.memory_space<vmem_shared>>) offsets(%arg21 : memref<4096xi32, #tpu.memory_space<vmem>>) semaphore(%arg34 : memref<!tpu.dma_semaphore, #tpu.memory_space<semaphore_mem>>) {add = true}
      %add3A_203 = arith.constant 28672 : i32
      %add3A_204 = arith.addi %mul3A_36, %add3A_203 : i32
      %dma_wait3A_205 = tpu.memref_slice %arg6[%add3A_204] : memref<4294967xi32, #tpu.memory_space<hbm>> -> memref<4096xi32, #tpu.memory_space<hbm>>
      %dma_wait3A_206 = tpu.memref_slice %arg6[%add3A_204] : memref<4294967xi32, #tpu.memory_space<hbm>> -> memref<4096xi32, #tpu.memory_space<hbm>>
      tpu.wait_dma2 semaphore(%arg33 : memref<!tpu.dma_semaphore, #tpu.memory_space<semaphore_mem>>) src(%dma_wait3A_206 : memref<4096xi32, #tpu.memory_space<hbm>>) dst(%arg16 : memref<4096xi32, #tpu.memory_space<vmem>>)
      %dma_wait3A_207 = tpu.memref_slice %arg7[%add3A_204] : memref<4294967xf32, #tpu.memory_space<hbm>> -> memref<4096xf32, #tpu.memory_space<hbm>>
      %dma_wait3A_208 = tpu.memref_slice %arg7[%add3A_204] : memref<4294967xf32, #tpu.memory_space<hbm>> -> memref<4096xf32, #tpu.memory_space<hbm>>
      tpu.wait_dma2 semaphore(%arg33 : memref<!tpu.dma_semaphore, #tpu.memory_space<semaphore_mem>>) src(%dma_wait3A_208 : memref<4096xf32, #tpu.memory_space<hbm>>) dst(%arg18 : memref<4096xf32, #tpu.memory_space<vmem>>)
      %dma_wait3A_209 = tpu.memref_slice %arg8[%add3A_204] : memref<4294967xi32, #tpu.memory_space<hbm>> -> memref<4096xi32, #tpu.memory_space<hbm>>
      %dma_wait3A_210 = tpu.memref_slice %arg8[%add3A_204] : memref<4294967xi32, #tpu.memory_space<hbm>> -> memref<4096xi32, #tpu.memory_space<hbm>>
      tpu.wait_dma2 semaphore(%arg33 : memref<!tpu.dma_semaphore, #tpu.memory_space<semaphore_mem>>) src(%dma_wait3A_210 : memref<4096xi32, #tpu.memory_space<hbm>>) dst(%arg22 : memref<4096xi32, #tpu.memory_space<vmem>>)
      %dma_wait3A_211 = arith.constant 0 : i32
      %dma_wait3A_212 = tpu.memref_slice %arg31[%dma_wait3A_211] : memref<65536xf32, #tpu.memory_space<vmem_shared>> -> memref<65536xf32, #tpu.memory_space<vmem_shared>>
      tpu.wait_indirect_dma semaphore(%arg34 : memref<!tpu.dma_semaphore, #tpu.memory_space<semaphore_mem>>) src(%arg19 : memref<4096xf32, #tpu.memory_space<vmem>>) dst(%dma_wait3A_212 : memref<65536xf32, #tpu.memory_space<vmem_shared>>)
      %add3A_213 = arith.constant 32768 : i32
      %add3A_214 = arith.addi %mul3A_36, %add3A_213 : i32
      %dma_start3A_215 = tpu.memref_slice %arg6[%add3A_214] : memref<4294967xi32, #tpu.memory_space<hbm>> -> memref<4096xi32, #tpu.memory_space<hbm>>
      %dma_start3A_216 = tpu.memref_slice %arg6[%add3A_214] : memref<4294967xi32, #tpu.memory_space<hbm>> -> memref<4096xi32, #tpu.memory_space<hbm>>
      tpu.enqueue_dma source(%dma_start3A_216 : memref<4096xi32, #tpu.memory_space<hbm>>) target(%arg15 : memref<4096xi32, #tpu.memory_space<vmem>>) target_semaphore(%arg32 : memref<!tpu.dma_semaphore, #tpu.memory_space<semaphore_mem>>)
      %dma_start3A_217 = tpu.memref_slice %arg7[%add3A_214] : memref<4294967xf32, #tpu.memory_space<hbm>> -> memref<4096xf32, #tpu.memory_space<hbm>>
      %dma_start3A_218 = tpu.memref_slice %arg7[%add3A_214] : memref<4294967xf32, #tpu.memory_space<hbm>> -> memref<4096xf32, #tpu.memory_space<hbm>>
      tpu.enqueue_dma source(%dma_start3A_218 : memref<4096xf32, #tpu.memory_space<hbm>>) target(%arg17 : memref<4096xf32, #tpu.memory_space<vmem>>) target_semaphore(%arg32 : memref<!tpu.dma_semaphore, #tpu.memory_space<semaphore_mem>>)
      %dma_start3A_219 = tpu.memref_slice %arg8[%add3A_214] : memref<4294967xi32, #tpu.memory_space<hbm>> -> memref<4096xi32, #tpu.memory_space<hbm>>
      %dma_start3A_220 = tpu.memref_slice %arg8[%add3A_214] : memref<4294967xi32, #tpu.memory_space<hbm>> -> memref<4096xi32, #tpu.memory_space<hbm>>
      tpu.enqueue_dma source(%dma_start3A_220 : memref<4096xi32, #tpu.memory_space<hbm>>) target(%arg21 : memref<4096xi32, #tpu.memory_space<vmem>>) target_semaphore(%arg32 : memref<!tpu.dma_semaphore, #tpu.memory_space<semaphore_mem>>)
      %parallel_loop3A_221 = arith.constant 0 : i32
      %parallel_loop3A_222 = arith.constant 256 : i32
      %parallel_loop3A_223 = arith.constant 1 : i32
      scf.for %parallel_loop3A_799 = %parallel_loop3A_221 to %parallel_loop3A_222 step %parallel_loop3A_223  : i32 {
        %parallel_loop3A_800 = arith.constant 16 : i32
        %parallel_loop3A_801 = arith.muli %parallel_loop3A_799, %parallel_loop3A_800 : i32
        %parallel_loop3A_802 = arith.index_cast %parallel_loop3A_801 : i32 to index
        %parallel_loop3A_803 = tpu.vector_load %arg16[%parallel_loop3A_802] {strides = array<i32>} : memref<4096xi32, #tpu.memory_space<vmem>>, vector<16xi32>,
        %parallel_loop3A_804 = tpu.vector_load_idx %arg14[%parallel_loop3A_803] : memref<65536xf32, #tpu.memory_space<vmem>>[vector<16xi32>], vector<16xf32>,
        %parallel_loop3A_805 = arith.constant 16 : i32
        %parallel_loop3A_806 = arith.muli %parallel_loop3A_799, %parallel_loop3A_805 : i32
        %parallel_loop3A_807 = arith.index_cast %parallel_loop3A_806 : i32 to index
        %parallel_loop3A_808 = tpu.vector_load %arg18[%parallel_loop3A_807] {strides = array<i32>} : memref<4096xf32, #tpu.memory_space<vmem>>, vector<16xf32>,
        %parallel_loop3A_809 = arith.mulf %parallel_loop3A_804, %parallel_loop3A_808 : vector<16xf32>
        %parallel_loop3A_810 = arith.constant 16 : i32
        %parallel_loop3A_811 = arith.muli %parallel_loop3A_799, %parallel_loop3A_810 : i32
        %parallel_loop3A_812 = arith.index_cast %parallel_loop3A_811 : i32 to index
        %parallel_loop3A_813 = tpu.vector_load %arg20[%parallel_loop3A_812] {strides = array<i32>} : memref<4096xf32, #tpu.memory_space<vmem>>, vector<16xf32>,
        tpu.vector_store %arg20[%parallel_loop3A_812], %parallel_loop3A_809 {strides = array<i32>} : memref<4096xf32, #tpu.memory_space<vmem>>, vector<16xf32>,
      } {sc.loop_unroll_factor = 8 : i64, sc.parallel_access}
      %dma_start3A_224 = arith.constant 0 : i32
      %dma_start3A_225 = tpu.memref_slice %arg31[%dma_start3A_224] : memref<65536xf32, #tpu.memory_space<vmem_shared>> -> memref<65536xf32, #tpu.memory_space<vmem_shared>>
      tpu.enqueue_indirect_dma source(%arg20 : memref<4096xf32, #tpu.memory_space<vmem>>) target(%dma_start3A_225 : memref<65536xf32, #tpu.memory_space<vmem_shared>>) offsets(%arg22 : memref<4096xi32, #tpu.memory_space<vmem>>) semaphore(%arg35 : memref<!tpu.dma_semaphore, #tpu.memory_space<semaphore_mem>>) {add = true}
      %add3A_226 = arith.constant 32768 : i32
      %add3A_227 = arith.addi %mul3A_36, %add3A_226 : i32
      %dma_wait3A_228 = tpu.memref_slice %arg6[%add3A_227] : memref<4294967xi32, #tpu.memory_space<hbm>> -> memref<4096xi32, #tpu.memory_space<hbm>>
      %dma_wait3A_229 = tpu.memref_slice %arg6[%add3A_227] : memref<4294967xi32, #tpu.memory_space<hbm>> -> memref<4096xi32, #tpu.memory_space<hbm>>
      tpu.wait_dma2 semaphore(%arg32 : memref<!tpu.dma_semaphore, #tpu.memory_space<semaphore_mem>>) src(%dma_wait3A_229 : memref<4096xi32, #tpu.memory_space<hbm>>) dst(%arg15 : memref<4096xi32, #tpu.memory_space<vmem>>)
      %dma_wait3A_230 = tpu.memref_slice %arg7[%add3A_227] : memref<4294967xf32, #tpu.memory_space<hbm>> -> memref<4096xf32, #tpu.memory_space<hbm>>
      %dma_wait3A_231 = tpu.memref_slice %arg7[%add3A_227] : memref<4294967xf32, #tpu.memory_space<hbm>> -> memref<4096xf32, #tpu.memory_space<hbm>>
      tpu.wait_dma2 semaphore(%arg32 : memref<!tpu.dma_semaphore, #tpu.memory_space<semaphore_mem>>) src(%dma_wait3A_231 : memref<4096xf32, #tpu.memory_space<hbm>>) dst(%arg17 : memref<4096xf32, #tpu.memory_space<vmem>>)
      %dma_wait3A_232 = tpu.memref_slice %arg8[%add3A_227] : memref<4294967xi32, #tpu.memory_space<hbm>> -> memref<4096xi32, #tpu.memory_space<hbm>>
      %dma_wait3A_233 = tpu.memref_slice %arg8[%add3A_227] : memref<4294967xi32, #tpu.memory_space<hbm>> -> memref<4096xi32, #tpu.memory_space<hbm>>
      tpu.wait_dma2 semaphore(%arg32 : memref<!tpu.dma_semaphore, #tpu.memory_space<semaphore_mem>>) src(%dma_wait3A_233 : memref<4096xi32, #tpu.memory_space<hbm>>) dst(%arg21 : memref<4096xi32, #tpu.memory_space<vmem>>)
      %dma_wait3A_234 = arith.constant 0 : i32
      %dma_wait3A_235 = tpu.memref_slice %arg31[%dma_wait3A_234] : memref<65536xf32, #tpu.memory_space<vmem_shared>> -> memref<65536xf32, #tpu.memory_space<vmem_shared>>
      tpu.wait_indirect_dma semaphore(%arg35 : memref<!tpu.dma_semaphore, #tpu.memory_space<semaphore_mem>>) src(%arg20 : memref<4096xf32, #tpu.memory_space<vmem>>) dst(%dma_wait3A_235 : memref<65536xf32, #tpu.memory_space<vmem_shared>>)
      %add3A_236 = arith.constant 36864 : i32
      %add3A_237 = arith.addi %mul3A_36, %add3A_236 : i32
      %dma_start3A_238 = tpu.memref_slice %arg6[%add3A_237] : memref<4294967xi32, #tpu.memory_space<hbm>> -> memref<4096xi32, #tpu.memory_space<hbm>>
      %dma_start3A_239 = tpu.memref_slice %arg6[%add3A_237] : memref<4294967xi32, #tpu.memory_space<hbm>> -> memref<4096xi32, #tpu.memory_space<hbm>>
      tpu.enqueue_dma source(%dma_start3A_239 : memref<4096xi32, #tpu.memory_space<hbm>>) target(%arg16 : memref<4096xi32, #tpu.memory_space<vmem>>) target_semaphore(%arg33 : memref<!tpu.dma_semaphore, #tpu.memory_space<semaphore_mem>>)
      %dma_start3A_240 = tpu.memref_slice %arg7[%add3A_237] : memref<4294967xf32, #tpu.memory_space<hbm>> -> memref<4096xf32, #tpu.memory_space<hbm>>
      %dma_start3A_241 = tpu.memref_slice %arg7[%add3A_237] : memref<4294967xf32, #tpu.memory_space<hbm>> -> memref<4096xf32, #tpu.memory_space<hbm>>
      tpu.enqueue_dma source(%dma_start3A_241 : memref<4096xf32, #tpu.memory_space<hbm>>) target(%arg18 : memref<4096xf32, #tpu.memory_space<vmem>>) target_semaphore(%arg33 : memref<!tpu.dma_semaphore, #tpu.memory_space<semaphore_mem>>)
      %dma_start3A_242 = tpu.memref_slice %arg8[%add3A_237] : memref<4294967xi32, #tpu.memory_space<hbm>> -> memref<4096xi32, #tpu.memory_space<hbm>>
      %dma_start3A_243 = tpu.memref_slice %arg8[%add3A_237] : memref<4294967xi32, #tpu.memory_space<hbm>> -> memref<4096xi32, #tpu.memory_space<hbm>>
      tpu.enqueue_dma source(%dma_start3A_243 : memref<4096xi32, #tpu.memory_space<hbm>>) target(%arg22 : memref<4096xi32, #tpu.memory_space<vmem>>) target_semaphore(%arg33 : memref<!tpu.dma_semaphore, #tpu.memory_space<semaphore_mem>>)
      %parallel_loop3A_244 = arith.constant 0 : i32
      %parallel_loop3A_245 = arith.constant 256 : i32
      %parallel_loop3A_246 = arith.constant 1 : i32
      scf.for %parallel_loop3A_799 = %parallel_loop3A_244 to %parallel_loop3A_245 step %parallel_loop3A_246  : i32 {
        %parallel_loop3A_800 = arith.constant 16 : i32
        %parallel_loop3A_801 = arith.muli %parallel_loop3A_799, %parallel_loop3A_800 : i32
        %parallel_loop3A_802 = arith.index_cast %parallel_loop3A_801 : i32 to index
        %parallel_loop3A_803 = tpu.vector_load %arg15[%parallel_loop3A_802] {strides = array<i32>} : memref<4096xi32, #tpu.memory_space<vmem>>, vector<16xi32>,
        %parallel_loop3A_804 = tpu.vector_load_idx %arg14[%parallel_loop3A_803] : memref<65536xf32, #tpu.memory_space<vmem>>[vector<16xi32>], vector<16xf32>,
        %parallel_loop3A_805 = arith.constant 16 : i32
        %parallel_loop3A_806 = arith.muli %parallel_loop3A_799, %parallel_loop3A_805 : i32
        %parallel_loop3A_807 = arith.index_cast %parallel_loop3A_806 : i32 to index
        %parallel_loop3A_808 = tpu.vector_load %arg17[%parallel_loop3A_807] {strides = array<i32>} : memref<4096xf32, #tpu.memory_space<vmem>>, vector<16xf32>,
        %parallel_loop3A_809 = arith.mulf %parallel_loop3A_804, %parallel_loop3A_808 : vector<16xf32>
        %parallel_loop3A_810 = arith.constant 16 : i32
        %parallel_loop3A_811 = arith.muli %parallel_loop3A_799, %parallel_loop3A_810 : i32
        %parallel_loop3A_812 = arith.index_cast %parallel_loop3A_811 : i32 to index
        %parallel_loop3A_813 = tpu.vector_load %arg19[%parallel_loop3A_812] {strides = array<i32>} : memref<4096xf32, #tpu.memory_space<vmem>>, vector<16xf32>,
        tpu.vector_store %arg19[%parallel_loop3A_812], %parallel_loop3A_809 {strides = array<i32>} : memref<4096xf32, #tpu.memory_space<vmem>>, vector<16xf32>,
      } {sc.loop_unroll_factor = 8 : i64, sc.parallel_access}
      %dma_start3A_247 = arith.constant 0 : i32
      %dma_start3A_248 = tpu.memref_slice %arg31[%dma_start3A_247] : memref<65536xf32, #tpu.memory_space<vmem_shared>> -> memref<65536xf32, #tpu.memory_space<vmem_shared>>
      tpu.enqueue_indirect_dma source(%arg19 : memref<4096xf32, #tpu.memory_space<vmem>>) target(%dma_start3A_248 : memref<65536xf32, #tpu.memory_space<vmem_shared>>) offsets(%arg21 : memref<4096xi32, #tpu.memory_space<vmem>>) semaphore(%arg34 : memref<!tpu.dma_semaphore, #tpu.memory_space<semaphore_mem>>) {add = true}
      %add3A_249 = arith.constant 36864 : i32
      %add3A_250 = arith.addi %mul3A_36, %add3A_249 : i32
      %dma_wait3A_251 = tpu.memref_slice %arg6[%add3A_250] : memref<4294967xi32, #tpu.memory_space<hbm>> -> memref<4096xi32, #tpu.memory_space<hbm>>
      %dma_wait3A_252 = tpu.memref_slice %arg6[%add3A_250] : memref<4294967xi32, #tpu.memory_space<hbm>> -> memref<4096xi32, #tpu.memory_space<hbm>>
      tpu.wait_dma2 semaphore(%arg33 : memref<!tpu.dma_semaphore, #tpu.memory_space<semaphore_mem>>) src(%dma_wait3A_252 : memref<4096xi32, #tpu.memory_space<hbm>>) dst(%arg16 : memref<4096xi32, #tpu.memory_space<vmem>>)
      %dma_wait3A_253 = tpu.memref_slice %arg7[%add3A_250] : memref<4294967xf32, #tpu.memory_space<hbm>> -> memref<4096xf32, #tpu.memory_space<hbm>>
      %dma_wait3A_254 = tpu.memref_slice %arg7[%add3A_250] : memref<4294967xf32, #tpu.memory_space<hbm>> -> memref<4096xf32, #tpu.memory_space<hbm>>
      tpu.wait_dma2 semaphore(%arg33 : memref<!tpu.dma_semaphore, #tpu.memory_space<semaphore_mem>>) src(%dma_wait3A_254 : memref<4096xf32, #tpu.memory_space<hbm>>) dst(%arg18 : memref<4096xf32, #tpu.memory_space<vmem>>)
      %dma_wait3A_255 = tpu.memref_slice %arg8[%add3A_250] : memref<4294967xi32, #tpu.memory_space<hbm>> -> memref<4096xi32, #tpu.memory_space<hbm>>
      %dma_wait3A_256 = tpu.memref_slice %arg8[%add3A_250] : memref<4294967xi32, #tpu.memory_space<hbm>> -> memref<4096xi32, #tpu.memory_space<hbm>>
      tpu.wait_dma2 semaphore(%arg33 : memref<!tpu.dma_semaphore, #tpu.memory_space<semaphore_mem>>) src(%dma_wait3A_256 : memref<4096xi32, #tpu.memory_space<hbm>>) dst(%arg22 : memref<4096xi32, #tpu.memory_space<vmem>>)
      %dma_wait3A_257 = arith.constant 0 : i32
      %dma_wait3A_258 = tpu.memref_slice %arg31[%dma_wait3A_257] : memref<65536xf32, #tpu.memory_space<vmem_shared>> -> memref<65536xf32, #tpu.memory_space<vmem_shared>>
      tpu.wait_indirect_dma semaphore(%arg34 : memref<!tpu.dma_semaphore, #tpu.memory_space<semaphore_mem>>) src(%arg19 : memref<4096xf32, #tpu.memory_space<vmem>>) dst(%dma_wait3A_258 : memref<65536xf32, #tpu.memory_space<vmem_shared>>)
      %add3A_259 = arith.constant 40960 : i32
      %add3A_260 = arith.addi %mul3A_36, %add3A_259 : i32
      %dma_start3A_261 = tpu.memref_slice %arg6[%add3A_260] : memref<4294967xi32, #tpu.memory_space<hbm>> -> memref<4096xi32, #tpu.memory_space<hbm>>
      %dma_start3A_262 = tpu.memref_slice %arg6[%add3A_260] : memref<4294967xi32, #tpu.memory_space<hbm>> -> memref<4096xi32, #tpu.memory_space<hbm>>
      tpu.enqueue_dma source(%dma_start3A_262 : memref<4096xi32, #tpu.memory_space<hbm>>) target(%arg15 : memref<4096xi32, #tpu.memory_space<vmem>>) target_semaphore(%arg32 : memref<!tpu.dma_semaphore, #tpu.memory_space<semaphore_mem>>)
      %dma_start3A_263 = tpu.memref_slice %arg7[%add3A_260] : memref<4294967xf32, #tpu.memory_space<hbm>> -> memref<4096xf32, #tpu.memory_space<hbm>>
      %dma_start3A_264 = tpu.memref_slice %arg7[%add3A_260] : memref<4294967xf32, #tpu.memory_space<hbm>> -> memref<4096xf32, #tpu.memory_space<hbm>>
      tpu.enqueue_dma source(%dma_start3A_264 : memref<4096xf32, #tpu.memory_space<hbm>>) target(%arg17 : memref<4096xf32, #tpu.memory_space<vmem>>) target_semaphore(%arg32 : memref<!tpu.dma_semaphore, #tpu.memory_space<semaphore_mem>>)
      %dma_start3A_265 = tpu.memref_slice %arg8[%add3A_260] : memref<4294967xi32, #tpu.memory_space<hbm>> -> memref<4096xi32, #tpu.memory_space<hbm>>
      %dma_start3A_266 = tpu.memref_slice %arg8[%add3A_260] : memref<4294967xi32, #tpu.memory_space<hbm>> -> memref<4096xi32, #tpu.memory_space<hbm>>
      tpu.enqueue_dma source(%dma_start3A_266 : memref<4096xi32, #tpu.memory_space<hbm>>) target(%arg21 : memref<4096xi32, #tpu.memory_space<vmem>>) target_semaphore(%arg32 : memref<!tpu.dma_semaphore, #tpu.memory_space<semaphore_mem>>)
      %parallel_loop3A_267 = arith.constant 0 : i32
      %parallel_loop3A_268 = arith.constant 256 : i32
      %parallel_loop3A_269 = arith.constant 1 : i32
      scf.for %parallel_loop3A_799 = %parallel_loop3A_267 to %parallel_loop3A_268 step %parallel_loop3A_269  : i32 {
        %parallel_loop3A_800 = arith.constant 16 : i32
        %parallel_loop3A_801 = arith.muli %parallel_loop3A_799, %parallel_loop3A_800 : i32
        %parallel_loop3A_802 = arith.index_cast %parallel_loop3A_801 : i32 to index
        %parallel_loop3A_803 = tpu.vector_load %arg16[%parallel_loop3A_802] {strides = array<i32>} : memref<4096xi32, #tpu.memory_space<vmem>>, vector<16xi32>,
        %parallel_loop3A_804 = tpu.vector_load_idx %arg14[%parallel_loop3A_803] : memref<65536xf32, #tpu.memory_space<vmem>>[vector<16xi32>], vector<16xf32>,
        %parallel_loop3A_805 = arith.constant 16 : i32
        %parallel_loop3A_806 = arith.muli %parallel_loop3A_799, %parallel_loop3A_805 : i32
        %parallel_loop3A_807 = arith.index_cast %parallel_loop3A_806 : i32 to index
        %parallel_loop3A_808 = tpu.vector_load %arg18[%parallel_loop3A_807] {strides = array<i32>} : memref<4096xf32, #tpu.memory_space<vmem>>, vector<16xf32>,
        %parallel_loop3A_809 = arith.mulf %parallel_loop3A_804, %parallel_loop3A_808 : vector<16xf32>
        %parallel_loop3A_810 = arith.constant 16 : i32
        %parallel_loop3A_811 = arith.muli %parallel_loop3A_799, %parallel_loop3A_810 : i32
        %parallel_loop3A_812 = arith.index_cast %parallel_loop3A_811 : i32 to index
        %parallel_loop3A_813 = tpu.vector_load %arg20[%parallel_loop3A_812] {strides = array<i32>} : memref<4096xf32, #tpu.memory_space<vmem>>, vector<16xf32>,
        tpu.vector_store %arg20[%parallel_loop3A_812], %parallel_loop3A_809 {strides = array<i32>} : memref<4096xf32, #tpu.memory_space<vmem>>, vector<16xf32>,
      } {sc.loop_unroll_factor = 8 : i64, sc.parallel_access}
      %dma_start3A_270 = arith.constant 0 : i32
      %dma_start3A_271 = tpu.memref_slice %arg31[%dma_start3A_270] : memref<65536xf32, #tpu.memory_space<vmem_shared>> -> memref<65536xf32, #tpu.memory_space<vmem_shared>>
      tpu.enqueue_indirect_dma source(%arg20 : memref<4096xf32, #tpu.memory_space<vmem>>) target(%dma_start3A_271 : memref<65536xf32, #tpu.memory_space<vmem_shared>>) offsets(%arg22 : memref<4096xi32, #tpu.memory_space<vmem>>) semaphore(%arg35 : memref<!tpu.dma_semaphore, #tpu.memory_space<semaphore_mem>>) {add = true}
      %add3A_272 = arith.constant 40960 : i32
      %add3A_273 = arith.addi %mul3A_36, %add3A_272 : i32
      %dma_wait3A_274 = tpu.memref_slice %arg6[%add3A_273] : memref<4294967xi32, #tpu.memory_space<hbm>> -> memref<4096xi32, #tpu.memory_space<hbm>>
      %dma_wait3A_275 = tpu.memref_slice %arg6[%add3A_273] : memref<4294967xi32, #tpu.memory_space<hbm>> -> memref<4096xi32, #tpu.memory_space<hbm>>
      tpu.wait_dma2 semaphore(%arg32 : memref<!tpu.dma_semaphore, #tpu.memory_space<semaphore_mem>>) src(%dma_wait3A_275 : memref<4096xi32, #tpu.memory_space<hbm>>) dst(%arg15 : memref<4096xi32, #tpu.memory_space<vmem>>)
      %dma_wait3A_276 = tpu.memref_slice %arg7[%add3A_273] : memref<4294967xf32, #tpu.memory_space<hbm>> -> memref<4096xf32, #tpu.memory_space<hbm>>
      %dma_wait3A_277 = tpu.memref_slice %arg7[%add3A_273] : memref<4294967xf32, #tpu.memory_space<hbm>> -> memref<4096xf32, #tpu.memory_space<hbm>>
      tpu.wait_dma2 semaphore(%arg32 : memref<!tpu.dma_semaphore, #tpu.memory_space<semaphore_mem>>) src(%dma_wait3A_277 : memref<4096xf32, #tpu.memory_space<hbm>>) dst(%arg17 : memref<4096xf32, #tpu.memory_space<vmem>>)
      %dma_wait3A_278 = tpu.memref_slice %arg8[%add3A_273] : memref<4294967xi32, #tpu.memory_space<hbm>> -> memref<4096xi32, #tpu.memory_space<hbm>>
      %dma_wait3A_279 = tpu.memref_slice %arg8[%add3A_273] : memref<4294967xi32, #tpu.memory_space<hbm>> -> memref<4096xi32, #tpu.memory_space<hbm>>
      tpu.wait_dma2 semaphore(%arg32 : memref<!tpu.dma_semaphore, #tpu.memory_space<semaphore_mem>>) src(%dma_wait3A_279 : memref<4096xi32, #tpu.memory_space<hbm>>) dst(%arg21 : memref<4096xi32, #tpu.memory_space<vmem>>)
      %dma_wait3A_280 = arith.constant 0 : i32
      %dma_wait3A_281 = tpu.memref_slice %arg31[%dma_wait3A_280] : memref<65536xf32, #tpu.memory_space<vmem_shared>> -> memref<65536xf32, #tpu.memory_space<vmem_shared>>
      tpu.wait_indirect_dma semaphore(%arg35 : memref<!tpu.dma_semaphore, #tpu.memory_space<semaphore_mem>>) src(%arg20 : memref<4096xf32, #tpu.memory_space<vmem>>) dst(%dma_wait3A_281 : memref<65536xf32, #tpu.memory_space<vmem_shared>>)
      %add3A_282 = arith.constant 45056 : i32
      %add3A_283 = arith.addi %mul3A_36, %add3A_282 : i32
      %dma_start3A_284 = tpu.memref_slice %arg6[%add3A_283] : memref<4294967xi32, #tpu.memory_space<hbm>> -> memref<4096xi32, #tpu.memory_space<hbm>>
      %dma_start3A_285 = tpu.memref_slice %arg6[%add3A_283] : memref<4294967xi32, #tpu.memory_space<hbm>> -> memref<4096xi32, #tpu.memory_space<hbm>>
      tpu.enqueue_dma source(%dma_start3A_285 : memref<4096xi32, #tpu.memory_space<hbm>>) target(%arg16 : memref<4096xi32, #tpu.memory_space<vmem>>) target_semaphore(%arg33 : memref<!tpu.dma_semaphore, #tpu.memory_space<semaphore_mem>>)
      %dma_start3A_286 = tpu.memref_slice %arg7[%add3A_283] : memref<4294967xf32, #tpu.memory_space<hbm>> -> memref<4096xf32, #tpu.memory_space<hbm>>
      %dma_start3A_287 = tpu.memref_slice %arg7[%add3A_283] : memref<4294967xf32, #tpu.memory_space<hbm>> -> memref<4096xf32, #tpu.memory_space<hbm>>
      tpu.enqueue_dma source(%dma_start3A_287 : memref<4096xf32, #tpu.memory_space<hbm>>) target(%arg18 : memref<4096xf32, #tpu.memory_space<vmem>>) target_semaphore(%arg33 : memref<!tpu.dma_semaphore, #tpu.memory_space<semaphore_mem>>)
      %dma_start3A_288 = tpu.memref_slice %arg8[%add3A_283] : memref<4294967xi32, #tpu.memory_space<hbm>> -> memref<4096xi32, #tpu.memory_space<hbm>>
      %dma_start3A_289 = tpu.memref_slice %arg8[%add3A_283] : memref<4294967xi32, #tpu.memory_space<hbm>> -> memref<4096xi32, #tpu.memory_space<hbm>>
      tpu.enqueue_dma source(%dma_start3A_289 : memref<4096xi32, #tpu.memory_space<hbm>>) target(%arg22 : memref<4096xi32, #tpu.memory_space<vmem>>) target_semaphore(%arg33 : memref<!tpu.dma_semaphore, #tpu.memory_space<semaphore_mem>>)
      %parallel_loop3A_290 = arith.constant 0 : i32
      %parallel_loop3A_291 = arith.constant 256 : i32
      %parallel_loop3A_292 = arith.constant 1 : i32
      scf.for %parallel_loop3A_799 = %parallel_loop3A_290 to %parallel_loop3A_291 step %parallel_loop3A_292  : i32 {
        %parallel_loop3A_800 = arith.constant 16 : i32
        %parallel_loop3A_801 = arith.muli %parallel_loop3A_799, %parallel_loop3A_800 : i32
        %parallel_loop3A_802 = arith.index_cast %parallel_loop3A_801 : i32 to index
        %parallel_loop3A_803 = tpu.vector_load %arg15[%parallel_loop3A_802] {strides = array<i32>} : memref<4096xi32, #tpu.memory_space<vmem>>, vector<16xi32>,
        %parallel_loop3A_804 = tpu.vector_load_idx %arg14[%parallel_loop3A_803] : memref<65536xf32, #tpu.memory_space<vmem>>[vector<16xi32>], vector<16xf32>,
        %parallel_loop3A_805 = arith.constant 16 : i32
        %parallel_loop3A_806 = arith.muli %parallel_loop3A_799, %parallel_loop3A_805 : i32
        %parallel_loop3A_807 = arith.index_cast %parallel_loop3A_806 : i32 to index
        %parallel_loop3A_808 = tpu.vector_load %arg17[%parallel_loop3A_807] {strides = array<i32>} : memref<4096xf32, #tpu.memory_space<vmem>>, vector<16xf32>,
        %parallel_loop3A_809 = arith.mulf %parallel_loop3A_804, %parallel_loop3A_808 : vector<16xf32>
        %parallel_loop3A_810 = arith.constant 16 : i32
        %parallel_loop3A_811 = arith.muli %parallel_loop3A_799, %parallel_loop3A_810 : i32
        %parallel_loop3A_812 = arith.index_cast %parallel_loop3A_811 : i32 to index
        %parallel_loop3A_813 = tpu.vector_load %arg19[%parallel_loop3A_812] {strides = array<i32>} : memref<4096xf32, #tpu.memory_space<vmem>>, vector<16xf32>,
        tpu.vector_store %arg19[%parallel_loop3A_812], %parallel_loop3A_809 {strides = array<i32>} : memref<4096xf32, #tpu.memory_space<vmem>>, vector<16xf32>,
      } {sc.loop_unroll_factor = 8 : i64, sc.parallel_access}
      %dma_start3A_293 = arith.constant 0 : i32
      %dma_start3A_294 = tpu.memref_slice %arg31[%dma_start3A_293] : memref<65536xf32, #tpu.memory_space<vmem_shared>> -> memref<65536xf32, #tpu.memory_space<vmem_shared>>
      tpu.enqueue_indirect_dma source(%arg19 : memref<4096xf32, #tpu.memory_space<vmem>>) target(%dma_start3A_294 : memref<65536xf32, #tpu.memory_space<vmem_shared>>) offsets(%arg21 : memref<4096xi32, #tpu.memory_space<vmem>>) semaphore(%arg34 : memref<!tpu.dma_semaphore, #tpu.memory_space<semaphore_mem>>) {add = true}
      %add3A_295 = arith.constant 45056 : i32
      %add3A_296 = arith.addi %mul3A_36, %add3A_295 : i32
      %dma_wait3A_297 = tpu.memref_slice %arg6[%add3A_296] : memref<4294967xi32, #tpu.memory_space<hbm>> -> memref<4096xi32, #tpu.memory_space<hbm>>
      %dma_wait3A_298 = tpu.memref_slice %arg6[%add3A_296] : memref<4294967xi32, #tpu.memory_space<hbm>> -> memref<4096xi32, #tpu.memory_space<hbm>>
      tpu.wait_dma2 semaphore(%arg33 : memref<!tpu.dma_semaphore, #tpu.memory_space<semaphore_mem>>) src(%dma_wait3A_298 : memref<4096xi32, #tpu.memory_space<hbm>>) dst(%arg16 : memref<4096xi32, #tpu.memory_space<vmem>>)
      %dma_wait3A_299 = tpu.memref_slice %arg7[%add3A_296] : memref<4294967xf32, #tpu.memory_space<hbm>> -> memref<4096xf32, #tpu.memory_space<hbm>>
      %dma_wait3A_300 = tpu.memref_slice %arg7[%add3A_296] : memref<4294967xf32, #tpu.memory_space<hbm>> -> memref<4096xf32, #tpu.memory_space<hbm>>
      tpu.wait_dma2 semaphore(%arg33 : memref<!tpu.dma_semaphore, #tpu.memory_space<semaphore_mem>>) src(%dma_wait3A_300 : memref<4096xf32, #tpu.memory_space<hbm>>) dst(%arg18 : memref<4096xf32, #tpu.memory_space<vmem>>)
      %dma_wait3A_301 = tpu.memref_slice %arg8[%add3A_296] : memref<4294967xi32, #tpu.memory_space<hbm>> -> memref<4096xi32, #tpu.memory_space<hbm>>
      %dma_wait3A_302 = tpu.memref_slice %arg8[%add3A_296] : memref<4294967xi32, #tpu.memory_space<hbm>> -> memref<4096xi32, #tpu.memory_space<hbm>>
      tpu.wait_dma2 semaphore(%arg33 : memref<!tpu.dma_semaphore, #tpu.memory_space<semaphore_mem>>) src(%dma_wait3A_302 : memref<4096xi32, #tpu.memory_space<hbm>>) dst(%arg22 : memref<4096xi32, #tpu.memory_space<vmem>>)
      %dma_wait3A_303 = arith.constant 0 : i32
      %dma_wait3A_304 = tpu.memref_slice %arg31[%dma_wait3A_303] : memref<65536xf32, #tpu.memory_space<vmem_shared>> -> memref<65536xf32, #tpu.memory_space<vmem_shared>>
      tpu.wait_indirect_dma semaphore(%arg34 : memref<!tpu.dma_semaphore, #tpu.memory_space<semaphore_mem>>) src(%arg19 : memref<4096xf32, #tpu.memory_space<vmem>>) dst(%dma_wait3A_304 : memref<65536xf32, #tpu.memory_space<vmem_shared>>)
      %add3A_305 = arith.constant 49152 : i32
      %add3A_306 = arith.addi %mul3A_36, %add3A_305 : i32
      %dma_start3A_307 = tpu.memref_slice %arg6[%add3A_306] : memref<4294967xi32, #tpu.memory_space<hbm>> -> memref<4096xi32, #tpu.memory_space<hbm>>
      %dma_start3A_308 = tpu.memref_slice %arg6[%add3A_306] : memref<4294967xi32, #tpu.memory_space<hbm>> -> memref<4096xi32, #tpu.memory_space<hbm>>
      tpu.enqueue_dma source(%dma_start3A_308 : memref<4096xi32, #tpu.memory_space<hbm>>) target(%arg15 : memref<4096xi32, #tpu.memory_space<vmem>>) target_semaphore(%arg32 : memref<!tpu.dma_semaphore, #tpu.memory_space<semaphore_mem>>)
      %dma_start3A_309 = tpu.memref_slice %arg7[%add3A_306] : memref<4294967xf32, #tpu.memory_space<hbm>> -> memref<4096xf32, #tpu.memory_space<hbm>>
      %dma_start3A_310 = tpu.memref_slice %arg7[%add3A_306] : memref<4294967xf32, #tpu.memory_space<hbm>> -> memref<4096xf32, #tpu.memory_space<hbm>>
      tpu.enqueue_dma source(%dma_start3A_310 : memref<4096xf32, #tpu.memory_space<hbm>>) target(%arg17 : memref<4096xf32, #tpu.memory_space<vmem>>) target_semaphore(%arg32 : memref<!tpu.dma_semaphore, #tpu.memory_space<semaphore_mem>>)
      %dma_start3A_311 = tpu.memref_slice %arg8[%add3A_306] : memref<4294967xi32, #tpu.memory_space<hbm>> -> memref<4096xi32, #tpu.memory_space<hbm>>
      %dma_start3A_312 = tpu.memref_slice %arg8[%add3A_306] : memref<4294967xi32, #tpu.memory_space<hbm>> -> memref<4096xi32, #tpu.memory_space<hbm>>
      tpu.enqueue_dma source(%dma_start3A_312 : memref<4096xi32, #tpu.memory_space<hbm>>) target(%arg21 : memref<4096xi32, #tpu.memory_space<vmem>>) target_semaphore(%arg32 : memref<!tpu.dma_semaphore, #tpu.memory_space<semaphore_mem>>)
      %parallel_loop3A_313 = arith.constant 0 : i32
      %parallel_loop3A_314 = arith.constant 256 : i32
      %parallel_loop3A_315 = arith.constant 1 : i32
      scf.for %parallel_loop3A_799 = %parallel_loop3A_313 to %parallel_loop3A_314 step %parallel_loop3A_315  : i32 {
        %parallel_loop3A_800 = arith.constant 16 : i32
        %parallel_loop3A_801 = arith.muli %parallel_loop3A_799, %parallel_loop3A_800 : i32
        %parallel_loop3A_802 = arith.index_cast %parallel_loop3A_801 : i32 to index
        %parallel_loop3A_803 = tpu.vector_load %arg16[%parallel_loop3A_802] {strides = array<i32>} : memref<4096xi32, #tpu.memory_space<vmem>>, vector<16xi32>,
        %parallel_loop3A_804 = tpu.vector_load_idx %arg14[%parallel_loop3A_803] : memref<65536xf32, #tpu.memory_space<vmem>>[vector<16xi32>], vector<16xf32>,
        %parallel_loop3A_805 = arith.constant 16 : i32
        %parallel_loop3A_806 = arith.muli %parallel_loop3A_799, %parallel_loop3A_805 : i32
        %parallel_loop3A_807 = arith.index_cast %parallel_loop3A_806 : i32 to index
        %parallel_loop3A_808 = tpu.vector_load %arg18[%parallel_loop3A_807] {strides = array<i32>} : memref<4096xf32, #tpu.memory_space<vmem>>, vector<16xf32>,
        %parallel_loop3A_809 = arith.mulf %parallel_loop3A_804, %parallel_loop3A_808 : vector<16xf32>
        %parallel_loop3A_810 = arith.constant 16 : i32
        %parallel_loop3A_811 = arith.muli %parallel_loop3A_799, %parallel_loop3A_810 : i32
        %parallel_loop3A_812 = arith.index_cast %parallel_loop3A_811 : i32 to index
        %parallel_loop3A_813 = tpu.vector_load %arg20[%parallel_loop3A_812] {strides = array<i32>} : memref<4096xf32, #tpu.memory_space<vmem>>, vector<16xf32>,
        tpu.vector_store %arg20[%parallel_loop3A_812], %parallel_loop3A_809 {strides = array<i32>} : memref<4096xf32, #tpu.memory_space<vmem>>, vector<16xf32>,
      } {sc.loop_unroll_factor = 8 : i64, sc.parallel_access}
      %dma_start3A_316 = arith.constant 0 : i32
      %dma_start3A_317 = tpu.memref_slice %arg31[%dma_start3A_316] : memref<65536xf32, #tpu.memory_space<vmem_shared>> -> memref<65536xf32, #tpu.memory_space<vmem_shared>>
      tpu.enqueue_indirect_dma source(%arg20 : memref<4096xf32, #tpu.memory_space<vmem>>) target(%dma_start3A_317 : memref<65536xf32, #tpu.memory_space<vmem_shared>>) offsets(%arg22 : memref<4096xi32, #tpu.memory_space<vmem>>) semaphore(%arg35 : memref<!tpu.dma_semaphore, #tpu.memory_space<semaphore_mem>>) {add = true}
      %add3A_318 = arith.constant 49152 : i32
      %add3A_319 = arith.addi %mul3A_36, %add3A_318 : i32
      %dma_wait3A_320 = tpu.memref_slice %arg6[%add3A_319] : memref<4294967xi32, #tpu.memory_space<hbm>> -> memref<4096xi32, #tpu.memory_space<hbm>>
      %dma_wait3A_321 = tpu.memref_slice %arg6[%add3A_319] : memref<4294967xi32, #tpu.memory_space<hbm>> -> memref<4096xi32, #tpu.memory_space<hbm>>
      tpu.wait_dma2 semaphore(%arg32 : memref<!tpu.dma_semaphore, #tpu.memory_space<semaphore_mem>>) src(%dma_wait3A_321 : memref<4096xi32, #tpu.memory_space<hbm>>) dst(%arg15 : memref<4096xi32, #tpu.memory_space<vmem>>)
      %dma_wait3A_322 = tpu.memref_slice %arg7[%add3A_319] : memref<4294967xf32, #tpu.memory_space<hbm>> -> memref<4096xf32, #tpu.memory_space<hbm>>
      %dma_wait3A_323 = tpu.memref_slice %arg7[%add3A_319] : memref<4294967xf32, #tpu.memory_space<hbm>> -> memref<4096xf32, #tpu.memory_space<hbm>>
      tpu.wait_dma2 semaphore(%arg32 : memref<!tpu.dma_semaphore, #tpu.memory_space<semaphore_mem>>) src(%dma_wait3A_323 : memref<4096xf32, #tpu.memory_space<hbm>>) dst(%arg17 : memref<4096xf32, #tpu.memory_space<vmem>>)
      %dma_wait3A_324 = tpu.memref_slice %arg8[%add3A_319] : memref<4294967xi32, #tpu.memory_space<hbm>> -> memref<4096xi32, #tpu.memory_space<hbm>>
      %dma_wait3A_325 = tpu.memref_slice %arg8[%add3A_319] : memref<4294967xi32, #tpu.memory_space<hbm>> -> memref<4096xi32, #tpu.memory_space<hbm>>
      tpu.wait_dma2 semaphore(%arg32 : memref<!tpu.dma_semaphore, #tpu.memory_space<semaphore_mem>>) src(%dma_wait3A_325 : memref<4096xi32, #tpu.memory_space<hbm>>) dst(%arg21 : memref<4096xi32, #tpu.memory_space<vmem>>)
      %dma_wait3A_326 = arith.constant 0 : i32
      %dma_wait3A_327 = tpu.memref_slice %arg31[%dma_wait3A_326] : memref<65536xf32, #tpu.memory_space<vmem_shared>> -> memref<65536xf32, #tpu.memory_space<vmem_shared>>
      tpu.wait_indirect_dma semaphore(%arg35 : memref<!tpu.dma_semaphore, #tpu.memory_space<semaphore_mem>>) src(%arg20 : memref<4096xf32, #tpu.memory_space<vmem>>) dst(%dma_wait3A_327 : memref<65536xf32, #tpu.memory_space<vmem_shared>>)
      %add3A_328 = arith.constant 53248 : i32
      %add3A_329 = arith.addi %mul3A_36, %add3A_328 : i32
      %dma_start3A_330 = tpu.memref_slice %arg6[%add3A_329] : memref<4294967xi32, #tpu.memory_space<hbm>> -> memref<4096xi32, #tpu.memory_space<hbm>>
      %dma_start3A_331 = tpu.memref_slice %arg6[%add3A_329] : memref<4294967xi32, #tpu.memory_space<hbm>> -> memref<4096xi32, #tpu.memory_space<hbm>>
      tpu.enqueue_dma source(%dma_start3A_331 : memref<4096xi32, #tpu.memory_space<hbm>>) target(%arg16 : memref<4096xi32, #tpu.memory_space<vmem>>) target_semaphore(%arg33 : memref<!tpu.dma_semaphore, #tpu.memory_space<semaphore_mem>>)
      %dma_start3A_332 = tpu.memref_slice %arg7[%add3A_329] : memref<4294967xf32, #tpu.memory_space<hbm>> -> memref<4096xf32, #tpu.memory_space<hbm>>
      %dma_start3A_333 = tpu.memref_slice %arg7[%add3A_329] : memref<4294967xf32, #tpu.memory_space<hbm>> -> memref<4096xf32, #tpu.memory_space<hbm>>
      tpu.enqueue_dma source(%dma_start3A_333 : memref<4096xf32, #tpu.memory_space<hbm>>) target(%arg18 : memref<4096xf32, #tpu.memory_space<vmem>>) target_semaphore(%arg33 : memref<!tpu.dma_semaphore, #tpu.memory_space<semaphore_mem>>)
      %dma_start3A_334 = tpu.memref_slice %arg8[%add3A_329] : memref<4294967xi32, #tpu.memory_space<hbm>> -> memref<4096xi32, #tpu.memory_space<hbm>>
      %dma_start3A_335 = tpu.memref_slice %arg8[%add3A_329] : memref<4294967xi32, #tpu.memory_space<hbm>> -> memref<4096xi32, #tpu.memory_space<hbm>>
      tpu.enqueue_dma source(%dma_start3A_335 : memref<4096xi32, #tpu.memory_space<hbm>>) target(%arg22 : memref<4096xi32, #tpu.memory_space<vmem>>) target_semaphore(%arg33 : memref<!tpu.dma_semaphore, #tpu.memory_space<semaphore_mem>>)
      %parallel_loop3A_336 = arith.constant 0 : i32
      %parallel_loop3A_337 = arith.constant 256 : i32
      %parallel_loop3A_338 = arith.constant 1 : i32
      scf.for %parallel_loop3A_799 = %parallel_loop3A_336 to %parallel_loop3A_337 step %parallel_loop3A_338  : i32 {
        %parallel_loop3A_800 = arith.constant 16 : i32
        %parallel_loop3A_801 = arith.muli %parallel_loop3A_799, %parallel_loop3A_800 : i32
        %parallel_loop3A_802 = arith.index_cast %parallel_loop3A_801 : i32 to index
        %parallel_loop3A_803 = tpu.vector_load %arg15[%parallel_loop3A_802] {strides = array<i32>} : memref<4096xi32, #tpu.memory_space<vmem>>, vector<16xi32>,
        %parallel_loop3A_804 = tpu.vector_load_idx %arg14[%parallel_loop3A_803] : memref<65536xf32, #tpu.memory_space<vmem>>[vector<16xi32>], vector<16xf32>,
        %parallel_loop3A_805 = arith.constant 16 : i32
        %parallel_loop3A_806 = arith.muli %parallel_loop3A_799, %parallel_loop3A_805 : i32
        %parallel_loop3A_807 = arith.index_cast %parallel_loop3A_806 : i32 to index
        %parallel_loop3A_808 = tpu.vector_load %arg17[%parallel_loop3A_807] {strides = array<i32>} : memref<4096xf32, #tpu.memory_space<vmem>>, vector<16xf32>,
        %parallel_loop3A_809 = arith.mulf %parallel_loop3A_804, %parallel_loop3A_808 : vector<16xf32>
        %parallel_loop3A_810 = arith.constant 16 : i32
        %parallel_loop3A_811 = arith.muli %parallel_loop3A_799, %parallel_loop3A_810 : i32
        %parallel_loop3A_812 = arith.index_cast %parallel_loop3A_811 : i32 to index
        %parallel_loop3A_813 = tpu.vector_load %arg19[%parallel_loop3A_812] {strides = array<i32>} : memref<4096xf32, #tpu.memory_space<vmem>>, vector<16xf32>,
        tpu.vector_store %arg19[%parallel_loop3A_812], %parallel_loop3A_809 {strides = array<i32>} : memref<4096xf32, #tpu.memory_space<vmem>>, vector<16xf32>,
      } {sc.loop_unroll_factor = 8 : i64, sc.parallel_access}
      %dma_start3A_339 = arith.constant 0 : i32
      %dma_start3A_340 = tpu.memref_slice %arg31[%dma_start3A_339] : memref<65536xf32, #tpu.memory_space<vmem_shared>> -> memref<65536xf32, #tpu.memory_space<vmem_shared>>
      tpu.enqueue_indirect_dma source(%arg19 : memref<4096xf32, #tpu.memory_space<vmem>>) target(%dma_start3A_340 : memref<65536xf32, #tpu.memory_space<vmem_shared>>) offsets(%arg21 : memref<4096xi32, #tpu.memory_space<vmem>>) semaphore(%arg34 : memref<!tpu.dma_semaphore, #tpu.memory_space<semaphore_mem>>) {add = true}
      %add3A_341 = arith.constant 53248 : i32
      %add3A_342 = arith.addi %mul3A_36, %add3A_341 : i32
      %dma_wait3A_343 = tpu.memref_slice %arg6[%add3A_342] : memref<4294967xi32, #tpu.memory_space<hbm>> -> memref<4096xi32, #tpu.memory_space<hbm>>
      %dma_wait3A_344 = tpu.memref_slice %arg6[%add3A_342] : memref<4294967xi32, #tpu.memory_space<hbm>> -> memref<4096xi32, #tpu.memory_space<hbm>>
      tpu.wait_dma2 semaphore(%arg33 : memref<!tpu.dma_semaphore, #tpu.memory_space<semaphore_mem>>) src(%dma_wait3A_344 : memref<4096xi32, #tpu.memory_space<hbm>>) dst(%arg16 : memref<4096xi32, #tpu.memory_space<vmem>>)
      %dma_wait3A_345 = tpu.memref_slice %arg7[%add3A_342] : memref<4294967xf32, #tpu.memory_space<hbm>> -> memref<4096xf32, #tpu.memory_space<hbm>>
      %dma_wait3A_346 = tpu.memref_slice %arg7[%add3A_342] : memref<4294967xf32, #tpu.memory_space<hbm>> -> memref<4096xf32, #tpu.memory_space<hbm>>
      tpu.wait_dma2 semaphore(%arg33 : memref<!tpu.dma_semaphore, #tpu.memory_space<semaphore_mem>>) src(%dma_wait3A_346 : memref<4096xf32, #tpu.memory_space<hbm>>) dst(%arg18 : memref<4096xf32, #tpu.memory_space<vmem>>)
      %dma_wait3A_347 = tpu.memref_slice %arg8[%add3A_342] : memref<4294967xi32, #tpu.memory_space<hbm>> -> memref<4096xi32, #tpu.memory_space<hbm>>
      %dma_wait3A_348 = tpu.memref_slice %arg8[%add3A_342] : memref<4294967xi32, #tpu.memory_space<hbm>> -> memref<4096xi32, #tpu.memory_space<hbm>>
      tpu.wait_dma2 semaphore(%arg33 : memref<!tpu.dma_semaphore, #tpu.memory_space<semaphore_mem>>) src(%dma_wait3A_348 : memref<4096xi32, #tpu.memory_space<hbm>>) dst(%arg22 : memref<4096xi32, #tpu.memory_space<vmem>>)
      %dma_wait3A_349 = arith.constant 0 : i32
      %dma_wait3A_350 = tpu.memref_slice %arg31[%dma_wait3A_349] : memref<65536xf32, #tpu.memory_space<vmem_shared>> -> memref<65536xf32, #tpu.memory_space<vmem_shared>>
      tpu.wait_indirect_dma semaphore(%arg34 : memref<!tpu.dma_semaphore, #tpu.memory_space<semaphore_mem>>) src(%arg19 : memref<4096xf32, #tpu.memory_space<vmem>>) dst(%dma_wait3A_350 : memref<65536xf32, #tpu.memory_space<vmem_shared>>)
      %add3A_351 = arith.constant 57344 : i32
      %add3A_352 = arith.addi %mul3A_36, %add3A_351 : i32
      %dma_start3A_353 = tpu.memref_slice %arg6[%add3A_352] : memref<4294967xi32, #tpu.memory_space<hbm>> -> memref<4096xi32, #tpu.memory_space<hbm>>
      %dma_start3A_354 = tpu.memref_slice %arg6[%add3A_352] : memref<4294967xi32, #tpu.memory_space<hbm>> -> memref<4096xi32, #tpu.memory_space<hbm>>
      tpu.enqueue_dma source(%dma_start3A_354 : memref<4096xi32, #tpu.memory_space<hbm>>) target(%arg15 : memref<4096xi32, #tpu.memory_space<vmem>>) target_semaphore(%arg32 : memref<!tpu.dma_semaphore, #tpu.memory_space<semaphore_mem>>)
      %dma_start3A_355 = tpu.memref_slice %arg7[%add3A_352] : memref<4294967xf32, #tpu.memory_space<hbm>> -> memref<4096xf32, #tpu.memory_space<hbm>>
      %dma_start3A_356 = tpu.memref_slice %arg7[%add3A_352] : memref<4294967xf32, #tpu.memory_space<hbm>> -> memref<4096xf32, #tpu.memory_space<hbm>>
      tpu.enqueue_dma source(%dma_start3A_356 : memref<4096xf32, #tpu.memory_space<hbm>>) target(%arg17 : memref<4096xf32, #tpu.memory_space<vmem>>) target_semaphore(%arg32 : memref<!tpu.dma_semaphore, #tpu.memory_space<semaphore_mem>>)
      %dma_start3A_357 = tpu.memref_slice %arg8[%add3A_352] : memref<4294967xi32, #tpu.memory_space<hbm>> -> memref<4096xi32, #tpu.memory_space<hbm>>
      %dma_start3A_358 = tpu.memref_slice %arg8[%add3A_352] : memref<4294967xi32, #tpu.memory_space<hbm>> -> memref<4096xi32, #tpu.memory_space<hbm>>
      tpu.enqueue_dma source(%dma_start3A_358 : memref<4096xi32, #tpu.memory_space<hbm>>) target(%arg21 : memref<4096xi32, #tpu.memory_space<vmem>>) target_semaphore(%arg32 : memref<!tpu.dma_semaphore, #tpu.memory_space<semaphore_mem>>)
      %parallel_loop3A_359 = arith.constant 0 : i32
      %parallel_loop3A_360 = arith.constant 256 : i32
      %parallel_loop3A_361 = arith.constant 1 : i32
      scf.for %parallel_loop3A_799 = %parallel_loop3A_359 to %parallel_loop3A_360 step %parallel_loop3A_361  : i32 {
        %parallel_loop3A_800 = arith.constant 16 : i32
        %parallel_loop3A_801 = arith.muli %parallel_loop3A_799, %parallel_loop3A_800 : i32
        %parallel_loop3A_802 = arith.index_cast %parallel_loop3A_801 : i32 to index
        %parallel_loop3A_803 = tpu.vector_load %arg16[%parallel_loop3A_802] {strides = array<i32>} : memref<4096xi32, #tpu.memory_space<vmem>>, vector<16xi32>,
        %parallel_loop3A_804 = tpu.vector_load_idx %arg14[%parallel_loop3A_803] : memref<65536xf32, #tpu.memory_space<vmem>>[vector<16xi32>], vector<16xf32>,
        %parallel_loop3A_805 = arith.constant 16 : i32
        %parallel_loop3A_806 = arith.muli %parallel_loop3A_799, %parallel_loop3A_805 : i32
        %parallel_loop3A_807 = arith.index_cast %parallel_loop3A_806 : i32 to index
        %parallel_loop3A_808 = tpu.vector_load %arg18[%parallel_loop3A_807] {strides = array<i32>} : memref<4096xf32, #tpu.memory_space<vmem>>, vector<16xf32>,
        %parallel_loop3A_809 = arith.mulf %parallel_loop3A_804, %parallel_loop3A_808 : vector<16xf32>
        %parallel_loop3A_810 = arith.constant 16 : i32
        %parallel_loop3A_811 = arith.muli %parallel_loop3A_799, %parallel_loop3A_810 : i32
        %parallel_loop3A_812 = arith.index_cast %parallel_loop3A_811 : i32 to index
        %parallel_loop3A_813 = tpu.vector_load %arg20[%parallel_loop3A_812] {strides = array<i32>} : memref<4096xf32, #tpu.memory_space<vmem>>, vector<16xf32>,
        tpu.vector_store %arg20[%parallel_loop3A_812], %parallel_loop3A_809 {strides = array<i32>} : memref<4096xf32, #tpu.memory_space<vmem>>, vector<16xf32>,
      } {sc.loop_unroll_factor = 8 : i64, sc.parallel_access}
      %dma_start3A_362 = arith.constant 0 : i32
      %dma_start3A_363 = tpu.memref_slice %arg31[%dma_start3A_362] : memref<65536xf32, #tpu.memory_space<vmem_shared>> -> memref<65536xf32, #tpu.memory_space<vmem_shared>>
      tpu.enqueue_indirect_dma source(%arg20 : memref<4096xf32, #tpu.memory_space<vmem>>) target(%dma_start3A_363 : memref<65536xf32, #tpu.memory_space<vmem_shared>>) offsets(%arg22 : memref<4096xi32, #tpu.memory_space<vmem>>) semaphore(%arg35 : memref<!tpu.dma_semaphore, #tpu.memory_space<semaphore_mem>>) {add = true}
      %add3A_364 = arith.constant 57344 : i32
      %add3A_365 = arith.addi %mul3A_36, %add3A_364 : i32
      %dma_wait3A_366 = tpu.memref_slice %arg6[%add3A_365] : memref<4294967xi32, #tpu.memory_space<hbm>> -> memref<4096xi32, #tpu.memory_space<hbm>>
      %dma_wait3A_367 = tpu.memref_slice %arg6[%add3A_365] : memref<4294967xi32, #tpu.memory_space<hbm>> -> memref<4096xi32, #tpu.memory_space<hbm>>
      tpu.wait_dma2 semaphore(%arg32 : memref<!tpu.dma_semaphore, #tpu.memory_space<semaphore_mem>>) src(%dma_wait3A_367 : memref<4096xi32, #tpu.memory_space<hbm>>) dst(%arg15 : memref<4096xi32, #tpu.memory_space<vmem>>)
      %dma_wait3A_368 = tpu.memref_slice %arg7[%add3A_365] : memref<4294967xf32, #tpu.memory_space<hbm>> -> memref<4096xf32, #tpu.memory_space<hbm>>
      %dma_wait3A_369 = tpu.memref_slice %arg7[%add3A_365] : memref<4294967xf32, #tpu.memory_space<hbm>> -> memref<4096xf32, #tpu.memory_space<hbm>>
      tpu.wait_dma2 semaphore(%arg32 : memref<!tpu.dma_semaphore, #tpu.memory_space<semaphore_mem>>) src(%dma_wait3A_369 : memref<4096xf32, #tpu.memory_space<hbm>>) dst(%arg17 : memref<4096xf32, #tpu.memory_space<vmem>>)
      %dma_wait3A_370 = tpu.memref_slice %arg8[%add3A_365] : memref<4294967xi32, #tpu.memory_space<hbm>> -> memref<4096xi32, #tpu.memory_space<hbm>>
      %dma_wait3A_371 = tpu.memref_slice %arg8[%add3A_365] : memref<4294967xi32, #tpu.memory_space<hbm>> -> memref<4096xi32, #tpu.memory_space<hbm>>
      tpu.wait_dma2 semaphore(%arg32 : memref<!tpu.dma_semaphore, #tpu.memory_space<semaphore_mem>>) src(%dma_wait3A_371 : memref<4096xi32, #tpu.memory_space<hbm>>) dst(%arg21 : memref<4096xi32, #tpu.memory_space<vmem>>)
      %dma_wait3A_372 = arith.constant 0 : i32
      %dma_wait3A_373 = tpu.memref_slice %arg31[%dma_wait3A_372] : memref<65536xf32, #tpu.memory_space<vmem_shared>> -> memref<65536xf32, #tpu.memory_space<vmem_shared>>
      tpu.wait_indirect_dma semaphore(%arg35 : memref<!tpu.dma_semaphore, #tpu.memory_space<semaphore_mem>>) src(%arg20 : memref<4096xf32, #tpu.memory_space<vmem>>) dst(%dma_wait3A_373 : memref<65536xf32, #tpu.memory_space<vmem_shared>>)
      %add3A_374 = arith.constant 61440 : i32
      %add3A_375 = arith.addi %mul3A_36, %add3A_374 : i32
      %dma_start3A_376 = tpu.memref_slice %arg6[%add3A_375] : memref<4294967xi32, #tpu.memory_space<hbm>> -> memref<4096xi32, #tpu.memory_space<hbm>>
      %dma_start3A_377 = tpu.memref_slice %arg6[%add3A_375] : memref<4294967xi32, #tpu.memory_space<hbm>> -> memref<4096xi32, #tpu.memory_space<hbm>>
      tpu.enqueue_dma source(%dma_start3A_377 : memref<4096xi32, #tpu.memory_space<hbm>>) target(%arg16 : memref<4096xi32, #tpu.memory_space<vmem>>) target_semaphore(%arg33 : memref<!tpu.dma_semaphore, #tpu.memory_space<semaphore_mem>>)
      %dma_start3A_378 = tpu.memref_slice %arg7[%add3A_375] : memref<4294967xf32, #tpu.memory_space<hbm>> -> memref<4096xf32, #tpu.memory_space<hbm>>
      %dma_start3A_379 = tpu.memref_slice %arg7[%add3A_375] : memref<4294967xf32, #tpu.memory_space<hbm>> -> memref<4096xf32, #tpu.memory_space<hbm>>
      tpu.enqueue_dma source(%dma_start3A_379 : memref<4096xf32, #tpu.memory_space<hbm>>) target(%arg18 : memref<4096xf32, #tpu.memory_space<vmem>>) target_semaphore(%arg33 : memref<!tpu.dma_semaphore, #tpu.memory_space<semaphore_mem>>)
      %dma_start3A_380 = tpu.memref_slice %arg8[%add3A_375] : memref<4294967xi32, #tpu.memory_space<hbm>> -> memref<4096xi32, #tpu.memory_space<hbm>>
      %dma_start3A_381 = tpu.memref_slice %arg8[%add3A_375] : memref<4294967xi32, #tpu.memory_space<hbm>> -> memref<4096xi32, #tpu.memory_space<hbm>>
      tpu.enqueue_dma source(%dma_start3A_381 : memref<4096xi32, #tpu.memory_space<hbm>>) target(%arg22 : memref<4096xi32, #tpu.memory_space<vmem>>) target_semaphore(%arg33 : memref<!tpu.dma_semaphore, #tpu.memory_space<semaphore_mem>>)
      %parallel_loop3A_382 = arith.constant 0 : i32
      %parallel_loop3A_383 = arith.constant 256 : i32
      %parallel_loop3A_384 = arith.constant 1 : i32
      scf.for %parallel_loop3A_799 = %parallel_loop3A_382 to %parallel_loop3A_383 step %parallel_loop3A_384  : i32 {
        %parallel_loop3A_800 = arith.constant 16 : i32
        %parallel_loop3A_801 = arith.muli %parallel_loop3A_799, %parallel_loop3A_800 : i32
        %parallel_loop3A_802 = arith.index_cast %parallel_loop3A_801 : i32 to index
        %parallel_loop3A_803 = tpu.vector_load %arg15[%parallel_loop3A_802] {strides = array<i32>} : memref<4096xi32, #tpu.memory_space<vmem>>, vector<16xi32>,
        %parallel_loop3A_804 = tpu.vector_load_idx %arg14[%parallel_loop3A_803] : memref<65536xf32, #tpu.memory_space<vmem>>[vector<16xi32>], vector<16xf32>,
        %parallel_loop3A_805 = arith.constant 16 : i32
        %parallel_loop3A_806 = arith.muli %parallel_loop3A_799, %parallel_loop3A_805 : i32
        %parallel_loop3A_807 = arith.index_cast %parallel_loop3A_806 : i32 to index
        %parallel_loop3A_808 = tpu.vector_load %arg17[%parallel_loop3A_807] {strides = array<i32>} : memref<4096xf32, #tpu.memory_space<vmem>>, vector<16xf32>,
        %parallel_loop3A_809 = arith.mulf %parallel_loop3A_804, %parallel_loop3A_808 : vector<16xf32>
        %parallel_loop3A_810 = arith.constant 16 : i32
        %parallel_loop3A_811 = arith.muli %parallel_loop3A_799, %parallel_loop3A_810 : i32
        %parallel_loop3A_812 = arith.index_cast %parallel_loop3A_811 : i32 to index
        %parallel_loop3A_813 = tpu.vector_load %arg19[%parallel_loop3A_812] {strides = array<i32>} : memref<4096xf32, #tpu.memory_space<vmem>>, vector<16xf32>,
        tpu.vector_store %arg19[%parallel_loop3A_812], %parallel_loop3A_809 {strides = array<i32>} : memref<4096xf32, #tpu.memory_space<vmem>>, vector<16xf32>,
      } {sc.loop_unroll_factor = 8 : i64, sc.parallel_access}
      %dma_start3A_385 = arith.constant 0 : i32
      %dma_start3A_386 = tpu.memref_slice %arg31[%dma_start3A_385] : memref<65536xf32, #tpu.memory_space<vmem_shared>> -> memref<65536xf32, #tpu.memory_space<vmem_shared>>
      tpu.enqueue_indirect_dma source(%arg19 : memref<4096xf32, #tpu.memory_space<vmem>>) target(%dma_start3A_386 : memref<65536xf32, #tpu.memory_space<vmem_shared>>) offsets(%arg21 : memref<4096xi32, #tpu.memory_space<vmem>>) semaphore(%arg34 : memref<!tpu.dma_semaphore, #tpu.memory_space<semaphore_mem>>) {add = true}
      %add3A_387 = arith.constant 61440 : i32
      %add3A_388 = arith.addi %mul3A_36, %add3A_387 : i32
      %dma_wait3A_389 = tpu.memref_slice %arg6[%add3A_388] : memref<4294967xi32, #tpu.memory_space<hbm>> -> memref<4096xi32, #tpu.memory_space<hbm>>
      %dma_wait3A_390 = tpu.memref_slice %arg6[%add3A_388] : memref<4294967xi32, #tpu.memory_space<hbm>> -> memref<4096xi32, #tpu.memory_space<hbm>>
      tpu.wait_dma2 semaphore(%arg33 : memref<!tpu.dma_semaphore, #tpu.memory_space<semaphore_mem>>) src(%dma_wait3A_390 : memref<4096xi32, #tpu.memory_space<hbm>>) dst(%arg16 : memref<4096xi32, #tpu.memory_space<vmem>>)
      %dma_wait3A_391 = tpu.memref_slice %arg7[%add3A_388] : memref<4294967xf32, #tpu.memory_space<hbm>> -> memref<4096xf32, #tpu.memory_space<hbm>>
      %dma_wait3A_392 = tpu.memref_slice %arg7[%add3A_388] : memref<4294967xf32, #tpu.memory_space<hbm>> -> memref<4096xf32, #tpu.memory_space<hbm>>
      tpu.wait_dma2 semaphore(%arg33 : memref<!tpu.dma_semaphore, #tpu.memory_space<semaphore_mem>>) src(%dma_wait3A_392 : memref<4096xf32, #tpu.memory_space<hbm>>) dst(%arg18 : memref<4096xf32, #tpu.memory_space<vmem>>)
      %dma_wait3A_393 = tpu.memref_slice %arg8[%add3A_388] : memref<4294967xi32, #tpu.memory_space<hbm>> -> memref<4096xi32, #tpu.memory_space<hbm>>
      %dma_wait3A_394 = tpu.memref_slice %arg8[%add3A_388] : memref<4294967xi32, #tpu.memory_space<hbm>> -> memref<4096xi32, #tpu.memory_space<hbm>>
      tpu.wait_dma2 semaphore(%arg33 : memref<!tpu.dma_semaphore, #tpu.memory_space<semaphore_mem>>) src(%dma_wait3A_394 : memref<4096xi32, #tpu.memory_space<hbm>>) dst(%arg22 : memref<4096xi32, #tpu.memory_space<vmem>>)
      %dma_wait3A_395 = arith.constant 0 : i32
      %dma_wait3A_396 = tpu.memref_slice %arg31[%dma_wait3A_395] : memref<65536xf32, #tpu.memory_space<vmem_shared>> -> memref<65536xf32, #tpu.memory_space<vmem_shared>>
      tpu.wait_indirect_dma semaphore(%arg34 : memref<!tpu.dma_semaphore, #tpu.memory_space<semaphore_mem>>) src(%arg19 : memref<4096xf32, #tpu.memory_space<vmem>>) dst(%dma_wait3A_396 : memref<65536xf32, #tpu.memory_space<vmem_shared>>)
      %add3A_397 = arith.constant 65536 : i32
      %add3A_398 = arith.addi %mul3A_36, %add3A_397 : i32
      %dma_start3A_399 = tpu.memref_slice %arg6[%add3A_398] : memref<4294967xi32, #tpu.memory_space<hbm>> -> memref<4096xi32, #tpu.memory_space<hbm>>
      %dma_start3A_400 = tpu.memref_slice %arg6[%add3A_398] : memref<4294967xi32, #tpu.memory_space<hbm>> -> memref<4096xi32, #tpu.memory_space<hbm>>
      tpu.enqueue_dma source(%dma_start3A_400 : memref<4096xi32, #tpu.memory_space<hbm>>) target(%arg15 : memref<4096xi32, #tpu.memory_space<vmem>>) target_semaphore(%arg32 : memref<!tpu.dma_semaphore, #tpu.memory_space<semaphore_mem>>)
      %dma_start3A_401 = tpu.memref_slice %arg7[%add3A_398] : memref<4294967xf32, #tpu.memory_space<hbm>> -> memref<4096xf32, #tpu.memory_space<hbm>>
      %dma_start3A_402 = tpu.memref_slice %arg7[%add3A_398] : memref<4294967xf32, #tpu.memory_space<hbm>> -> memref<4096xf32, #tpu.memory_space<hbm>>
      tpu.enqueue_dma source(%dma_start3A_402 : memref<4096xf32, #tpu.memory_space<hbm>>) target(%arg17 : memref<4096xf32, #tpu.memory_space<vmem>>) target_semaphore(%arg32 : memref<!tpu.dma_semaphore, #tpu.memory_space<semaphore_mem>>)
      %dma_start3A_403 = tpu.memref_slice %arg8[%add3A_398] : memref<4294967xi32, #tpu.memory_space<hbm>> -> memref<4096xi32, #tpu.memory_space<hbm>>
      %dma_start3A_404 = tpu.memref_slice %arg8[%add3A_398] : memref<4294967xi32, #tpu.memory_space<hbm>> -> memref<4096xi32, #tpu.memory_space<hbm>>
      tpu.enqueue_dma source(%dma_start3A_404 : memref<4096xi32, #tpu.memory_space<hbm>>) target(%arg21 : memref<4096xi32, #tpu.memory_space<vmem>>) target_semaphore(%arg32 : memref<!tpu.dma_semaphore, #tpu.memory_space<semaphore_mem>>)
      %parallel_loop3A_405 = arith.constant 0 : i32
      %parallel_loop3A_406 = arith.constant 256 : i32
      %parallel_loop3A_407 = arith.constant 1 : i32
      scf.for %parallel_loop3A_799 = %parallel_loop3A_405 to %parallel_loop3A_406 step %parallel_loop3A_407  : i32 {
        %parallel_loop3A_800 = arith.constant 16 : i32
        %parallel_loop3A_801 = arith.muli %parallel_loop3A_799, %parallel_loop3A_800 : i32
        %parallel_loop3A_802 = arith.index_cast %parallel_loop3A_801 : i32 to index
        %parallel_loop3A_803 = tpu.vector_load %arg16[%parallel_loop3A_802] {strides = array<i32>} : memref<4096xi32, #tpu.memory_space<vmem>>, vector<16xi32>,
        %parallel_loop3A_804 = tpu.vector_load_idx %arg14[%parallel_loop3A_803] : memref<65536xf32, #tpu.memory_space<vmem>>[vector<16xi32>], vector<16xf32>,
        %parallel_loop3A_805 = arith.constant 16 : i32
        %parallel_loop3A_806 = arith.muli %parallel_loop3A_799, %parallel_loop3A_805 : i32
        %parallel_loop3A_807 = arith.index_cast %parallel_loop3A_806 : i32 to index
        %parallel_loop3A_808 = tpu.vector_load %arg18[%parallel_loop3A_807] {strides = array<i32>} : memref<4096xf32, #tpu.memory_space<vmem>>, vector<16xf32>,
        %parallel_loop3A_809 = arith.mulf %parallel_loop3A_804, %parallel_loop3A_808 : vector<16xf32>
        %parallel_loop3A_810 = arith.constant 16 : i32
        %parallel_loop3A_811 = arith.muli %parallel_loop3A_799, %parallel_loop3A_810 : i32
        %parallel_loop3A_812 = arith.index_cast %parallel_loop3A_811 : i32 to index
        %parallel_loop3A_813 = tpu.vector_load %arg20[%parallel_loop3A_812] {strides = array<i32>} : memref<4096xf32, #tpu.memory_space<vmem>>, vector<16xf32>,
        tpu.vector_store %arg20[%parallel_loop3A_812], %parallel_loop3A_809 {strides = array<i32>} : memref<4096xf32, #tpu.memory_space<vmem>>, vector<16xf32>,
      } {sc.loop_unroll_factor = 8 : i64, sc.parallel_access}
      %dma_start3A_408 = arith.constant 0 : i32
      %dma_start3A_409 = tpu.memref_slice %arg31[%dma_start3A_408] : memref<65536xf32, #tpu.memory_space<vmem_shared>> -> memref<65536xf32, #tpu.memory_space<vmem_shared>>
      tpu.enqueue_indirect_dma source(%arg20 : memref<4096xf32, #tpu.memory_space<vmem>>) target(%dma_start3A_409 : memref<65536xf32, #tpu.memory_space<vmem_shared>>) offsets(%arg22 : memref<4096xi32, #tpu.memory_space<vmem>>) semaphore(%arg35 : memref<!tpu.dma_semaphore, #tpu.memory_space<semaphore_mem>>) {add = true}
      %add3A_410 = arith.constant 65536 : i32
      %add3A_411 = arith.addi %mul3A_36, %add3A_410 : i32
      %dma_wait3A_412 = tpu.memref_slice %arg6[%add3A_411] : memref<4294967xi32, #tpu.memory_space<hbm>> -> memref<4096xi32, #tpu.memory_space<hbm>>
      %dma_wait3A_413 = tpu.memref_slice %arg6[%add3A_411] : memref<4294967xi32, #tpu.memory_space<hbm>> -> memref<4096xi32, #tpu.memory_space<hbm>>
      tpu.wait_dma2 semaphore(%arg32 : memref<!tpu.dma_semaphore, #tpu.memory_space<semaphore_mem>>) src(%dma_wait3A_413 : memref<4096xi32, #tpu.memory_space<hbm>>) dst(%arg15 : memref<4096xi32, #tpu.memory_space<vmem>>)
      %dma_wait3A_414 = tpu.memref_slice %arg7[%add3A_411] : memref<4294967xf32, #tpu.memory_space<hbm>> -> memref<4096xf32, #tpu.memory_space<hbm>>
      %dma_wait3A_415 = tpu.memref_slice %arg7[%add3A_411] : memref<4294967xf32, #tpu.memory_space<hbm>> -> memref<4096xf32, #tpu.memory_space<hbm>>
      tpu.wait_dma2 semaphore(%arg32 : memref<!tpu.dma_semaphore, #tpu.memory_space<semaphore_mem>>) src(%dma_wait3A_415 : memref<4096xf32, #tpu.memory_space<hbm>>) dst(%arg17 : memref<4096xf32, #tpu.memory_space<vmem>>)
      %dma_wait3A_416 = tpu.memref_slice %arg8[%add3A_411] : memref<4294967xi32, #tpu.memory_space<hbm>> -> memref<4096xi32, #tpu.memory_space<hbm>>
      %dma_wait3A_417 = tpu.memref_slice %arg8[%add3A_411] : memref<4294967xi32, #tpu.memory_space<hbm>> -> memref<4096xi32, #tpu.memory_space<hbm>>
      tpu.wait_dma2 semaphore(%arg32 : memref<!tpu.dma_semaphore, #tpu.memory_space<semaphore_mem>>) src(%dma_wait3A_417 : memref<4096xi32, #tpu.memory_space<hbm>>) dst(%arg21 : memref<4096xi32, #tpu.memory_space<vmem>>)
      %dma_wait3A_418 = arith.constant 0 : i32
      %dma_wait3A_419 = tpu.memref_slice %arg31[%dma_wait3A_418] : memref<65536xf32, #tpu.memory_space<vmem_shared>> -> memref<65536xf32, #tpu.memory_space<vmem_shared>>
      tpu.wait_indirect_dma semaphore(%arg35 : memref<!tpu.dma_semaphore, #tpu.memory_space<semaphore_mem>>) src(%arg20 : memref<4096xf32, #tpu.memory_space<vmem>>) dst(%dma_wait3A_419 : memref<65536xf32, #tpu.memory_space<vmem_shared>>)
      %add3A_420 = arith.constant 69632 : i32
      %add3A_421 = arith.addi %mul3A_36, %add3A_420 : i32
      %dma_start3A_422 = tpu.memref_slice %arg6[%add3A_421] : memref<4294967xi32, #tpu.memory_space<hbm>> -> memref<4096xi32, #tpu.memory_space<hbm>>
      %dma_start3A_423 = tpu.memref_slice %arg6[%add3A_421] : memref<4294967xi32, #tpu.memory_space<hbm>> -> memref<4096xi32, #tpu.memory_space<hbm>>
      tpu.enqueue_dma source(%dma_start3A_423 : memref<4096xi32, #tpu.memory_space<hbm>>) target(%arg16 : memref<4096xi32, #tpu.memory_space<vmem>>) target_semaphore(%arg33 : memref<!tpu.dma_semaphore, #tpu.memory_space<semaphore_mem>>)
      %dma_start3A_424 = tpu.memref_slice %arg7[%add3A_421] : memref<4294967xf32, #tpu.memory_space<hbm>> -> memref<4096xf32, #tpu.memory_space<hbm>>
      %dma_start3A_425 = tpu.memref_slice %arg7[%add3A_421] : memref<4294967xf32, #tpu.memory_space<hbm>> -> memref<4096xf32, #tpu.memory_space<hbm>>
      tpu.enqueue_dma source(%dma_start3A_425 : memref<4096xf32, #tpu.memory_space<hbm>>) target(%arg18 : memref<4096xf32, #tpu.memory_space<vmem>>) target_semaphore(%arg33 : memref<!tpu.dma_semaphore, #tpu.memory_space<semaphore_mem>>)
      %dma_start3A_426 = tpu.memref_slice %arg8[%add3A_421] : memref<4294967xi32, #tpu.memory_space<hbm>> -> memref<4096xi32, #tpu.memory_space<hbm>>
      %dma_start3A_427 = tpu.memref_slice %arg8[%add3A_421] : memref<4294967xi32, #tpu.memory_space<hbm>> -> memref<4096xi32, #tpu.memory_space<hbm>>
      tpu.enqueue_dma source(%dma_start3A_427 : memref<4096xi32, #tpu.memory_space<hbm>>) target(%arg22 : memref<4096xi32, #tpu.memory_space<vmem>>) target_semaphore(%arg33 : memref<!tpu.dma_semaphore, #tpu.memory_space<semaphore_mem>>)
      %parallel_loop3A_428 = arith.constant 0 : i32
      %parallel_loop3A_429 = arith.constant 256 : i32
      %parallel_loop3A_430 = arith.constant 1 : i32
      scf.for %parallel_loop3A_799 = %parallel_loop3A_428 to %parallel_loop3A_429 step %parallel_loop3A_430  : i32 {
        %parallel_loop3A_800 = arith.constant 16 : i32
        %parallel_loop3A_801 = arith.muli %parallel_loop3A_799, %parallel_loop3A_800 : i32
        %parallel_loop3A_802 = arith.index_cast %parallel_loop3A_801 : i32 to index
        %parallel_loop3A_803 = tpu.vector_load %arg15[%parallel_loop3A_802] {strides = array<i32>} : memref<4096xi32, #tpu.memory_space<vmem>>, vector<16xi32>,
        %parallel_loop3A_804 = tpu.vector_load_idx %arg14[%parallel_loop3A_803] : memref<65536xf32, #tpu.memory_space<vmem>>[vector<16xi32>], vector<16xf32>,
        %parallel_loop3A_805 = arith.constant 16 : i32
        %parallel_loop3A_806 = arith.muli %parallel_loop3A_799, %parallel_loop3A_805 : i32
        %parallel_loop3A_807 = arith.index_cast %parallel_loop3A_806 : i32 to index
        %parallel_loop3A_808 = tpu.vector_load %arg17[%parallel_loop3A_807] {strides = array<i32>} : memref<4096xf32, #tpu.memory_space<vmem>>, vector<16xf32>,
        %parallel_loop3A_809 = arith.mulf %parallel_loop3A_804, %parallel_loop3A_808 : vector<16xf32>
        %parallel_loop3A_810 = arith.constant 16 : i32
        %parallel_loop3A_811 = arith.muli %parallel_loop3A_799, %parallel_loop3A_810 : i32
        %parallel_loop3A_812 = arith.index_cast %parallel_loop3A_811 : i32 to index
        %parallel_loop3A_813 = tpu.vector_load %arg19[%parallel_loop3A_812] {strides = array<i32>} : memref<4096xf32, #tpu.memory_space<vmem>>, vector<16xf32>,
        tpu.vector_store %arg19[%parallel_loop3A_812], %parallel_loop3A_809 {strides = array<i32>} : memref<4096xf32, #tpu.memory_space<vmem>>, vector<16xf32>,
      } {sc.loop_unroll_factor = 8 : i64, sc.parallel_access}
      %dma_start3A_431 = arith.constant 0 : i32
      %dma_start3A_432 = tpu.memref_slice %arg31[%dma_start3A_431] : memref<65536xf32, #tpu.memory_space<vmem_shared>> -> memref<65536xf32, #tpu.memory_space<vmem_shared>>
      tpu.enqueue_indirect_dma source(%arg19 : memref<4096xf32, #tpu.memory_space<vmem>>) target(%dma_start3A_432 : memref<65536xf32, #tpu.memory_space<vmem_shared>>) offsets(%arg21 : memref<4096xi32, #tpu.memory_space<vmem>>) semaphore(%arg34 : memref<!tpu.dma_semaphore, #tpu.memory_space<semaphore_mem>>) {add = true}
      %add3A_433 = arith.constant 69632 : i32
      %add3A_434 = arith.addi %mul3A_36, %add3A_433 : i32
      %dma_wait3A_435 = tpu.memref_slice %arg6[%add3A_434] : memref<4294967xi32, #tpu.memory_space<hbm>> -> memref<4096xi32, #tpu.memory_space<hbm>>
      %dma_wait3A_436 = tpu.memref_slice %arg6[%add3A_434] : memref<4294967xi32, #tpu.memory_space<hbm>> -> memref<4096xi32, #tpu.memory_space<hbm>>
      tpu.wait_dma2 semaphore(%arg33 : memref<!tpu.dma_semaphore, #tpu.memory_space<semaphore_mem>>) src(%dma_wait3A_436 : memref<4096xi32, #tpu.memory_space<hbm>>) dst(%arg16 : memref<4096xi32, #tpu.memory_space<vmem>>)
      %dma_wait3A_437 = tpu.memref_slice %arg7[%add3A_434] : memref<4294967xf32, #tpu.memory_space<hbm>> -> memref<4096xf32, #tpu.memory_space<hbm>>
      %dma_wait3A_438 = tpu.memref_slice %arg7[%add3A_434] : memref<4294967xf32, #tpu.memory_space<hbm>> -> memref<4096xf32, #tpu.memory_space<hbm>>
      tpu.wait_dma2 semaphore(%arg33 : memref<!tpu.dma_semaphore, #tpu.memory_space<semaphore_mem>>) src(%dma_wait3A_438 : memref<4096xf32, #tpu.memory_space<hbm>>) dst(%arg18 : memref<4096xf32, #tpu.memory_space<vmem>>)
      %dma_wait3A_439 = tpu.memref_slice %arg8[%add3A_434] : memref<4294967xi32, #tpu.memory_space<hbm>> -> memref<4096xi32, #tpu.memory_space<hbm>>
      %dma_wait3A_440 = tpu.memref_slice %arg8[%add3A_434] : memref<4294967xi32, #tpu.memory_space<hbm>> -> memref<4096xi32, #tpu.memory_space<hbm>>
      tpu.wait_dma2 semaphore(%arg33 : memref<!tpu.dma_semaphore, #tpu.memory_space<semaphore_mem>>) src(%dma_wait3A_440 : memref<4096xi32, #tpu.memory_space<hbm>>) dst(%arg22 : memref<4096xi32, #tpu.memory_space<vmem>>)
      %dma_wait3A_441 = arith.constant 0 : i32
      %dma_wait3A_442 = tpu.memref_slice %arg31[%dma_wait3A_441] : memref<65536xf32, #tpu.memory_space<vmem_shared>> -> memref<65536xf32, #tpu.memory_space<vmem_shared>>
      tpu.wait_indirect_dma semaphore(%arg34 : memref<!tpu.dma_semaphore, #tpu.memory_space<semaphore_mem>>) src(%arg19 : memref<4096xf32, #tpu.memory_space<vmem>>) dst(%dma_wait3A_442 : memref<65536xf32, #tpu.memory_space<vmem_shared>>)
      %add3A_443 = arith.constant 73728 : i32
      %add3A_444 = arith.addi %mul3A_36, %add3A_443 : i32
      %dma_start3A_445 = tpu.memref_slice %arg6[%add3A_444] : memref<4294967xi32, #tpu.memory_space<hbm>> -> memref<4096xi32, #tpu.memory_space<hbm>>
      %dma_start3A_446 = tpu.memref_slice %arg6[%add3A_444] : memref<4294967xi32, #tpu.memory_space<hbm>> -> memref<4096xi32, #tpu.memory_space<hbm>>
      tpu.enqueue_dma source(%dma_start3A_446 : memref<4096xi32, #tpu.memory_space<hbm>>) target(%arg15 : memref<4096xi32, #tpu.memory_space<vmem>>) target_semaphore(%arg32 : memref<!tpu.dma_semaphore, #tpu.memory_space<semaphore_mem>>)
      %dma_start3A_447 = tpu.memref_slice %arg7[%add3A_444] : memref<4294967xf32, #tpu.memory_space<hbm>> -> memref<4096xf32, #tpu.memory_space<hbm>>
      %dma_start3A_448 = tpu.memref_slice %arg7[%add3A_444] : memref<4294967xf32, #tpu.memory_space<hbm>> -> memref<4096xf32, #tpu.memory_space<hbm>>
      tpu.enqueue_dma source(%dma_start3A_448 : memref<4096xf32, #tpu.memory_space<hbm>>) target(%arg17 : memref<4096xf32, #tpu.memory_space<vmem>>) target_semaphore(%arg32 : memref<!tpu.dma_semaphore, #tpu.memory_space<semaphore_mem>>)
      %dma_start3A_449 = tpu.memref_slice %arg8[%add3A_444] : memref<4294967xi32, #tpu.memory_space<hbm>> -> memref<4096xi32, #tpu.memory_space<hbm>>
      %dma_start3A_450 = tpu.memref_slice %arg8[%add3A_444] : memref<4294967xi32, #tpu.memory_space<hbm>> -> memref<4096xi32, #tpu.memory_space<hbm>>
      tpu.enqueue_dma source(%dma_start3A_450 : memref<4096xi32, #tpu.memory_space<hbm>>) target(%arg21 : memref<4096xi32, #tpu.memory_space<vmem>>) target_semaphore(%arg32 : memref<!tpu.dma_semaphore, #tpu.memory_space<semaphore_mem>>)
      %parallel_loop3A_451 = arith.constant 0 : i32
      %parallel_loop3A_452 = arith.constant 256 : i32
      %parallel_loop3A_453 = arith.constant 1 : i32
      scf.for %parallel_loop3A_799 = %parallel_loop3A_451 to %parallel_loop3A_452 step %parallel_loop3A_453  : i32 {
        %parallel_loop3A_800 = arith.constant 16 : i32
        %parallel_loop3A_801 = arith.muli %parallel_loop3A_799, %parallel_loop3A_800 : i32
        %parallel_loop3A_802 = arith.index_cast %parallel_loop3A_801 : i32 to index
        %parallel_loop3A_803 = tpu.vector_load %arg16[%parallel_loop3A_802] {strides = array<i32>} : memref<4096xi32, #tpu.memory_space<vmem>>, vector<16xi32>,
        %parallel_loop3A_804 = tpu.vector_load_idx %arg14[%parallel_loop3A_803] : memref<65536xf32, #tpu.memory_space<vmem>>[vector<16xi32>], vector<16xf32>,
        %parallel_loop3A_805 = arith.constant 16 : i32
        %parallel_loop3A_806 = arith.muli %parallel_loop3A_799, %parallel_loop3A_805 : i32
        %parallel_loop3A_807 = arith.index_cast %parallel_loop3A_806 : i32 to index
        %parallel_loop3A_808 = tpu.vector_load %arg18[%parallel_loop3A_807] {strides = array<i32>} : memref<4096xf32, #tpu.memory_space<vmem>>, vector<16xf32>,
        %parallel_loop3A_809 = arith.mulf %parallel_loop3A_804, %parallel_loop3A_808 : vector<16xf32>
        %parallel_loop3A_810 = arith.constant 16 : i32
        %parallel_loop3A_811 = arith.muli %parallel_loop3A_799, %parallel_loop3A_810 : i32
        %parallel_loop3A_812 = arith.index_cast %parallel_loop3A_811 : i32 to index
        %parallel_loop3A_813 = tpu.vector_load %arg20[%parallel_loop3A_812] {strides = array<i32>} : memref<4096xf32, #tpu.memory_space<vmem>>, vector<16xf32>,
        tpu.vector_store %arg20[%parallel_loop3A_812], %parallel_loop3A_809 {strides = array<i32>} : memref<4096xf32, #tpu.memory_space<vmem>>, vector<16xf32>,
      } {sc.loop_unroll_factor = 8 : i64, sc.parallel_access}
      %dma_start3A_454 = arith.constant 0 : i32
      %dma_start3A_455 = tpu.memref_slice %arg31[%dma_start3A_454] : memref<65536xf32, #tpu.memory_space<vmem_shared>> -> memref<65536xf32, #tpu.memory_space<vmem_shared>>
      tpu.enqueue_indirect_dma source(%arg20 : memref<4096xf32, #tpu.memory_space<vmem>>) target(%dma_start3A_455 : memref<65536xf32, #tpu.memory_space<vmem_shared>>) offsets(%arg22 : memref<4096xi32, #tpu.memory_space<vmem>>) semaphore(%arg35 : memref<!tpu.dma_semaphore, #tpu.memory_space<semaphore_mem>>) {add = true}
      %add3A_456 = arith.constant 73728 : i32
      %add3A_457 = arith.addi %mul3A_36, %add3A_456 : i32
      %dma_wait3A_458 = tpu.memref_slice %arg6[%add3A_457] : memref<4294967xi32, #tpu.memory_space<hbm>> -> memref<4096xi32, #tpu.memory_space<hbm>>
      %dma_wait3A_459 = tpu.memref_slice %arg6[%add3A_457] : memref<4294967xi32, #tpu.memory_space<hbm>> -> memref<4096xi32, #tpu.memory_space<hbm>>
      tpu.wait_dma2 semaphore(%arg32 : memref<!tpu.dma_semaphore, #tpu.memory_space<semaphore_mem>>) src(%dma_wait3A_459 : memref<4096xi32, #tpu.memory_space<hbm>>) dst(%arg15 : memref<4096xi32, #tpu.memory_space<vmem>>)
      %dma_wait3A_460 = tpu.memref_slice %arg7[%add3A_457] : memref<4294967xf32, #tpu.memory_space<hbm>> -> memref<4096xf32, #tpu.memory_space<hbm>>
      %dma_wait3A_461 = tpu.memref_slice %arg7[%add3A_457] : memref<4294967xf32, #tpu.memory_space<hbm>> -> memref<4096xf32, #tpu.memory_space<hbm>>
      tpu.wait_dma2 semaphore(%arg32 : memref<!tpu.dma_semaphore, #tpu.memory_space<semaphore_mem>>) src(%dma_wait3A_461 : memref<4096xf32, #tpu.memory_space<hbm>>) dst(%arg17 : memref<4096xf32, #tpu.memory_space<vmem>>)
      %dma_wait3A_462 = tpu.memref_slice %arg8[%add3A_457] : memref<4294967xi32, #tpu.memory_space<hbm>> -> memref<4096xi32, #tpu.memory_space<hbm>>
      %dma_wait3A_463 = tpu.memref_slice %arg8[%add3A_457] : memref<4294967xi32, #tpu.memory_space<hbm>> -> memref<4096xi32, #tpu.memory_space<hbm>>
      tpu.wait_dma2 semaphore(%arg32 : memref<!tpu.dma_semaphore, #tpu.memory_space<semaphore_mem>>) src(%dma_wait3A_463 : memref<4096xi32, #tpu.memory_space<hbm>>) dst(%arg21 : memref<4096xi32, #tpu.memory_space<vmem>>)
      %dma_wait3A_464 = arith.constant 0 : i32
      %dma_wait3A_465 = tpu.memref_slice %arg31[%dma_wait3A_464] : memref<65536xf32, #tpu.memory_space<vmem_shared>> -> memref<65536xf32, #tpu.memory_space<vmem_shared>>
      tpu.wait_indirect_dma semaphore(%arg35 : memref<!tpu.dma_semaphore, #tpu.memory_space<semaphore_mem>>) src(%arg20 : memref<4096xf32, #tpu.memory_space<vmem>>) dst(%dma_wait3A_465 : memref<65536xf32, #tpu.memory_space<vmem_shared>>)
      %add3A_466 = arith.constant 77824 : i32
      %add3A_467 = arith.addi %mul3A_36, %add3A_466 : i32
      %dma_start3A_468 = tpu.memref_slice %arg6[%add3A_467] : memref<4294967xi32, #tpu.memory_space<hbm>> -> memref<4096xi32, #tpu.memory_space<hbm>>
      %dma_start3A_469 = tpu.memref_slice %arg6[%add3A_467] : memref<4294967xi32, #tpu.memory_space<hbm>> -> memref<4096xi32, #tpu.memory_space<hbm>>
      tpu.enqueue_dma source(%dma_start3A_469 : memref<4096xi32, #tpu.memory_space<hbm>>) target(%arg16 : memref<4096xi32, #tpu.memory_space<vmem>>) target_semaphore(%arg33 : memref<!tpu.dma_semaphore, #tpu.memory_space<semaphore_mem>>)
      %dma_start3A_470 = tpu.memref_slice %arg7[%add3A_467] : memref<4294967xf32, #tpu.memory_space<hbm>> -> memref<4096xf32, #tpu.memory_space<hbm>>
      %dma_start3A_471 = tpu.memref_slice %arg7[%add3A_467] : memref<4294967xf32, #tpu.memory_space<hbm>> -> memref<4096xf32, #tpu.memory_space<hbm>>
      tpu.enqueue_dma source(%dma_start3A_471 : memref<4096xf32, #tpu.memory_space<hbm>>) target(%arg18 : memref<4096xf32, #tpu.memory_space<vmem>>) target_semaphore(%arg33 : memref<!tpu.dma_semaphore, #tpu.memory_space<semaphore_mem>>)
      %dma_start3A_472 = tpu.memref_slice %arg8[%add3A_467] : memref<4294967xi32, #tpu.memory_space<hbm>> -> memref<4096xi32, #tpu.memory_space<hbm>>
      %dma_start3A_473 = tpu.memref_slice %arg8[%add3A_467] : memref<4294967xi32, #tpu.memory_space<hbm>> -> memref<4096xi32, #tpu.memory_space<hbm>>
      tpu.enqueue_dma source(%dma_start3A_473 : memref<4096xi32, #tpu.memory_space<hbm>>) target(%arg22 : memref<4096xi32, #tpu.memory_space<vmem>>) target_semaphore(%arg33 : memref<!tpu.dma_semaphore, #tpu.memory_space<semaphore_mem>>)
      %parallel_loop3A_474 = arith.constant 0 : i32
      %parallel_loop3A_475 = arith.constant 256 : i32
      %parallel_loop3A_476 = arith.constant 1 : i32
      scf.for %parallel_loop3A_799 = %parallel_loop3A_474 to %parallel_loop3A_475 step %parallel_loop3A_476  : i32 {
        %parallel_loop3A_800 = arith.constant 16 : i32
        %parallel_loop3A_801 = arith.muli %parallel_loop3A_799, %parallel_loop3A_800 : i32
        %parallel_loop3A_802 = arith.index_cast %parallel_loop3A_801 : i32 to index
        %parallel_loop3A_803 = tpu.vector_load %arg15[%parallel_loop3A_802] {strides = array<i32>} : memref<4096xi32, #tpu.memory_space<vmem>>, vector<16xi32>,
        %parallel_loop3A_804 = tpu.vector_load_idx %arg14[%parallel_loop3A_803] : memref<65536xf32, #tpu.memory_space<vmem>>[vector<16xi32>], vector<16xf32>,
        %parallel_loop3A_805 = arith.constant 16 : i32
        %parallel_loop3A_806 = arith.muli %parallel_loop3A_799, %parallel_loop3A_805 : i32
        %parallel_loop3A_807 = arith.index_cast %parallel_loop3A_806 : i32 to index
        %parallel_loop3A_808 = tpu.vector_load %arg17[%parallel_loop3A_807] {strides = array<i32>} : memref<4096xf32, #tpu.memory_space<vmem>>, vector<16xf32>,
        %parallel_loop3A_809 = arith.mulf %parallel_loop3A_804, %parallel_loop3A_808 : vector<16xf32>
        %parallel_loop3A_810 = arith.constant 16 : i32
        %parallel_loop3A_811 = arith.muli %parallel_loop3A_799, %parallel_loop3A_810 : i32
        %parallel_loop3A_812 = arith.index_cast %parallel_loop3A_811 : i32 to index
        %parallel_loop3A_813 = tpu.vector_load %arg19[%parallel_loop3A_812] {strides = array<i32>} : memref<4096xf32, #tpu.memory_space<vmem>>, vector<16xf32>,
        tpu.vector_store %arg19[%parallel_loop3A_812], %parallel_loop3A_809 {strides = array<i32>} : memref<4096xf32, #tpu.memory_space<vmem>>, vector<16xf32>,
      } {sc.loop_unroll_factor = 8 : i64, sc.parallel_access}
      %dma_start3A_477 = arith.constant 0 : i32
      %dma_start3A_478 = tpu.memref_slice %arg31[%dma_start3A_477] : memref<65536xf32, #tpu.memory_space<vmem_shared>> -> memref<65536xf32, #tpu.memory_space<vmem_shared>>
      tpu.enqueue_indirect_dma source(%arg19 : memref<4096xf32, #tpu.memory_space<vmem>>) target(%dma_start3A_478 : memref<65536xf32, #tpu.memory_space<vmem_shared>>) offsets(%arg21 : memref<4096xi32, #tpu.memory_space<vmem>>) semaphore(%arg34 : memref<!tpu.dma_semaphore, #tpu.memory_space<semaphore_mem>>) {add = true}
      %add3A_479 = arith.constant 77824 : i32
      %add3A_480 = arith.addi %mul3A_36, %add3A_479 : i32
      %dma_wait3A_481 = tpu.memref_slice %arg6[%add3A_480] : memref<4294967xi32, #tpu.memory_space<hbm>> -> memref<4096xi32, #tpu.memory_space<hbm>>
      %dma_wait3A_482 = tpu.memref_slice %arg6[%add3A_480] : memref<4294967xi32, #tpu.memory_space<hbm>> -> memref<4096xi32, #tpu.memory_space<hbm>>
      tpu.wait_dma2 semaphore(%arg33 : memref<!tpu.dma_semaphore, #tpu.memory_space<semaphore_mem>>) src(%dma_wait3A_482 : memref<4096xi32, #tpu.memory_space<hbm>>) dst(%arg16 : memref<4096xi32, #tpu.memory_space<vmem>>)
      %dma_wait3A_483 = tpu.memref_slice %arg7[%add3A_480] : memref<4294967xf32, #tpu.memory_space<hbm>> -> memref<4096xf32, #tpu.memory_space<hbm>>
      %dma_wait3A_484 = tpu.memref_slice %arg7[%add3A_480] : memref<4294967xf32, #tpu.memory_space<hbm>> -> memref<4096xf32, #tpu.memory_space<hbm>>
      tpu.wait_dma2 semaphore(%arg33 : memref<!tpu.dma_semaphore, #tpu.memory_space<semaphore_mem>>) src(%dma_wait3A_484 : memref<4096xf32, #tpu.memory_space<hbm>>) dst(%arg18 : memref<4096xf32, #tpu.memory_space<vmem>>)
      %dma_wait3A_485 = tpu.memref_slice %arg8[%add3A_480] : memref<4294967xi32, #tpu.memory_space<hbm>> -> memref<4096xi32, #tpu.memory_space<hbm>>
      %dma_wait3A_486 = tpu.memref_slice %arg8[%add3A_480] : memref<4294967xi32, #tpu.memory_space<hbm>> -> memref<4096xi32, #tpu.memory_space<hbm>>
      tpu.wait_dma2 semaphore(%arg33 : memref<!tpu.dma_semaphore, #tpu.memory_space<semaphore_mem>>) src(%dma_wait3A_486 : memref<4096xi32, #tpu.memory_space<hbm>>) dst(%arg22 : memref<4096xi32, #tpu.memory_space<vmem>>)
      %dma_wait3A_487 = arith.constant 0 : i32
      %dma_wait3A_488 = tpu.memref_slice %arg31[%dma_wait3A_487] : memref<65536xf32, #tpu.memory_space<vmem_shared>> -> memref<65536xf32, #tpu.memory_space<vmem_shared>>
      tpu.wait_indirect_dma semaphore(%arg34 : memref<!tpu.dma_semaphore, #tpu.memory_space<semaphore_mem>>) src(%arg19 : memref<4096xf32, #tpu.memory_space<vmem>>) dst(%dma_wait3A_488 : memref<65536xf32, #tpu.memory_space<vmem_shared>>)
      %add3A_489 = arith.constant 81920 : i32
      %add3A_490 = arith.addi %mul3A_36, %add3A_489 : i32
      %dma_start3A_491 = tpu.memref_slice %arg6[%add3A_490] : memref<4294967xi32, #tpu.memory_space<hbm>> -> memref<4096xi32, #tpu.memory_space<hbm>>
      %dma_start3A_492 = tpu.memref_slice %arg6[%add3A_490] : memref<4294967xi32, #tpu.memory_space<hbm>> -> memref<4096xi32, #tpu.memory_space<hbm>>
      tpu.enqueue_dma source(%dma_start3A_492 : memref<4096xi32, #tpu.memory_space<hbm>>) target(%arg15 : memref<4096xi32, #tpu.memory_space<vmem>>) target_semaphore(%arg32 : memref<!tpu.dma_semaphore, #tpu.memory_space<semaphore_mem>>)
      %dma_start3A_493 = tpu.memref_slice %arg7[%add3A_490] : memref<4294967xf32, #tpu.memory_space<hbm>> -> memref<4096xf32, #tpu.memory_space<hbm>>
      %dma_start3A_494 = tpu.memref_slice %arg7[%add3A_490] : memref<4294967xf32, #tpu.memory_space<hbm>> -> memref<4096xf32, #tpu.memory_space<hbm>>
      tpu.enqueue_dma source(%dma_start3A_494 : memref<4096xf32, #tpu.memory_space<hbm>>) target(%arg17 : memref<4096xf32, #tpu.memory_space<vmem>>) target_semaphore(%arg32 : memref<!tpu.dma_semaphore, #tpu.memory_space<semaphore_mem>>)
      %dma_start3A_495 = tpu.memref_slice %arg8[%add3A_490] : memref<4294967xi32, #tpu.memory_space<hbm>> -> memref<4096xi32, #tpu.memory_space<hbm>>
      %dma_start3A_496 = tpu.memref_slice %arg8[%add3A_490] : memref<4294967xi32, #tpu.memory_space<hbm>> -> memref<4096xi32, #tpu.memory_space<hbm>>
      tpu.enqueue_dma source(%dma_start3A_496 : memref<4096xi32, #tpu.memory_space<hbm>>) target(%arg21 : memref<4096xi32, #tpu.memory_space<vmem>>) target_semaphore(%arg32 : memref<!tpu.dma_semaphore, #tpu.memory_space<semaphore_mem>>)
      %parallel_loop3A_497 = arith.constant 0 : i32
      %parallel_loop3A_498 = arith.constant 256 : i32
      %parallel_loop3A_499 = arith.constant 1 : i32
      scf.for %parallel_loop3A_799 = %parallel_loop3A_497 to %parallel_loop3A_498 step %parallel_loop3A_499  : i32 {
        %parallel_loop3A_800 = arith.constant 16 : i32
        %parallel_loop3A_801 = arith.muli %parallel_loop3A_799, %parallel_loop3A_800 : i32
        %parallel_loop3A_802 = arith.index_cast %parallel_loop3A_801 : i32 to index
        %parallel_loop3A_803 = tpu.vector_load %arg16[%parallel_loop3A_802] {strides = array<i32>} : memref<4096xi32, #tpu.memory_space<vmem>>, vector<16xi32>,
        %parallel_loop3A_804 = tpu.vector_load_idx %arg14[%parallel_loop3A_803] : memref<65536xf32, #tpu.memory_space<vmem>>[vector<16xi32>], vector<16xf32>,
        %parallel_loop3A_805 = arith.constant 16 : i32
        %parallel_loop3A_806 = arith.muli %parallel_loop3A_799, %parallel_loop3A_805 : i32
        %parallel_loop3A_807 = arith.index_cast %parallel_loop3A_806 : i32 to index
        %parallel_loop3A_808 = tpu.vector_load %arg18[%parallel_loop3A_807] {strides = array<i32>} : memref<4096xf32, #tpu.memory_space<vmem>>, vector<16xf32>,
        %parallel_loop3A_809 = arith.mulf %parallel_loop3A_804, %parallel_loop3A_808 : vector<16xf32>
        %parallel_loop3A_810 = arith.constant 16 : i32
        %parallel_loop3A_811 = arith.muli %parallel_loop3A_799, %parallel_loop3A_810 : i32
        %parallel_loop3A_812 = arith.index_cast %parallel_loop3A_811 : i32 to index
        %parallel_loop3A_813 = tpu.vector_load %arg20[%parallel_loop3A_812] {strides = array<i32>} : memref<4096xf32, #tpu.memory_space<vmem>>, vector<16xf32>,
        tpu.vector_store %arg20[%parallel_loop3A_812], %parallel_loop3A_809 {strides = array<i32>} : memref<4096xf32, #tpu.memory_space<vmem>>, vector<16xf32>,
      } {sc.loop_unroll_factor = 8 : i64, sc.parallel_access}
      %dma_start3A_500 = arith.constant 0 : i32
      %dma_start3A_501 = tpu.memref_slice %arg31[%dma_start3A_500] : memref<65536xf32, #tpu.memory_space<vmem_shared>> -> memref<65536xf32, #tpu.memory_space<vmem_shared>>
      tpu.enqueue_indirect_dma source(%arg20 : memref<4096xf32, #tpu.memory_space<vmem>>) target(%dma_start3A_501 : memref<65536xf32, #tpu.memory_space<vmem_shared>>) offsets(%arg22 : memref<4096xi32, #tpu.memory_space<vmem>>) semaphore(%arg35 : memref<!tpu.dma_semaphore, #tpu.memory_space<semaphore_mem>>) {add = true}
      %add3A_502 = arith.constant 81920 : i32
      %add3A_503 = arith.addi %mul3A_36, %add3A_502 : i32
      %dma_wait3A_504 = tpu.memref_slice %arg6[%add3A_503] : memref<4294967xi32, #tpu.memory_space<hbm>> -> memref<4096xi32, #tpu.memory_space<hbm>>
      %dma_wait3A_505 = tpu.memref_slice %arg6[%add3A_503] : memref<4294967xi32, #tpu.memory_space<hbm>> -> memref<4096xi32, #tpu.memory_space<hbm>>
      tpu.wait_dma2 semaphore(%arg32 : memref<!tpu.dma_semaphore, #tpu.memory_space<semaphore_mem>>) src(%dma_wait3A_505 : memref<4096xi32, #tpu.memory_space<hbm>>) dst(%arg15 : memref<4096xi32, #tpu.memory_space<vmem>>)
      %dma_wait3A_506 = tpu.memref_slice %arg7[%add3A_503] : memref<4294967xf32, #tpu.memory_space<hbm>> -> memref<4096xf32, #tpu.memory_space<hbm>>
      %dma_wait3A_507 = tpu.memref_slice %arg7[%add3A_503] : memref<4294967xf32, #tpu.memory_space<hbm>> -> memref<4096xf32, #tpu.memory_space<hbm>>
      tpu.wait_dma2 semaphore(%arg32 : memref<!tpu.dma_semaphore, #tpu.memory_space<semaphore_mem>>) src(%dma_wait3A_507 : memref<4096xf32, #tpu.memory_space<hbm>>) dst(%arg17 : memref<4096xf32, #tpu.memory_space<vmem>>)
      %dma_wait3A_508 = tpu.memref_slice %arg8[%add3A_503] : memref<4294967xi32, #tpu.memory_space<hbm>> -> memref<4096xi32, #tpu.memory_space<hbm>>
      %dma_wait3A_509 = tpu.memref_slice %arg8[%add3A_503] : memref<4294967xi32, #tpu.memory_space<hbm>> -> memref<4096xi32, #tpu.memory_space<hbm>>
      tpu.wait_dma2 semaphore(%arg32 : memref<!tpu.dma_semaphore, #tpu.memory_space<semaphore_mem>>) src(%dma_wait3A_509 : memref<4096xi32, #tpu.memory_space<hbm>>) dst(%arg21 : memref<4096xi32, #tpu.memory_space<vmem>>)
      %dma_wait3A_510 = arith.constant 0 : i32
      %dma_wait3A_511 = tpu.memref_slice %arg31[%dma_wait3A_510] : memref<65536xf32, #tpu.memory_space<vmem_shared>> -> memref<65536xf32, #tpu.memory_space<vmem_shared>>
      tpu.wait_indirect_dma semaphore(%arg35 : memref<!tpu.dma_semaphore, #tpu.memory_space<semaphore_mem>>) src(%arg20 : memref<4096xf32, #tpu.memory_space<vmem>>) dst(%dma_wait3A_511 : memref<65536xf32, #tpu.memory_space<vmem_shared>>)
      %add3A_512 = arith.constant 86016 : i32
      %add3A_513 = arith.addi %mul3A_36, %add3A_512 : i32
      %dma_start3A_514 = tpu.memref_slice %arg6[%add3A_513] : memref<4294967xi32, #tpu.memory_space<hbm>> -> memref<4096xi32, #tpu.memory_space<hbm>>
      %dma_start3A_515 = tpu.memref_slice %arg6[%add3A_513] : memref<4294967xi32, #tpu.memory_space<hbm>> -> memref<4096xi32, #tpu.memory_space<hbm>>
      tpu.enqueue_dma source(%dma_start3A_515 : memref<4096xi32, #tpu.memory_space<hbm>>) target(%arg16 : memref<4096xi32, #tpu.memory_space<vmem>>) target_semaphore(%arg33 : memref<!tpu.dma_semaphore, #tpu.memory_space<semaphore_mem>>)
      %dma_start3A_516 = tpu.memref_slice %arg7[%add3A_513] : memref<4294967xf32, #tpu.memory_space<hbm>> -> memref<4096xf32, #tpu.memory_space<hbm>>
      %dma_start3A_517 = tpu.memref_slice %arg7[%add3A_513] : memref<4294967xf32, #tpu.memory_space<hbm>> -> memref<4096xf32, #tpu.memory_space<hbm>>
      tpu.enqueue_dma source(%dma_start3A_517 : memref<4096xf32, #tpu.memory_space<hbm>>) target(%arg18 : memref<4096xf32, #tpu.memory_space<vmem>>) target_semaphore(%arg33 : memref<!tpu.dma_semaphore, #tpu.memory_space<semaphore_mem>>)
      %dma_start3A_518 = tpu.memref_slice %arg8[%add3A_513] : memref<4294967xi32, #tpu.memory_space<hbm>> -> memref<4096xi32, #tpu.memory_space<hbm>>
      %dma_start3A_519 = tpu.memref_slice %arg8[%add3A_513] : memref<4294967xi32, #tpu.memory_space<hbm>> -> memref<4096xi32, #tpu.memory_space<hbm>>
      tpu.enqueue_dma source(%dma_start3A_519 : memref<4096xi32, #tpu.memory_space<hbm>>) target(%arg22 : memref<4096xi32, #tpu.memory_space<vmem>>) target_semaphore(%arg33 : memref<!tpu.dma_semaphore, #tpu.memory_space<semaphore_mem>>)
      %parallel_loop3A_520 = arith.constant 0 : i32
      %parallel_loop3A_521 = arith.constant 256 : i32
      %parallel_loop3A_522 = arith.constant 1 : i32
      scf.for %parallel_loop3A_799 = %parallel_loop3A_520 to %parallel_loop3A_521 step %parallel_loop3A_522  : i32 {
        %parallel_loop3A_800 = arith.constant 16 : i32
        %parallel_loop3A_801 = arith.muli %parallel_loop3A_799, %parallel_loop3A_800 : i32
        %parallel_loop3A_802 = arith.index_cast %parallel_loop3A_801 : i32 to index
        %parallel_loop3A_803 = tpu.vector_load %arg15[%parallel_loop3A_802] {strides = array<i32>} : memref<4096xi32, #tpu.memory_space<vmem>>, vector<16xi32>,
        %parallel_loop3A_804 = tpu.vector_load_idx %arg14[%parallel_loop3A_803] : memref<65536xf32, #tpu.memory_space<vmem>>[vector<16xi32>], vector<16xf32>,
        %parallel_loop3A_805 = arith.constant 16 : i32
        %parallel_loop3A_806 = arith.muli %parallel_loop3A_799, %parallel_loop3A_805 : i32
        %parallel_loop3A_807 = arith.index_cast %parallel_loop3A_806 : i32 to index
        %parallel_loop3A_808 = tpu.vector_load %arg17[%parallel_loop3A_807] {strides = array<i32>} : memref<4096xf32, #tpu.memory_space<vmem>>, vector<16xf32>,
        %parallel_loop3A_809 = arith.mulf %parallel_loop3A_804, %parallel_loop3A_808 : vector<16xf32>
        %parallel_loop3A_810 = arith.constant 16 : i32
        %parallel_loop3A_811 = arith.muli %parallel_loop3A_799, %parallel_loop3A_810 : i32
        %parallel_loop3A_812 = arith.index_cast %parallel_loop3A_811 : i32 to index
        %parallel_loop3A_813 = tpu.vector_load %arg19[%parallel_loop3A_812] {strides = array<i32>} : memref<4096xf32, #tpu.memory_space<vmem>>, vector<16xf32>,
        tpu.vector_store %arg19[%parallel_loop3A_812], %parallel_loop3A_809 {strides = array<i32>} : memref<4096xf32, #tpu.memory_space<vmem>>, vector<16xf32>,
      } {sc.loop_unroll_factor = 8 : i64, sc.parallel_access}
      %dma_start3A_523 = arith.constant 0 : i32
      %dma_start3A_524 = tpu.memref_slice %arg31[%dma_start3A_523] : memref<65536xf32, #tpu.memory_space<vmem_shared>> -> memref<65536xf32, #tpu.memory_space<vmem_shared>>
      tpu.enqueue_indirect_dma source(%arg19 : memref<4096xf32, #tpu.memory_space<vmem>>) target(%dma_start3A_524 : memref<65536xf32, #tpu.memory_space<vmem_shared>>) offsets(%arg21 : memref<4096xi32, #tpu.memory_space<vmem>>) semaphore(%arg34 : memref<!tpu.dma_semaphore, #tpu.memory_space<semaphore_mem>>) {add = true}
      %add3A_525 = arith.constant 86016 : i32
      %add3A_526 = arith.addi %mul3A_36, %add3A_525 : i32
      %dma_wait3A_527 = tpu.memref_slice %arg6[%add3A_526] : memref<4294967xi32, #tpu.memory_space<hbm>> -> memref<4096xi32, #tpu.memory_space<hbm>>
      %dma_wait3A_528 = tpu.memref_slice %arg6[%add3A_526] : memref<4294967xi32, #tpu.memory_space<hbm>> -> memref<4096xi32, #tpu.memory_space<hbm>>
      tpu.wait_dma2 semaphore(%arg33 : memref<!tpu.dma_semaphore, #tpu.memory_space<semaphore_mem>>) src(%dma_wait3A_528 : memref<4096xi32, #tpu.memory_space<hbm>>) dst(%arg16 : memref<4096xi32, #tpu.memory_space<vmem>>)
      %dma_wait3A_529 = tpu.memref_slice %arg7[%add3A_526] : memref<4294967xf32, #tpu.memory_space<hbm>> -> memref<4096xf32, #tpu.memory_space<hbm>>
      %dma_wait3A_530 = tpu.memref_slice %arg7[%add3A_526] : memref<4294967xf32, #tpu.memory_space<hbm>> -> memref<4096xf32, #tpu.memory_space<hbm>>
      tpu.wait_dma2 semaphore(%arg33 : memref<!tpu.dma_semaphore, #tpu.memory_space<semaphore_mem>>) src(%dma_wait3A_530 : memref<4096xf32, #tpu.memory_space<hbm>>) dst(%arg18 : memref<4096xf32, #tpu.memory_space<vmem>>)
      %dma_wait3A_531 = tpu.memref_slice %arg8[%add3A_526] : memref<4294967xi32, #tpu.memory_space<hbm>> -> memref<4096xi32, #tpu.memory_space<hbm>>
      %dma_wait3A_532 = tpu.memref_slice %arg8[%add3A_526] : memref<4294967xi32, #tpu.memory_space<hbm>> -> memref<4096xi32, #tpu.memory_space<hbm>>
      tpu.wait_dma2 semaphore(%arg33 : memref<!tpu.dma_semaphore, #tpu.memory_space<semaphore_mem>>) src(%dma_wait3A_532 : memref<4096xi32, #tpu.memory_space<hbm>>) dst(%arg22 : memref<4096xi32, #tpu.memory_space<vmem>>)
      %dma_wait3A_533 = arith.constant 0 : i32
      %dma_wait3A_534 = tpu.memref_slice %arg31[%dma_wait3A_533] : memref<65536xf32, #tpu.memory_space<vmem_shared>> -> memref<65536xf32, #tpu.memory_space<vmem_shared>>
      tpu.wait_indirect_dma semaphore(%arg34 : memref<!tpu.dma_semaphore, #tpu.memory_space<semaphore_mem>>) src(%arg19 : memref<4096xf32, #tpu.memory_space<vmem>>) dst(%dma_wait3A_534 : memref<65536xf32, #tpu.memory_space<vmem_shared>>)
      %add3A_535 = arith.constant 90112 : i32
      %add3A_536 = arith.addi %mul3A_36, %add3A_535 : i32
      %dma_start3A_537 = tpu.memref_slice %arg6[%add3A_536] : memref<4294967xi32, #tpu.memory_space<hbm>> -> memref<4096xi32, #tpu.memory_space<hbm>>
      %dma_start3A_538 = tpu.memref_slice %arg6[%add3A_536] : memref<4294967xi32, #tpu.memory_space<hbm>> -> memref<4096xi32, #tpu.memory_space<hbm>>
      tpu.enqueue_dma source(%dma_start3A_538 : memref<4096xi32, #tpu.memory_space<hbm>>) target(%arg15 : memref<4096xi32, #tpu.memory_space<vmem>>) target_semaphore(%arg32 : memref<!tpu.dma_semaphore, #tpu.memory_space<semaphore_mem>>)
      %dma_start3A_539 = tpu.memref_slice %arg7[%add3A_536] : memref<4294967xf32, #tpu.memory_space<hbm>> -> memref<4096xf32, #tpu.memory_space<hbm>>
      %dma_start3A_540 = tpu.memref_slice %arg7[%add3A_536] : memref<4294967xf32, #tpu.memory_space<hbm>> -> memref<4096xf32, #tpu.memory_space<hbm>>
      tpu.enqueue_dma source(%dma_start3A_540 : memref<4096xf32, #tpu.memory_space<hbm>>) target(%arg17 : memref<4096xf32, #tpu.memory_space<vmem>>) target_semaphore(%arg32 : memref<!tpu.dma_semaphore, #tpu.memory_space<semaphore_mem>>)
      %dma_start3A_541 = tpu.memref_slice %arg8[%add3A_536] : memref<4294967xi32, #tpu.memory_space<hbm>> -> memref<4096xi32, #tpu.memory_space<hbm>>
      %dma_start3A_542 = tpu.memref_slice %arg8[%add3A_536] : memref<4294967xi32, #tpu.memory_space<hbm>> -> memref<4096xi32, #tpu.memory_space<hbm>>
      tpu.enqueue_dma source(%dma_start3A_542 : memref<4096xi32, #tpu.memory_space<hbm>>) target(%arg21 : memref<4096xi32, #tpu.memory_space<vmem>>) target_semaphore(%arg32 : memref<!tpu.dma_semaphore, #tpu.memory_space<semaphore_mem>>)
      %parallel_loop3A_543 = arith.constant 0 : i32
      %parallel_loop3A_544 = arith.constant 256 : i32
      %parallel_loop3A_545 = arith.constant 1 : i32
      scf.for %parallel_loop3A_799 = %parallel_loop3A_543 to %parallel_loop3A_544 step %parallel_loop3A_545  : i32 {
        %parallel_loop3A_800 = arith.constant 16 : i32
        %parallel_loop3A_801 = arith.muli %parallel_loop3A_799, %parallel_loop3A_800 : i32
        %parallel_loop3A_802 = arith.index_cast %parallel_loop3A_801 : i32 to index
        %parallel_loop3A_803 = tpu.vector_load %arg16[%parallel_loop3A_802] {strides = array<i32>} : memref<4096xi32, #tpu.memory_space<vmem>>, vector<16xi32>,
        %parallel_loop3A_804 = tpu.vector_load_idx %arg14[%parallel_loop3A_803] : memref<65536xf32, #tpu.memory_space<vmem>>[vector<16xi32>], vector<16xf32>,
        %parallel_loop3A_805 = arith.constant 16 : i32
        %parallel_loop3A_806 = arith.muli %parallel_loop3A_799, %parallel_loop3A_805 : i32
        %parallel_loop3A_807 = arith.index_cast %parallel_loop3A_806 : i32 to index
        %parallel_loop3A_808 = tpu.vector_load %arg18[%parallel_loop3A_807] {strides = array<i32>} : memref<4096xf32, #tpu.memory_space<vmem>>, vector<16xf32>,
        %parallel_loop3A_809 = arith.mulf %parallel_loop3A_804, %parallel_loop3A_808 : vector<16xf32>
        %parallel_loop3A_810 = arith.constant 16 : i32
        %parallel_loop3A_811 = arith.muli %parallel_loop3A_799, %parallel_loop3A_810 : i32
        %parallel_loop3A_812 = arith.index_cast %parallel_loop3A_811 : i32 to index
        %parallel_loop3A_813 = tpu.vector_load %arg20[%parallel_loop3A_812] {strides = array<i32>} : memref<4096xf32, #tpu.memory_space<vmem>>, vector<16xf32>,
        tpu.vector_store %arg20[%parallel_loop3A_812], %parallel_loop3A_809 {strides = array<i32>} : memref<4096xf32, #tpu.memory_space<vmem>>, vector<16xf32>,
      } {sc.loop_unroll_factor = 8 : i64, sc.parallel_access}
      %dma_start3A_546 = arith.constant 0 : i32
      %dma_start3A_547 = tpu.memref_slice %arg31[%dma_start3A_546] : memref<65536xf32, #tpu.memory_space<vmem_shared>> -> memref<65536xf32, #tpu.memory_space<vmem_shared>>
      tpu.enqueue_indirect_dma source(%arg20 : memref<4096xf32, #tpu.memory_space<vmem>>) target(%dma_start3A_547 : memref<65536xf32, #tpu.memory_space<vmem_shared>>) offsets(%arg22 : memref<4096xi32, #tpu.memory_space<vmem>>) semaphore(%arg35 : memref<!tpu.dma_semaphore, #tpu.memory_space<semaphore_mem>>) {add = true}
      %add3A_548 = arith.constant 90112 : i32
      %add3A_549 = arith.addi %mul3A_36, %add3A_548 : i32
      %dma_wait3A_550 = tpu.memref_slice %arg6[%add3A_549] : memref<4294967xi32, #tpu.memory_space<hbm>> -> memref<4096xi32, #tpu.memory_space<hbm>>
      %dma_wait3A_551 = tpu.memref_slice %arg6[%add3A_549] : memref<4294967xi32, #tpu.memory_space<hbm>> -> memref<4096xi32, #tpu.memory_space<hbm>>
      tpu.wait_dma2 semaphore(%arg32 : memref<!tpu.dma_semaphore, #tpu.memory_space<semaphore_mem>>) src(%dma_wait3A_551 : memref<4096xi32, #tpu.memory_space<hbm>>) dst(%arg15 : memref<4096xi32, #tpu.memory_space<vmem>>)
      %dma_wait3A_552 = tpu.memref_slice %arg7[%add3A_549] : memref<4294967xf32, #tpu.memory_space<hbm>> -> memref<4096xf32, #tpu.memory_space<hbm>>
      %dma_wait3A_553 = tpu.memref_slice %arg7[%add3A_549] : memref<4294967xf32, #tpu.memory_space<hbm>> -> memref<4096xf32, #tpu.memory_space<hbm>>
      tpu.wait_dma2 semaphore(%arg32 : memref<!tpu.dma_semaphore, #tpu.memory_space<semaphore_mem>>) src(%dma_wait3A_553 : memref<4096xf32, #tpu.memory_space<hbm>>) dst(%arg17 : memref<4096xf32, #tpu.memory_space<vmem>>)
      %dma_wait3A_554 = tpu.memref_slice %arg8[%add3A_549] : memref<4294967xi32, #tpu.memory_space<hbm>> -> memref<4096xi32, #tpu.memory_space<hbm>>
      %dma_wait3A_555 = tpu.memref_slice %arg8[%add3A_549] : memref<4294967xi32, #tpu.memory_space<hbm>> -> memref<4096xi32, #tpu.memory_space<hbm>>
      tpu.wait_dma2 semaphore(%arg32 : memref<!tpu.dma_semaphore, #tpu.memory_space<semaphore_mem>>) src(%dma_wait3A_555 : memref<4096xi32, #tpu.memory_space<hbm>>) dst(%arg21 : memref<4096xi32, #tpu.memory_space<vmem>>)
      %dma_wait3A_556 = arith.constant 0 : i32
      %dma_wait3A_557 = tpu.memref_slice %arg31[%dma_wait3A_556] : memref<65536xf32, #tpu.memory_space<vmem_shared>> -> memref<65536xf32, #tpu.memory_space<vmem_shared>>
      tpu.wait_indirect_dma semaphore(%arg35 : memref<!tpu.dma_semaphore, #tpu.memory_space<semaphore_mem>>) src(%arg20 : memref<4096xf32, #tpu.memory_space<vmem>>) dst(%dma_wait3A_557 : memref<65536xf32, #tpu.memory_space<vmem_shared>>)
      %add3A_558 = arith.constant 94208 : i32
      %add3A_559 = arith.addi %mul3A_36, %add3A_558 : i32
      %dma_start3A_560 = tpu.memref_slice %arg6[%add3A_559] : memref<4294967xi32, #tpu.memory_space<hbm>> -> memref<4096xi32, #tpu.memory_space<hbm>>
      %dma_start3A_561 = tpu.memref_slice %arg6[%add3A_559] : memref<4294967xi32, #tpu.memory_space<hbm>> -> memref<4096xi32, #tpu.memory_space<hbm>>
      tpu.enqueue_dma source(%dma_start3A_561 : memref<4096xi32, #tpu.memory_space<hbm>>) target(%arg16 : memref<4096xi32, #tpu.memory_space<vmem>>) target_semaphore(%arg33 : memref<!tpu.dma_semaphore, #tpu.memory_space<semaphore_mem>>)
      %dma_start3A_562 = tpu.memref_slice %arg7[%add3A_559] : memref<4294967xf32, #tpu.memory_space<hbm>> -> memref<4096xf32, #tpu.memory_space<hbm>>
      %dma_start3A_563 = tpu.memref_slice %arg7[%add3A_559] : memref<4294967xf32, #tpu.memory_space<hbm>> -> memref<4096xf32, #tpu.memory_space<hbm>>
      tpu.enqueue_dma source(%dma_start3A_563 : memref<4096xf32, #tpu.memory_space<hbm>>) target(%arg18 : memref<4096xf32, #tpu.memory_space<vmem>>) target_semaphore(%arg33 : memref<!tpu.dma_semaphore, #tpu.memory_space<semaphore_mem>>)
      %dma_start3A_564 = tpu.memref_slice %arg8[%add3A_559] : memref<4294967xi32, #tpu.memory_space<hbm>> -> memref<4096xi32, #tpu.memory_space<hbm>>
      %dma_start3A_565 = tpu.memref_slice %arg8[%add3A_559] : memref<4294967xi32, #tpu.memory_space<hbm>> -> memref<4096xi32, #tpu.memory_space<hbm>>
      tpu.enqueue_dma source(%dma_start3A_565 : memref<4096xi32, #tpu.memory_space<hbm>>) target(%arg22 : memref<4096xi32, #tpu.memory_space<vmem>>) target_semaphore(%arg33 : memref<!tpu.dma_semaphore, #tpu.memory_space<semaphore_mem>>)
      %parallel_loop3A_566 = arith.constant 0 : i32
      %parallel_loop3A_567 = arith.constant 256 : i32
      %parallel_loop3A_568 = arith.constant 1 : i32
      scf.for %parallel_loop3A_799 = %parallel_loop3A_566 to %parallel_loop3A_567 step %parallel_loop3A_568  : i32 {
        %parallel_loop3A_800 = arith.constant 16 : i32
        %parallel_loop3A_801 = arith.muli %parallel_loop3A_799, %parallel_loop3A_800 : i32
        %parallel_loop3A_802 = arith.index_cast %parallel_loop3A_801 : i32 to index
        %parallel_loop3A_803 = tpu.vector_load %arg15[%parallel_loop3A_802] {strides = array<i32>} : memref<4096xi32, #tpu.memory_space<vmem>>, vector<16xi32>,
        %parallel_loop3A_804 = tpu.vector_load_idx %arg14[%parallel_loop3A_803] : memref<65536xf32, #tpu.memory_space<vmem>>[vector<16xi32>], vector<16xf32>,
        %parallel_loop3A_805 = arith.constant 16 : i32
        %parallel_loop3A_806 = arith.muli %parallel_loop3A_799, %parallel_loop3A_805 : i32
        %parallel_loop3A_807 = arith.index_cast %parallel_loop3A_806 : i32 to index
        %parallel_loop3A_808 = tpu.vector_load %arg17[%parallel_loop3A_807] {strides = array<i32>} : memref<4096xf32, #tpu.memory_space<vmem>>, vector<16xf32>,
        %parallel_loop3A_809 = arith.mulf %parallel_loop3A_804, %parallel_loop3A_808 : vector<16xf32>
        %parallel_loop3A_810 = arith.constant 16 : i32
        %parallel_loop3A_811 = arith.muli %parallel_loop3A_799, %parallel_loop3A_810 : i32
        %parallel_loop3A_812 = arith.index_cast %parallel_loop3A_811 : i32 to index
        %parallel_loop3A_813 = tpu.vector_load %arg19[%parallel_loop3A_812] {strides = array<i32>} : memref<4096xf32, #tpu.memory_space<vmem>>, vector<16xf32>,
        tpu.vector_store %arg19[%parallel_loop3A_812], %parallel_loop3A_809 {strides = array<i32>} : memref<4096xf32, #tpu.memory_space<vmem>>, vector<16xf32>,
      } {sc.loop_unroll_factor = 8 : i64, sc.parallel_access}
      %dma_start3A_569 = arith.constant 0 : i32
      %dma_start3A_570 = tpu.memref_slice %arg31[%dma_start3A_569] : memref<65536xf32, #tpu.memory_space<vmem_shared>> -> memref<65536xf32, #tpu.memory_space<vmem_shared>>
      tpu.enqueue_indirect_dma source(%arg19 : memref<4096xf32, #tpu.memory_space<vmem>>) target(%dma_start3A_570 : memref<65536xf32, #tpu.memory_space<vmem_shared>>) offsets(%arg21 : memref<4096xi32, #tpu.memory_space<vmem>>) semaphore(%arg34 : memref<!tpu.dma_semaphore, #tpu.memory_space<semaphore_mem>>) {add = true}
      %add3A_571 = arith.constant 94208 : i32
      %add3A_572 = arith.addi %mul3A_36, %add3A_571 : i32
      %dma_wait3A_573 = tpu.memref_slice %arg6[%add3A_572] : memref<4294967xi32, #tpu.memory_space<hbm>> -> memref<4096xi32, #tpu.memory_space<hbm>>
      %dma_wait3A_574 = tpu.memref_slice %arg6[%add3A_572] : memref<4294967xi32, #tpu.memory_space<hbm>> -> memref<4096xi32, #tpu.memory_space<hbm>>
      tpu.wait_dma2 semaphore(%arg33 : memref<!tpu.dma_semaphore, #tpu.memory_space<semaphore_mem>>) src(%dma_wait3A_574 : memref<4096xi32, #tpu.memory_space<hbm>>) dst(%arg16 : memref<4096xi32, #tpu.memory_space<vmem>>)
      %dma_wait3A_575 = tpu.memref_slice %arg7[%add3A_572] : memref<4294967xf32, #tpu.memory_space<hbm>> -> memref<4096xf32, #tpu.memory_space<hbm>>
      %dma_wait3A_576 = tpu.memref_slice %arg7[%add3A_572] : memref<4294967xf32, #tpu.memory_space<hbm>> -> memref<4096xf32, #tpu.memory_space<hbm>>
      tpu.wait_dma2 semaphore(%arg33 : memref<!tpu.dma_semaphore, #tpu.memory_space<semaphore_mem>>) src(%dma_wait3A_576 : memref<4096xf32, #tpu.memory_space<hbm>>) dst(%arg18 : memref<4096xf32, #tpu.memory_space<vmem>>)
      %dma_wait3A_577 = tpu.memref_slice %arg8[%add3A_572] : memref<4294967xi32, #tpu.memory_space<hbm>> -> memref<4096xi32, #tpu.memory_space<hbm>>
      %dma_wait3A_578 = tpu.memref_slice %arg8[%add3A_572] : memref<4294967xi32, #tpu.memory_space<hbm>> -> memref<4096xi32, #tpu.memory_space<hbm>>
      tpu.wait_dma2 semaphore(%arg33 : memref<!tpu.dma_semaphore, #tpu.memory_space<semaphore_mem>>) src(%dma_wait3A_578 : memref<4096xi32, #tpu.memory_space<hbm>>) dst(%arg22 : memref<4096xi32, #tpu.memory_space<vmem>>)
      %dma_wait3A_579 = arith.constant 0 : i32
      %dma_wait3A_580 = tpu.memref_slice %arg31[%dma_wait3A_579] : memref<65536xf32, #tpu.memory_space<vmem_shared>> -> memref<65536xf32, #tpu.memory_space<vmem_shared>>
      tpu.wait_indirect_dma semaphore(%arg34 : memref<!tpu.dma_semaphore, #tpu.memory_space<semaphore_mem>>) src(%arg19 : memref<4096xf32, #tpu.memory_space<vmem>>) dst(%dma_wait3A_580 : memref<65536xf32, #tpu.memory_space<vmem_shared>>)
      %add3A_581 = arith.constant 98304 : i32
      %add3A_582 = arith.addi %mul3A_36, %add3A_581 : i32
      %dma_start3A_583 = tpu.memref_slice %arg6[%add3A_582] : memref<4294967xi32, #tpu.memory_space<hbm>> -> memref<4096xi32, #tpu.memory_space<hbm>>
      %dma_start3A_584 = tpu.memref_slice %arg6[%add3A_582] : memref<4294967xi32, #tpu.memory_space<hbm>> -> memref<4096xi32, #tpu.memory_space<hbm>>
      tpu.enqueue_dma source(%dma_start3A_584 : memref<4096xi32, #tpu.memory_space<hbm>>) target(%arg15 : memref<4096xi32, #tpu.memory_space<vmem>>) target_semaphore(%arg32 : memref<!tpu.dma_semaphore, #tpu.memory_space<semaphore_mem>>)
      %dma_start3A_585 = tpu.memref_slice %arg7[%add3A_582] : memref<4294967xf32, #tpu.memory_space<hbm>> -> memref<4096xf32, #tpu.memory_space<hbm>>
      %dma_start3A_586 = tpu.memref_slice %arg7[%add3A_582] : memref<4294967xf32, #tpu.memory_space<hbm>> -> memref<4096xf32, #tpu.memory_space<hbm>>
      tpu.enqueue_dma source(%dma_start3A_586 : memref<4096xf32, #tpu.memory_space<hbm>>) target(%arg17 : memref<4096xf32, #tpu.memory_space<vmem>>) target_semaphore(%arg32 : memref<!tpu.dma_semaphore, #tpu.memory_space<semaphore_mem>>)
      %dma_start3A_587 = tpu.memref_slice %arg8[%add3A_582] : memref<4294967xi32, #tpu.memory_space<hbm>> -> memref<4096xi32, #tpu.memory_space<hbm>>
      %dma_start3A_588 = tpu.memref_slice %arg8[%add3A_582] : memref<4294967xi32, #tpu.memory_space<hbm>> -> memref<4096xi32, #tpu.memory_space<hbm>>
      tpu.enqueue_dma source(%dma_start3A_588 : memref<4096xi32, #tpu.memory_space<hbm>>) target(%arg21 : memref<4096xi32, #tpu.memory_space<vmem>>) target_semaphore(%arg32 : memref<!tpu.dma_semaphore, #tpu.memory_space<semaphore_mem>>)
      %parallel_loop3A_589 = arith.constant 0 : i32
      %parallel_loop3A_590 = arith.constant 256 : i32
      %parallel_loop3A_591 = arith.constant 1 : i32
      scf.for %parallel_loop3A_799 = %parallel_loop3A_589 to %parallel_loop3A_590 step %parallel_loop3A_591  : i32 {
        %parallel_loop3A_800 = arith.constant 16 : i32
        %parallel_loop3A_801 = arith.muli %parallel_loop3A_799, %parallel_loop3A_800 : i32
        %parallel_loop3A_802 = arith.index_cast %parallel_loop3A_801 : i32 to index
        %parallel_loop3A_803 = tpu.vector_load %arg16[%parallel_loop3A_802] {strides = array<i32>} : memref<4096xi32, #tpu.memory_space<vmem>>, vector<16xi32>,
        %parallel_loop3A_804 = tpu.vector_load_idx %arg14[%parallel_loop3A_803] : memref<65536xf32, #tpu.memory_space<vmem>>[vector<16xi32>], vector<16xf32>,
        %parallel_loop3A_805 = arith.constant 16 : i32
        %parallel_loop3A_806 = arith.muli %parallel_loop3A_799, %parallel_loop3A_805 : i32
        %parallel_loop3A_807 = arith.index_cast %parallel_loop3A_806 : i32 to index
        %parallel_loop3A_808 = tpu.vector_load %arg18[%parallel_loop3A_807] {strides = array<i32>} : memref<4096xf32, #tpu.memory_space<vmem>>, vector<16xf32>,
        %parallel_loop3A_809 = arith.mulf %parallel_loop3A_804, %parallel_loop3A_808 : vector<16xf32>
        %parallel_loop3A_810 = arith.constant 16 : i32
        %parallel_loop3A_811 = arith.muli %parallel_loop3A_799, %parallel_loop3A_810 : i32
        %parallel_loop3A_812 = arith.index_cast %parallel_loop3A_811 : i32 to index
        %parallel_loop3A_813 = tpu.vector_load %arg20[%parallel_loop3A_812] {strides = array<i32>} : memref<4096xf32, #tpu.memory_space<vmem>>, vector<16xf32>,
        tpu.vector_store %arg20[%parallel_loop3A_812], %parallel_loop3A_809 {strides = array<i32>} : memref<4096xf32, #tpu.memory_space<vmem>>, vector<16xf32>,
      } {sc.loop_unroll_factor = 8 : i64, sc.parallel_access}
      %dma_start3A_592 = arith.constant 0 : i32
      %dma_start3A_593 = tpu.memref_slice %arg31[%dma_start3A_592] : memref<65536xf32, #tpu.memory_space<vmem_shared>> -> memref<65536xf32, #tpu.memory_space<vmem_shared>>
      tpu.enqueue_indirect_dma source(%arg20 : memref<4096xf32, #tpu.memory_space<vmem>>) target(%dma_start3A_593 : memref<65536xf32, #tpu.memory_space<vmem_shared>>) offsets(%arg22 : memref<4096xi32, #tpu.memory_space<vmem>>) semaphore(%arg35 : memref<!tpu.dma_semaphore, #tpu.memory_space<semaphore_mem>>) {add = true}
      %add3A_594 = arith.constant 98304 : i32
      %add3A_595 = arith.addi %mul3A_36, %add3A_594 : i32
      %dma_wait3A_596 = tpu.memref_slice %arg6[%add3A_595] : memref<4294967xi32, #tpu.memory_space<hbm>> -> memref<4096xi32, #tpu.memory_space<hbm>>
      %dma_wait3A_597 = tpu.memref_slice %arg6[%add3A_595] : memref<4294967xi32, #tpu.memory_space<hbm>> -> memref<4096xi32, #tpu.memory_space<hbm>>
      tpu.wait_dma2 semaphore(%arg32 : memref<!tpu.dma_semaphore, #tpu.memory_space<semaphore_mem>>) src(%dma_wait3A_597 : memref<4096xi32, #tpu.memory_space<hbm>>) dst(%arg15 : memref<4096xi32, #tpu.memory_space<vmem>>)
      %dma_wait3A_598 = tpu.memref_slice %arg7[%add3A_595] : memref<4294967xf32, #tpu.memory_space<hbm>> -> memref<4096xf32, #tpu.memory_space<hbm>>
      %dma_wait3A_599 = tpu.memref_slice %arg7[%add3A_595] : memref<4294967xf32, #tpu.memory_space<hbm>> -> memref<4096xf32, #tpu.memory_space<hbm>>
      tpu.wait_dma2 semaphore(%arg32 : memref<!tpu.dma_semaphore, #tpu.memory_space<semaphore_mem>>) src(%dma_wait3A_599 : memref<4096xf32, #tpu.memory_space<hbm>>) dst(%arg17 : memref<4096xf32, #tpu.memory_space<vmem>>)
      %dma_wait3A_600 = tpu.memref_slice %arg8[%add3A_595] : memref<4294967xi32, #tpu.memory_space<hbm>> -> memref<4096xi32, #tpu.memory_space<hbm>>
      %dma_wait3A_601 = tpu.memref_slice %arg8[%add3A_595] : memref<4294967xi32, #tpu.memory_space<hbm>> -> memref<4096xi32, #tpu.memory_space<hbm>>
      tpu.wait_dma2 semaphore(%arg32 : memref<!tpu.dma_semaphore, #tpu.memory_space<semaphore_mem>>) src(%dma_wait3A_601 : memref<4096xi32, #tpu.memory_space<hbm>>) dst(%arg21 : memref<4096xi32, #tpu.memory_space<vmem>>)
      %dma_wait3A_602 = arith.constant 0 : i32
      %dma_wait3A_603 = tpu.memref_slice %arg31[%dma_wait3A_602] : memref<65536xf32, #tpu.memory_space<vmem_shared>> -> memref<65536xf32, #tpu.memory_space<vmem_shared>>
      tpu.wait_indirect_dma semaphore(%arg35 : memref<!tpu.dma_semaphore, #tpu.memory_space<semaphore_mem>>) src(%arg20 : memref<4096xf32, #tpu.memory_space<vmem>>) dst(%dma_wait3A_603 : memref<65536xf32, #tpu.memory_space<vmem_shared>>)
      %add3A_604 = arith.constant 102400 : i32
      %add3A_605 = arith.addi %mul3A_36, %add3A_604 : i32
      %dma_start3A_606 = tpu.memref_slice %arg6[%add3A_605] : memref<4294967xi32, #tpu.memory_space<hbm>> -> memref<4096xi32, #tpu.memory_space<hbm>>
      %dma_start3A_607 = tpu.memref_slice %arg6[%add3A_605] : memref<4294967xi32, #tpu.memory_space<hbm>> -> memref<4096xi32, #tpu.memory_space<hbm>>
      tpu.enqueue_dma source(%dma_start3A_607 : memref<4096xi32, #tpu.memory_space<hbm>>) target(%arg16 : memref<4096xi32, #tpu.memory_space<vmem>>) target_semaphore(%arg33 : memref<!tpu.dma_semaphore, #tpu.memory_space<semaphore_mem>>)
      %dma_start3A_608 = tpu.memref_slice %arg7[%add3A_605] : memref<4294967xf32, #tpu.memory_space<hbm>> -> memref<4096xf32, #tpu.memory_space<hbm>>
      %dma_start3A_609 = tpu.memref_slice %arg7[%add3A_605] : memref<4294967xf32, #tpu.memory_space<hbm>> -> memref<4096xf32, #tpu.memory_space<hbm>>
      tpu.enqueue_dma source(%dma_start3A_609 : memref<4096xf32, #tpu.memory_space<hbm>>) target(%arg18 : memref<4096xf32, #tpu.memory_space<vmem>>) target_semaphore(%arg33 : memref<!tpu.dma_semaphore, #tpu.memory_space<semaphore_mem>>)
      %dma_start3A_610 = tpu.memref_slice %arg8[%add3A_605] : memref<4294967xi32, #tpu.memory_space<hbm>> -> memref<4096xi32, #tpu.memory_space<hbm>>
      %dma_start3A_611 = tpu.memref_slice %arg8[%add3A_605] : memref<4294967xi32, #tpu.memory_space<hbm>> -> memref<4096xi32, #tpu.memory_space<hbm>>
      tpu.enqueue_dma source(%dma_start3A_611 : memref<4096xi32, #tpu.memory_space<hbm>>) target(%arg22 : memref<4096xi32, #tpu.memory_space<vmem>>) target_semaphore(%arg33 : memref<!tpu.dma_semaphore, #tpu.memory_space<semaphore_mem>>)
      %parallel_loop3A_612 = arith.constant 0 : i32
      %parallel_loop3A_613 = arith.constant 256 : i32
      %parallel_loop3A_614 = arith.constant 1 : i32
      scf.for %parallel_loop3A_799 = %parallel_loop3A_612 to %parallel_loop3A_613 step %parallel_loop3A_614  : i32 {
        %parallel_loop3A_800 = arith.constant 16 : i32
        %parallel_loop3A_801 = arith.muli %parallel_loop3A_799, %parallel_loop3A_800 : i32
        %parallel_loop3A_802 = arith.index_cast %parallel_loop3A_801 : i32 to index
        %parallel_loop3A_803 = tpu.vector_load %arg15[%parallel_loop3A_802] {strides = array<i32>} : memref<4096xi32, #tpu.memory_space<vmem>>, vector<16xi32>,
        %parallel_loop3A_804 = tpu.vector_load_idx %arg14[%parallel_loop3A_803] : memref<65536xf32, #tpu.memory_space<vmem>>[vector<16xi32>], vector<16xf32>,
        %parallel_loop3A_805 = arith.constant 16 : i32
        %parallel_loop3A_806 = arith.muli %parallel_loop3A_799, %parallel_loop3A_805 : i32
        %parallel_loop3A_807 = arith.index_cast %parallel_loop3A_806 : i32 to index
        %parallel_loop3A_808 = tpu.vector_load %arg17[%parallel_loop3A_807] {strides = array<i32>} : memref<4096xf32, #tpu.memory_space<vmem>>, vector<16xf32>,
        %parallel_loop3A_809 = arith.mulf %parallel_loop3A_804, %parallel_loop3A_808 : vector<16xf32>
        %parallel_loop3A_810 = arith.constant 16 : i32
        %parallel_loop3A_811 = arith.muli %parallel_loop3A_799, %parallel_loop3A_810 : i32
        %parallel_loop3A_812 = arith.index_cast %parallel_loop3A_811 : i32 to index
        %parallel_loop3A_813 = tpu.vector_load %arg19[%parallel_loop3A_812] {strides = array<i32>} : memref<4096xf32, #tpu.memory_space<vmem>>, vector<16xf32>,
        tpu.vector_store %arg19[%parallel_loop3A_812], %parallel_loop3A_809 {strides = array<i32>} : memref<4096xf32, #tpu.memory_space<vmem>>, vector<16xf32>,
      } {sc.loop_unroll_factor = 8 : i64, sc.parallel_access}
      %dma_start3A_615 = arith.constant 0 : i32
      %dma_start3A_616 = tpu.memref_slice %arg31[%dma_start3A_615] : memref<65536xf32, #tpu.memory_space<vmem_shared>> -> memref<65536xf32, #tpu.memory_space<vmem_shared>>
      tpu.enqueue_indirect_dma source(%arg19 : memref<4096xf32, #tpu.memory_space<vmem>>) target(%dma_start3A_616 : memref<65536xf32, #tpu.memory_space<vmem_shared>>) offsets(%arg21 : memref<4096xi32, #tpu.memory_space<vmem>>) semaphore(%arg34 : memref<!tpu.dma_semaphore, #tpu.memory_space<semaphore_mem>>) {add = true}
      %add3A_617 = arith.constant 102400 : i32
      %add3A_618 = arith.addi %mul3A_36, %add3A_617 : i32
      %dma_wait3A_619 = tpu.memref_slice %arg6[%add3A_618] : memref<4294967xi32, #tpu.memory_space<hbm>> -> memref<4096xi32, #tpu.memory_space<hbm>>
      %dma_wait3A_620 = tpu.memref_slice %arg6[%add3A_618] : memref<4294967xi32, #tpu.memory_space<hbm>> -> memref<4096xi32, #tpu.memory_space<hbm>>
      tpu.wait_dma2 semaphore(%arg33 : memref<!tpu.dma_semaphore, #tpu.memory_space<semaphore_mem>>) src(%dma_wait3A_620 : memref<4096xi32, #tpu.memory_space<hbm>>) dst(%arg16 : memref<4096xi32, #tpu.memory_space<vmem>>)
      %dma_wait3A_621 = tpu.memref_slice %arg7[%add3A_618] : memref<4294967xf32, #tpu.memory_space<hbm>> -> memref<4096xf32, #tpu.memory_space<hbm>>
      %dma_wait3A_622 = tpu.memref_slice %arg7[%add3A_618] : memref<4294967xf32, #tpu.memory_space<hbm>> -> memref<4096xf32, #tpu.memory_space<hbm>>
      tpu.wait_dma2 semaphore(%arg33 : memref<!tpu.dma_semaphore, #tpu.memory_space<semaphore_mem>>) src(%dma_wait3A_622 : memref<4096xf32, #tpu.memory_space<hbm>>) dst(%arg18 : memref<4096xf32, #tpu.memory_space<vmem>>)
      %dma_wait3A_623 = tpu.memref_slice %arg8[%add3A_618] : memref<4294967xi32, #tpu.memory_space<hbm>> -> memref<4096xi32, #tpu.memory_space<hbm>>
      %dma_wait3A_624 = tpu.memref_slice %arg8[%add3A_618] : memref<4294967xi32, #tpu.memory_space<hbm>> -> memref<4096xi32, #tpu.memory_space<hbm>>
      tpu.wait_dma2 semaphore(%arg33 : memref<!tpu.dma_semaphore, #tpu.memory_space<semaphore_mem>>) src(%dma_wait3A_624 : memref<4096xi32, #tpu.memory_space<hbm>>) dst(%arg22 : memref<4096xi32, #tpu.memory_space<vmem>>)
      %dma_wait3A_625 = arith.constant 0 : i32
      %dma_wait3A_626 = tpu.memref_slice %arg31[%dma_wait3A_625] : memref<65536xf32, #tpu.memory_space<vmem_shared>> -> memref<65536xf32, #tpu.memory_space<vmem_shared>>
      tpu.wait_indirect_dma semaphore(%arg34 : memref<!tpu.dma_semaphore, #tpu.memory_space<semaphore_mem>>) src(%arg19 : memref<4096xf32, #tpu.memory_space<vmem>>) dst(%dma_wait3A_626 : memref<65536xf32, #tpu.memory_space<vmem_shared>>)
      %add3A_627 = arith.constant 106496 : i32
      %add3A_628 = arith.addi %mul3A_36, %add3A_627 : i32
      %dma_start3A_629 = tpu.memref_slice %arg6[%add3A_628] : memref<4294967xi32, #tpu.memory_space<hbm>> -> memref<4096xi32, #tpu.memory_space<hbm>>
      %dma_start3A_630 = tpu.memref_slice %arg6[%add3A_628] : memref<4294967xi32, #tpu.memory_space<hbm>> -> memref<4096xi32, #tpu.memory_space<hbm>>
      tpu.enqueue_dma source(%dma_start3A_630 : memref<4096xi32, #tpu.memory_space<hbm>>) target(%arg15 : memref<4096xi32, #tpu.memory_space<vmem>>) target_semaphore(%arg32 : memref<!tpu.dma_semaphore, #tpu.memory_space<semaphore_mem>>)
      %dma_start3A_631 = tpu.memref_slice %arg7[%add3A_628] : memref<4294967xf32, #tpu.memory_space<hbm>> -> memref<4096xf32, #tpu.memory_space<hbm>>
      %dma_start3A_632 = tpu.memref_slice %arg7[%add3A_628] : memref<4294967xf32, #tpu.memory_space<hbm>> -> memref<4096xf32, #tpu.memory_space<hbm>>
      tpu.enqueue_dma source(%dma_start3A_632 : memref<4096xf32, #tpu.memory_space<hbm>>) target(%arg17 : memref<4096xf32, #tpu.memory_space<vmem>>) target_semaphore(%arg32 : memref<!tpu.dma_semaphore, #tpu.memory_space<semaphore_mem>>)
      %dma_start3A_633 = tpu.memref_slice %arg8[%add3A_628] : memref<4294967xi32, #tpu.memory_space<hbm>> -> memref<4096xi32, #tpu.memory_space<hbm>>
      %dma_start3A_634 = tpu.memref_slice %arg8[%add3A_628] : memref<4294967xi32, #tpu.memory_space<hbm>> -> memref<4096xi32, #tpu.memory_space<hbm>>
      tpu.enqueue_dma source(%dma_start3A_634 : memref<4096xi32, #tpu.memory_space<hbm>>) target(%arg21 : memref<4096xi32, #tpu.memory_space<vmem>>) target_semaphore(%arg32 : memref<!tpu.dma_semaphore, #tpu.memory_space<semaphore_mem>>)
      %parallel_loop3A_635 = arith.constant 0 : i32
      %parallel_loop3A_636 = arith.constant 256 : i32
      %parallel_loop3A_637 = arith.constant 1 : i32
      scf.for %parallel_loop3A_799 = %parallel_loop3A_635 to %parallel_loop3A_636 step %parallel_loop3A_637  : i32 {
        %parallel_loop3A_800 = arith.constant 16 : i32
        %parallel_loop3A_801 = arith.muli %parallel_loop3A_799, %parallel_loop3A_800 : i32
        %parallel_loop3A_802 = arith.index_cast %parallel_loop3A_801 : i32 to index
        %parallel_loop3A_803 = tpu.vector_load %arg16[%parallel_loop3A_802] {strides = array<i32>} : memref<4096xi32, #tpu.memory_space<vmem>>, vector<16xi32>,
        %parallel_loop3A_804 = tpu.vector_load_idx %arg14[%parallel_loop3A_803] : memref<65536xf32, #tpu.memory_space<vmem>>[vector<16xi32>], vector<16xf32>,
        %parallel_loop3A_805 = arith.constant 16 : i32
        %parallel_loop3A_806 = arith.muli %parallel_loop3A_799, %parallel_loop3A_805 : i32
        %parallel_loop3A_807 = arith.index_cast %parallel_loop3A_806 : i32 to index
        %parallel_loop3A_808 = tpu.vector_load %arg18[%parallel_loop3A_807] {strides = array<i32>} : memref<4096xf32, #tpu.memory_space<vmem>>, vector<16xf32>,
        %parallel_loop3A_809 = arith.mulf %parallel_loop3A_804, %parallel_loop3A_808 : vector<16xf32>
        %parallel_loop3A_810 = arith.constant 16 : i32
        %parallel_loop3A_811 = arith.muli %parallel_loop3A_799, %parallel_loop3A_810 : i32
        %parallel_loop3A_812 = arith.index_cast %parallel_loop3A_811 : i32 to index
        %parallel_loop3A_813 = tpu.vector_load %arg20[%parallel_loop3A_812] {strides = array<i32>} : memref<4096xf32, #tpu.memory_space<vmem>>, vector<16xf32>,
        tpu.vector_store %arg20[%parallel_loop3A_812], %parallel_loop3A_809 {strides = array<i32>} : memref<4096xf32, #tpu.memory_space<vmem>>, vector<16xf32>,
      } {sc.loop_unroll_factor = 8 : i64, sc.parallel_access}
      %dma_start3A_638 = arith.constant 0 : i32
      %dma_start3A_639 = tpu.memref_slice %arg31[%dma_start3A_638] : memref<65536xf32, #tpu.memory_space<vmem_shared>> -> memref<65536xf32, #tpu.memory_space<vmem_shared>>
      tpu.enqueue_indirect_dma source(%arg20 : memref<4096xf32, #tpu.memory_space<vmem>>) target(%dma_start3A_639 : memref<65536xf32, #tpu.memory_space<vmem_shared>>) offsets(%arg22 : memref<4096xi32, #tpu.memory_space<vmem>>) semaphore(%arg35 : memref<!tpu.dma_semaphore, #tpu.memory_space<semaphore_mem>>) {add = true}
      %add3A_640 = arith.constant 106496 : i32
      %add3A_641 = arith.addi %mul3A_36, %add3A_640 : i32
      %dma_wait3A_642 = tpu.memref_slice %arg6[%add3A_641] : memref<4294967xi32, #tpu.memory_space<hbm>> -> memref<4096xi32, #tpu.memory_space<hbm>>
      %dma_wait3A_643 = tpu.memref_slice %arg6[%add3A_641] : memref<4294967xi32, #tpu.memory_space<hbm>> -> memref<4096xi32, #tpu.memory_space<hbm>>
      tpu.wait_dma2 semaphore(%arg32 : memref<!tpu.dma_semaphore, #tpu.memory_space<semaphore_mem>>) src(%dma_wait3A_643 : memref<4096xi32, #tpu.memory_space<hbm>>) dst(%arg15 : memref<4096xi32, #tpu.memory_space<vmem>>)
      %dma_wait3A_644 = tpu.memref_slice %arg7[%add3A_641] : memref<4294967xf32, #tpu.memory_space<hbm>> -> memref<4096xf32, #tpu.memory_space<hbm>>
      %dma_wait3A_645 = tpu.memref_slice %arg7[%add3A_641] : memref<4294967xf32, #tpu.memory_space<hbm>> -> memref<4096xf32, #tpu.memory_space<hbm>>
      tpu.wait_dma2 semaphore(%arg32 : memref<!tpu.dma_semaphore, #tpu.memory_space<semaphore_mem>>) src(%dma_wait3A_645 : memref<4096xf32, #tpu.memory_space<hbm>>) dst(%arg17 : memref<4096xf32, #tpu.memory_space<vmem>>)
      %dma_wait3A_646 = tpu.memref_slice %arg8[%add3A_641] : memref<4294967xi32, #tpu.memory_space<hbm>> -> memref<4096xi32, #tpu.memory_space<hbm>>
      %dma_wait3A_647 = tpu.memref_slice %arg8[%add3A_641] : memref<4294967xi32, #tpu.memory_space<hbm>> -> memref<4096xi32, #tpu.memory_space<hbm>>
      tpu.wait_dma2 semaphore(%arg32 : memref<!tpu.dma_semaphore, #tpu.memory_space<semaphore_mem>>) src(%dma_wait3A_647 : memref<4096xi32, #tpu.memory_space<hbm>>) dst(%arg21 : memref<4096xi32, #tpu.memory_space<vmem>>)
      %dma_wait3A_648 = arith.constant 0 : i32
      %dma_wait3A_649 = tpu.memref_slice %arg31[%dma_wait3A_648] : memref<65536xf32, #tpu.memory_space<vmem_shared>> -> memref<65536xf32, #tpu.memory_space<vmem_shared>>
      tpu.wait_indirect_dma semaphore(%arg35 : memref<!tpu.dma_semaphore, #tpu.memory_space<semaphore_mem>>) src(%arg20 : memref<4096xf32, #tpu.memory_space<vmem>>) dst(%dma_wait3A_649 : memref<65536xf32, #tpu.memory_space<vmem_shared>>)
      %add3A_650 = arith.constant 110592 : i32
      %add3A_651 = arith.addi %mul3A_36, %add3A_650 : i32
      %dma_start3A_652 = tpu.memref_slice %arg6[%add3A_651] : memref<4294967xi32, #tpu.memory_space<hbm>> -> memref<4096xi32, #tpu.memory_space<hbm>>
      %dma_start3A_653 = tpu.memref_slice %arg6[%add3A_651] : memref<4294967xi32, #tpu.memory_space<hbm>> -> memref<4096xi32, #tpu.memory_space<hbm>>
      tpu.enqueue_dma source(%dma_start3A_653 : memref<4096xi32, #tpu.memory_space<hbm>>) target(%arg16 : memref<4096xi32, #tpu.memory_space<vmem>>) target_semaphore(%arg33 : memref<!tpu.dma_semaphore, #tpu.memory_space<semaphore_mem>>)
      %dma_start3A_654 = tpu.memref_slice %arg7[%add3A_651] : memref<4294967xf32, #tpu.memory_space<hbm>> -> memref<4096xf32, #tpu.memory_space<hbm>>
      %dma_start3A_655 = tpu.memref_slice %arg7[%add3A_651] : memref<4294967xf32, #tpu.memory_space<hbm>> -> memref<4096xf32, #tpu.memory_space<hbm>>
      tpu.enqueue_dma source(%dma_start3A_655 : memref<4096xf32, #tpu.memory_space<hbm>>) target(%arg18 : memref<4096xf32, #tpu.memory_space<vmem>>) target_semaphore(%arg33 : memref<!tpu.dma_semaphore, #tpu.memory_space<semaphore_mem>>)
      %dma_start3A_656 = tpu.memref_slice %arg8[%add3A_651] : memref<4294967xi32, #tpu.memory_space<hbm>> -> memref<4096xi32, #tpu.memory_space<hbm>>
      %dma_start3A_657 = tpu.memref_slice %arg8[%add3A_651] : memref<4294967xi32, #tpu.memory_space<hbm>> -> memref<4096xi32, #tpu.memory_space<hbm>>
      tpu.enqueue_dma source(%dma_start3A_657 : memref<4096xi32, #tpu.memory_space<hbm>>) target(%arg22 : memref<4096xi32, #tpu.memory_space<vmem>>) target_semaphore(%arg33 : memref<!tpu.dma_semaphore, #tpu.memory_space<semaphore_mem>>)
      %parallel_loop3A_658 = arith.constant 0 : i32
      %parallel_loop3A_659 = arith.constant 256 : i32
      %parallel_loop3A_660 = arith.constant 1 : i32
      scf.for %parallel_loop3A_799 = %parallel_loop3A_658 to %parallel_loop3A_659 step %parallel_loop3A_660  : i32 {
        %parallel_loop3A_800 = arith.constant 16 : i32
        %parallel_loop3A_801 = arith.muli %parallel_loop3A_799, %parallel_loop3A_800 : i32
        %parallel_loop3A_802 = arith.index_cast %parallel_loop3A_801 : i32 to index
        %parallel_loop3A_803 = tpu.vector_load %arg15[%parallel_loop3A_802] {strides = array<i32>} : memref<4096xi32, #tpu.memory_space<vmem>>, vector<16xi32>,
        %parallel_loop3A_804 = tpu.vector_load_idx %arg14[%parallel_loop3A_803] : memref<65536xf32, #tpu.memory_space<vmem>>[vector<16xi32>], vector<16xf32>,
        %parallel_loop3A_805 = arith.constant 16 : i32
        %parallel_loop3A_806 = arith.muli %parallel_loop3A_799, %parallel_loop3A_805 : i32
        %parallel_loop3A_807 = arith.index_cast %parallel_loop3A_806 : i32 to index
        %parallel_loop3A_808 = tpu.vector_load %arg17[%parallel_loop3A_807] {strides = array<i32>} : memref<4096xf32, #tpu.memory_space<vmem>>, vector<16xf32>,
        %parallel_loop3A_809 = arith.mulf %parallel_loop3A_804, %parallel_loop3A_808 : vector<16xf32>
        %parallel_loop3A_810 = arith.constant 16 : i32
        %parallel_loop3A_811 = arith.muli %parallel_loop3A_799, %parallel_loop3A_810 : i32
        %parallel_loop3A_812 = arith.index_cast %parallel_loop3A_811 : i32 to index
        %parallel_loop3A_813 = tpu.vector_load %arg19[%parallel_loop3A_812] {strides = array<i32>} : memref<4096xf32, #tpu.memory_space<vmem>>, vector<16xf32>,
        tpu.vector_store %arg19[%parallel_loop3A_812], %parallel_loop3A_809 {strides = array<i32>} : memref<4096xf32, #tpu.memory_space<vmem>>, vector<16xf32>,
      } {sc.loop_unroll_factor = 8 : i64, sc.parallel_access}
      %dma_start3A_661 = arith.constant 0 : i32
      %dma_start3A_662 = tpu.memref_slice %arg31[%dma_start3A_661] : memref<65536xf32, #tpu.memory_space<vmem_shared>> -> memref<65536xf32, #tpu.memory_space<vmem_shared>>
      tpu.enqueue_indirect_dma source(%arg19 : memref<4096xf32, #tpu.memory_space<vmem>>) target(%dma_start3A_662 : memref<65536xf32, #tpu.memory_space<vmem_shared>>) offsets(%arg21 : memref<4096xi32, #tpu.memory_space<vmem>>) semaphore(%arg34 : memref<!tpu.dma_semaphore, #tpu.memory_space<semaphore_mem>>) {add = true}
      %add3A_663 = arith.constant 110592 : i32
      %add3A_664 = arith.addi %mul3A_36, %add3A_663 : i32
      %dma_wait3A_665 = tpu.memref_slice %arg6[%add3A_664] : memref<4294967xi32, #tpu.memory_space<hbm>> -> memref<4096xi32, #tpu.memory_space<hbm>>
      %dma_wait3A_666 = tpu.memref_slice %arg6[%add3A_664] : memref<4294967xi32, #tpu.memory_space<hbm>> -> memref<4096xi32, #tpu.memory_space<hbm>>
      tpu.wait_dma2 semaphore(%arg33 : memref<!tpu.dma_semaphore, #tpu.memory_space<semaphore_mem>>) src(%dma_wait3A_666 : memref<4096xi32, #tpu.memory_space<hbm>>) dst(%arg16 : memref<4096xi32, #tpu.memory_space<vmem>>)
      %dma_wait3A_667 = tpu.memref_slice %arg7[%add3A_664] : memref<4294967xf32, #tpu.memory_space<hbm>> -> memref<4096xf32, #tpu.memory_space<hbm>>
      %dma_wait3A_668 = tpu.memref_slice %arg7[%add3A_664] : memref<4294967xf32, #tpu.memory_space<hbm>> -> memref<4096xf32, #tpu.memory_space<hbm>>
      tpu.wait_dma2 semaphore(%arg33 : memref<!tpu.dma_semaphore, #tpu.memory_space<semaphore_mem>>) src(%dma_wait3A_668 : memref<4096xf32, #tpu.memory_space<hbm>>) dst(%arg18 : memref<4096xf32, #tpu.memory_space<vmem>>)
      %dma_wait3A_669 = tpu.memref_slice %arg8[%add3A_664] : memref<4294967xi32, #tpu.memory_space<hbm>> -> memref<4096xi32, #tpu.memory_space<hbm>>
      %dma_wait3A_670 = tpu.memref_slice %arg8[%add3A_664] : memref<4294967xi32, #tpu.memory_space<hbm>> -> memref<4096xi32, #tpu.memory_space<hbm>>
      tpu.wait_dma2 semaphore(%arg33 : memref<!tpu.dma_semaphore, #tpu.memory_space<semaphore_mem>>) src(%dma_wait3A_670 : memref<4096xi32, #tpu.memory_space<hbm>>) dst(%arg22 : memref<4096xi32, #tpu.memory_space<vmem>>)
      %dma_wait3A_671 = arith.constant 0 : i32
      %dma_wait3A_672 = tpu.memref_slice %arg31[%dma_wait3A_671] : memref<65536xf32, #tpu.memory_space<vmem_shared>> -> memref<65536xf32, #tpu.memory_space<vmem_shared>>
      tpu.wait_indirect_dma semaphore(%arg34 : memref<!tpu.dma_semaphore, #tpu.memory_space<semaphore_mem>>) src(%arg19 : memref<4096xf32, #tpu.memory_space<vmem>>) dst(%dma_wait3A_672 : memref<65536xf32, #tpu.memory_space<vmem_shared>>)
      %add3A_673 = arith.constant 114688 : i32
      %add3A_674 = arith.addi %mul3A_36, %add3A_673 : i32
      %dma_start3A_675 = tpu.memref_slice %arg6[%add3A_674] : memref<4294967xi32, #tpu.memory_space<hbm>> -> memref<4096xi32, #tpu.memory_space<hbm>>
      %dma_start3A_676 = tpu.memref_slice %arg6[%add3A_674] : memref<4294967xi32, #tpu.memory_space<hbm>> -> memref<4096xi32, #tpu.memory_space<hbm>>
      tpu.enqueue_dma source(%dma_start3A_676 : memref<4096xi32, #tpu.memory_space<hbm>>) target(%arg15 : memref<4096xi32, #tpu.memory_space<vmem>>) target_semaphore(%arg32 : memref<!tpu.dma_semaphore, #tpu.memory_space<semaphore_mem>>)
      %dma_start3A_677 = tpu.memref_slice %arg7[%add3A_674] : memref<4294967xf32, #tpu.memory_space<hbm>> -> memref<4096xf32, #tpu.memory_space<hbm>>
      %dma_start3A_678 = tpu.memref_slice %arg7[%add3A_674] : memref<4294967xf32, #tpu.memory_space<hbm>> -> memref<4096xf32, #tpu.memory_space<hbm>>
      tpu.enqueue_dma source(%dma_start3A_678 : memref<4096xf32, #tpu.memory_space<hbm>>) target(%arg17 : memref<4096xf32, #tpu.memory_space<vmem>>) target_semaphore(%arg32 : memref<!tpu.dma_semaphore, #tpu.memory_space<semaphore_mem>>)
      %dma_start3A_679 = tpu.memref_slice %arg8[%add3A_674] : memref<4294967xi32, #tpu.memory_space<hbm>> -> memref<4096xi32, #tpu.memory_space<hbm>>
      %dma_start3A_680 = tpu.memref_slice %arg8[%add3A_674] : memref<4294967xi32, #tpu.memory_space<hbm>> -> memref<4096xi32, #tpu.memory_space<hbm>>
      tpu.enqueue_dma source(%dma_start3A_680 : memref<4096xi32, #tpu.memory_space<hbm>>) target(%arg21 : memref<4096xi32, #tpu.memory_space<vmem>>) target_semaphore(%arg32 : memref<!tpu.dma_semaphore, #tpu.memory_space<semaphore_mem>>)
      %parallel_loop3A_681 = arith.constant 0 : i32
      %parallel_loop3A_682 = arith.constant 256 : i32
      %parallel_loop3A_683 = arith.constant 1 : i32
      scf.for %parallel_loop3A_799 = %parallel_loop3A_681 to %parallel_loop3A_682 step %parallel_loop3A_683  : i32 {
        %parallel_loop3A_800 = arith.constant 16 : i32
        %parallel_loop3A_801 = arith.muli %parallel_loop3A_799, %parallel_loop3A_800 : i32
        %parallel_loop3A_802 = arith.index_cast %parallel_loop3A_801 : i32 to index
        %parallel_loop3A_803 = tpu.vector_load %arg16[%parallel_loop3A_802] {strides = array<i32>} : memref<4096xi32, #tpu.memory_space<vmem>>, vector<16xi32>,
        %parallel_loop3A_804 = tpu.vector_load_idx %arg14[%parallel_loop3A_803] : memref<65536xf32, #tpu.memory_space<vmem>>[vector<16xi32>], vector<16xf32>,
        %parallel_loop3A_805 = arith.constant 16 : i32
        %parallel_loop3A_806 = arith.muli %parallel_loop3A_799, %parallel_loop3A_805 : i32
        %parallel_loop3A_807 = arith.index_cast %parallel_loop3A_806 : i32 to index
        %parallel_loop3A_808 = tpu.vector_load %arg18[%parallel_loop3A_807] {strides = array<i32>} : memref<4096xf32, #tpu.memory_space<vmem>>, vector<16xf32>,
        %parallel_loop3A_809 = arith.mulf %parallel_loop3A_804, %parallel_loop3A_808 : vector<16xf32>
        %parallel_loop3A_810 = arith.constant 16 : i32
        %parallel_loop3A_811 = arith.muli %parallel_loop3A_799, %parallel_loop3A_810 : i32
        %parallel_loop3A_812 = arith.index_cast %parallel_loop3A_811 : i32 to index
        %parallel_loop3A_813 = tpu.vector_load %arg20[%parallel_loop3A_812] {strides = array<i32>} : memref<4096xf32, #tpu.memory_space<vmem>>, vector<16xf32>,
        tpu.vector_store %arg20[%parallel_loop3A_812], %parallel_loop3A_809 {strides = array<i32>} : memref<4096xf32, #tpu.memory_space<vmem>>, vector<16xf32>,
      } {sc.loop_unroll_factor = 8 : i64, sc.parallel_access}
      %dma_start3A_684 = arith.constant 0 : i32
      %dma_start3A_685 = tpu.memref_slice %arg31[%dma_start3A_684] : memref<65536xf32, #tpu.memory_space<vmem_shared>> -> memref<65536xf32, #tpu.memory_space<vmem_shared>>
      tpu.enqueue_indirect_dma source(%arg20 : memref<4096xf32, #tpu.memory_space<vmem>>) target(%dma_start3A_685 : memref<65536xf32, #tpu.memory_space<vmem_shared>>) offsets(%arg22 : memref<4096xi32, #tpu.memory_space<vmem>>) semaphore(%arg35 : memref<!tpu.dma_semaphore, #tpu.memory_space<semaphore_mem>>) {add = true}
      %add3A_686 = arith.constant 114688 : i32
      %add3A_687 = arith.addi %mul3A_36, %add3A_686 : i32
      %dma_wait3A_688 = tpu.memref_slice %arg6[%add3A_687] : memref<4294967xi32, #tpu.memory_space<hbm>> -> memref<4096xi32, #tpu.memory_space<hbm>>
      %dma_wait3A_689 = tpu.memref_slice %arg6[%add3A_687] : memref<4294967xi32, #tpu.memory_space<hbm>> -> memref<4096xi32, #tpu.memory_space<hbm>>
      tpu.wait_dma2 semaphore(%arg32 : memref<!tpu.dma_semaphore, #tpu.memory_space<semaphore_mem>>) src(%dma_wait3A_689 : memref<4096xi32, #tpu.memory_space<hbm>>) dst(%arg15 : memref<4096xi32, #tpu.memory_space<vmem>>)
      %dma_wait3A_690 = tpu.memref_slice %arg7[%add3A_687] : memref<4294967xf32, #tpu.memory_space<hbm>> -> memref<4096xf32, #tpu.memory_space<hbm>>
      %dma_wait3A_691 = tpu.memref_slice %arg7[%add3A_687] : memref<4294967xf32, #tpu.memory_space<hbm>> -> memref<4096xf32, #tpu.memory_space<hbm>>
      tpu.wait_dma2 semaphore(%arg32 : memref<!tpu.dma_semaphore, #tpu.memory_space<semaphore_mem>>) src(%dma_wait3A_691 : memref<4096xf32, #tpu.memory_space<hbm>>) dst(%arg17 : memref<4096xf32, #tpu.memory_space<vmem>>)
      %dma_wait3A_692 = tpu.memref_slice %arg8[%add3A_687] : memref<4294967xi32, #tpu.memory_space<hbm>> -> memref<4096xi32, #tpu.memory_space<hbm>>
      %dma_wait3A_693 = tpu.memref_slice %arg8[%add3A_687] : memref<4294967xi32, #tpu.memory_space<hbm>> -> memref<4096xi32, #tpu.memory_space<hbm>>
      tpu.wait_dma2 semaphore(%arg32 : memref<!tpu.dma_semaphore, #tpu.memory_space<semaphore_mem>>) src(%dma_wait3A_693 : memref<4096xi32, #tpu.memory_space<hbm>>) dst(%arg21 : memref<4096xi32, #tpu.memory_space<vmem>>)
      %dma_wait3A_694 = arith.constant 0 : i32
      %dma_wait3A_695 = tpu.memref_slice %arg31[%dma_wait3A_694] : memref<65536xf32, #tpu.memory_space<vmem_shared>> -> memref<65536xf32, #tpu.memory_space<vmem_shared>>
      tpu.wait_indirect_dma semaphore(%arg35 : memref<!tpu.dma_semaphore, #tpu.memory_space<semaphore_mem>>) src(%arg20 : memref<4096xf32, #tpu.memory_space<vmem>>) dst(%dma_wait3A_695 : memref<65536xf32, #tpu.memory_space<vmem_shared>>)
      %add3A_696 = arith.constant 118784 : i32
      %add3A_697 = arith.addi %mul3A_36, %add3A_696 : i32
      %dma_start3A_698 = tpu.memref_slice %arg6[%add3A_697] : memref<4294967xi32, #tpu.memory_space<hbm>> -> memref<4096xi32, #tpu.memory_space<hbm>>
      %dma_start3A_699 = tpu.memref_slice %arg6[%add3A_697] : memref<4294967xi32, #tpu.memory_space<hbm>> -> memref<4096xi32, #tpu.memory_space<hbm>>
      tpu.enqueue_dma source(%dma_start3A_699 : memref<4096xi32, #tpu.memory_space<hbm>>) target(%arg16 : memref<4096xi32, #tpu.memory_space<vmem>>) target_semaphore(%arg33 : memref<!tpu.dma_semaphore, #tpu.memory_space<semaphore_mem>>)
      %dma_start3A_700 = tpu.memref_slice %arg7[%add3A_697] : memref<4294967xf32, #tpu.memory_space<hbm>> -> memref<4096xf32, #tpu.memory_space<hbm>>
      %dma_start3A_701 = tpu.memref_slice %arg7[%add3A_697] : memref<4294967xf32, #tpu.memory_space<hbm>> -> memref<4096xf32, #tpu.memory_space<hbm>>
      tpu.enqueue_dma source(%dma_start3A_701 : memref<4096xf32, #tpu.memory_space<hbm>>) target(%arg18 : memref<4096xf32, #tpu.memory_space<vmem>>) target_semaphore(%arg33 : memref<!tpu.dma_semaphore, #tpu.memory_space<semaphore_mem>>)
      %dma_start3A_702 = tpu.memref_slice %arg8[%add3A_697] : memref<4294967xi32, #tpu.memory_space<hbm>> -> memref<4096xi32, #tpu.memory_space<hbm>>
      %dma_start3A_703 = tpu.memref_slice %arg8[%add3A_697] : memref<4294967xi32, #tpu.memory_space<hbm>> -> memref<4096xi32, #tpu.memory_space<hbm>>
      tpu.enqueue_dma source(%dma_start3A_703 : memref<4096xi32, #tpu.memory_space<hbm>>) target(%arg22 : memref<4096xi32, #tpu.memory_space<vmem>>) target_semaphore(%arg33 : memref<!tpu.dma_semaphore, #tpu.memory_space<semaphore_mem>>)
      %parallel_loop3A_704 = arith.constant 0 : i32
      %parallel_loop3A_705 = arith.constant 256 : i32
      %parallel_loop3A_706 = arith.constant 1 : i32
      scf.for %parallel_loop3A_799 = %parallel_loop3A_704 to %parallel_loop3A_705 step %parallel_loop3A_706  : i32 {
        %parallel_loop3A_800 = arith.constant 16 : i32
        %parallel_loop3A_801 = arith.muli %parallel_loop3A_799, %parallel_loop3A_800 : i32
        %parallel_loop3A_802 = arith.index_cast %parallel_loop3A_801 : i32 to index
        %parallel_loop3A_803 = tpu.vector_load %arg15[%parallel_loop3A_802] {strides = array<i32>} : memref<4096xi32, #tpu.memory_space<vmem>>, vector<16xi32>,
        %parallel_loop3A_804 = tpu.vector_load_idx %arg14[%parallel_loop3A_803] : memref<65536xf32, #tpu.memory_space<vmem>>[vector<16xi32>], vector<16xf32>,
        %parallel_loop3A_805 = arith.constant 16 : i32
        %parallel_loop3A_806 = arith.muli %parallel_loop3A_799, %parallel_loop3A_805 : i32
        %parallel_loop3A_807 = arith.index_cast %parallel_loop3A_806 : i32 to index
        %parallel_loop3A_808 = tpu.vector_load %arg17[%parallel_loop3A_807] {strides = array<i32>} : memref<4096xf32, #tpu.memory_space<vmem>>, vector<16xf32>,
        %parallel_loop3A_809 = arith.mulf %parallel_loop3A_804, %parallel_loop3A_808 : vector<16xf32>
        %parallel_loop3A_810 = arith.constant 16 : i32
        %parallel_loop3A_811 = arith.muli %parallel_loop3A_799, %parallel_loop3A_810 : i32
        %parallel_loop3A_812 = arith.index_cast %parallel_loop3A_811 : i32 to index
        %parallel_loop3A_813 = tpu.vector_load %arg19[%parallel_loop3A_812] {strides = array<i32>} : memref<4096xf32, #tpu.memory_space<vmem>>, vector<16xf32>,
        tpu.vector_store %arg19[%parallel_loop3A_812], %parallel_loop3A_809 {strides = array<i32>} : memref<4096xf32, #tpu.memory_space<vmem>>, vector<16xf32>,
      } {sc.loop_unroll_factor = 8 : i64, sc.parallel_access}
      %dma_start3A_707 = arith.constant 0 : i32
      %dma_start3A_708 = tpu.memref_slice %arg31[%dma_start3A_707] : memref<65536xf32, #tpu.memory_space<vmem_shared>> -> memref<65536xf32, #tpu.memory_space<vmem_shared>>
      tpu.enqueue_indirect_dma source(%arg19 : memref<4096xf32, #tpu.memory_space<vmem>>) target(%dma_start3A_708 : memref<65536xf32, #tpu.memory_space<vmem_shared>>) offsets(%arg21 : memref<4096xi32, #tpu.memory_space<vmem>>) semaphore(%arg34 : memref<!tpu.dma_semaphore, #tpu.memory_space<semaphore_mem>>) {add = true}
      %add3A_709 = arith.constant 118784 : i32
      %add3A_710 = arith.addi %mul3A_36, %add3A_709 : i32
      %dma_wait3A_711 = tpu.memref_slice %arg6[%add3A_710] : memref<4294967xi32, #tpu.memory_space<hbm>> -> memref<4096xi32, #tpu.memory_space<hbm>>
      %dma_wait3A_712 = tpu.memref_slice %arg6[%add3A_710] : memref<4294967xi32, #tpu.memory_space<hbm>> -> memref<4096xi32, #tpu.memory_space<hbm>>
      tpu.wait_dma2 semaphore(%arg33 : memref<!tpu.dma_semaphore, #tpu.memory_space<semaphore_mem>>) src(%dma_wait3A_712 : memref<4096xi32, #tpu.memory_space<hbm>>) dst(%arg16 : memref<4096xi32, #tpu.memory_space<vmem>>)
      %dma_wait3A_713 = tpu.memref_slice %arg7[%add3A_710] : memref<4294967xf32, #tpu.memory_space<hbm>> -> memref<4096xf32, #tpu.memory_space<hbm>>
      %dma_wait3A_714 = tpu.memref_slice %arg7[%add3A_710] : memref<4294967xf32, #tpu.memory_space<hbm>> -> memref<4096xf32, #tpu.memory_space<hbm>>
      tpu.wait_dma2 semaphore(%arg33 : memref<!tpu.dma_semaphore, #tpu.memory_space<semaphore_mem>>) src(%dma_wait3A_714 : memref<4096xf32, #tpu.memory_space<hbm>>) dst(%arg18 : memref<4096xf32, #tpu.memory_space<vmem>>)
      %dma_wait3A_715 = tpu.memref_slice %arg8[%add3A_710] : memref<4294967xi32, #tpu.memory_space<hbm>> -> memref<4096xi32, #tpu.memory_space<hbm>>
      %dma_wait3A_716 = tpu.memref_slice %arg8[%add3A_710] : memref<4294967xi32, #tpu.memory_space<hbm>> -> memref<4096xi32, #tpu.memory_space<hbm>>
      tpu.wait_dma2 semaphore(%arg33 : memref<!tpu.dma_semaphore, #tpu.memory_space<semaphore_mem>>) src(%dma_wait3A_716 : memref<4096xi32, #tpu.memory_space<hbm>>) dst(%arg22 : memref<4096xi32, #tpu.memory_space<vmem>>)
      %dma_wait3A_717 = arith.constant 0 : i32
      %dma_wait3A_718 = tpu.memref_slice %arg31[%dma_wait3A_717] : memref<65536xf32, #tpu.memory_space<vmem_shared>> -> memref<65536xf32, #tpu.memory_space<vmem_shared>>
      tpu.wait_indirect_dma semaphore(%arg34 : memref<!tpu.dma_semaphore, #tpu.memory_space<semaphore_mem>>) src(%arg19 : memref<4096xf32, #tpu.memory_space<vmem>>) dst(%dma_wait3A_718 : memref<65536xf32, #tpu.memory_space<vmem_shared>>)
      %add3A_719 = arith.constant 122880 : i32
      %add3A_720 = arith.addi %mul3A_36, %add3A_719 : i32
      %dma_start3A_721 = tpu.memref_slice %arg6[%add3A_720] : memref<4294967xi32, #tpu.memory_space<hbm>> -> memref<4096xi32, #tpu.memory_space<hbm>>
      %dma_start3A_722 = tpu.memref_slice %arg6[%add3A_720] : memref<4294967xi32, #tpu.memory_space<hbm>> -> memref<4096xi32, #tpu.memory_space<hbm>>
      tpu.enqueue_dma source(%dma_start3A_722 : memref<4096xi32, #tpu.memory_space<hbm>>) target(%arg15 : memref<4096xi32, #tpu.memory_space<vmem>>) target_semaphore(%arg32 : memref<!tpu.dma_semaphore, #tpu.memory_space<semaphore_mem>>)
      %dma_start3A_723 = tpu.memref_slice %arg7[%add3A_720] : memref<4294967xf32, #tpu.memory_space<hbm>> -> memref<4096xf32, #tpu.memory_space<hbm>>
      %dma_start3A_724 = tpu.memref_slice %arg7[%add3A_720] : memref<4294967xf32, #tpu.memory_space<hbm>> -> memref<4096xf32, #tpu.memory_space<hbm>>
      tpu.enqueue_dma source(%dma_start3A_724 : memref<4096xf32, #tpu.memory_space<hbm>>) target(%arg17 : memref<4096xf32, #tpu.memory_space<vmem>>) target_semaphore(%arg32 : memref<!tpu.dma_semaphore, #tpu.memory_space<semaphore_mem>>)
      %dma_start3A_725 = tpu.memref_slice %arg8[%add3A_720] : memref<4294967xi32, #tpu.memory_space<hbm>> -> memref<4096xi32, #tpu.memory_space<hbm>>
      %dma_start3A_726 = tpu.memref_slice %arg8[%add3A_720] : memref<4294967xi32, #tpu.memory_space<hbm>> -> memref<4096xi32, #tpu.memory_space<hbm>>
      tpu.enqueue_dma source(%dma_start3A_726 : memref<4096xi32, #tpu.memory_space<hbm>>) target(%arg21 : memref<4096xi32, #tpu.memory_space<vmem>>) target_semaphore(%arg32 : memref<!tpu.dma_semaphore, #tpu.memory_space<semaphore_mem>>)
      %parallel_loop3A_727 = arith.constant 0 : i32
      %parallel_loop3A_728 = arith.constant 256 : i32
      %parallel_loop3A_729 = arith.constant 1 : i32
      scf.for %parallel_loop3A_799 = %parallel_loop3A_727 to %parallel_loop3A_728 step %parallel_loop3A_729  : i32 {
        %parallel_loop3A_800 = arith.constant 16 : i32
        %parallel_loop3A_801 = arith.muli %parallel_loop3A_799, %parallel_loop3A_800 : i32
        %parallel_loop3A_802 = arith.index_cast %parallel_loop3A_801 : i32 to index
        %parallel_loop3A_803 = tpu.vector_load %arg16[%parallel_loop3A_802] {strides = array<i32>} : memref<4096xi32, #tpu.memory_space<vmem>>, vector<16xi32>,
        %parallel_loop3A_804 = tpu.vector_load_idx %arg14[%parallel_loop3A_803] : memref<65536xf32, #tpu.memory_space<vmem>>[vector<16xi32>], vector<16xf32>,
        %parallel_loop3A_805 = arith.constant 16 : i32
        %parallel_loop3A_806 = arith.muli %parallel_loop3A_799, %parallel_loop3A_805 : i32
        %parallel_loop3A_807 = arith.index_cast %parallel_loop3A_806 : i32 to index
        %parallel_loop3A_808 = tpu.vector_load %arg18[%parallel_loop3A_807] {strides = array<i32>} : memref<4096xf32, #tpu.memory_space<vmem>>, vector<16xf32>,
        %parallel_loop3A_809 = arith.mulf %parallel_loop3A_804, %parallel_loop3A_808 : vector<16xf32>
        %parallel_loop3A_810 = arith.constant 16 : i32
        %parallel_loop3A_811 = arith.muli %parallel_loop3A_799, %parallel_loop3A_810 : i32
        %parallel_loop3A_812 = arith.index_cast %parallel_loop3A_811 : i32 to index
        %parallel_loop3A_813 = tpu.vector_load %arg20[%parallel_loop3A_812] {strides = array<i32>} : memref<4096xf32, #tpu.memory_space<vmem>>, vector<16xf32>,
        tpu.vector_store %arg20[%parallel_loop3A_812], %parallel_loop3A_809 {strides = array<i32>} : memref<4096xf32, #tpu.memory_space<vmem>>, vector<16xf32>,
      } {sc.loop_unroll_factor = 8 : i64, sc.parallel_access}
      %dma_start3A_730 = arith.constant 0 : i32
      %dma_start3A_731 = tpu.memref_slice %arg31[%dma_start3A_730] : memref<65536xf32, #tpu.memory_space<vmem_shared>> -> memref<65536xf32, #tpu.memory_space<vmem_shared>>
      tpu.enqueue_indirect_dma source(%arg20 : memref<4096xf32, #tpu.memory_space<vmem>>) target(%dma_start3A_731 : memref<65536xf32, #tpu.memory_space<vmem_shared>>) offsets(%arg22 : memref<4096xi32, #tpu.memory_space<vmem>>) semaphore(%arg35 : memref<!tpu.dma_semaphore, #tpu.memory_space<semaphore_mem>>) {add = true}
      %add3A_732 = arith.constant 122880 : i32
      %add3A_733 = arith.addi %mul3A_36, %add3A_732 : i32
      %dma_wait3A_734 = tpu.memref_slice %arg6[%add3A_733] : memref<4294967xi32, #tpu.memory_space<hbm>> -> memref<4096xi32, #tpu.memory_space<hbm>>
      %dma_wait3A_735 = tpu.memref_slice %arg6[%add3A_733] : memref<4294967xi32, #tpu.memory_space<hbm>> -> memref<4096xi32, #tpu.memory_space<hbm>>
      tpu.wait_dma2 semaphore(%arg32 : memref<!tpu.dma_semaphore, #tpu.memory_space<semaphore_mem>>) src(%dma_wait3A_735 : memref<4096xi32, #tpu.memory_space<hbm>>) dst(%arg15 : memref<4096xi32, #tpu.memory_space<vmem>>)
      %dma_wait3A_736 = tpu.memref_slice %arg7[%add3A_733] : memref<4294967xf32, #tpu.memory_space<hbm>> -> memref<4096xf32, #tpu.memory_space<hbm>>
      %dma_wait3A_737 = tpu.memref_slice %arg7[%add3A_733] : memref<4294967xf32, #tpu.memory_space<hbm>> -> memref<4096xf32, #tpu.memory_space<hbm>>
      tpu.wait_dma2 semaphore(%arg32 : memref<!tpu.dma_semaphore, #tpu.memory_space<semaphore_mem>>) src(%dma_wait3A_737 : memref<4096xf32, #tpu.memory_space<hbm>>) dst(%arg17 : memref<4096xf32, #tpu.memory_space<vmem>>)
      %dma_wait3A_738 = tpu.memref_slice %arg8[%add3A_733] : memref<4294967xi32, #tpu.memory_space<hbm>> -> memref<4096xi32, #tpu.memory_space<hbm>>
      %dma_wait3A_739 = tpu.memref_slice %arg8[%add3A_733] : memref<4294967xi32, #tpu.memory_space<hbm>> -> memref<4096xi32, #tpu.memory_space<hbm>>
      tpu.wait_dma2 semaphore(%arg32 : memref<!tpu.dma_semaphore, #tpu.memory_space<semaphore_mem>>) src(%dma_wait3A_739 : memref<4096xi32, #tpu.memory_space<hbm>>) dst(%arg21 : memref<4096xi32, #tpu.memory_space<vmem>>)
      %dma_wait3A_740 = arith.constant 0 : i32
      %dma_wait3A_741 = tpu.memref_slice %arg31[%dma_wait3A_740] : memref<65536xf32, #tpu.memory_space<vmem_shared>> -> memref<65536xf32, #tpu.memory_space<vmem_shared>>
      tpu.wait_indirect_dma semaphore(%arg35 : memref<!tpu.dma_semaphore, #tpu.memory_space<semaphore_mem>>) src(%arg20 : memref<4096xf32, #tpu.memory_space<vmem>>) dst(%dma_wait3A_741 : memref<65536xf32, #tpu.memory_space<vmem_shared>>)
      %add3A_742 = arith.constant 126976 : i32
      %add3A_743 = arith.addi %mul3A_36, %add3A_742 : i32
      %dma_start3A_744 = tpu.memref_slice %arg6[%add3A_743] : memref<4294967xi32, #tpu.memory_space<hbm>> -> memref<4096xi32, #tpu.memory_space<hbm>>
      %dma_start3A_745 = tpu.memref_slice %arg6[%add3A_743] : memref<4294967xi32, #tpu.memory_space<hbm>> -> memref<4096xi32, #tpu.memory_space<hbm>>
      tpu.enqueue_dma source(%dma_start3A_745 : memref<4096xi32, #tpu.memory_space<hbm>>) target(%arg16 : memref<4096xi32, #tpu.memory_space<vmem>>) target_semaphore(%arg33 : memref<!tpu.dma_semaphore, #tpu.memory_space<semaphore_mem>>)
      %dma_start3A_746 = tpu.memref_slice %arg7[%add3A_743] : memref<4294967xf32, #tpu.memory_space<hbm>> -> memref<4096xf32, #tpu.memory_space<hbm>>
      %dma_start3A_747 = tpu.memref_slice %arg7[%add3A_743] : memref<4294967xf32, #tpu.memory_space<hbm>> -> memref<4096xf32, #tpu.memory_space<hbm>>
      tpu.enqueue_dma source(%dma_start3A_747 : memref<4096xf32, #tpu.memory_space<hbm>>) target(%arg18 : memref<4096xf32, #tpu.memory_space<vmem>>) target_semaphore(%arg33 : memref<!tpu.dma_semaphore, #tpu.memory_space<semaphore_mem>>)
      %dma_start3A_748 = tpu.memref_slice %arg8[%add3A_743] : memref<4294967xi32, #tpu.memory_space<hbm>> -> memref<4096xi32, #tpu.memory_space<hbm>>
      %dma_start3A_749 = tpu.memref_slice %arg8[%add3A_743] : memref<4294967xi32, #tpu.memory_space<hbm>> -> memref<4096xi32, #tpu.memory_space<hbm>>
      tpu.enqueue_dma source(%dma_start3A_749 : memref<4096xi32, #tpu.memory_space<hbm>>) target(%arg22 : memref<4096xi32, #tpu.memory_space<vmem>>) target_semaphore(%arg33 : memref<!tpu.dma_semaphore, #tpu.memory_space<semaphore_mem>>)
      %parallel_loop3A_750 = arith.constant 0 : i32
      %parallel_loop3A_751 = arith.constant 256 : i32
      %parallel_loop3A_752 = arith.constant 1 : i32
      scf.for %parallel_loop3A_799 = %parallel_loop3A_750 to %parallel_loop3A_751 step %parallel_loop3A_752  : i32 {
        %parallel_loop3A_800 = arith.constant 16 : i32
        %parallel_loop3A_801 = arith.muli %parallel_loop3A_799, %parallel_loop3A_800 : i32
        %parallel_loop3A_802 = arith.index_cast %parallel_loop3A_801 : i32 to index
        %parallel_loop3A_803 = tpu.vector_load %arg15[%parallel_loop3A_802] {strides = array<i32>} : memref<4096xi32, #tpu.memory_space<vmem>>, vector<16xi32>,
        %parallel_loop3A_804 = tpu.vector_load_idx %arg14[%parallel_loop3A_803] : memref<65536xf32, #tpu.memory_space<vmem>>[vector<16xi32>], vector<16xf32>,
        %parallel_loop3A_805 = arith.constant 16 : i32
        %parallel_loop3A_806 = arith.muli %parallel_loop3A_799, %parallel_loop3A_805 : i32
        %parallel_loop3A_807 = arith.index_cast %parallel_loop3A_806 : i32 to index
        %parallel_loop3A_808 = tpu.vector_load %arg17[%parallel_loop3A_807] {strides = array<i32>} : memref<4096xf32, #tpu.memory_space<vmem>>, vector<16xf32>,
        %parallel_loop3A_809 = arith.mulf %parallel_loop3A_804, %parallel_loop3A_808 : vector<16xf32>
        %parallel_loop3A_810 = arith.constant 16 : i32
        %parallel_loop3A_811 = arith.muli %parallel_loop3A_799, %parallel_loop3A_810 : i32
        %parallel_loop3A_812 = arith.index_cast %parallel_loop3A_811 : i32 to index
        %parallel_loop3A_813 = tpu.vector_load %arg19[%parallel_loop3A_812] {strides = array<i32>} : memref<4096xf32, #tpu.memory_space<vmem>>, vector<16xf32>,
        tpu.vector_store %arg19[%parallel_loop3A_812], %parallel_loop3A_809 {strides = array<i32>} : memref<4096xf32, #tpu.memory_space<vmem>>, vector<16xf32>,
      } {sc.loop_unroll_factor = 8 : i64, sc.parallel_access}
      %dma_start3A_753 = arith.constant 0 : i32
      %dma_start3A_754 = tpu.memref_slice %arg31[%dma_start3A_753] : memref<65536xf32, #tpu.memory_space<vmem_shared>> -> memref<65536xf32, #tpu.memory_space<vmem_shared>>
      tpu.enqueue_indirect_dma source(%arg19 : memref<4096xf32, #tpu.memory_space<vmem>>) target(%dma_start3A_754 : memref<65536xf32, #tpu.memory_space<vmem_shared>>) offsets(%arg21 : memref<4096xi32, #tpu.memory_space<vmem>>) semaphore(%arg34 : memref<!tpu.dma_semaphore, #tpu.memory_space<semaphore_mem>>) {add = true}
      %add3A_755 = arith.constant 126976 : i32
      %add3A_756 = arith.addi %mul3A_36, %add3A_755 : i32
      %dma_wait3A_757 = tpu.memref_slice %arg6[%add3A_756] : memref<4294967xi32, #tpu.memory_space<hbm>> -> memref<4096xi32, #tpu.memory_space<hbm>>
      %dma_wait3A_758 = tpu.memref_slice %arg6[%add3A_756] : memref<4294967xi32, #tpu.memory_space<hbm>> -> memref<4096xi32, #tpu.memory_space<hbm>>
      tpu.wait_dma2 semaphore(%arg33 : memref<!tpu.dma_semaphore, #tpu.memory_space<semaphore_mem>>) src(%dma_wait3A_758 : memref<4096xi32, #tpu.memory_space<hbm>>) dst(%arg16 : memref<4096xi32, #tpu.memory_space<vmem>>)
      %dma_wait3A_759 = tpu.memref_slice %arg7[%add3A_756] : memref<4294967xf32, #tpu.memory_space<hbm>> -> memref<4096xf32, #tpu.memory_space<hbm>>
      %dma_wait3A_760 = tpu.memref_slice %arg7[%add3A_756] : memref<4294967xf32, #tpu.memory_space<hbm>> -> memref<4096xf32, #tpu.memory_space<hbm>>
      tpu.wait_dma2 semaphore(%arg33 : memref<!tpu.dma_semaphore, #tpu.memory_space<semaphore_mem>>) src(%dma_wait3A_760 : memref<4096xf32, #tpu.memory_space<hbm>>) dst(%arg18 : memref<4096xf32, #tpu.memory_space<vmem>>)
      %dma_wait3A_761 = tpu.memref_slice %arg8[%add3A_756] : memref<4294967xi32, #tpu.memory_space<hbm>> -> memref<4096xi32, #tpu.memory_space<hbm>>
      %dma_wait3A_762 = tpu.memref_slice %arg8[%add3A_756] : memref<4294967xi32, #tpu.memory_space<hbm>> -> memref<4096xi32, #tpu.memory_space<hbm>>
      tpu.wait_dma2 semaphore(%arg33 : memref<!tpu.dma_semaphore, #tpu.memory_space<semaphore_mem>>) src(%dma_wait3A_762 : memref<4096xi32, #tpu.memory_space<hbm>>) dst(%arg22 : memref<4096xi32, #tpu.memory_space<vmem>>)
      %dma_wait3A_763 = arith.constant 0 : i32
      %dma_wait3A_764 = tpu.memref_slice %arg31[%dma_wait3A_763] : memref<65536xf32, #tpu.memory_space<vmem_shared>> -> memref<65536xf32, #tpu.memory_space<vmem_shared>>
      tpu.wait_indirect_dma semaphore(%arg34 : memref<!tpu.dma_semaphore, #tpu.memory_space<semaphore_mem>>) src(%arg19 : memref<4096xf32, #tpu.memory_space<vmem>>) dst(%dma_wait3A_764 : memref<65536xf32, #tpu.memory_space<vmem_shared>>)
      %mul3A_765 = arith.constant 4096 : i32
      %mul3A_766 = arith.muli %add3A, %mul3A_765 : i32
      %dma_start3A_767 = tpu.memref_slice %arg9[%mul3A_766] : memref<131072xi32, #tpu.memory_space<hbm>> -> memref<4096xi32, #tpu.memory_space<hbm>>
      %dma_start3A_768 = tpu.memref_slice %arg9[%mul3A_766] : memref<131072xi32, #tpu.memory_space<hbm>> -> memref<4096xi32, #tpu.memory_space<hbm>>
      tpu.enqueue_dma source(%dma_start3A_768 : memref<4096xi32, #tpu.memory_space<hbm>>) target(%arg15 : memref<4096xi32, #tpu.memory_space<vmem>>) target_semaphore(%arg32 : memref<!tpu.dma_semaphore, #tpu.memory_space<semaphore_mem>>)
      %dma_start3A_769 = tpu.memref_slice %arg10[%mul3A_766] : memref<131072xf32, #tpu.memory_space<hbm>> -> memref<4096xf32, #tpu.memory_space<hbm>>
      %dma_start3A_770 = tpu.memref_slice %arg10[%mul3A_766] : memref<131072xf32, #tpu.memory_space<hbm>> -> memref<4096xf32, #tpu.memory_space<hbm>>
      tpu.enqueue_dma source(%dma_start3A_770 : memref<4096xf32, #tpu.memory_space<hbm>>) target(%arg17 : memref<4096xf32, #tpu.memory_space<vmem>>) target_semaphore(%arg32 : memref<!tpu.dma_semaphore, #tpu.memory_space<semaphore_mem>>)
      %dma_start3A_771 = tpu.memref_slice %arg11[%mul3A_766] : memref<131072xi32, #tpu.memory_space<hbm>> -> memref<4096xi32, #tpu.memory_space<hbm>>
      %dma_start3A_772 = tpu.memref_slice %arg11[%mul3A_766] : memref<131072xi32, #tpu.memory_space<hbm>> -> memref<4096xi32, #tpu.memory_space<hbm>>
      tpu.enqueue_dma source(%dma_start3A_772 : memref<4096xi32, #tpu.memory_space<hbm>>) target(%arg21 : memref<4096xi32, #tpu.memory_space<vmem>>) target_semaphore(%arg32 : memref<!tpu.dma_semaphore, #tpu.memory_space<semaphore_mem>>)
      %parallel_loop3A_773 = arith.constant 0 : i32
      %parallel_loop3A_774 = arith.constant 256 : i32
      %parallel_loop3A_775 = arith.constant 1 : i32
      scf.for %parallel_loop3A_799 = %parallel_loop3A_773 to %parallel_loop3A_774 step %parallel_loop3A_775  : i32 {
        %parallel_loop3A_800 = arith.constant 16 : i32
        %parallel_loop3A_801 = arith.muli %parallel_loop3A_799, %parallel_loop3A_800 : i32
        %parallel_loop3A_802 = arith.index_cast %parallel_loop3A_801 : i32 to index
        %parallel_loop3A_803 = tpu.vector_load %arg16[%parallel_loop3A_802] {strides = array<i32>} : memref<4096xi32, #tpu.memory_space<vmem>>, vector<16xi32>,
        %parallel_loop3A_804 = tpu.vector_load_idx %arg14[%parallel_loop3A_803] : memref<65536xf32, #tpu.memory_space<vmem>>[vector<16xi32>], vector<16xf32>,
        %parallel_loop3A_805 = arith.constant 16 : i32
        %parallel_loop3A_806 = arith.muli %parallel_loop3A_799, %parallel_loop3A_805 : i32
        %parallel_loop3A_807 = arith.index_cast %parallel_loop3A_806 : i32 to index
        %parallel_loop3A_808 = tpu.vector_load %arg18[%parallel_loop3A_807] {strides = array<i32>} : memref<4096xf32, #tpu.memory_space<vmem>>, vector<16xf32>,
        %parallel_loop3A_809 = arith.mulf %parallel_loop3A_804, %parallel_loop3A_808 : vector<16xf32>
        %parallel_loop3A_810 = arith.constant 16 : i32
        %parallel_loop3A_811 = arith.muli %parallel_loop3A_799, %parallel_loop3A_810 : i32
        %parallel_loop3A_812 = arith.index_cast %parallel_loop3A_811 : i32 to index
        %parallel_loop3A_813 = tpu.vector_load %arg20[%parallel_loop3A_812] {strides = array<i32>} : memref<4096xf32, #tpu.memory_space<vmem>>, vector<16xf32>,
        tpu.vector_store %arg20[%parallel_loop3A_812], %parallel_loop3A_809 {strides = array<i32>} : memref<4096xf32, #tpu.memory_space<vmem>>, vector<16xf32>,
      } {sc.loop_unroll_factor = 8 : i64, sc.parallel_access}
      %dma_start3A_776 = arith.constant 0 : i32
      %dma_start3A_777 = tpu.memref_slice %arg31[%dma_start3A_776] : memref<65536xf32, #tpu.memory_space<vmem_shared>> -> memref<65536xf32, #tpu.memory_space<vmem_shared>>
      tpu.enqueue_indirect_dma source(%arg20 : memref<4096xf32, #tpu.memory_space<vmem>>) target(%dma_start3A_777 : memref<65536xf32, #tpu.memory_space<vmem_shared>>) offsets(%arg22 : memref<4096xi32, #tpu.memory_space<vmem>>) semaphore(%arg35 : memref<!tpu.dma_semaphore, #tpu.memory_space<semaphore_mem>>) {add = true}
      %mul3A_778 = arith.constant 4096 : i32
      %mul3A_779 = arith.muli %add3A, %mul3A_778 : i32
      %dma_wait3A_780 = tpu.memref_slice %arg9[%mul3A_779] : memref<131072xi32, #tpu.memory_space<hbm>> -> memref<4096xi32, #tpu.memory_space<hbm>>
      %dma_wait3A_781 = tpu.memref_slice %arg9[%mul3A_779] : memref<131072xi32, #tpu.memory_space<hbm>> -> memref<4096xi32, #tpu.memory_space<hbm>>
      tpu.wait_dma2 semaphore(%arg32 : memref<!tpu.dma_semaphore, #tpu.memory_space<semaphore_mem>>) src(%dma_wait3A_781 : memref<4096xi32, #tpu.memory_space<hbm>>) dst(%arg15 : memref<4096xi32, #tpu.memory_space<vmem>>)
      %dma_wait3A_782 = tpu.memref_slice %arg10[%mul3A_779] : memref<131072xf32, #tpu.memory_space<hbm>> -> memref<4096xf32, #tpu.memory_space<hbm>>
      %dma_wait3A_783 = tpu.memref_slice %arg10[%mul3A_779] : memref<131072xf32, #tpu.memory_space<hbm>> -> memref<4096xf32, #tpu.memory_space<hbm>>
      tpu.wait_dma2 semaphore(%arg32 : memref<!tpu.dma_semaphore, #tpu.memory_space<semaphore_mem>>) src(%dma_wait3A_783 : memref<4096xf32, #tpu.memory_space<hbm>>) dst(%arg17 : memref<4096xf32, #tpu.memory_space<vmem>>)
      %dma_wait3A_784 = tpu.memref_slice %arg11[%mul3A_779] : memref<131072xi32, #tpu.memory_space<hbm>> -> memref<4096xi32, #tpu.memory_space<hbm>>
      %dma_wait3A_785 = tpu.memref_slice %arg11[%mul3A_779] : memref<131072xi32, #tpu.memory_space<hbm>> -> memref<4096xi32, #tpu.memory_space<hbm>>
      tpu.wait_dma2 semaphore(%arg32 : memref<!tpu.dma_semaphore, #tpu.memory_space<semaphore_mem>>) src(%dma_wait3A_785 : memref<4096xi32, #tpu.memory_space<hbm>>) dst(%arg21 : memref<4096xi32, #tpu.memory_space<vmem>>)
      %dma_wait3A_786 = arith.constant 0 : i32
      %dma_wait3A_787 = tpu.memref_slice %arg31[%dma_wait3A_786] : memref<65536xf32, #tpu.memory_space<vmem_shared>> -> memref<65536xf32, #tpu.memory_space<vmem_shared>>
      tpu.wait_indirect_dma semaphore(%arg35 : memref<!tpu.dma_semaphore, #tpu.memory_space<semaphore_mem>>) src(%arg20 : memref<4096xf32, #tpu.memory_space<vmem>>) dst(%dma_wait3A_787 : memref<65536xf32, #tpu.memory_space<vmem_shared>>)
      %parallel_loop3A_788 = arith.constant 0 : i32
      %parallel_loop3A_789 = arith.constant 256 : i32
      %parallel_loop3A_790 = arith.constant 1 : i32
      scf.for %parallel_loop3A_799 = %parallel_loop3A_788 to %parallel_loop3A_789 step %parallel_loop3A_790  : i32 {
        %parallel_loop3A_800 = arith.constant 16 : i32
        %parallel_loop3A_801 = arith.muli %parallel_loop3A_799, %parallel_loop3A_800 : i32
        %parallel_loop3A_802 = arith.index_cast %parallel_loop3A_801 : i32 to index
        %parallel_loop3A_803 = tpu.vector_load %arg15[%parallel_loop3A_802] {strides = array<i32>} : memref<4096xi32, #tpu.memory_space<vmem>>, vector<16xi32>,
        %parallel_loop3A_804 = tpu.vector_load_idx %arg14[%parallel_loop3A_803] : memref<65536xf32, #tpu.memory_space<vmem>>[vector<16xi32>], vector<16xf32>,
        %parallel_loop3A_805 = arith.constant 16 : i32
        %parallel_loop3A_806 = arith.muli %parallel_loop3A_799, %parallel_loop3A_805 : i32
        %parallel_loop3A_807 = arith.index_cast %parallel_loop3A_806 : i32 to index
        %parallel_loop3A_808 = tpu.vector_load %arg17[%parallel_loop3A_807] {strides = array<i32>} : memref<4096xf32, #tpu.memory_space<vmem>>, vector<16xf32>,
        %parallel_loop3A_809 = arith.mulf %parallel_loop3A_804, %parallel_loop3A_808 : vector<16xf32>
        %parallel_loop3A_810 = arith.constant 16 : i32
        %parallel_loop3A_811 = arith.muli %parallel_loop3A_799, %parallel_loop3A_810 : i32
        %parallel_loop3A_812 = arith.index_cast %parallel_loop3A_811 : i32 to index
        %parallel_loop3A_813 = tpu.vector_load %arg19[%parallel_loop3A_812] {strides = array<i32>} : memref<4096xf32, #tpu.memory_space<vmem>>, vector<16xf32>,
        tpu.vector_store %arg19[%parallel_loop3A_812], %parallel_loop3A_809 {strides = array<i32>} : memref<4096xf32, #tpu.memory_space<vmem>>, vector<16xf32>,
      } {sc.loop_unroll_factor = 8 : i64, sc.parallel_access}
      %dma_start3A_791 = arith.constant 0 : i32
      %dma_start3A_792 = tpu.memref_slice %arg31[%dma_start3A_791] : memref<65536xf32, #tpu.memory_space<vmem_shared>> -> memref<65536xf32, #tpu.memory_space<vmem_shared>>
      tpu.enqueue_indirect_dma source(%arg19 : memref<4096xf32, #tpu.memory_space<vmem>>) target(%dma_start3A_792 : memref<65536xf32, #tpu.memory_space<vmem_shared>>) offsets(%arg21 : memref<4096xi32, #tpu.memory_space<vmem>>) semaphore(%arg34 : memref<!tpu.dma_semaphore, #tpu.memory_space<semaphore_mem>>) {add = true}
      %dma_wait3A_793 = arith.constant 0 : i32
      %dma_wait3A_794 = tpu.memref_slice %arg31[%dma_wait3A_793] : memref<65536xf32, #tpu.memory_space<vmem_shared>> -> memref<65536xf32, #tpu.memory_space<vmem_shared>>
      tpu.wait_indirect_dma semaphore(%arg34 : memref<!tpu.dma_semaphore, #tpu.memory_space<semaphore_mem>>) src(%arg19 : memref<4096xf32, #tpu.memory_space<vmem>>) dst(%dma_wait3A_794 : memref<65536xf32, #tpu.memory_space<vmem_shared>>)
      %barrier3A_795 = arith.constant 0 : index
      tpu.barrier barrier_id(%barrier3A_795)
      %lt3A = arith.constant 2 : i32
      %lt3A_796 = arith.cmpi slt, %scan3A_33, %lt3A : i32
      %convert_element_type3A = arith.extui %lt3A_796 : i1 to i32
      %cond3A = arith.constant 0 : i32
      %cond3A_797 = arith.cmpi ne, %convert_element_type3A, %cond3A : i32
      scf.if %cond3A_797 {
        %mul3A_799 = arith.constant 4096 : i32
        %mul3A_800 = arith.muli %arg1, %mul3A_799 : i32
        %mul3A_801 = arith.constant 4096 : i32
        %mul3A_802 = arith.muli %arg1, %mul3A_801 : i32
        "tpu.region"() ({
          %run_scoped3A = tpu.sem_alloc : memref<!tpu.dma_semaphore, #tpu.memory_space<semaphore_mem>>
          %dma_start3A_818 = arith.constant 0 : i32
          %dma_start3A_819 = tpu.memref_slice %arg13[%arg0, %dma_start3A_818] : memref<2x65536xf32, #tpu.memory_space<hbm>> -> memref<1x65536xf32, #tpu.memory_space<hbm>>
          %dma_start3A_820 = tpu.memref_squeeze %dma_start3A_819 : memref<1x65536xf32, #tpu.memory_space<hbm>> -> memref<65536xf32, #tpu.memory_space<hbm>>
          %dma_start3A_821 = tpu.memref_slice %dma_start3A_820[%mul3A_802] : memref<65536xf32, #tpu.memory_space<hbm>> -> memref<4096xf32, #tpu.memory_space<hbm>>
          %dma_start3A_822 = tpu.memref_slice %arg31[%mul3A_800] : memref<65536xf32, #tpu.memory_space<vmem_shared>> -> memref<4096xf32, #tpu.memory_space<vmem_shared>>
          tpu.enqueue_dma source(%dma_start3A_822 : memref<4096xf32, #tpu.memory_space<vmem_shared>>) target(%dma_start3A_821 : memref<4096xf32, #tpu.memory_space<hbm>>) target_semaphore(%run_scoped3A : memref<!tpu.dma_semaphore, #tpu.memory_space<semaphore_mem>>)
          %dma_wait3A_823 = arith.constant 0 : i32
          %dma_wait3A_824 = tpu.memref_slice %arg13[%arg0, %dma_wait3A_823] : memref<2x65536xf32, #tpu.memory_space<hbm>> -> memref<1x65536xf32, #tpu.memory_space<hbm>>
          %dma_wait3A_825 = tpu.memref_squeeze %dma_wait3A_824 : memref<1x65536xf32, #tpu.memory_space<hbm>> -> memref<65536xf32, #tpu.memory_space<hbm>>
          %dma_wait3A_826 = tpu.memref_slice %dma_wait3A_825[%mul3A_802] : memref<65536xf32, #tpu.memory_space<hbm>> -> memref<4096xf32, #tpu.memory_space<hbm>>
          %dma_wait3A_827 = tpu.memref_slice %arg31[%mul3A_800] : memref<65536xf32, #tpu.memory_space<vmem_shared>> -> memref<4096xf32, #tpu.memory_space<vmem_shared>>
          tpu.wait_dma2 semaphore(%run_scoped3A : memref<!tpu.dma_semaphore, #tpu.memory_space<semaphore_mem>>) src(%dma_wait3A_827 : memref<4096xf32, #tpu.memory_space<vmem_shared>>) dst(%dma_wait3A_826 : memref<4096xf32, #tpu.memory_space<hbm>>)
          tpu.yield
        }) : () -> ()
        %barrier3A_803 = arith.constant 0 : index
        tpu.barrier barrier_id(%barrier3A_803)
        %ne3A = arith.constant 0 : i32
        "tpu.trace_start"() <{level = 10 : i32, message = "sync_cores"}> : () -> ()
        %ne3A_804 = arith.cmpi ne, %arg0, %ne3A : i32
        %convert_element_type3A_805 = arith.extui %ne3A_804 : i1 to i32
        %cond3A_806 = arith.constant 0 : i32
        %cond3A_807 = arith.cmpi ne, %convert_element_type3A_805, %cond3A_806 : i32
        scf.if %cond3A_807 {
          %semaphore_signal3A = arith.constant 1 : i32
          %semaphore_signal3A_818 = arith.constant 0 : i32
          tpu.sem_signal %arg36, %semaphore_signal3A core_id %semaphore_signal3A_818 : memref<!tpu.semaphore, #tpu.memory_space<semaphore_mem>>
        } else {
        }
        %ne3A_808 = arith.constant 1 : i32
        %ne3A_809 = arith.cmpi ne, %arg0, %ne3A_808 : i32
        %convert_element_type3A_810 = arith.extui %ne3A_809 : i1 to i32
        %cond3A_811 = arith.constant 0 : i32
        %cond3A_812 = arith.cmpi ne, %convert_element_type3A_810, %cond3A_811 : i32
        scf.if %cond3A_812 {
          %semaphore_signal3A = arith.constant 1 : i32
          %semaphore_signal3A_818 = arith.constant 1 : i32
          tpu.sem_signal %arg36, %semaphore_signal3A core_id %semaphore_signal3A_818 : memref<!tpu.semaphore, #tpu.memory_space<semaphore_mem>>
        } else {
        }
        %semaphore_wait3A = arith.constant 1 : i32
        %semaphore_wait3A_813 = arith.constant true
        tpu.sem_wait %arg36, %semaphore_wait3A : memref<!tpu.semaphore, #tpu.memory_space<semaphore_mem>>
        "tpu.trace_stop"() : () -> ()
        %sub3A = arith.constant 1 : i32
        %sub3A_814 = arith.subi %sub3A, %arg0 : i32
        %mul3A_815 = arith.constant 4096 : i32
        %mul3A_816 = arith.muli %arg1, %mul3A_815 : i32
        "tpu.region"() ({
          %run_scoped3A = tpu.sem_alloc : memref<!tpu.dma_semaphore, #tpu.memory_space<semaphore_mem>>
          %dma_start3A_818 = arith.constant 0 : i32
          %dma_start3A_819 = tpu.memref_slice %arg13[%sub3A_814, %dma_start3A_818] : memref<2x65536xf32, #tpu.memory_space<hbm>> -> memref<1x65536xf32, #tpu.memory_space<hbm>>
          %dma_start3A_820 = tpu.memref_squeeze %dma_start3A_819 : memref<1x65536xf32, #tpu.memory_space<hbm>> -> memref<65536xf32, #tpu.memory_space<hbm>>
          %dma_start3A_821 = tpu.memref_slice %dma_start3A_820[%mul3A_816] : memref<65536xf32, #tpu.memory_space<hbm>> -> memref<4096xf32, #tpu.memory_space<hbm>>
          %dma_start3A_822 = arith.constant 0 : i32
          %dma_start3A_823 = tpu.memref_slice %arg13[%sub3A_814, %dma_start3A_822] : memref<2x65536xf32, #tpu.memory_space<hbm>> -> memref<1x65536xf32, #tpu.memory_space<hbm>>
          %dma_start3A_824 = tpu.memref_squeeze %dma_start3A_823 : memref<1x65536xf32, #tpu.memory_space<hbm>> -> memref<65536xf32, #tpu.memory_space<hbm>>
          %dma_start3A_825 = tpu.memref_slice %dma_start3A_824[%mul3A_816] : memref<65536xf32, #tpu.memory_space<hbm>> -> memref<4096xf32, #tpu.memory_space<hbm>>
          tpu.enqueue_dma source(%dma_start3A_825 : memref<4096xf32, #tpu.memory_space<hbm>>) target(%arg29 : memref<4096xf32, #tpu.memory_space<vmem>>) target_semaphore(%run_scoped3A : memref<!tpu.dma_semaphore, #tpu.memory_space<semaphore_mem>>)
          %dma_wait3A_826 = arith.constant 0 : i32
          %dma_wait3A_827 = tpu.memref_slice %arg13[%sub3A_814, %dma_wait3A_826] : memref<2x65536xf32, #tpu.memory_space<hbm>> -> memref<1x65536xf32, #tpu.memory_space<hbm>>
          %dma_wait3A_828 = tpu.memref_squeeze %dma_wait3A_827 : memref<1x65536xf32, #tpu.memory_space<hbm>> -> memref<65536xf32, #tpu.memory_space<hbm>>
          %dma_wait3A_829 = tpu.memref_slice %dma_wait3A_828[%mul3A_816] : memref<65536xf32, #tpu.memory_space<hbm>> -> memref<4096xf32, #tpu.memory_space<hbm>>
          %dma_wait3A_830 = arith.constant 0 : i32
          %dma_wait3A_831 = tpu.memref_slice %arg13[%sub3A_814, %dma_wait3A_830] : memref<2x65536xf32, #tpu.memory_space<hbm>> -> memref<1x65536xf32, #tpu.memory_space<hbm>>
          %dma_wait3A_832 = tpu.memref_squeeze %dma_wait3A_831 : memref<1x65536xf32, #tpu.memory_space<hbm>> -> memref<65536xf32, #tpu.memory_space<hbm>>
          %dma_wait3A_833 = tpu.memref_slice %dma_wait3A_832[%mul3A_816] : memref<65536xf32, #tpu.memory_space<hbm>> -> memref<4096xf32, #tpu.memory_space<hbm>>
          tpu.wait_dma2 semaphore(%run_scoped3A : memref<!tpu.dma_semaphore, #tpu.memory_space<semaphore_mem>>) src(%dma_wait3A_833 : memref<4096xf32, #tpu.memory_space<hbm>>) dst(%arg29 : memref<4096xf32, #tpu.memory_space<vmem>>)
          tpu.yield
        }) : () -> ()
        "tpu.region"() ({
          %run_scoped3A = tpu.sem_alloc : memref<!tpu.dma_semaphore, #tpu.memory_space<semaphore_mem>>
          %dma_start3A_818 = arith.constant 0 : i32
          %dma_start3A_819 = tpu.memref_slice %arg31[%dma_start3A_818] : memref<65536xf32, #tpu.memory_space<vmem_shared>> -> memref<65536xf32, #tpu.memory_space<vmem_shared>>
          tpu.enqueue_indirect_dma source(%arg29 : memref<4096xf32, #tpu.memory_space<vmem>>) target(%dma_start3A_819 : memref<65536xf32, #tpu.memory_space<vmem_shared>>) offsets(%arg30 : memref<4096xi32, #tpu.memory_space<vmem>>) semaphore(%run_scoped3A : memref<!tpu.dma_semaphore, #tpu.memory_space<semaphore_mem>>) {add = true}
          %dma_wait3A_820 = arith.constant 0 : i32
          %dma_wait3A_821 = tpu.memref_slice %arg31[%dma_wait3A_820] : memref<65536xf32, #tpu.memory_space<vmem_shared>> -> memref<65536xf32, #tpu.memory_space<vmem_shared>>
          tpu.wait_indirect_dma semaphore(%run_scoped3A : memref<!tpu.dma_semaphore, #tpu.memory_space<semaphore_mem>>) src(%arg29 : memref<4096xf32, #tpu.memory_space<vmem>>) dst(%dma_wait3A_821 : memref<65536xf32, #tpu.memory_space<vmem_shared>>)
          tpu.yield
        }) : () -> ()
        %barrier3A_817 = arith.constant 0 : index
        tpu.barrier barrier_id(%barrier3A_817)
      } else {
      }
      %scan3A_798 = arith.constant 0 : i32
      scf.yield %scan3A_798 : i32
    }
    %scan3A_21 = arith.constant 3 : i32
    "tpu.region"() ({
      %run_scoped3A = tpu.sem_alloc : memref<!tpu.dma_semaphore, #tpu.memory_space<semaphore_mem>>
      tpu.enqueue_dma source(%arg31 : memref<65536xf32, #tpu.memory_space<vmem_shared>>) target(%arg14 : memref<65536xf32, #tpu.memory_space<vmem>>) target_semaphore(%run_scoped3A : memref<!tpu.dma_semaphore, #tpu.memory_space<semaphore_mem>>)
      tpu.wait_dma2 semaphore(%run_scoped3A : memref<!tpu.dma_semaphore, #tpu.memory_space<semaphore_mem>>) src(%arg31 : memref<65536xf32, #tpu.memory_space<vmem_shared>>) dst(%arg14 : memref<65536xf32, #tpu.memory_space<vmem>>)
      tpu.yield
    }) : () -> ()
    %mul3A_22 = arith.constant 256 : i32
    %mul3A_23 = arith.muli %arg1, %mul3A_22 : i32
    "tpu.region"() ({
      %run_scoped3A = tpu.sem_alloc : memref<!tpu.dma_semaphore, #tpu.memory_space<semaphore_mem>>
      %dma_start3A = tpu.memref_slice %arg4[%mul3A_23] : memref<4096xf32, #tpu.memory_space<hbm>> -> memref<256xf32, #tpu.memory_space<hbm>>
      %dma_start3A_33 = tpu.memref_slice %arg4[%mul3A_23] : memref<4096xf32, #tpu.memory_space<hbm>> -> memref<256xf32, #tpu.memory_space<hbm>>
      tpu.enqueue_dma source(%dma_start3A_33 : memref<256xf32, #tpu.memory_space<hbm>>) target(%arg25 : memref<256xf32, #tpu.memory_space<vmem>>) target_semaphore(%run_scoped3A : memref<!tpu.dma_semaphore, #tpu.memory_space<semaphore_mem>>)
      %dma_wait3A = tpu.memref_slice %arg4[%mul3A_23] : memref<4096xf32, #tpu.memory_space<hbm>> -> memref<256xf32, #tpu.memory_space<hbm>>
      %dma_wait3A_34 = tpu.memref_slice %arg4[%mul3A_23] : memref<4096xf32, #tpu.memory_space<hbm>> -> memref<256xf32, #tpu.memory_space<hbm>>
      tpu.wait_dma2 semaphore(%run_scoped3A : memref<!tpu.dma_semaphore, #tpu.memory_space<semaphore_mem>>) src(%dma_wait3A_34 : memref<256xf32, #tpu.memory_space<hbm>>) dst(%arg25 : memref<256xf32, #tpu.memory_space<vmem>>)
      tpu.yield
    }) : () -> ()
    %mul3A_24 = arith.constant 256 : i32
    %mul3A_25 = arith.muli %arg1, %mul3A_24 : i32
    "tpu.region"() ({
      %run_scoped3A = tpu.sem_alloc : memref<!tpu.dma_semaphore, #tpu.memory_space<semaphore_mem>>
      %dma_start3A = tpu.memref_slice %arg5[%mul3A_25] : memref<4096xi32, #tpu.memory_space<hbm>> -> memref<256xi32, #tpu.memory_space<hbm>>
      %dma_start3A_33 = tpu.memref_slice %arg5[%mul3A_25] : memref<4096xi32, #tpu.memory_space<hbm>> -> memref<256xi32, #tpu.memory_space<hbm>>
      tpu.enqueue_dma source(%dma_start3A_33 : memref<256xi32, #tpu.memory_space<hbm>>) target(%arg26 : memref<256xi32, #tpu.memory_space<vmem>>) target_semaphore(%run_scoped3A : memref<!tpu.dma_semaphore, #tpu.memory_space<semaphore_mem>>)
      %dma_wait3A = tpu.memref_slice %arg5[%mul3A_25] : memref<4096xi32, #tpu.memory_space<hbm>> -> memref<256xi32, #tpu.memory_space<hbm>>
      %dma_wait3A_34 = tpu.memref_slice %arg5[%mul3A_25] : memref<4096xi32, #tpu.memory_space<hbm>> -> memref<256xi32, #tpu.memory_space<hbm>>
      tpu.wait_dma2 semaphore(%run_scoped3A : memref<!tpu.dma_semaphore, #tpu.memory_space<semaphore_mem>>) src(%dma_wait3A_34 : memref<256xi32, #tpu.memory_space<hbm>>) dst(%arg26 : memref<256xi32, #tpu.memory_space<vmem>>)
      tpu.yield
    }) : () -> ()
    %scan3A_26 = arith.constant 0 : i32
    %scan3A_27 = arith.constant 16 : i32
    %scan3A_28 = arith.addi %scan3A_26, %scan3A_27 : i32
    %scan3A_29 = arith.constant 1 : i32
    %scan3A_30 = scf.for %scan3A_33 = %scan3A_26 to %scan3A_28 step %scan3A_29 iter_args(%scan3A_34 = %broadcast_in_dim3A_1) -> (vector<16xf32>)  : i32 {
      %mul3A_35 = arith.constant 16 : i32
      %mul3A_36 = arith.muli %scan3A_33, %mul3A_35 : i32
      %get3A = arith.index_cast %mul3A_36 : i32 to index
      %get3A_37 = tpu.vector_load %arg26[%get3A] {strides = array<i32>} : memref<256xi32, #tpu.memory_space<vmem>>, vector<16xi32>,
      %gather3A = tpu.vector_load_idx %arg14[%get3A_37] : memref<65536xf32, #tpu.memory_space<vmem>>[vector<16xi32>], vector<16xf32>,
      %mul3A_38 = arith.constant 16 : i32
      %mul3A_39 = arith.muli %scan3A_33, %mul3A_38 : i32
      %get3A_40 = arith.index_cast %mul3A_39 : i32 to index
      %get3A_41 = tpu.vector_load %arg25[%get3A_40] {strides = array<i32>} : memref<256xf32, #tpu.memory_space<vmem>>, vector<16xf32>,
      %mul3A_42 = arith.mulf %gather3A, %get3A_41 : vector<16xf32>
      %add3A_43 = arith.addf %scan3A_34, %mul3A_42 : vector<16xf32>
      scf.yield %add3A_43 : vector<16xf32>
    }
    %scan3A_31 = arith.constant 16 : i32
    %swap3A = arith.constant 0 : index
    %swap3A_32 = tpu.vector_load %arg27[%swap3A] {strides = array<i32>} : memref<16xf32, #tpu.memory_space<vmem>>, vector<16xf32>,
    tpu.vector_store %arg27[%swap3A], %scan3A_30 {strides = array<i32>} : memref<16xf32, #tpu.memory_space<vmem>>, vector<16xf32>,
    "tpu.region"() ({
      %run_scoped3A = tpu.sem_alloc : memref<!tpu.dma_semaphore, #tpu.memory_space<semaphore_mem>>
      %dma_start3A = arith.constant 0 : i32
      %dma_start3A_33 = tpu.memref_slice %arg12[%add3A, %dma_start3A] : memref<32x16xf32, #tpu.memory_space<hbm>> -> memref<1x16xf32, #tpu.memory_space<hbm>>
      %dma_start3A_34 = tpu.memref_squeeze %dma_start3A_33 : memref<1x16xf32, #tpu.memory_space<hbm>> -> memref<16xf32, #tpu.memory_space<hbm>>
      %dma_start3A_35 = arith.constant 0 : i32
      %dma_start3A_36 = tpu.memref_slice %arg12[%add3A, %dma_start3A_35] : memref<32x16xf32, #tpu.memory_space<hbm>> -> memref<1x16xf32, #tpu.memory_space<hbm>>
      %dma_start3A_37 = tpu.memref_squeeze %dma_start3A_36 : memref<1x16xf32, #tpu.memory_space<hbm>> -> memref<16xf32, #tpu.memory_space<hbm>>
      tpu.enqueue_dma source(%arg27 : memref<16xf32, #tpu.memory_space<vmem>>) target(%dma_start3A_37 : memref<16xf32, #tpu.memory_space<hbm>>) target_semaphore(%run_scoped3A : memref<!tpu.dma_semaphore, #tpu.memory_space<semaphore_mem>>)
      %dma_wait3A = arith.constant 0 : i32
      %dma_wait3A_38 = tpu.memref_slice %arg12[%add3A, %dma_wait3A] : memref<32x16xf32, #tpu.memory_space<hbm>> -> memref<1x16xf32, #tpu.memory_space<hbm>>
      %dma_wait3A_39 = tpu.memref_squeeze %dma_wait3A_38 : memref<1x16xf32, #tpu.memory_space<hbm>> -> memref<16xf32, #tpu.memory_space<hbm>>
      %dma_wait3A_40 = arith.constant 0 : i32
      %dma_wait3A_41 = tpu.memref_slice %arg12[%add3A, %dma_wait3A_40] : memref<32x16xf32, #tpu.memory_space<hbm>> -> memref<1x16xf32, #tpu.memory_space<hbm>>
      %dma_wait3A_42 = tpu.memref_squeeze %dma_wait3A_41 : memref<1x16xf32, #tpu.memory_space<hbm>> -> memref<16xf32, #tpu.memory_space<hbm>>
      tpu.wait_dma2 semaphore(%run_scoped3A : memref<!tpu.dma_semaphore, #tpu.memory_space<semaphore_mem>>) src(%arg27 : memref<16xf32, #tpu.memory_space<vmem>>) dst(%dma_wait3A_42 : memref<16xf32, #tpu.memory_space<hbm>>)
      tpu.yield
    }) : () -> ()
    return
  }
}

</mosaic_0001>

<sc_bundles>
// kernel: kernel.3.cloned.1.call-start
scs
__scs_entry_jumppad:
0x0: {  	(pc) =	sbr.rel $0x88, $3  }
0x1: {  	(tag) =	ssettag $0x0;
	lr =	simm.s32 $0x1  }
0x2: {  	[smem:$0x3F96] =	sst lr;
	_ =	strace $0xD0000000  }
0x3: {  	_ = 	snop  }
0x4: {  	_ = 	snop  }
0x5: {  	_ = 	snop  }
0x6: {  	_ = 	snop  }
0x7: {  	_ = 	snop  }
__scs_overlays_trampoline_lowered:
0x8: {  	[smem:$0x3FA5] =	sst s0  }
0x9: {  	[smem:$0x3FA6] =	sst s1  }
0xa: {  	[smem:$0x3FA7] =	sst s2  }
0xb: {  	[smem:$0x3FA8] =	sst s3  }
0xc: {  	[smem:$0x3FA9] =	sst s4  }
0xd: {  	[smem:$0x3FAA] =	sst s5  }
0xe: {  	[smem:$0x3FAB] =	sst s6  }
0xf: {  	[smem:$0x3FAC] =	sst s7  }
0x10: {  	[smem:$0x3FAD] =	sst s8  }
0x11: {  	[smem:$0x3FAE] =	sst s9;
	s0 =	simm.s32 @!p0 $0x0  }
0x12: {  	s1 =	sld [smem:$0x3F94];
	s0 =	simm.s32 @p0 $0x1  }
0x13: {  	[smem:$0x3FAF] =	sst s0;
	s0 =	simm.s32 @!p1 $0x0  }
0x14: {  	s2 =	sld [smem:$0x3F93];
	s0 =	simm.s32 @p1 $0x1  }
0x15: {  	[smem:$0x3FB0] =	sst s0;
	s0 =	simm.s32 @!p2 $0x0  }
0x16: {  	s3 =	sld [smem:$0x3FDB];
	s0 =	simm.s32 @p2 $0x1  }
0x17: {  	s4 =	simm.s32 $0x1BF5;
	[smem:$0x3FB2] =	sst s0  }
0x18: {  	s0 =	sld [smem:$0x3F95];
	_ =	swait.ge [sflag:s4], $0x0  }
0x19: {  	s7 =	sld [smem:$0x3F96]  }
0x1a: {  	s8 =	sadd.s32 $0xFFFFE003, lr  }
0x1b: {  	s9 =	sadd.s32 $0xFFFFFEF7, lr;
	s5 =	simm.s32 $0xFFFFFFFF;
	p2 =	slt.u32 s8, $0xFFFFF086  }
0x1c: {  	p1 =	slt.u32 s9, $0xF7A;
	s5 =	simm.s32 @!p2 $0x0  }
0x1d: {  	s5 =	simm.s32 @p1 $0x1;
	p0 =	seq.s32 s7, s2  }
0x1e: {  	s7 =	smul.u32 @!p0 $0xF7A, s2;
	p2 =	seq.s32 @!p0 s5, $0x0  }
0x1f: {  	s9 =	smul.u32 $0xF7A, s1;
	s8 =	simm.s32 @!p0 $0x1BF5;
	p2 =	por !p2, p0  }
0x20: {  	[sflag:s8] =	ssyncset.s32 @!p0 $0xFFFFF086;
	s6 =	sadd.s32 @!p0 s3, s7;
	s7 =	simm.s32 @!p0 $0x108  }
0x21: {  	s3 =	sadd.s32 s3, s9;
	s6 =	sadd.s32 @!p0 $0x88, s6;
	s7 =	simm.s32 @p2 $0x1082  }
0x22: {  	[simem:s7], [sflag:s8] =	dma.local @!p0 [hbm:s6], $0xF7A  }
0x23: {  	s9 =	sor.u32 $0xD0000000, s2;
	s6 =	simm.s32 $0x108;
	_ =	swait.ge @!p0 [sflag:s8], $0x0  }
0x24: {  	s3 =	sadd.s32 $0x88, s3;
	s6 =	simm.s32 @!p1 $0x1082;
	[sflag:s4] =	ssyncset.s32 $0xFFFFF086  }
0x25: {  	[simem:s6], [sflag:s4] =	dma.local [hbm:s3], $0xF7A  }
0x26: {  	[smem:$0x3F96] =	sst s1;
	(tag) =	ssettag s2;
	_ =	strace s9  }
0x27: {  	s1 =	sld [smem:$0x3FA6]  }
0x28: {  	s2 =	sld [smem:$0x3FA7]  }
0x29: {  	s4 =	sld [smem:$0x3FA9]  }
0x2a: {  	p0 =	seq.s32 s5, $0x0;
	s5 =	sld [smem:$0x3FAA]  }
0x2b: {  	s6 =	sld [smem:$0x3FAB]  }
0x2c: {  	s7 =	sld [smem:$0x3FAC]  }
0x2d: {  	s3 =	simm.s32 $0x108;
	s8 =	sld [smem:$0x3FAD]  }
0x2e: {  	s3 =	simm.s32 @!p0 $0x1082;
	s9 =	sld [smem:$0x3FAE]  }
0x2f: {  	lr =	sadd.s32 s0, s3;
	s0 =	sld [smem:$0x3FA5]  }
0x30: {  	s3 =	sld [smem:$0x3FA8]  }
0x31: {  	[smem:$0x3FB1] =	sst s10  }
0x32: {  	s10 =	sld [smem:$0x3FAF];
	_ =	sdelay $0x3  }
0x33: {  	p0 =	seq.s32 s10, $0x1;
	s10 =	sld [smem:$0x3FB1];
	_ =	sdelay $0x3  }
0x34: {  	[smem:$0x3FB1] =	sst s10  }
0x35: {  	s10 =	sld [smem:$0x3FB0];
	_ =	sdelay $0x3  }
0x36: {  	p1 =	seq.s32 s10, $0x1;
	s10 =	sld [smem:$0x3FB1];
	_ =	sdelay $0x3  }
0x37: {  	[smem:$0x3FB1] =	sst s10  }
0x38: {  	s10 =	sld [smem:$0x3FB2]  }
0x39: {  	_ = 	snop;
	(pc) =	sbr.ind lr, $3  }
0x3a: {  	_ = 	snop  }
0x3b: {  	_ = 	snop  }
0x3c: {  	p2 =	seq.s32 s10, $0x1;
	s10 =	sld [smem:$0x3FB1]  }
0x3d: {  	_ =	shalt  }
0x3e: {  	_ =	shalt  }
0x3f: {  	_ =	shalt  }
0x40: {  	_ =	shalt  }
0x41: {  	_ =	shalt  }
0x42: {  	_ =	shalt  }
0x43: {  	_ =	shalt  }
0x44: {  	_ =	shalt  }
0x45: {  	_ =	shalt  }
0x46: {  	_ =	shalt  }
0x47: {  	_ =	shalt  }
0x48: {  	_ =	shalt  }
0x49: {  	_ =	shalt  }
0x4a: {  	_ =	shalt  }
0x4b: {  	_ =	shalt  }
0x4c: {  	_ =	shalt  }
0x4d: {  	_ =	shalt  }
0x4e: {  	_ =	shalt  }
0x4f: {  	_ =	shalt  }
0x50: {  	_ =	shalt  }
0x51: {  	_ =	shalt  }
0x52: {  	_ =	shalt  }
0x53: {  	_ =	shalt  }
0x54: {  	_ =	shalt  }
0x55: {  	_ =	shalt  }
0x56: {  	_ =	shalt  }
0x57: {  	_ =	shalt  }
0x58: {  	_ =	shalt  }
0x59: {  	_ =	shalt  }
0x5a: {  	_ =	shalt  }
0x5b: {  	_ =	shalt  }
0x5c: {  	_ =	shalt  }
0x5d: {  	_ =	shalt  }
0x5e: {  	_ =	shalt  }
0x5f: {  	_ =	shalt  }
0x60: {  	_ =	shalt  }
0x61: {  	_ =	shalt  }
0x62: {  	_ =	shalt  }
0x63: {  	_ =	shalt  }
0x64: {  	_ =	shalt  }
0x65: {  	_ =	shalt  }
0x66: {  	_ =	shalt  }
0x67: {  	_ =	shalt  }
0x68: {  	_ =	shalt  }
0x69: {  	_ =	shalt  }
0x6a: {  	_ =	shalt  }
0x6b: {  	_ =	shalt  }
0x6c: {  	_ =	shalt  }
0x6d: {  	_ =	shalt  }
0x6e: {  	_ =	shalt  }
0x6f: {  	_ =	shalt  }
0x70: {  	_ =	shalt  }
0x71: {  	_ =	shalt  }
0x72: {  	_ =	shalt  }
0x73: {  	_ =	shalt  }
0x74: {  	_ =	shalt  }
0x75: {  	_ =	shalt  }
0x76: {  	_ =	shalt  }
0x77: {  	_ =	shalt  }
0x78: {  	_ =	shalt  }
0x79: {  	_ =	shalt  }
0x7a: {  	_ =	shalt  }
0x7b: {  	_ =	shalt  }
0x7c: {  	_ =	shalt  }
0x7d: {  	_ =	shalt  }
0x7e: {  	_ =	shalt  }
0x7f: {  	_ =	shalt  }
0x80: {  	_ =	shalt  }
0x81: {  	_ =	shalt  }
0x82: {  	_ =	shalt  }
0x83: {  	_ =	shalt  }
0x84: {  	_ =	shalt  }
0x85: {  	_ =	shalt  }
0x86: {  	_ =	shalt  }
0x87: {  	_ =	shalt  }
.Lfunc_end0:
.L_simem_size_0:
called_computation_lowered:
.L_overlay_start_0:
0x88: {  	s2 =	sld [smem:$0x3FD9]  }
0x89: {  	s3 =	sld [smem:$0x3FFE];
	_ =	sdelay $0x1  }
0x8a: {  	s1 =	srdreg.scid  }
0x8b: {  	s0 =	sand.u32 $0x1, s1  }
0x8c: {  	s17 =	sshll.u32 s0, $0xA;
	s2 =	sadd.s32 s3, s2  }
0x8d: {  	s2 =	sadd.s32 s2, s17  }
0x8e: {  	[smem:$0x3FBD] =	sst s2  }
0x8f: {  	_ = 	snop  }
0x90: {  	s2 =	sld [smem:$0x3FC8]  }
0x91: {  	s18 =	sld [smem:$0x3FC2]  }
0x92: {  	s4 =	sld [smem:$0x3FC1]  }
0x93: {  	s5 =	sld [smem:$0x3FC0]  }
0x94: {  	s6 =	sld [smem:$0x3FBF];
	(tm) =	ssettm $0x1  }
0x95: {  	s7 =	sld [smem:$0x3FFB];
	_ =	sdelay $0x3  }
0x96: {  	_ =	strace s7  }
0x97: {  	s7 =	sld [smem:$0x3FFC];
	_ =	sdelay $0x3  }
0x98: {  	_ =	strace s7  }
0x99: {  	s7 =	sld [smem:$0x3FFD];
	_ =	sdelay $0x3  }
0x9a: {  	_ =	strace s7  }
0x9b: {  	_ =	strace $0x8FFFFFFF  }
0x9c: {  	s19 =	sld [smem:$0x3FDB];
	_ =	sdelay $0x1  }
0x9d: {  	s8 =	simm.s32 $_scs_section_size  }
0x9e: {  	s9 =	simm.s32 $_size__tile_overlayer_lowered;
	s10 =	simm.s32 $_tile_overlayer_lowered  }
0x9f: {  	s22 =	simm.s32 $0x1BFF;
	s21 =	sshll.u32 s10, $0x1;
	s7 =	sadd.s32 s8, s19  }
0xa0: {  	s11 =	simm.s32 $0x0;
	s20 =	sshll.u32 s9, $0x1;
	s9 =	sadd.s32 s21, s7  }
0xa1: {  	[timem:s11], [sflag:s22] =	dma.local [hbm:s9], s20  }
0xa2: {  	_ =	swait.ge [sflag:s22], s20  }
0xa3: {  	s8 =	ssub.s32 $0x0, s20;
	[sflag:s22] =	ssyncset.done $0x0  }
0xa4: {  	[sflag:s22] =	ssyncadd.s32 s8;
	_ =	sdelay $0x1  }
0xa5: {  	s23 =	simm.s32 $0x1B8B  }
0xa6: {  	_ =	swait.ge [sflag:s23], $0x1  }
0xa7: {  	[sflag:s23] =	ssyncset.done $0x0  }
0xa8: {  	s25 =	simm.s32 $0x1B8E;
	s24 =	sld [smem:$0x3FFE];
	[sflag:s23] =	ssyncadd.s32 $0xFFFFFFFF  }
0xa9: {  	s26 =	simm.s32 $execute0_lowered;
	[smem:$0x3FD2] =	sst s25  }
0xaa: {  	s9 =	sshll.u32 s26, $0x1;
	_ =	strace $0x80000046;
	[dreg:$0x1] =	wrdreg $0xFFFFFFFF  }
0xab: {  	s28 =	simm.s32 $_size_execute0_lowered;
	s7 =	sadd.s32 s7, s9;
	[dreg:$0x0] =	wrdreg $0x0  }
0xac: {  	s9 =	sshll.u32 s28, $0x1;
	[dreg:$0x2] =	wrdreg s7  }
0xad: {  	[dreg:$0x3] =	wrdreg s9  }
0xae: {  	[dreg:$0x4] =	wrdreg $0xC0  }
0xaf: {  	_ =	task [dreg:s11], $0x5FFFF  }
0xb0: {  	[dreg:$0x1] =	wrdreg $0xFFFFFFFF  }
0xb1: {  	[dreg:$0x0] =	wrdreg $0x60  }
0xb2: {  	[dreg:$0x2] =	wrdreg s24  }
0xb3: {  	[dreg:$0x3] =	wrdreg s18  }
0xb4: {  	[dreg:$0x4] =	wrdreg s6  }
0xb5: {  	[dreg:$0x5] =	wrdreg s5  }
0xb6: {  	[dreg:$0x6] =	wrdreg s2  }
0xb7: {  	[dreg:$0x7] =	wrdreg s4  }
0xb8: {  	[dreg:$0x8] =	wrdreg $0x1BA800  }
0xb9: {  	[dreg:$0x9] =	wrdreg $0x9  }
0xba: {  	_ =	task.clear_ibuf [dreg:s11], $0xAFFFF;
	_ =	strace $0x90000046  }
0xbb: {  	s29 =	simm.s32 $0x9;
	_ =	strace $0x80000049  }
0xbc: {  	_ =	swait.ge [sflag:s29], $0x1  }
0xbd: {  	[sflag:s29] =	ssyncadd.s32 $0xFFFFFFFF  }
0xbe: {  	_ =	strace $0x90000049  }
0xbf: {  	_ =	sfence  }
0xc0: {  	s30 =	sld [smem:$0x0];
	_ =	sdelay $0x2  }
0xc1: {  	s31 =	sshll.u32 s1, $0xD;
	s1 =	sshrl.u32 s1, $0x2  }
0xc2: {  	s3 =	sand.u32 $0x4000, s31;
	s1 =	sadd.s32 s1, s30  }
0xc3: {  	s0 =	sor.u32 s3, s0;
	s1 =	sshll.u32 s1, $0x11  }
0xc4: {  	s0 =	sor.u32 s1, s0  }
0xc5: {  	s0 =	sadd.s32 $0x8F2B, s0  }
0xc6: {  	[sflag:s0] =	ssyncadd.remote.s32 $0x1  }
0xc7: {  	_ =	sfence.sel $0xFFFF  }
0xc8: {  	[dreg:$0x0] =	wrdreg $0xFFFFFFFF;
	(pc) =	sbr.abs _section_cstart, $3  }
0xc9: {  	[dreg:$0x1] =	wrdreg $0xFFFFFFFF  }
0xca: {  	_ =	task.clear_ibuf [dreg:s11], $0x2FFFF;
	_ =	strace $0x9FFFFFFF  }
0xcb: {  	(tm) =	ssettm $0x7FFFFFFF  }
tec
execute0_lowered:
.L_overlay_start_1:
0x0: {  	(tag) =	ssettag $0x1  }
0x1: {  	s9 =	srdreg.scid  }
0x2: {  	s0 =	sand.u32 $0x1, s9  }
0x3: {  	s1 =	rddreg [dreg:$0x3];
	s17 =	stileid.u32;
	s4 =	sshll.u32 s0, $0x4  }
0x4: {  	s2 =	rddreg [dreg:$0x4];
	s6 =	sor.u32 s17, s4  }
0x5: {  	s3 =	rddreg [dreg:$0x5];
	s5 =	sshll.u32 s17, $0x7;
	s8 =	sshll.u32 s6, $0xE  }
0x6: {  	s0 =	ssub.s32 $0x2, s0;
	s10 =	sand.u32 $0x380, s5;
	s12 =	sor.u32 $0x200, s8  }
0x7: {  	s11 =	sshrl.u32 s0, $0x1;
	s7 =	sshll.u32 s6, $0x7;
	s25 =	sadd.s32 s1, s12  }
0x8: {  	s7 =	sand.u32 $0xC00, s7;
	s26 =	sadd.s32 s2, s12;
	[dreg:$0x8] =	wrdreg s25  }
0x9: {  	s29 =	sor.u32 $0x400, s8;
	s28 =	sadd.s32 s3, s12;
	[dreg:$0x9] =	wrdreg s26  }
0xa: {  	s13 =	sor.u32 $0x600, s8;
	s30 =	sadd.s32 s1, s29;
	[dreg:$0xa] =	wrdreg s28  }
0xb: {  	s7 =	sor.u32 s10, s7;
	s12 =	sadd.s32 s2, s29;
	[dreg:$0xb] =	wrdreg s30  }
0xc: {  	s10 =	ssub.s32 s0, s11;
	s0 =	sadd.s32 s3, s29;
	[dreg:$0xc] =	wrdreg s12  }
0xd: {  	s14 =	sadd.s32 s1, s13;
	[dreg:$0xd] =	wrdreg s0  }
0xe: {  	s16 =	sadd.s32 s2, s13;
	[dreg:$0xe] =	wrdreg s14  }
0xf: {  	s15 =	sor.u32 $0x800, s8;
	s11 =	sadd.s32 s3, s13;
	[dreg:$0xf] =	wrdreg s16  }
0x10: {  	s18 =	sadd.s32 s1, s15;
	[dreg:$0x10] =	wrdreg s11  }
0x11: {  	s20 =	sor.u32 $0xA00, s8;
	s19 =	sadd.s32 s2, s15;
	[dreg:$0x11] =	wrdreg s18  }
0x12: {  	s21 =	sadd.s32 s1, s20;
	[dreg:$0x12] =	wrdreg s19  }
0x13: {  	s23 =	sor.u32 $0xC00, s8;
	s22 =	sadd.s32 s2, s20;
	[dreg:$0x14] =	wrdreg s21  }
0x14: {  	s24 =	sadd.s32 s1, s23;
	[dreg:$0x15] =	wrdreg s22  }
0x15: {  	s0 =	sadd.s32 s3, s15;
	[dreg:$0x17] =	wrdreg s24  }
0x16: {  	s26 =	sadd.s32 s2, s23;
	[dreg:$0x13] =	wrdreg s0  }
0x17: {  	s11 =	sadd.s32 s3, s23;
	[dreg:$0x18] =	wrdreg s26  }
0x18: {  	s25 =	sor.u32 $0xE00, s8;
	s0 =	sadd.s32 s3, s20;
	[dreg:$0x19] =	wrdreg s11  }
0x19: {  	s28 =	sadd.s32 s1, s25;
	[dreg:$0x16] =	wrdreg s0  }
0x1a: {  	s30 =	sor.u32 $0x1000, s8;
	s29 =	sadd.s32 s2, s25;
	[dreg:$0x1a] =	wrdreg s28  }
0x1b: {  	s12 =	sadd.s32 s1, s30;
	[dreg:$0x1b] =	wrdreg s29  }
0x1c: {  	s14 =	sor.u32 $0x1200, s8;
	s13 =	sadd.s32 s2, s30;
	[dreg:$0x1d] =	wrdreg s12  }
0x1d: {  	s15 =	sadd.s32 s1, s14;
	[dreg:$0x1e] =	wrdreg s13  }
0x1e: {  	s18 =	sadd.s32 s2, s14;
	[smem:$0x7AE] =	sst s15  }
0x1f: {  	s16 =	sor.u32 $0x1400, s8;
	s11 =	sadd.s32 s3, s14;
	[smem:$0x7AF] =	sst s18  }
0x20: {  	s19 =	sadd.s32 s1, s16;
	[smem:$0x7B0] =	sst s11  }
0x21: {  	s21 =	sor.u32 $0x1600, s8;
	s20 =	sadd.s32 s2, s16;
	[smem:$0x7B1] =	sst s19  }
0x22: {  	s22 =	sadd.s32 s1, s21;
	[smem:$0x7B2] =	sst s20  }
0x23: {  	s23 =	sadd.s32 s2, s21;
	[smem:$0x7B4] =	sst s22  }
0x24: {  	s24 =	sor.u32 $0x1800, s8;
	s0 =	sadd.s32 s3, s25;
	[smem:$0x7B5] =	sst s23  }
0x25: {  	s25 =	sadd.s32 s1, s24;
	[dreg:$0x1c] =	wrdreg s0  }
0x26: {  	s28 =	sadd.s32 s2, s24;
	[smem:$0x7B7] =	sst s25  }
0x27: {  	s26 =	sor.u32 $0x1A00, s8;
	s11 =	sadd.s32 s3, s24;
	[smem:$0x7B8] =	sst s28  }
0x28: {  	s29 =	sadd.s32 s1, s26;
	[smem:$0x7B9] =	sst s11  }
0x29: {  	s0 =	sadd.s32 s3, s30;
	[smem:$0x7BA] =	sst s29  }
0x2a: {  	s12 =	sor.u32 $0x1C00, s8;
	s30 =	sadd.s32 s2, s26;
	[dreg:$0x1f] =	wrdreg s0  }
0x2b: {  	s13 =	sadd.s32 s1, s12;
	[smem:$0x7BB] =	sst s30  }
0x2c: {  	s15 =	sor.u32 $0x1E00, s8;
	s14 =	sadd.s32 s2, s12;
	[smem:$0x7BD] =	sst s13  }
0x2d: {  	s19 =	sadd.s32 s2, s15;
	[smem:$0x7BE] =	sst s14  }
0x2e: {  	s18 =	sor.u32 $0x2000, s8;
	s11 =	sadd.s32 s3, s15;
	[smem:$0x7C1] =	sst s19  }
0x2f: {  	s22 =	sor.u32 $0x2200, s8;
	s20 =	sadd.s32 s1, s18;
	[smem:$0x7C2] =	sst s11  }
0x30: {  	s23 =	sadd.s32 s1, s22;
	[smem:$0x7C3] =	sst s20  }
0x31: {  	s24 =	sadd.s32 s2, s22;
	[smem:$0x7C6] =	sst s23  }
0x32: {  	s0 =	sadd.s32 s3, s16;
	[smem:$0x7C7] =	sst s24  }
0x33: {  	s25 =	sor.u32 $0x2400, s8;
	s16 =	sadd.s32 s1, s15;
	[smem:$0x7B3] =	sst s0  }
0x34: {  	s29 =	sadd.s32 s2, s25;
	[smem:$0x7C0] =	sst s16  }
0x35: {  	s28 =	sor.u32 $0x2600, s8;
	s11 =	sadd.s32 s3, s25;
	[smem:$0x7CA] =	sst s29  }
0x36: {  	s30 =	sadd.s32 s1, s28;
	[smem:$0x7CB] =	sst s11  }
0x37: {  	s0 =	sadd.s32 s3, s21;
	[smem:$0x7CC] =	sst s30  }
0x38: {  	s13 =	sor.u32 $0x2800, s8;
	s21 =	sadd.s32 s2, s18;
	[smem:$0x7B6] =	sst s0  }
0x39: {  	s14 =	sadd.s32 s1, s13;
	[smem:$0x7C4] =	sst s21  }
0x3a: {  	s23 =	sor.u32 $0x2E00, s8;
	s15 =	sadd.s32 s2, s13;
	[smem:$0x7CF] =	sst s14  }
0x3b: {  	s24 =	sadd.s32 s1, s23;
	[smem:$0x7D0] =	sst s15  }
0x3c: {  	s0 =	sadd.s32 s3, s26;
	[smem:$0x7D8] =	sst s24  }
0x3d: {  	s16 =	sor.u32 $0x2A00, s8;
	s26 =	sadd.s32 s1, s25;
	[smem:$0x7BC] =	sst s0  }
0x3e: {  	s20 =	sadd.s32 s2, s16;
	[smem:$0x7C9] =	sst s26  }
0x3f: {  	s19 =	sor.u32 $0x2C00, s8;
	s11 =	sadd.s32 s3, s16;
	[smem:$0x7D3] =	sst s20  }
0x40: {  	s21 =	sadd.s32 s1, s19;
	[smem:$0x7D4] =	sst s11  }
0x41: {  	s25 =	sadd.s32 s2, s23;
	[smem:$0x7D5] =	sst s21  }
0x42: {  	s0 =	sadd.s32 s3, s12;
	[smem:$0x7D9] =	sst s25  }
0x43: {  	s14 =	sor.u32 $0x3400, s8;
	s12 =	sadd.s32 s2, s28;
	[smem:$0x7BF] =	sst s0  }
0x44: {  	s24 =	sor.u32 $0x3A00, s8;
	s15 =	sadd.s32 s1, s14;
	[smem:$0x7CD] =	sst s12  }
0x45: {  	s25 =	sadd.s32 s1, s24;
	[smem:$0x7E1] =	sst s15  }
0x46: {  	s0 =	sadd.s32 s3, s18;
	[smem:$0x7EA] =	sst s25  }
0x47: {  	s26 =	sor.u32 $0x3000, s8;
	s18 =	sadd.s32 s1, s16;
	[smem:$0x7C5] =	sst s0  }
0x48: {  	s30 =	sadd.s32 s2, s26;
	[smem:$0x7D2] =	sst s18  }
0x49: {  	s29 =	sor.u32 $0x3200, s8;
	s11 =	sadd.s32 s3, s26;
	[smem:$0x7DC] =	sst s30  }
0x4a: {  	s12 =	sadd.s32 s1, s29;
	[smem:$0x7DD] =	sst s11  }
0x4b: {  	s16 =	sadd.s32 s2, s14;
	[smem:$0x7DE] =	sst s12  }
0x4c: {  	s15 =	sadd.s32 s3, s8;
	[smem:$0x7E2] =	sst s16  }
0x4d: {  	[smem:$0x7F2] =	sst s15  }
0x4e: {  	s0 =	sadd.s32 s3, s22;
	s16 =	rddreg [dreg:$0x0]  }
0x4f: {  	s22 =	sadd.s32 s2, s19;
	[smem:$0x7C8] =	sst s0  }
0x50: {  	s0 =	sadd.s32 s3, s28;
	[smem:$0x7D6] =	sst s22  }
0x51: {  	s18 =	sor.u32 $0x3600, s8;
	s28 =	sadd.s32 s1, s26;
	[smem:$0x7CE] =	sst s0  }
0x52: {  	s21 =	sadd.s32 s2, s18;
	[smem:$0x7DB] =	sst s28  }
0x53: {  	s20 =	sor.u32 $0x3800, s8;
	s11 =	sadd.s32 s3, s18;
	[smem:$0x7E5] =	sst s21  }
0x54: {  	s22 =	sadd.s32 s1, s20;
	[smem:$0x7E6] =	sst s11  }
0x55: {  	s26 =	sadd.s32 s2, s24;
	[smem:$0x7E7] =	sst s22  }
0x56: {  	[smem:$0x7EB] =	sst s26  }
0x57: {  	s31 =	simm.s32 $0x20;
	s0 =	sadd.s32 s3, s13;
	s22 =	rddreg [dreg:$0x2]  }
0x58: {  	s6 =	sshll.u32 s6, $0x9;
	s13 =	sadd.s32 s2, s29;
	[smem:$0x7D1] =	sst s0  }
0x59: {  	s10 =	smax.u32 s10, $0x1;
	s0 =	sadd.s32 s3, s19;
	[smem:$0x7DF] =	sst s13  }
0x5a: {  	s28 =	sor.u32 $0x3C00, s8;
	s19 =	sadd.s32 s1, s18;
	[smem:$0x7D7] =	sst s0  }
0x5b: {  	s21 =	sshrl.u32 s7, $0x3;
	s30 =	sadd.s32 s2, s28;
	[smem:$0x7E4] =	sst s19  }
0x5c: {  	s12 =	sadd.s32 s3, s28;
	s13 =	sadd.s32 s1, s8;
	[smem:$0x7EE] =	sst s30  }
0x5d: {  	s18 =	sadd.s32 $0xCE00, s16;
	s15 =	sadd.s32 s21, s16;
	[smem:$0x7EF] =	sst s12  }
0x5e: {  	s21 =	simm.s32 $0x3;
	s0 =	sadd.s32 s3, s23;
	[smem:$0x7F0] =	sst s13  }
0x5f: {  	s23 =	sadd.s32 s2, s20;
	s19 =	sadd.s32 s18, s4;
	s13 =	rddreg [dreg:$0x1]  }
0x60: {  	s4 =	sxor.u32 $0x10, s4;
	s30 =	sshll.u32 s17, $0xC;
	[smem:$0x7DA] =	sst s0  }
0x61: {  	s0 =	sadd.s32 s3, s29;
	[smem:$0x7E8] =	sst s23;
	s29 =	sadd.s32 s1, s28  }
0x62: {  	s12 =	sadd.s32 s18, s4;
	s4 =	simm.s32 $0x0;
	s13 =	sadd.s32 s13, s5  }
0x63: {  	s23 =	sshll.u32 s17, $0x5;
	s28 =	sshrl.u32 s9, $0x2;
	[smem:$0x7E0] =	sst s0  }
0x64: {  	s9 =	sand.u32 $0x3, s9;
	s18 =	simm.s32 $0x1000;
	[smem:$0x7ED] =	sst s29  }
0x65: {  	s0 =	sadd.s32 s3, s14;
	s14 =	sadd.s32 s2, s8;
	[smem:$0x7FF] =	sst s4  }
0x66: {  	s8 =	sor.u32 $0x3E00, s8;
	[smem:$0x7F3] =	sst s13;
	s11 =	sadd.s32 s23, s16  }
0x67: {  	s29 =	sadd.s32 $0x10E00, s15;
	s9 =	sxor.u32 $0x5, s9;
	s13 =	simm.s32 $0x16000  }
0x68: {  	s15 =	simm.s32 $0x11000;
	[smem:$0x7E3] =	sst s0;
	s0 =	sadd.s32 s3, s20  }
0x69: {  	[smem:$0x7F1] =	sst s14;
	s1 =	sadd.s32 s1, s8;
	s2 =	sadd.s32 s2, s8  }
0x6a: {  	s20 =	sadd.s32 s5, s16;
	s14 =	sadd.s32 s6, s16;
	s5 =	rddreg [dreg:$0x6]  }
0x6b: {  	s16 =	sshll.u32 s17, $0xA;
	s6 =	sadd.s32 s22, s23;
	[smem:$0x7E9] =	sst s0  }
0x6c: {  	s11 =	sadd.s32 $0xC400, s11;
	s0 =	sadd.s32 s3, s24;
	[smem:$0x7F4] =	sst s6  }
0x6d: {  	s9 =	sshll.u32 s9, $0xE;
	s24 =	sadd.s32 s16, s19;
	[smem:$0x7EC] =	sst s0  }
0x6e: {  	s17 =	simm.s32 $0x17000;
	s25 =	sadd.s32 s16, s12;
	[smem:$0x7F5] =	sst s24  }
0x6f: {  	s22 =	simm.s32 $0x15000;
	s26 =	sadd.s32 $0xC600, s20;
	[smem:$0x7F6] =	sst s25  }
0x70: {  	s23 =	simm.s32 $0x4;
	_ =	strace $0x80000047;
	[smem:$0x7F7] =	sst s26  }
0x71: {  	s3 =	sadd.s32 s3, s8;
	s6 =	sadd.s32 $0x400, s14;
	[smem:$0x7F8] =	sst s11  }
0x72: {  	s7 =	sadd.s32 $0x8400, s14;
	s8 =	sadd.s32 $0x4400, s14;
	[smem:$0x7F9] =	sst s28  }
.Ltmp0:
0x73: {  	s12 =	simm.s32 $0x12000;
	[smem:$0x7FA] =	sst s29;
	(pc) =	sbr.rel .LBB2_1-.Ltmp0, $4  }
0x74: {  	s14 =	simm.s32 $0x1;
	s16 =	simm.s32 $0x13000;
	[smem:$0x7FB] =	sst s10  }
0x75: {  	s19 =	simm.s32 $0x14000;
	s20 =	simm.s32 $0x2;
	[smem:$0x7FC] =	sst s9  }
0x76: {  	s24 =	simm.s32 $0x5;
	s0 =	simm.s32 $0x0;
	[smem:$0x7FD] =	sst s30  }
0x77: {  	v0 =	vimm.f32 $0.0e+00;
	v1 =	vlaneseq.u32;
	s9 =	sadd.s32 s30, s5;
	s10 =	simm.s32 $0x6;
	s11 =	simm.s32 $0x10000  }
.LBB2_72:
0x78: {  	[tilespmem:s4], [sflag:$0x6] =	stream.linear.gather [spmem:s5], $0x10000, $0x38;
	[tilespmem:$0x1CA80] =	vst v63  }
0x79: {  	_ =	swait.ge [sflag:s10], $0x10000  }
0x7a: {  	s25 =	sld [smem:$0x7F8]  }
0x7b: {  	[sflag:s10] =	ssyncset.done $0x0  }
0x7c: {  	s26 =	simm.s32 $0x18800;
	[sflag:s10] =	ssyncadd.s32 $0xFFFF0000  }
0x7d: {  	[tilespmem:s26], [sflag:$0x6] =	stream.linear.gather [hbm4b:s25+s4], $0x100, $0x38;
	[tilespmem:$0x1CA80] =	vst v63  }
0x7e: {  	_ =	swait.ge [sflag:s10], $0x100  }
0x7f: {  	s30 =	sld [smem:$0x7F4]  }
0x80: {  	[sflag:s10] =	ssyncset.done $0x0  }
0x81: {  	s0 =	simm.s32 $0x18900;
	[sflag:s10] =	ssyncadd.s32 $0xFFFFFF00  }
0x82: {  	[tilespmem:s0], [sflag:$0x6] =	stream.linear.gather [hbm4b:s30+s4], $0x100, $0x38;
	[tilespmem:$0x1CA80] =	vst v63  }
0x83: {  	_ =	swait.ge [sflag:s10], $0x100  }
0x84: {  	[sflag:s10] =	ssyncset.done $0x0  }
0x85: {  	[sflag:s10] =	ssyncadd.s32 $0xFFFFFF00  }
0x86: {  	v2 =	vld [tilespmem:$0x18900]  }
0x87: {  	v3 =	vld [tilespmem:$0x18910]  }
0x88: {  	v4 =	vld [tilespmem:$0x18920]  }
0x89: {  	v5 =	vld [tilespmem:$0x18930]  }
0x8a: {  	v6 =	vld [tilespmem:$0x18800]  }
0x8b: {  	v7 =	vld [tilespmem:$0x18940]  }
0x8c: {  	v8 =	vld [tilespmem:$0x18810]  }
0x8d: {  	v9 =	vld [tilespmem:$0x18950]  }
0x8e: {  	v10 =	vld [tilespmem:$0x18820]  }
0x8f: {  	v11 =	vld [tilespmem:$0x18960]  }
0x90: {  	v12 =	vld [tilespmem:$0x18830]  }
0x91: {  	v13 =	vld [tilespmem:$0x18970]  }
0x92: {  	v14 =	vld [tilespmem:$0x18840]  }
0x93: {  	v15 =	vld [tilespmem:$0x18980]  }
0x94: {  	v16 =	vld [tilespmem:$0x18850]  }
0x95: {  	v43 =	vld [tilespmem:$0x18990]  }
0x96: {  	v17 =	vld [tilespmem:$0x18860]  }
0x97: {  	v2 =	vld.idx.msk [tilespmem:v2+s4+$0x0], $0xffff  }
0x98: {  	v45 =	vld [tilespmem:$0x189A0]  }
0x99: {  	v3 =	vld.idx.msk [tilespmem:v3+s4+$0x0], $0xffff  }
0x9a: {  	v46 =	vld [tilespmem:$0x18870]  }
0x9b: {  	v4 =	vld.idx.msk [tilespmem:v4+s4+$0x0], $0xffff  }
0x9c: {  	v48 =	vld [tilespmem:$0x18880];
	v2 =	vmul.f32 v6, v2  }
0x9d: {  	v5 =	vld.idx.msk [tilespmem:v5+s4+$0x0], $0xffff  }
0x9e: {  	v49 =	vld [tilespmem:$0x189B0];
	v3 =	vmul.f32 v8, v3;
	v2 =	vadd.f32 $0.0e+00, v2  }
0x9f: {  	v7 =	vld.idx.msk [tilespmem:v7+s4+$0x0], $0xffff  }
0xa0: {  	v50 =	vld [tilespmem:$0x18890];
	v2 =	vadd.f32 v3, v2;
	v3 =	vmul.f32 v10, v4  }
0xa1: {  	v9 =	vld.idx.msk [tilespmem:v9+s4+$0x0], $0xffff  }
0xa2: {  	v51 =	vld [tilespmem:$0x189C0];
	v2 =	vadd.f32 v3, v2;
	v3 =	vmul.f32 v12, v5  }
0xa3: {  	v11 =	vld.idx.msk [tilespmem:v11+s4+$0x0], $0xffff  }
0xa4: {  	v52 =	vld [tilespmem:$0x189D0];
	v2 =	vadd.f32 v3, v2;
	v3 =	vmul.f32 v14, v7  }
0xa5: {  	v44 =	vld.idx.msk [tilespmem:v13+s4+$0x0], $0xffff  }
0xa6: {  	v53 =	vld [tilespmem:$0x188A0];
	v2 =	vadd.f32 v3, v2;
	v3 =	vmul.f32 v16, v9  }
0xa7: {  	v47 =	vld.idx.msk [tilespmem:v15+s4+$0x0], $0xffff  }
0xa8: {  	v54 =	vld [tilespmem:$0x189E0];
	v2 =	vadd.f32 v3, v2;
	v3 =	vmul.f32 v17, v11  }
0xa9: {  	v6 =	vld.idx.msk [tilespmem:v43+s4+$0x0], $0xffff  }
0xaa: {  	v56 =	vld [tilespmem:$0x189F0];
	v2 =	vadd.f32 v3, v2;
	v3 =	vmul.f32 v46, v44  }
0xab: {  	v13 =	vld.idx.msk [tilespmem:v45+s4+$0x0], $0xffff  }
0xac: {  	v57 =	vld [tilespmem:$0x188B0];
	v2 =	vadd.f32 v3, v2;
	v3 =	vmul.f32 v48, v47  }
0xad: {  	v55 =	vld.idx.msk [tilespmem:v49+s4+$0x0], $0xffff  }
0xae: {  	v59 =	vld [tilespmem:$0x188C0];
	v2 =	vadd.f32 v3, v2;
	v3 =	vmul.f32 v50, v6  }
0xaf: {  	v58 =	vld.idx.msk [tilespmem:v51+s4+$0x0], $0xffff  }
0xb0: {  	v61 =	vld [tilespmem:$0x188D0];
	v2 =	vadd.f32 v3, v2;
	v3 =	vmul.f32 v53, v13  }
0xb1: {  	v60 =	vld.idx.msk [tilespmem:v52+s4+$0x0], $0xffff  }
0xb2: {  	v62 =	vld [tilespmem:$0x188E0];
	v2 =	vadd.f32 v3, v2;
	v3 =	vmul.f32 v57, v55  }
0xb3: {  	v4 =	vld.idx.msk [tilespmem:v54+s4+$0x0], $0xffff  }
0xb4: {  	v63 =	vld [tilespmem:$0x188F0];
	v2 =	vadd.f32 v3, v2;
	v3 =	vmul.f32 v59, v58  }
0xb5: {  	v5 =	vld.idx.msk [tilespmem:v56+s4+$0x0], $0xffff  }
0xb6: {  	v2 =	vadd.f32 v3, v2;
	v3 =	vmul.f32 v61, v60;
	_ =	sdelay $0x1  }
0xb7: {  	v2 =	vadd.f32 v3, v2;
	v3 =	vmul.f32 v62, v4;
	_ =	sdelay $0x1  }
0xb8: {  	v2 =	vadd.f32 v3, v2;
	v3 =	vmul.f32 v63, v5;
	_ =	sdelay $0x1  }
0xb9: {  	s28 =	sld [smem:$0x7FA];
	v2 =	vadd.f32 v3, v2;
	_ =	sdelay $0x1  }
0xba: {  	s29 =	simm.s32 $0x18A00;
	[tilespmem:$0x18A00] =	vst v2  }
0xbb: {  	[hbm4b:s28+s4] =	stream.linear.scatter [tilespmem:s29], [sflag:$0x6], $0x80, $0x38;
	[tilespmem:$0x1CA80] =	vst v63  }
0xbc: {  	_ =	swait.ge [sflag:s10], $0x80  }
0xbd: {  	s0 =	sld [smem:$0x7AD]  }
0xbe: {  	s30 =	sld [smem:$0x7FB];
	_ =	sdelay $0x1  }
0xbf: {  	s0 =	sadd.s32 $0x1, s0  }
0xc0: {  	p0 =	sne.s32 s0, s30  }
.Ltmp1:
0xc1: {  	_ = 	snop;
	(pc) =	sbr.rel @!p0 .LBB2_73-.Ltmp1, $3  }
0xc2: {  	_ =	sdelay $0x1  }
0xc3: {  	[sflag:s10] =	ssyncset.done $0x0  }
0xc4: {  	[sflag:s10] =	ssyncadd.s32 $0xFFFFFF80  }
.LBB2_1:
0xc5: {  	s26 =	sld [smem:$0x7FD];
	_ =	sdelay $0x2  }
0xc6: {  	[smem:$0x7AD] =	sst s0;
	s25 =	simm.s32 $0x40;
	s28 =	simm.s32 $0x0;
	v2 =	vor.u32 s26, v1  }
.LBB2_2:
0xc7: {  	p0 =	sne.s32 s25, $0x3FC0  }
0xc8: {  	[tilespmem:s28+$0x18A80] =	vst v0;
	s26 =	sadd.s32 $0x10, s26;
	s29 =	smov.u32 s25;
	s25 =	sadd.s32 $0x40, s25  }
.Ltmp2:
0xc9: {  	[tilespmem:s28+$0x1AA80] =	vst v2;
	(pc) =	sbr.rel @p0 .LBB2_2-.Ltmp2, $2  }
0xca: {  	_ =	sdelay $0x2  }
0xcb: {  	s28 =	sshra.s32 s29, $0x2;
	v2 =	vor.u32 s26, v1  }
0xcc: {  	[tilespmem:s28+$0x18A80] =	vst v0  }
0xcd: {  	[tilespmem:s28+$0x1AA80] =	vst v2;
	s25 =	simm.s32 $0x18A80  }
0xce: {  	[spmem:s9] =	stream.linear.scatter [tilespmem:s25], [sflag:$0x6], $0x1000, $0x38;
	[tilespmem:$0x1CA80] =	vst v63  }
0xcf: {  	_ =	swait.ge [sflag:s10], $0x1000  }
0xd0: {  	[sflag:s10] =	ssyncset.done $0x0  }
0xd1: {  	[sflag:s10] =	ssyncadd.s32 $0xFFFFF000  }
0xd2: {  	[bflag:$0x0] =	sbarrier.arrive $0xFFFF  }
0xd3: {  	s26 =	sld [smem:$0x7F7];
	_ =	sdelay $0x1  }
0xd4: {  	s28 =	simm.s32 $0x18000;
	s25 =	simm.s32 $0x0  }
0xd5: {  	[tilespmem:s28], [sflag:$0x6] =	stream.linear.gather [hbm4b:s26+s25], $0x400, $0x38;
	[tilespmem:$0x1CA80] =	vst v63  }
0xd6: {  	_ =	swait.ge [sflag:s10], $0x400  }
0xd7: {  	s0 =	sld [smem:$0x7F3]  }
0xd8: {  	[sflag:s10] =	ssyncset.done $0x0  }
0xd9: {  	s29 =	simm.s32 $0x18400;
	[sflag:s10] =	ssyncadd.s32 $0xFFFFFC00  }
0xda: {  	[tilespmem:s29], [sflag:$0x6] =	stream.linear.gather [hbm4b:s0+s25], $0x400, $0x38;
	[tilespmem:$0x1CA80] =	vst v63  }
0xdb: {  	_ =	swait.ge [sflag:s10], $0x400  }
0xdc: {  	[sflag:s10] =	ssyncset.done $0x0  }
0xdd: {  	s30 =	simm.s32 $0x400;
	[sflag:s10] =	ssyncadd.s32 $0xFFFFFC00  }
0xde: {  	[spmem:s5] =	stream.indirect.scatter.add.f32 [tilespmem:s28], [sflag:$0x6], $0x1, s29, s30, $0xb8;
	[tilespmem:$0x1CA80] =	vst v63  }
0xdf: {  	_ =	swait.ge [sflag:s10], $0x400  }
0xe0: {  	[sflag:s10] =	ssyncset.done $0x0  }
0xe1: {  	[sflag:s10] =	ssyncadd.s32 $0xFFFFFC00  }
0xe2: {  	[bflag:$0x0] =	sbarrier.arrive $0xFFFF  }
.LBB2_4:
0xe3: {  	s26 =	sld [smem:$0x7F0];
	_ =	sdelay $0x1  }
0xe4: {  	s0 =	sld [smem:$0x7F1]  }
0xe5: {  	[tilespmem:s11], [sflag:$0x1] =	stream.linear.gather [hbm4b:s26+s4], $0x1000, $0x38;
	[tilespmem:$0x1CA80] =	vst v63  }
0xe6: {  	_ = 	snop  }
0xe7: {  	[tilespmem:s12], [sflag:$0x1] =	stream.linear.gather [hbm4b:s0+s4], $0x1000, $0x38;
	[tilespmem:$0x1CA80] =	vst v63  }
0xe8: {  	s0 =	sld [smem:$0x7F2];
	_ =	sdelay $0x2  }
0xe9: {  	[tilespmem:s13], [sflag:$0x1] =	stream.linear.gather [hbm4b:s0+s4], $0x1000, $0x38;
	[tilespmem:$0x1CA80] =	vst v63  }
0xea: {  	_ = 	snop  }
0xeb: {  	[tilespmem:s4], [sflag:$0x6] =	stream.linear.gather [spmem:s5], $0x10000, $0x38;
	[tilespmem:$0x1CA80] =	vst v63  }
0xec: {  	_ =	swait.ge [sflag:s10], $0x10000  }
0xed: {  	[sflag:s10] =	ssyncset.done $0x0  }
0xee: {  	[sflag:s10] =	ssyncadd.s32 $0xFFFF0000  }
0xef: {  	s0 =	simm.s32 $0x18A80;
	[bflag:$0x0] =	sbarrier.arrive $0xFFFF  }
0xf0: {  	[spmem:s9] =	stream.linear.scatter [tilespmem:s0], [sflag:$0x6], $0x1000, $0x38;
	[tilespmem:$0x1CA80] =	vst v63  }
0xf1: {  	_ =	swait.ge [sflag:s10], $0x1000  }
0xf2: {  	[sflag:s10] =	ssyncset.done $0x0  }
0xf3: {  	[sflag:s10] =	ssyncadd.s32 $0xFFFFF000  }
0xf4: {  	[bflag:$0x0] =	sbarrier.arrive $0xFFFF  }
0xf5: {  	_ =	swait.ge [sflag:s14], $0x1000  }
0xf6: {  	[sflag:s14] =	ssyncset.done $0x0  }
0xf7: {  	[sflag:s14] =	ssyncadd.s32 $0xFFFFF000  }
0xf8: {  	_ =	swait.ge [sflag:s14], $0x1000  }
0xf9: {  	[sflag:s14] =	ssyncset.done $0x0  }
0xfa: {  	[sflag:s14] =	ssyncadd.s32 $0xFFFFF000  }
0xfb: {  	_ =	swait.ge [sflag:s14], $0x1000  }
0xfc: {  	[sflag:s14] =	ssyncset.done $0x0  }
0xfd: {  	s0 =	rddreg [dreg:$0x8];
	[sflag:s14] =	ssyncadd.s32 $0xFFFFF000  }
0xfe: {  	[tilespmem:s15], [sflag:$0x2] =	stream.linear.gather [hbm4b:s0+s4], $0x1000, $0x38;
	[tilespmem:$0x1CA80] =	vst v63  }
0xff: {  	s0 =	rddreg [dreg:$0x9]  }
0x100: {  	[tilespmem:s16], [sflag:$0x2] =	stream.linear.gather [hbm4b:s0+s4], $0x1000, $0x38;
	[tilespmem:$0x1CA80] =	vst v63  }
0x101: {  	s0 =	rddreg [dreg:$0xa]  }
0x102: {  	[tilespmem:s17], [sflag:$0x2] =	stream.linear.gather [hbm4b:s0+s4], $0x1000, $0x38;
	[tilespmem:$0x1CA80] =	vst v63  }
0x103: {  	s0 =	simm.s32 $0x10040  }
0x104: {  	v2 =	vld [tilespmem:s0+$0x30]  }
0x105: {  	v3 =	vld [tilespmem:s0+$0xFFFFFFD0]  }
0x106: {  	v4 =	vld [tilespmem:s0+$0xFFFFFFE0]  }
0x107: {  	v5 =	vld [tilespmem:s0+$0xFFFFFFF0]  }
0x108: {  	v7 =	vld [tilespmem:s0+$0x0]  }
0x109: {  	v8 =	vld [tilespmem:s0+$0x10]  }
0x10a: {  	v9 =	vld [tilespmem:s0+$0x20]  }
0x10b: {  	s26 =	simm.s32 $0x12040;
	v10 =	vld [tilespmem:s0+$0xFFFFFFC0]  }
0x10c: {  	v13 =	vld [tilespmem:s26+$0x30]  }
0x10d: {  	v16 =	vld [tilespmem:s26+$0xFFFFFFD0]  }
0x10e: {  	v11 =	vld [tilespmem:s26+$0xFFFFFFE0]  }
0x10f: {  	v12 =	vld.idx.msk [tilespmem:v2+s4+$0x0], $0xffff  }
0x110: {  	v14 =	vld.idx.msk [tilespmem:v3+s4+$0x0], $0xffff  }
0x111: {  	v6 =	vld.idx.msk [tilespmem:v4+s4+$0x0], $0xffff  }
0x112: {  	v5 =	vld.idx.msk [tilespmem:v5+s4+$0x0], $0xffff  }
0x113: {  	v15 =	vld.idx.msk [tilespmem:v10+s4+$0x0], $0xffff  }
0x114: {  	v3 =	vld.idx.msk [tilespmem:v9+s4+$0x0], $0xffff  }
0x115: {  	v9 =	vld [tilespmem:s26+$0xFFFFFFC0]  }
0x116: {  	v4 =	vld.idx.msk [tilespmem:v7+s4+$0x0], $0xffff  }
0x117: {  	v2 =	vld.idx.msk [tilespmem:v8+s4+$0x0], $0xffff  }
0x118: {  	v10 =	vld [tilespmem:s26+$0xFFFFFFF0]  }
0x119: {  	v8 =	vld [tilespmem:s26+$0x0];
	v12 =	vmul.f32 v13, v12  }
0x11a: {  	s28 =	simm.s32 $0x14040;
	v7 =	vld [tilespmem:s26+$0x10];
	v13 =	vmul.f32 v9, v15  }
0x11b: {  	s29 =	simm.s32 $0x0;
	s30 =	simm.s32 $0x100C0;
	v9 =	vld [tilespmem:s26+$0x20];
	[tilespmem:s28+$0x30] =	vst v12;
	v12 =	vmul.f32 v16, v14  }
.LBB2_5:
0x11c: {  	v14 =	vld [tilespmem:s30+$0x30];
	s29 =	sadd.s32 $0x8, s29;
	[tilespmem:s28+$0xFFFFFFC0] =	vst v13;
	v6 =	vmul.f32 v11, v6  }
0x11d: {  	v11 =	vld [tilespmem:s30+$0xFFFFFFD0];
	p0 =	slt.u32 s29, $0xF8;
	[tilespmem:s28+$0xFFFFFFD0] =	vst v12;
	v5 =	vmul.f32 v10, v5  }
0x11e: {  	v10 =	vld [tilespmem:s30+$0xFFFFFFE0];
	[tilespmem:s28+$0xFFFFFFE0] =	vst v6;
	v4 =	vmul.f32 v8, v4  }
0x11f: {  	v8 =	vld [tilespmem:s30+$0xFFFFFFF0];
	[tilespmem:s28+$0xFFFFFFF0] =	vst v5;
	v2 =	vmul.f32 v7, v2  }
0x120: {  	v7 =	vld [tilespmem:s30+$0x0];
	[tilespmem:s28+$0x0] =	vst v4;
	v3 =	vmul.f32 v9, v3  }
0x121: {  	v9 =	vld [tilespmem:s30+$0x10];
	[tilespmem:s28+$0x10] =	vst v2  }
0x122: {  	v12 =	vld [tilespmem:s30+$0x20];
	[tilespmem:s28+$0x20] =	vst v3  }
0x123: {  	v3 =	vld [tilespmem:s30+$0xFFFFFFC0]  }
0x124: {  	s26 =	sadd.s32 $0x80, s26;
	v13 =	vld.idx.msk [tilespmem:v14+s4+$0x0], $0xffff  }
0x125: {  	v14 =	vld [tilespmem:s26+$0x30]  }
0x126: {  	v15 =	vld.idx.msk [tilespmem:v11+s4+$0x0], $0xffff  }
0x127: {  	v6 =	vld.idx.msk [tilespmem:v10+s4+$0x0], $0xffff  }
0x128: {  	v5 =	vld.idx.msk [tilespmem:v8+s4+$0x0], $0xffff  }
0x129: {  	v4 =	vld.idx.msk [tilespmem:v7+s4+$0x0], $0xffff  }
0x12a: {  	v2 =	vld.idx.msk [tilespmem:v9+s4+$0x0], $0xffff;
	v7 =	vmul.f32 v14, v13  }
0x12b: {  	s28 =	sadd.s32 $0x80, s28;
	v9 =	vld.idx.msk [tilespmem:v3+s4+$0x0], $0xffff  }
0x12c: {  	v3 =	vld.idx.msk [tilespmem:v12+s4+$0x0], $0xffff;
	[tilespmem:s28+$0x30] =	vst v7  }
0x12d: {  	v7 =	vld [tilespmem:s26+$0xFFFFFFC0]  }
0x12e: {  	v12 =	vld [tilespmem:s26+$0xFFFFFFD0]  }
.Ltmp3:
0x12f: {  	v11 =	vld [tilespmem:s26+$0xFFFFFFE0];
	(pc) =	sbr.rel @p0 .LBB2_5-.Ltmp3, $4  }
0x130: {  	v10 =	vld [tilespmem:s26+$0xFFFFFFF0]  }
0x131: {  	v8 =	vld [tilespmem:s26+$0x0]  }
0x132: {  	v13 =	vmul.f32 v7, v9;
	v7 =	vld [tilespmem:s26+$0x10]  }
0x133: {  	s30 =	sadd.s32 $0x80, s30;
	v12 =	vmul.f32 v12, v15;
	v9 =	vld [tilespmem:s26+$0x20]  }
0x134: {  	[tilespmem:s28+$0xFFFFFFC0] =	vst v13;
	v6 =	vmul.f32 v11, v6  }
0x135: {  	[tilespmem:s28+$0xFFFFFFD0] =	vst v12;
	v5 =	vmul.f32 v10, v5  }
0x136: {  	[tilespmem:s28+$0xFFFFFFE0] =	vst v6;
	v4 =	vmul.f32 v8, v4  }
0x137: {  	[tilespmem:s28+$0xFFFFFFF0] =	vst v5;
	v2 =	vmul.f32 v7, v2  }
0x138: {  	[tilespmem:s28+$0x0] =	vst v4;
	v3 =	vmul.f32 v9, v3  }
0x139: {  	[tilespmem:s28+$0x10] =	vst v2  }
0x13a: {  	[tilespmem:s28+$0x20] =	vst v3  }
0x13b: {  	[spmem:s5] =	stream.indirect.scatter.add.f32 [tilespmem:s19], [sflag:$0x3], $0x1, s13, s18, $0xb8;
	[tilespmem:$0x1CA80] =	vst v63  }
0x13c: {  	_ =	swait.ge [sflag:s20], $0x1000  }
0x13d: {  	[sflag:s20] =	ssyncset.done $0x0  }
0x13e: {  	[sflag:s20] =	ssyncadd.s32 $0xFFFFF000  }
0x13f: {  	_ =	swait.ge [sflag:s20], $0x1000  }
0x140: {  	[sflag:s20] =	ssyncset.done $0x0  }
0x141: {  	[sflag:s20] =	ssyncadd.s32 $0xFFFFF000  }
0x142: {  	_ =	swait.ge [sflag:s20], $0x1000  }
0x143: {  	[sflag:s20] =	ssyncset.done $0x0  }
0x144: {  	[sflag:s20] =	ssyncadd.s32 $0xFFFFF000  }
0x145: {  	_ =	swait.ge [sflag:s21], $0x1000  }
0x146: {  	[sflag:s21] =	ssyncset.done $0x0  }
0x147: {  	s26 =	rddreg [dreg:$0xb];
	[sflag:s21] =	ssyncadd.s32 $0xFFFFF000  }
0x148: {  	[tilespmem:s11], [sflag:$0x1] =	stream.linear.gather [hbm4b:s26+s4], $0x1000, $0x38;
	[tilespmem:$0x1CA80] =	vst v63  }
0x149: {  	s0 =	rddreg [dreg:$0xc]  }
0x14a: {  	[tilespmem:s12], [sflag:$0x1] =	stream.linear.gather [hbm4b:s0+s4], $0x1000, $0x38;
	[tilespmem:$0x1CA80] =	vst v63  }
0x14b: {  	s0 =	rddreg [dreg:$0xd]  }
0x14c: {  	[tilespmem:s13], [sflag:$0x1] =	stream.linear.gather [hbm4b:s0+s4], $0x1000, $0x38;
	[tilespmem:$0x1CA80] =	vst v63  }
0x14d: {  	s0 =	simm.s32 $0x11040  }
0x14e: {  	v2 =	vld [tilespmem:s0+$0x30]  }
0x14f: {  	v3 =	vld [tilespmem:s0+$0xFFFFFFD0]  }
0x150: {  	v4 =	vld [tilespmem:s0+$0xFFFFFFE0]  }
0x151: {  	v5 =	vld [tilespmem:s0+$0xFFFFFFF0]  }
0x152: {  	v7 =	vld [tilespmem:s0+$0x0]  }
0x153: {  	v8 =	vld [tilespmem:s0+$0x10]  }
0x154: {  	v9 =	vld [tilespmem:s0+$0x20]  }
0x155: {  	s26 =	simm.s32 $0x13040;
	v10 =	vld [tilespmem:s0+$0xFFFFFFC0]  }
0x156: {  	v13 =	vld [tilespmem:s26+$0x30]  }
0x157: {  	v16 =	vld [tilespmem:s26+$0xFFFFFFD0]  }
0x158: {  	v11 =	vld [tilespmem:s26+$0xFFFFFFE0]  }
0x159: {  	v12 =	vld.idx.msk [tilespmem:v2+s4+$0x0], $0xffff  }
0x15a: {  	v14 =	vld.idx.msk [tilespmem:v3+s4+$0x0], $0xffff  }
0x15b: {  	v6 =	vld.idx.msk [tilespmem:v4+s4+$0x0], $0xffff  }
0x15c: {  	v5 =	vld.idx.msk [tilespmem:v5+s4+$0x0], $0xffff  }
0x15d: {  	v15 =	vld.idx.msk [tilespmem:v10+s4+$0x0], $0xffff  }
0x15e: {  	v3 =	vld.idx.msk [tilespmem:v9+s4+$0x0], $0xffff  }
0x15f: {  	v9 =	vld [tilespmem:s26+$0xFFFFFFC0]  }
0x160: {  	v4 =	vld.idx.msk [tilespmem:v7+s4+$0x0], $0xffff  }
0x161: {  	v2 =	vld.idx.msk [tilespmem:v8+s4+$0x0], $0xffff  }
0x162: {  	v10 =	vld [tilespmem:s26+$0xFFFFFFF0]  }
0x163: {  	v8 =	vld [tilespmem:s26+$0x0];
	v12 =	vmul.f32 v13, v12  }
0x164: {  	s28 =	simm.s32 $0x15040;
	v7 =	vld [tilespmem:s26+$0x10];
	v13 =	vmul.f32 v9, v15  }
0x165: {  	s29 =	simm.s32 $0x0;
	s30 =	simm.s32 $0x110C0;
	v9 =	vld [tilespmem:s26+$0x20];
	[tilespmem:s28+$0x30] =	vst v12;
	v12 =	vmul.f32 v16, v14  }
.LBB2_7:
0x166: {  	v14 =	vld [tilespmem:s30+$0x30];
	s29 =	sadd.s32 $0x8, s29;
	[tilespmem:s28+$0xFFFFFFC0] =	vst v13;
	v6 =	vmul.f32 v11, v6  }
0x167: {  	v11 =	vld [tilespmem:s30+$0xFFFFFFD0];
	p0 =	slt.u32 s29, $0xF8;
	[tilespmem:s28+$0xFFFFFFD0] =	vst v12;
	v5 =	vmul.f32 v10, v5  }
0x168: {  	v10 =	vld [tilespmem:s30+$0xFFFFFFE0];
	[tilespmem:s28+$0xFFFFFFE0] =	vst v6;
	v4 =	vmul.f32 v8, v4  }
0x169: {  	v8 =	vld [tilespmem:s30+$0xFFFFFFF0];
	[tilespmem:s28+$0xFFFFFFF0] =	vst v5;
	v2 =	vmul.f32 v7, v2  }
0x16a: {  	v7 =	vld [tilespmem:s30+$0x0];
	[tilespmem:s28+$0x0] =	vst v4;
	v3 =	vmul.f32 v9, v3  }
0x16b: {  	v9 =	vld [tilespmem:s30+$0x10];
	[tilespmem:s28+$0x10] =	vst v2  }
0x16c: {  	v12 =	vld [tilespmem:s30+$0x20];
	[tilespmem:s28+$0x20] =	vst v3  }
0x16d: {  	v3 =	vld [tilespmem:s30+$0xFFFFFFC0]  }
0x16e: {  	s26 =	sadd.s32 $0x80, s26;
	v13 =	vld.idx.msk [tilespmem:v14+s4+$0x0], $0xffff  }
0x16f: {  	v14 =	vld [tilespmem:s26+$0x30]  }
0x170: {  	v15 =	vld.idx.msk [tilespmem:v11+s4+$0x0], $0xffff  }
0x171: {  	v6 =	vld.idx.msk [tilespmem:v10+s4+$0x0], $0xffff  }
0x172: {  	v5 =	vld.idx.msk [tilespmem:v8+s4+$0x0], $0xffff  }
0x173: {  	v4 =	vld.idx.msk [tilespmem:v7+s4+$0x0], $0xffff  }
0x174: {  	v2 =	vld.idx.msk [tilespmem:v9+s4+$0x0], $0xffff;
	v7 =	vmul.f32 v14, v13  }
0x175: {  	s28 =	sadd.s32 $0x80, s28;
	v9 =	vld.idx.msk [tilespmem:v3+s4+$0x0], $0xffff  }
0x176: {  	v3 =	vld.idx.msk [tilespmem:v12+s4+$0x0], $0xffff;
	[tilespmem:s28+$0x30] =	vst v7  }
0x177: {  	v7 =	vld [tilespmem:s26+$0xFFFFFFC0]  }
0x178: {  	v12 =	vld [tilespmem:s26+$0xFFFFFFD0]  }
.Ltmp4:
0x179: {  	v11 =	vld [tilespmem:s26+$0xFFFFFFE0];
	(pc) =	sbr.rel @p0 .LBB2_7-.Ltmp4, $4  }
0x17a: {  	v10 =	vld [tilespmem:s26+$0xFFFFFFF0]  }
0x17b: {  	v8 =	vld [tilespmem:s26+$0x0]  }
0x17c: {  	v13 =	vmul.f32 v7, v9;
	v7 =	vld [tilespmem:s26+$0x10]  }
0x17d: {  	s30 =	sadd.s32 $0x80, s30;
	v12 =	vmul.f32 v12, v15;
	v9 =	vld [tilespmem:s26+$0x20]  }
0x17e: {  	[tilespmem:s28+$0xFFFFFFC0] =	vst v13;
	v6 =	vmul.f32 v11, v6  }
0x17f: {  	[tilespmem:s28+$0xFFFFFFD0] =	vst v12;
	v5 =	vmul.f32 v10, v5  }
0x180: {  	[tilespmem:s28+$0xFFFFFFE0] =	vst v6;
	v4 =	vmul.f32 v8, v4  }
0x181: {  	[tilespmem:s28+$0xFFFFFFF0] =	vst v5;
	v2 =	vmul.f32 v7, v2  }
0x182: {  	[tilespmem:s28+$0x0] =	vst v4;
	v3 =	vmul.f32 v9, v3  }
0x183: {  	[tilespmem:s28+$0x10] =	vst v2  }
0x184: {  	[tilespmem:s28+$0x20] =	vst v3  }
0x185: {  	[spmem:s5] =	stream.indirect.scatter.add.f32 [tilespmem:s22], [sflag:$0x4], $0x1, s17, s18, $0xb8;
	[tilespmem:$0x1CA80] =	vst v63  }
0x186: {  	_ =	swait.ge [sflag:s14], $0x1000  }
0x187: {  	[sflag:s14] =	ssyncset.done $0x0  }
0x188: {  	[sflag:s14] =	ssyncadd.s32 $0xFFFFF000  }
0x189: {  	_ =	swait.ge [sflag:s14], $0x1000  }
0x18a: {  	[sflag:s14] =	ssyncset.done $0x0  }
0x18b: {  	[sflag:s14] =	ssyncadd.s32 $0xFFFFF000  }
0x18c: {  	_ =	swait.ge [sflag:s14], $0x1000  }
0x18d: {  	[sflag:s14] =	ssyncset.done $0x0  }
0x18e: {  	[sflag:s14] =	ssyncadd.s32 $0xFFFFF000  }
0x18f: {  	_ =	swait.ge [sflag:s23], $0x1000  }
0x190: {  	[sflag:s23] =	ssyncset.done $0x0  }
0x191: {  	s26 =	rddreg [dreg:$0xe];
	[sflag:s23] =	ssyncadd.s32 $0xFFFFF000  }
0x192: {  	[tilespmem:s15], [sflag:$0x2] =	stream.linear.gather [hbm4b:s26+s4], $0x1000, $0x38;
	[tilespmem:$0x1CA80] =	vst v63  }
0x193: {  	s0 =	rddreg [dreg:$0xf]  }
0x194: {  	[tilespmem:s16], [sflag:$0x2] =	stream.linear.gather [hbm4b:s0+s4], $0x1000, $0x38;
	[tilespmem:$0x1CA80] =	vst v63  }
0x195: {  	s0 =	rddreg [dreg:$0x10]  }
0x196: {  	[tilespmem:s17], [sflag:$0x2] =	stream.linear.gather [hbm4b:s0+s4], $0x1000, $0x38;
	[tilespmem:$0x1CA80] =	vst v63  }
0x197: {  	s0 =	simm.s32 $0x10040  }
0x198: {  	v2 =	vld [tilespmem:s0+$0x30]  }
0x199: {  	v3 =	vld [tilespmem:s0+$0xFFFFFFD0]  }
0x19a: {  	v4 =	vld [tilespmem:s0+$0xFFFFFFE0]  }
0x19b: {  	v5 =	vld [tilespmem:s0+$0xFFFFFFF0]  }
0x19c: {  	v7 =	vld [tilespmem:s0+$0x0]  }
0x19d: {  	v8 =	vld [tilespmem:s0+$0x10]  }
0x19e: {  	v9 =	vld [tilespmem:s0+$0x20]  }
0x19f: {  	s26 =	simm.s32 $0x12040;
	v10 =	vld [tilespmem:s0+$0xFFFFFFC0]  }
0x1a0: {  	v13 =	vld [tilespmem:s26+$0x30]  }
0x1a1: {  	v16 =	vld [tilespmem:s26+$0xFFFFFFD0]  }
0x1a2: {  	v11 =	vld [tilespmem:s26+$0xFFFFFFE0]  }
0x1a3: {  	v12 =	vld.idx.msk [tilespmem:v2+s4+$0x0], $0xffff  }
0x1a4: {  	v14 =	vld.idx.msk [tilespmem:v3+s4+$0x0], $0xffff  }
0x1a5: {  	v6 =	vld.idx.msk [tilespmem:v4+s4+$0x0], $0xffff  }
0x1a6: {  	v5 =	vld.idx.msk [tilespmem:v5+s4+$0x0], $0xffff  }
0x1a7: {  	v15 =	vld.idx.msk [tilespmem:v10+s4+$0x0], $0xffff  }
0x1a8: {  	v3 =	vld.idx.msk [tilespmem:v9+s4+$0x0], $0xffff  }
0x1a9: {  	v9 =	vld [tilespmem:s26+$0xFFFFFFC0]  }
0x1aa: {  	v4 =	vld.idx.msk [tilespmem:v7+s4+$0x0], $0xffff  }
0x1ab: {  	v2 =	vld.idx.msk [tilespmem:v8+s4+$0x0], $0xffff  }
0x1ac: {  	v10 =	vld [tilespmem:s26+$0xFFFFFFF0]  }
0x1ad: {  	v8 =	vld [tilespmem:s26+$0x0];
	v12 =	vmul.f32 v13, v12  }
0x1ae: {  	s28 =	simm.s32 $0x14040;
	v7 =	vld [tilespmem:s26+$0x10];
	v13 =	vmul.f32 v9, v15  }
0x1af: {  	s29 =	simm.s32 $0x0;
	s30 =	simm.s32 $0x100C0;
	v9 =	vld [tilespmem:s26+$0x20];
	[tilespmem:s28+$0x30] =	vst v12;
	v12 =	vmul.f32 v16, v14  }
.LBB2_9:
0x1b0: {  	v14 =	vld [tilespmem:s30+$0x30];
	s29 =	sadd.s32 $0x8, s29;
	[tilespmem:s28+$0xFFFFFFC0] =	vst v13;
	v6 =	vmul.f32 v11, v6  }
0x1b1: {  	v11 =	vld [tilespmem:s30+$0xFFFFFFD0];
	p0 =	slt.u32 s29, $0xF8;
	[tilespmem:s28+$0xFFFFFFD0] =	vst v12;
	v5 =	vmul.f32 v10, v5  }
0x1b2: {  	v10 =	vld [tilespmem:s30+$0xFFFFFFE0];
	[tilespmem:s28+$0xFFFFFFE0] =	vst v6;
	v4 =	vmul.f32 v8, v4  }
0x1b3: {  	v8 =	vld [tilespmem:s30+$0xFFFFFFF0];
	[tilespmem:s28+$0xFFFFFFF0] =	vst v5;
	v2 =	vmul.f32 v7, v2  }
0x1b4: {  	v7 =	vld [tilespmem:s30+$0x0];
	[tilespmem:s28+$0x0] =	vst v4;
	v3 =	vmul.f32 v9, v3  }
0x1b5: {  	v9 =	vld [tilespmem:s30+$0x10];
	[tilespmem:s28+$0x10] =	vst v2  }
0x1b6: {  	v12 =	vld [tilespmem:s30+$0x20];
	[tilespmem:s28+$0x20] =	vst v3  }
0x1b7: {  	v3 =	vld [tilespmem:s30+$0xFFFFFFC0]  }
0x1b8: {  	s26 =	sadd.s32 $0x80, s26;
	v13 =	vld.idx.msk [tilespmem:v14+s4+$0x0], $0xffff  }
0x1b9: {  	v14 =	vld [tilespmem:s26+$0x30]  }
0x1ba: {  	v15 =	vld.idx.msk [tilespmem:v11+s4+$0x0], $0xffff  }
0x1bb: {  	v6 =	vld.idx.msk [tilespmem:v10+s4+$0x0], $0xffff  }
0x1bc: {  	v5 =	vld.idx.msk [tilespmem:v8+s4+$0x0], $0xffff  }
0x1bd: {  	v4 =	vld.idx.msk [tilespmem:v7+s4+$0x0], $0xffff  }
0x1be: {  	v2 =	vld.idx.msk [tilespmem:v9+s4+$0x0], $0xffff;
	v7 =	vmul.f32 v14, v13  }
0x1bf: {  	s28 =	sadd.s32 $0x80, s28;
	v9 =	vld.idx.msk [tilespmem:v3+s4+$0x0], $0xffff  }
0x1c0: {  	v3 =	vld.idx.msk [tilespmem:v12+s4+$0x0], $0xffff;
	[tilespmem:s28+$0x30] =	vst v7  }
0x1c1: {  	v7 =	vld [tilespmem:s26+$0xFFFFFFC0]  }
0x1c2: {  	v12 =	vld [tilespmem:s26+$0xFFFFFFD0]  }
.Ltmp5:
0x1c3: {  	v11 =	vld [tilespmem:s26+$0xFFFFFFE0];
	(pc) =	sbr.rel @p0 .LBB2_9-.Ltmp5, $4  }
0x1c4: {  	v10 =	vld [tilespmem:s26+$0xFFFFFFF0]  }
0x1c5: {  	v8 =	vld [tilespmem:s26+$0x0]  }
0x1c6: {  	v13 =	vmul.f32 v7, v9;
	v7 =	vld [tilespmem:s26+$0x10]  }
0x1c7: {  	s30 =	sadd.s32 $0x80, s30;
	v12 =	vmul.f32 v12, v15;
	v9 =	vld [tilespmem:s26+$0x20]  }
0x1c8: {  	[tilespmem:s28+$0xFFFFFFC0] =	vst v13;
	v6 =	vmul.f32 v11, v6  }
0x1c9: {  	[tilespmem:s28+$0xFFFFFFD0] =	vst v12;
	v5 =	vmul.f32 v10, v5  }
0x1ca: {  	[tilespmem:s28+$0xFFFFFFE0] =	vst v6;
	v4 =	vmul.f32 v8, v4  }
0x1cb: {  	[tilespmem:s28+$0xFFFFFFF0] =	vst v5;
	v2 =	vmul.f32 v7, v2  }
0x1cc: {  	[tilespmem:s28+$0x0] =	vst v4;
	v3 =	vmul.f32 v9, v3  }
0x1cd: {  	[tilespmem:s28+$0x10] =	vst v2  }
0x1ce: {  	[tilespmem:s28+$0x20] =	vst v3  }
0x1cf: {  	[spmem:s5] =	stream.indirect.scatter.add.f32 [tilespmem:s19], [sflag:$0x3], $0x1, s13, s18, $0xb8;
	[tilespmem:$0x1CA80] =	vst v63  }
0x1d0: {  	_ =	swait.ge [sflag:s20], $0x1000  }
0x1d1: {  	[sflag:s20] =	ssyncset.done $0x0  }
0x1d2: {  	[sflag:s20] =	ssyncadd.s32 $0xFFFFF000  }
0x1d3: {  	_ =	swait.ge [sflag:s20], $0x1000  }
0x1d4: {  	[sflag:s20] =	ssyncset.done $0x0  }
0x1d5: {  	[sflag:s20] =	ssyncadd.s32 $0xFFFFF000  }
0x1d6: {  	_ =	swait.ge [sflag:s20], $0x1000  }
0x1d7: {  	[sflag:s20] =	ssyncset.done $0x0  }
0x1d8: {  	[sflag:s20] =	ssyncadd.s32 $0xFFFFF000  }
0x1d9: {  	_ =	swait.ge [sflag:s21], $0x1000  }
0x1da: {  	[sflag:s21] =	ssyncset.done $0x0  }
0x1db: {  	s26 =	rddreg [dreg:$0x11];
	[sflag:s21] =	ssyncadd.s32 $0xFFFFF000  }
0x1dc: {  	[tilespmem:s11], [sflag:$0x1] =	stream.linear.gather [hbm4b:s26+s4], $0x1000, $0x38;
	[tilespmem:$0x1CA80] =	vst v63  }
0x1dd: {  	s0 =	rddreg [dreg:$0x12]  }
0x1de: {  	[tilespmem:s12], [sflag:$0x1] =	stream.linear.gather [hbm4b:s0+s4], $0x1000, $0x38;
	[tilespmem:$0x1CA80] =	vst v63  }
0x1df: {  	s0 =	rddreg [dreg:$0x13]  }
0x1e0: {  	[tilespmem:s13], [sflag:$0x1] =	stream.linear.gather [hbm4b:s0+s4], $0x1000, $0x38;
	[tilespmem:$0x1CA80] =	vst v63  }
0x1e1: {  	s0 =	simm.s32 $0x11040  }
0x1e2: {  	v2 =	vld [tilespmem:s0+$0x30]  }
0x1e3: {  	v3 =	vld [tilespmem:s0+$0xFFFFFFD0]  }
0x1e4: {  	v4 =	vld [tilespmem:s0+$0xFFFFFFE0]  }
0x1e5: {  	v5 =	vld [tilespmem:s0+$0xFFFFFFF0]  }
0x1e6: {  	v7 =	vld [tilespmem:s0+$0x0]  }
0x1e7: {  	v8 =	vld [tilespmem:s0+$0x10]  }
0x1e8: {  	v9 =	vld [tilespmem:s0+$0x20]  }
0x1e9: {  	s26 =	simm.s32 $0x13040;
	v10 =	vld [tilespmem:s0+$0xFFFFFFC0]  }
0x1ea: {  	v13 =	vld [tilespmem:s26+$0x30]  }
0x1eb: {  	v16 =	vld [tilespmem:s26+$0xFFFFFFD0]  }
0x1ec: {  	v11 =	vld [tilespmem:s26+$0xFFFFFFE0]  }
0x1ed: {  	v12 =	vld.idx.msk [tilespmem:v2+s4+$0x0], $0xffff  }
0x1ee: {  	v14 =	vld.idx.msk [tilespmem:v3+s4+$0x0], $0xffff  }
0x1ef: {  	v6 =	vld.idx.msk [tilespmem:v4+s4+$0x0], $0xffff  }
0x1f0: {  	v5 =	vld.idx.msk [tilespmem:v5+s4+$0x0], $0xffff  }
0x1f1: {  	v15 =	vld.idx.msk [tilespmem:v10+s4+$0x0], $0xffff  }
0x1f2: {  	v3 =	vld.idx.msk [tilespmem:v9+s4+$0x0], $0xffff  }
0x1f3: {  	v9 =	vld [tilespmem:s26+$0xFFFFFFC0]  }
0x1f4: {  	v4 =	vld.idx.msk [tilespmem:v7+s4+$0x0], $0xffff  }
0x1f5: {  	v2 =	vld.idx.msk [tilespmem:v8+s4+$0x0], $0xffff  }
0x1f6: {  	v10 =	vld [tilespmem:s26+$0xFFFFFFF0]  }
0x1f7: {  	v8 =	vld [tilespmem:s26+$0x0];
	v12 =	vmul.f32 v13, v12  }
0x1f8: {  	s28 =	simm.s32 $0x15040;
	v7 =	vld [tilespmem:s26+$0x10];
	v13 =	vmul.f32 v9, v15  }
0x1f9: {  	s29 =	simm.s32 $0x0;
	s30 =	simm.s32 $0x110C0;
	v9 =	vld [tilespmem:s26+$0x20];
	[tilespmem:s28+$0x30] =	vst v12;
	v12 =	vmul.f32 v16, v14  }
.LBB2_11:
0x1fa: {  	v14 =	vld [tilespmem:s30+$0x30];
	s29 =	sadd.s32 $0x8, s29;
	[tilespmem:s28+$0xFFFFFFC0] =	vst v13;
	v6 =	vmul.f32 v11, v6  }
0x1fb: {  	v11 =	vld [tilespmem:s30+$0xFFFFFFD0];
	p0 =	slt.u32 s29, $0xF8;
	[tilespmem:s28+$0xFFFFFFD0] =	vst v12;
	v5 =	vmul.f32 v10, v5  }
0x1fc: {  	v10 =	vld [tilespmem:s30+$0xFFFFFFE0];
	[tilespmem:s28+$0xFFFFFFE0] =	vst v6;
	v4 =	vmul.f32 v8, v4  }
0x1fd: {  	v8 =	vld [tilespmem:s30+$0xFFFFFFF0];
	[tilespmem:s28+$0xFFFFFFF0] =	vst v5;
	v2 =	vmul.f32 v7, v2  }
0x1fe: {  	v7 =	vld [tilespmem:s30+$0x0];
	[tilespmem:s28+$0x0] =	vst v4;
	v3 =	vmul.f32 v9, v3  }
0x1ff: {  	v9 =	vld [tilespmem:s30+$0x10];
	[tilespmem:s28+$0x10] =	vst v2  }
0x200: {  	v12 =	vld [tilespmem:s30+$0x20];
	[tilespmem:s28+$0x20] =	vst v3  }
0x201: {  	v3 =	vld [tilespmem:s30+$0xFFFFFFC0]  }
0x202: {  	s26 =	sadd.s32 $0x80, s26;
	v13 =	vld.idx.msk [tilespmem:v14+s4+$0x0], $0xffff  }
0x203: {  	v14 =	vld [tilespmem:s26+$0x30]  }
0x204: {  	v15 =	vld.idx.msk [tilespmem:v11+s4+$0x0], $0xffff  }
0x205: {  	v6 =	vld.idx.msk [tilespmem:v10+s4+$0x0], $0xffff  }
0x206: {  	v5 =	vld.idx.msk [tilespmem:v8+s4+$0x0], $0xffff  }
0x207: {  	v4 =	vld.idx.msk [tilespmem:v7+s4+$0x0], $0xffff  }
0x208: {  	v2 =	vld.idx.msk [tilespmem:v9+s4+$0x0], $0xffff;
	v7 =	vmul.f32 v14, v13  }
0x209: {  	s28 =	sadd.s32 $0x80, s28;
	v9 =	vld.idx.msk [tilespmem:v3+s4+$0x0], $0xffff  }
0x20a: {  	v3 =	vld.idx.msk [tilespmem:v12+s4+$0x0], $0xffff;
	[tilespmem:s28+$0x30] =	vst v7  }
0x20b: {  	v7 =	vld [tilespmem:s26+$0xFFFFFFC0]  }
0x20c: {  	v12 =	vld [tilespmem:s26+$0xFFFFFFD0]  }
.Ltmp6:
0x20d: {  	v11 =	vld [tilespmem:s26+$0xFFFFFFE0];
	(pc) =	sbr.rel @p0 .LBB2_11-.Ltmp6, $4  }
0x20e: {  	v10 =	vld [tilespmem:s26+$0xFFFFFFF0]  }
0x20f: {  	v8 =	vld [tilespmem:s26+$0x0]  }
0x210: {  	v13 =	vmul.f32 v7, v9;
	v7 =	vld [tilespmem:s26+$0x10]  }
0x211: {  	s30 =	sadd.s32 $0x80, s30;
	v12 =	vmul.f32 v12, v15;
	v9 =	vld [tilespmem:s26+$0x20]  }
0x212: {  	[tilespmem:s28+$0xFFFFFFC0] =	vst v13;
	v6 =	vmul.f32 v11, v6  }
0x213: {  	[tilespmem:s28+$0xFFFFFFD0] =	vst v12;
	v5 =	vmul.f32 v10, v5  }
0x214: {  	[tilespmem:s28+$0xFFFFFFE0] =	vst v6;
	v4 =	vmul.f32 v8, v4  }
0x215: {  	[tilespmem:s28+$0xFFFFFFF0] =	vst v5;
	v2 =	vmul.f32 v7, v2  }
0x216: {  	[tilespmem:s28+$0x0] =	vst v4;
	v3 =	vmul.f32 v9, v3  }
0x217: {  	[tilespmem:s28+$0x10] =	vst v2  }
0x218: {  	[tilespmem:s28+$0x20] =	vst v3  }
0x219: {  	[spmem:s5] =	stream.indirect.scatter.add.f32 [tilespmem:s22], [sflag:$0x4], $0x1, s17, s18, $0xb8;
	[tilespmem:$0x1CA80] =	vst v63  }
0x21a: {  	_ =	swait.ge [sflag:s14], $0x1000  }
0x21b: {  	[sflag:s14] =	ssyncset.done $0x0  }
0x21c: {  	[sflag:s14] =	ssyncadd.s32 $0xFFFFF000  }
0x21d: {  	_ =	swait.ge [sflag:s14], $0x1000  }
0x21e: {  	[sflag:s14] =	ssyncset.done $0x0  }
0x21f: {  	[sflag:s14] =	ssyncadd.s32 $0xFFFFF000  }
0x220: {  	_ =	swait.ge [sflag:s14], $0x1000  }
0x221: {  	[sflag:s14] =	ssyncset.done $0x0  }
0x222: {  	[sflag:s14] =	ssyncadd.s32 $0xFFFFF000  }
0x223: {  	_ =	swait.ge [sflag:s23], $0x1000  }
0x224: {  	[sflag:s23] =	ssyncset.done $0x0  }
0x225: {  	s26 =	rddreg [dreg:$0x14];
	[sflag:s23] =	ssyncadd.s32 $0xFFFFF000  }
0x226: {  	[tilespmem:s15], [sflag:$0x2] =	stream.linear.gather [hbm4b:s26+s4], $0x1000, $0x38;
	[tilespmem:$0x1CA80] =	vst v63  }
0x227: {  	s0 =	rddreg [dreg:$0x15]  }
0x228: {  	[tilespmem:s16], [sflag:$0x2] =	stream.linear.gather [hbm4b:s0+s4], $0x1000, $0x38;
	[tilespmem:$0x1CA80] =	vst v63  }
0x229: {  	s0 =	rddreg [dreg:$0x16]  }
0x22a: {  	[tilespmem:s17], [sflag:$0x2] =	stream.linear.gather [hbm4b:s0+s4], $0x1000, $0x38;
	[tilespmem:$0x1CA80] =	vst v63  }
0x22b: {  	s0 =	simm.s32 $0x10040  }
0x22c: {  	v2 =	vld [tilespmem:s0+$0x30]  }
0x22d: {  	v3 =	vld [tilespmem:s0+$0xFFFFFFD0]  }
0x22e: {  	v4 =	vld [tilespmem:s0+$0xFFFFFFE0]  }
0x22f: {  	v5 =	vld [tilespmem:s0+$0xFFFFFFF0]  }
0x230: {  	v7 =	vld [tilespmem:s0+$0x0]  }
0x231: {  	v8 =	vld [tilespmem:s0+$0x10]  }
0x232: {  	v9 =	vld [tilespmem:s0+$0x20]  }
0x233: {  	s26 =	simm.s32 $0x12040;
	v10 =	vld [tilespmem:s0+$0xFFFFFFC0]  }
0x234: {  	v13 =	vld [tilespmem:s26+$0x30]  }
0x235: {  	v16 =	vld [tilespmem:s26+$0xFFFFFFD0]  }
0x236: {  	v11 =	vld [tilespmem:s26+$0xFFFFFFE0]  }
0x237: {  	v12 =	vld.idx.msk [tilespmem:v2+s4+$0x0], $0xffff  }
0x238: {  	v14 =	vld.idx.msk [tilespmem:v3+s4+$0x0], $0xffff  }
0x239: {  	v6 =	vld.idx.msk [tilespmem:v4+s4+$0x0], $0xffff  }
0x23a: {  	v5 =	vld.idx.msk [tilespmem:v5+s4+$0x0], $0xffff  }
0x23b: {  	v15 =	vld.idx.msk [tilespmem:v10+s4+$0x0], $0xffff  }
0x23c: {  	v3 =	vld.idx.msk [tilespmem:v9+s4+$0x0], $0xffff  }
0x23d: {  	v9 =	vld [tilespmem:s26+$0xFFFFFFC0]  }
0x23e: {  	v4 =	vld.idx.msk [tilespmem:v7+s4+$0x0], $0xffff  }
0x23f: {  	v2 =	vld.idx.msk [tilespmem:v8+s4+$0x0], $0xffff  }
0x240: {  	v10 =	vld [tilespmem:s26+$0xFFFFFFF0]  }
0x241: {  	v8 =	vld [tilespmem:s26+$0x0];
	v12 =	vmul.f32 v13, v12  }
0x242: {  	s28 =	simm.s32 $0x14040;
	v7 =	vld [tilespmem:s26+$0x10];
	v13 =	vmul.f32 v9, v15  }
0x243: {  	s29 =	simm.s32 $0x0;
	s30 =	simm.s32 $0x100C0;
	v9 =	vld [tilespmem:s26+$0x20];
	[tilespmem:s28+$0x30] =	vst v12;
	v12 =	vmul.f32 v16, v14  }
.LBB2_13:
0x244: {  	v14 =	vld [tilespmem:s30+$0x30];
	s29 =	sadd.s32 $0x8, s29;
	[tilespmem:s28+$0xFFFFFFC0] =	vst v13;
	v6 =	vmul.f32 v11, v6  }
0x245: {  	v11 =	vld [tilespmem:s30+$0xFFFFFFD0];
	p0 =	slt.u32 s29, $0xF8;
	[tilespmem:s28+$0xFFFFFFD0] =	vst v12;
	v5 =	vmul.f32 v10, v5  }
0x246: {  	v10 =	vld [tilespmem:s30+$0xFFFFFFE0];
	[tilespmem:s28+$0xFFFFFFE0] =	vst v6;
	v4 =	vmul.f32 v8, v4  }
0x247: {  	v8 =	vld [tilespmem:s30+$0xFFFFFFF0];
	[tilespmem:s28+$0xFFFFFFF0] =	vst v5;
	v2 =	vmul.f32 v7, v2  }
0x248: {  	v7 =	vld [tilespmem:s30+$0x0];
	[tilespmem:s28+$0x0] =	vst v4;
	v3 =	vmul.f32 v9, v3  }
0x249: {  	v9 =	vld [tilespmem:s30+$0x10];
	[tilespmem:s28+$0x10] =	vst v2  }
0x24a: {  	v12 =	vld [tilespmem:s30+$0x20];
	[tilespmem:s28+$0x20] =	vst v3  }
0x24b: {  	v3 =	vld [tilespmem:s30+$0xFFFFFFC0]  }
0x24c: {  	s26 =	sadd.s32 $0x80, s26;
	v13 =	vld.idx.msk [tilespmem:v14+s4+$0x0], $0xffff  }
0x24d: {  	v14 =	vld [tilespmem:s26+$0x30]  }
0x24e: {  	v15 =	vld.idx.msk [tilespmem:v11+s4+$0x0], $0xffff  }
0x24f: {  	v6 =	vld.idx.msk [tilespmem:v10+s4+$0x0], $0xffff  }
0x250: {  	v5 =	vld.idx.msk [tilespmem:v8+s4+$0x0], $0xffff  }
0x251: {  	v4 =	vld.idx.msk [tilespmem:v7+s4+$0x0], $0xffff  }
0x252: {  	v2 =	vld.idx.msk [tilespmem:v9+s4+$0x0], $0xffff;
	v7 =	vmul.f32 v14, v13  }
0x253: {  	s28 =	sadd.s32 $0x80, s28;
	v9 =	vld.idx.msk [tilespmem:v3+s4+$0x0], $0xffff  }
0x254: {  	v3 =	vld.idx.msk [tilespmem:v12+s4+$0x0], $0xffff;
	[tilespmem:s28+$0x30] =	vst v7  }
0x255: {  	v7 =	vld [tilespmem:s26+$0xFFFFFFC0]  }
0x256: {  	v12 =	vld [tilespmem:s26+$0xFFFFFFD0]  }
.Ltmp7:
0x257: {  	v11 =	vld [tilespmem:s26+$0xFFFFFFE0];
	(pc) =	sbr.rel @p0 .LBB2_13-.Ltmp7, $4  }
0x258: {  	v10 =	vld [tilespmem:s26+$0xFFFFFFF0]  }
0x259: {  	v8 =	vld [tilespmem:s26+$0x0]  }
0x25a: {  	v13 =	vmul.f32 v7, v9;
	v7 =	vld [tilespmem:s26+$0x10]  }
0x25b: {  	s30 =	sadd.s32 $0x80, s30;
	v12 =	vmul.f32 v12, v15;
	v9 =	vld [tilespmem:s26+$0x20]  }
0x25c: {  	[tilespmem:s28+$0xFFFFFFC0] =	vst v13;
	v6 =	vmul.f32 v11, v6  }
0x25d: {  	[tilespmem:s28+$0xFFFFFFD0] =	vst v12;
	v5 =	vmul.f32 v10, v5  }
0x25e: {  	[tilespmem:s28+$0xFFFFFFE0] =	vst v6;
	v4 =	vmul.f32 v8, v4  }
0x25f: {  	[tilespmem:s28+$0xFFFFFFF0] =	vst v5;
	v2 =	vmul.f32 v7, v2  }
0x260: {  	[tilespmem:s28+$0x0] =	vst v4;
	v3 =	vmul.f32 v9, v3  }
0x261: {  	[tilespmem:s28+$0x10] =	vst v2  }
0x262: {  	[tilespmem:s28+$0x20] =	vst v3  }
0x263: {  	[spmem:s5] =	stream.indirect.scatter.add.f32 [tilespmem:s19], [sflag:$0x3], $0x1, s13, s18, $0xb8;
	[tilespmem:$0x1CA80] =	vst v63  }
0x264: {  	_ =	swait.ge [sflag:s20], $0x1000  }
0x265: {  	[sflag:s20] =	ssyncset.done $0x0  }
0x266: {  	[sflag:s20] =	ssyncadd.s32 $0xFFFFF000  }
0x267: {  	_ =	swait.ge [sflag:s20], $0x1000  }
0x268: {  	[sflag:s20] =	ssyncset.done $0x0  }
0x269: {  	[sflag:s20] =	ssyncadd.s32 $0xFFFFF000  }
0x26a: {  	_ =	swait.ge [sflag:s20], $0x1000  }
0x26b: {  	[sflag:s20] =	ssyncset.done $0x0  }
0x26c: {  	[sflag:s20] =	ssyncadd.s32 $0xFFFFF000  }
0x26d: {  	_ =	swait.ge [sflag:s21], $0x1000  }
0x26e: {  	[sflag:s21] =	ssyncset.done $0x0  }
0x26f: {  	s26 =	rddreg [dreg:$0x17];
	[sflag:s21] =	ssyncadd.s32 $0xFFFFF000  }
0x270: {  	[tilespmem:s11], [sflag:$0x1] =	stream.linear.gather [hbm4b:s26+s4], $0x1000, $0x38;
	[tilespmem:$0x1CA80] =	vst v63  }
0x271: {  	s0 =	rddreg [dreg:$0x18]  }
0x272: {  	[tilespmem:s12], [sflag:$0x1] =	stream.linear.gather [hbm4b:s0+s4], $0x1000, $0x38;
	[tilespmem:$0x1CA80] =	vst v63  }
0x273: {  	s0 =	rddreg [dreg:$0x19]  }
0x274: {  	[tilespmem:s13], [sflag:$0x1] =	stream.linear.gather [hbm4b:s0+s4], $0x1000, $0x38;
	[tilespmem:$0x1CA80] =	vst v63  }
0x275: {  	s0 =	simm.s32 $0x11040  }
0x276: {  	v2 =	vld [tilespmem:s0+$0x30]  }
0x277: {  	v3 =	vld [tilespmem:s0+$0xFFFFFFD0]  }
0x278: {  	v4 =	vld [tilespmem:s0+$0xFFFFFFE0]  }
0x279: {  	v5 =	vld [tilespmem:s0+$0xFFFFFFF0]  }
0x27a: {  	v7 =	vld [tilespmem:s0+$0x0]  }
0x27b: {  	v8 =	vld [tilespmem:s0+$0x10]  }
0x27c: {  	v9 =	vld [tilespmem:s0+$0x20]  }
0x27d: {  	s26 =	simm.s32 $0x13040;
	v10 =	vld [tilespmem:s0+$0xFFFFFFC0]  }
0x27e: {  	v13 =	vld [tilespmem:s26+$0x30]  }
0x27f: {  	v16 =	vld [tilespmem:s26+$0xFFFFFFD0]  }
0x280: {  	v11 =	vld [tilespmem:s26+$0xFFFFFFE0]  }
0x281: {  	v12 =	vld.idx.msk [tilespmem:v2+s4+$0x0], $0xffff  }
0x282: {  	v14 =	vld.idx.msk [tilespmem:v3+s4+$0x0], $0xffff  }
0x283: {  	v6 =	vld.idx.msk [tilespmem:v4+s4+$0x0], $0xffff  }
0x284: {  	v5 =	vld.idx.msk [tilespmem:v5+s4+$0x0], $0xffff  }
0x285: {  	v15 =	vld.idx.msk [tilespmem:v10+s4+$0x0], $0xffff  }
0x286: {  	v3 =	vld.idx.msk [tilespmem:v9+s4+$0x0], $0xffff  }
0x287: {  	v9 =	vld [tilespmem:s26+$0xFFFFFFC0]  }
0x288: {  	v4 =	vld.idx.msk [tilespmem:v7+s4+$0x0], $0xffff  }
0x289: {  	v2 =	vld.idx.msk [tilespmem:v8+s4+$0x0], $0xffff  }
0x28a: {  	v10 =	vld [tilespmem:s26+$0xFFFFFFF0]  }
0x28b: {  	v8 =	vld [tilespmem:s26+$0x0];
	v12 =	vmul.f32 v13, v12  }
0x28c: {  	s28 =	simm.s32 $0x15040;
	v7 =	vld [tilespmem:s26+$0x10];
	v13 =	vmul.f32 v9, v15  }
0x28d: {  	s29 =	simm.s32 $0x0;
	s30 =	simm.s32 $0x110C0;
	v9 =	vld [tilespmem:s26+$0x20];
	[tilespmem:s28+$0x30] =	vst v12;
	v12 =	vmul.f32 v16, v14  }
.LBB2_15:
0x28e: {  	v14 =	vld [tilespmem:s30+$0x30];
	s29 =	sadd.s32 $0x8, s29;
	[tilespmem:s28+$0xFFFFFFC0] =	vst v13;
	v6 =	vmul.f32 v11, v6  }
0x28f: {  	v11 =	vld [tilespmem:s30+$0xFFFFFFD0];
	p0 =	slt.u32 s29, $0xF8;
	[tilespmem:s28+$0xFFFFFFD0] =	vst v12;
	v5 =	vmul.f32 v10, v5  }
0x290: {  	v10 =	vld [tilespmem:s30+$0xFFFFFFE0];
	[tilespmem:s28+$0xFFFFFFE0] =	vst v6;
	v4 =	vmul.f32 v8, v4  }
0x291: {  	v8 =	vld [tilespmem:s30+$0xFFFFFFF0];
	[tilespmem:s28+$0xFFFFFFF0] =	vst v5;
	v2 =	vmul.f32 v7, v2  }
0x292: {  	v7 =	vld [tilespmem:s30+$0x0];
	[tilespmem:s28+$0x0] =	vst v4;
	v3 =	vmul.f32 v9, v3  }
0x293: {  	v9 =	vld [tilespmem:s30+$0x10];
	[tilespmem:s28+$0x10] =	vst v2  }
0x294: {  	v12 =	vld [tilespmem:s30+$0x20];
	[tilespmem:s28+$0x20] =	vst v3  }
0x295: {  	v3 =	vld [tilespmem:s30+$0xFFFFFFC0]  }
0x296: {  	s26 =	sadd.s32 $0x80, s26;
	v13 =	vld.idx.msk [tilespmem:v14+s4+$0x0], $0xffff  }
0x297: {  	v14 =	vld [tilespmem:s26+$0x30]  }
0x298: {  	v15 =	vld.idx.msk [tilespmem:v11+s4+$0x0], $0xffff  }
0x299: {  	v6 =	vld.idx.msk [tilespmem:v10+s4+$0x0], $0xffff  }
0x29a: {  	v5 =	vld.idx.msk [tilespmem:v8+s4+$0x0], $0xffff  }
0x29b: {  	v4 =	vld.idx.msk [tilespmem:v7+s4+$0x0], $0xffff  }
0x29c: {  	v2 =	vld.idx.msk [tilespmem:v9+s4+$0x0], $0xffff;
	v7 =	vmul.f32 v14, v13  }
0x29d: {  	s28 =	sadd.s32 $0x80, s28;
	v9 =	vld.idx.msk [tilespmem:v3+s4+$0x0], $0xffff  }
0x29e: {  	v3 =	vld.idx.msk [tilespmem:v12+s4+$0x0], $0xffff;
	[tilespmem:s28+$0x30] =	vst v7  }
0x29f: {  	v7 =	vld [tilespmem:s26+$0xFFFFFFC0]  }
0x2a0: {  	v12 =	vld [tilespmem:s26+$0xFFFFFFD0]  }
.Ltmp8:
0x2a1: {  	v11 =	vld [tilespmem:s26+$0xFFFFFFE0];
	(pc) =	sbr.rel @p0 .LBB2_15-.Ltmp8, $4  }
0x2a2: {  	v10 =	vld [tilespmem:s26+$0xFFFFFFF0]  }
0x2a3: {  	v8 =	vld [tilespmem:s26+$0x0]  }
0x2a4: {  	v13 =	vmul.f32 v7, v9;
	v7 =	vld [tilespmem:s26+$0x10]  }
0x2a5: {  	s30 =	sadd.s32 $0x80, s30;
	v12 =	vmul.f32 v12, v15;
	v9 =	vld [tilespmem:s26+$0x20]  }
0x2a6: {  	[tilespmem:s28+$0xFFFFFFC0] =	vst v13;
	v6 =	vmul.f32 v11, v6  }
0x2a7: {  	[tilespmem:s28+$0xFFFFFFD0] =	vst v12;
	v5 =	vmul.f32 v10, v5  }
0x2a8: {  	[tilespmem:s28+$0xFFFFFFE0] =	vst v6;
	v4 =	vmul.f32 v8, v4  }
0x2a9: {  	[tilespmem:s28+$0xFFFFFFF0] =	vst v5;
	v2 =	vmul.f32 v7, v2  }
0x2aa: {  	[tilespmem:s28+$0x0] =	vst v4;
	v3 =	vmul.f32 v9, v3  }
0x2ab: {  	[tilespmem:s28+$0x10] =	vst v2  }
0x2ac: {  	[tilespmem:s28+$0x20] =	vst v3  }
0x2ad: {  	[spmem:s5] =	stream.indirect.scatter.add.f32 [tilespmem:s22], [sflag:$0x4], $0x1, s17, s18, $0xb8;
	[tilespmem:$0x1CA80] =	vst v63  }
0x2ae: {  	_ =	swait.ge [sflag:s14], $0x1000  }
0x2af: {  	[sflag:s14] =	ssyncset.done $0x0  }
0x2b0: {  	[sflag:s14] =	ssyncadd.s32 $0xFFFFF000  }
0x2b1: {  	_ =	swait.ge [sflag:s14], $0x1000  }
0x2b2: {  	[sflag:s14] =	ssyncset.done $0x0  }
0x2b3: {  	[sflag:s14] =	ssyncadd.s32 $0xFFFFF000  }
0x2b4: {  	_ =	swait.ge [sflag:s14], $0x1000  }
0x2b5: {  	[sflag:s14] =	ssyncset.done $0x0  }
0x2b6: {  	[sflag:s14] =	ssyncadd.s32 $0xFFFFF000  }
0x2b7: {  	_ =	swait.ge [sflag:s23], $0x1000  }
0x2b8: {  	[sflag:s23] =	ssyncset.done $0x0  }
0x2b9: {  	s26 =	rddreg [dreg:$0x1a];
	[sflag:s23] =	ssyncadd.s32 $0xFFFFF000  }
0x2ba: {  	[tilespmem:s15], [sflag:$0x2] =	stream.linear.gather [hbm4b:s26+s4], $0x1000, $0x38;
	[tilespmem:$0x1CA80] =	vst v63  }
0x2bb: {  	s0 =	rddreg [dreg:$0x1b]  }
0x2bc: {  	[tilespmem:s16], [sflag:$0x2] =	stream.linear.gather [hbm4b:s0+s4], $0x1000, $0x38;
	[tilespmem:$0x1CA80] =	vst v63  }
0x2bd: {  	s0 =	rddreg [dreg:$0x1c]  }
0x2be: {  	[tilespmem:s17], [sflag:$0x2] =	stream.linear.gather [hbm4b:s0+s4], $0x1000, $0x38;
	[tilespmem:$0x1CA80] =	vst v63  }
0x2bf: {  	s0 =	simm.s32 $0x10040  }
0x2c0: {  	v2 =	vld [tilespmem:s0+$0x30]  }
0x2c1: {  	v3 =	vld [tilespmem:s0+$0xFFFFFFD0]  }
0x2c2: {  	v4 =	vld [tilespmem:s0+$0xFFFFFFE0]  }
0x2c3: {  	v5 =	vld [tilespmem:s0+$0xFFFFFFF0]  }
0x2c4: {  	v7 =	vld [tilespmem:s0+$0x0]  }
0x2c5: {  	v8 =	vld [tilespmem:s0+$0x10]  }
0x2c6: {  	v9 =	vld [tilespmem:s0+$0x20]  }
0x2c7: {  	s26 =	simm.s32 $0x12040;
	v10 =	vld [tilespmem:s0+$0xFFFFFFC0]  }
0x2c8: {  	v13 =	vld [tilespmem:s26+$0x30]  }
0x2c9: {  	v16 =	vld [tilespmem:s26+$0xFFFFFFD0]  }
0x2ca: {  	v11 =	vld [tilespmem:s26+$0xFFFFFFE0]  }
0x2cb: {  	v12 =	vld.idx.msk [tilespmem:v2+s4+$0x0], $0xffff  }
0x2cc: {  	v14 =	vld.idx.msk [tilespmem:v3+s4+$0x0], $0xffff  }
0x2cd: {  	v6 =	vld.idx.msk [tilespmem:v4+s4+$0x0], $0xffff  }
0x2ce: {  	v5 =	vld.idx.msk [tilespmem:v5+s4+$0x0], $0xffff  }
0x2cf: {  	v15 =	vld.idx.msk [tilespmem:v10+s4+$0x0], $0xffff  }
0x2d0: {  	v3 =	vld.idx.msk [tilespmem:v9+s4+$0x0], $0xffff  }
0x2d1: {  	v9 =	vld [tilespmem:s26+$0xFFFFFFC0]  }
0x2d2: {  	v4 =	vld.idx.msk [tilespmem:v7+s4+$0x0], $0xffff  }
0x2d3: {  	v2 =	vld.idx.msk [tilespmem:v8+s4+$0x0], $0xffff  }
0x2d4: {  	v10 =	vld [tilespmem:s26+$0xFFFFFFF0]  }
0x2d5: {  	v8 =	vld [tilespmem:s26+$0x0];
	v12 =	vmul.f32 v13, v12  }
0x2d6: {  	s28 =	simm.s32 $0x14040;
	v7 =	vld [tilespmem:s26+$0x10];
	v13 =	vmul.f32 v9, v15  }
0x2d7: {  	s29 =	simm.s32 $0x0;
	s30 =	simm.s32 $0x100C0;
	v9 =	vld [tilespmem:s26+$0x20];
	[tilespmem:s28+$0x30] =	vst v12;
	v12 =	vmul.f32 v16, v14  }
.LBB2_17:
0x2d8: {  	v14 =	vld [tilespmem:s30+$0x30];
	s29 =	sadd.s32 $0x8, s29;
	[tilespmem:s28+$0xFFFFFFC0] =	vst v13;
	v6 =	vmul.f32 v11, v6  }
0x2d9: {  	v11 =	vld [tilespmem:s30+$0xFFFFFFD0];
	p0 =	slt.u32 s29, $0xF8;
	[tilespmem:s28+$0xFFFFFFD0] =	vst v12;
	v5 =	vmul.f32 v10, v5  }
0x2da: {  	v10 =	vld [tilespmem:s30+$0xFFFFFFE0];
	[tilespmem:s28+$0xFFFFFFE0] =	vst v6;
	v4 =	vmul.f32 v8, v4  }
0x2db: {  	v8 =	vld [tilespmem:s30+$0xFFFFFFF0];
	[tilespmem:s28+$0xFFFFFFF0] =	vst v5;
	v2 =	vmul.f32 v7, v2  }
0x2dc: {  	v7 =	vld [tilespmem:s30+$0x0];
	[tilespmem:s28+$0x0] =	vst v4;
	v3 =	vmul.f32 v9, v3  }
0x2dd: {  	v9 =	vld [tilespmem:s30+$0x10];
	[tilespmem:s28+$0x10] =	vst v2  }
0x2de: {  	v12 =	vld [tilespmem:s30+$0x20];
	[tilespmem:s28+$0x20] =	vst v3  }
0x2df: {  	v3 =	vld [tilespmem:s30+$0xFFFFFFC0]  }
0x2e0: {  	s26 =	sadd.s32 $0x80, s26;
	v13 =	vld.idx.msk [tilespmem:v14+s4+$0x0], $0xffff  }
0x2e1: {  	v14 =	vld [tilespmem:s26+$0x30]  }
0x2e2: {  	v15 =	vld.idx.msk [tilespmem:v11+s4+$0x0], $0xffff  }
0x2e3: {  	v6 =	vld.idx.msk [tilespmem:v10+s4+$0x0], $0xffff  }
0x2e4: {  	v5 =	vld.idx.msk [tilespmem:v8+s4+$0x0], $0xffff  }
0x2e5: {  	v4 =	vld.idx.msk [tilespmem:v7+s4+$0x0], $0xffff  }
0x2e6: {  	v2 =	vld.idx.msk [tilespmem:v9+s4+$0x0], $0xffff;
	v7 =	vmul.f32 v14, v13  }
0x2e7: {  	s28 =	sadd.s32 $0x80, s28;
	v9 =	vld.idx.msk [tilespmem:v3+s4+$0x0], $0xffff  }
0x2e8: {  	v3 =	vld.idx.msk [tilespmem:v12+s4+$0x0], $0xffff;
	[tilespmem:s28+$0x30] =	vst v7  }
0x2e9: {  	v7 =	vld [tilespmem:s26+$0xFFFFFFC0]  }
0x2ea: {  	v12 =	vld [tilespmem:s26+$0xFFFFFFD0]  }
.Ltmp9:
0x2eb: {  	v11 =	vld [tilespmem:s26+$0xFFFFFFE0];
	(pc) =	sbr.rel @p0 .LBB2_17-.Ltmp9, $4  }
0x2ec: {  	v10 =	vld [tilespmem:s26+$0xFFFFFFF0]  }
0x2ed: {  	v8 =	vld [tilespmem:s26+$0x0]  }
0x2ee: {  	v13 =	vmul.f32 v7, v9;
	v7 =	vld [tilespmem:s26+$0x10]  }
0x2ef: {  	s30 =	sadd.s32 $0x80, s30;
	v12 =	vmul.f32 v12, v15;
	v9 =	vld [tilespmem:s26+$0x20]  }
0x2f0: {  	[tilespmem:s28+$0xFFFFFFC0] =	vst v13;
	v6 =	vmul.f32 v11, v6  }
0x2f1: {  	[tilespmem:s28+$0xFFFFFFD0] =	vst v12;
	v5 =	vmul.f32 v10, v5  }
0x2f2: {  	[tilespmem:s28+$0xFFFFFFE0] =	vst v6;
	v4 =	vmul.f32 v8, v4  }
0x2f3: {  	[tilespmem:s28+$0xFFFFFFF0] =	vst v5;
	v2 =	vmul.f32 v7, v2  }
0x2f4: {  	[tilespmem:s28+$0x0] =	vst v4;
	v3 =	vmul.f32 v9, v3  }
0x2f5: {  	[tilespmem:s28+$0x10] =	vst v2  }
0x2f6: {  	[tilespmem:s28+$0x20] =	vst v3  }
0x2f7: {  	[spmem:s5] =	stream.indirect.scatter.add.f32 [tilespmem:s19], [sflag:$0x3], $0x1, s13, s18, $0xb8;
	[tilespmem:$0x1CA80] =	vst v63  }
0x2f8: {  	_ =	swait.ge [sflag:s20], $0x1000  }
0x2f9: {  	[sflag:s20] =	ssyncset.done $0x0  }
0x2fa: {  	[sflag:s20] =	ssyncadd.s32 $0xFFFFF000  }
0x2fb: {  	_ =	swait.ge [sflag:s20], $0x1000  }
0x2fc: {  	[sflag:s20] =	ssyncset.done $0x0  }
0x2fd: {  	[sflag:s20] =	ssyncadd.s32 $0xFFFFF000  }
0x2fe: {  	_ =	swait.ge [sflag:s20], $0x1000  }
0x2ff: {  	[sflag:s20] =	ssyncset.done $0x0  }
0x300: {  	[sflag:s20] =	ssyncadd.s32 $0xFFFFF000  }
0x301: {  	_ =	swait.ge [sflag:s21], $0x1000  }
0x302: {  	[sflag:s21] =	ssyncset.done $0x0  }
0x303: {  	s26 =	rddreg [dreg:$0x1d];
	[sflag:s21] =	ssyncadd.s32 $0xFFFFF000  }
0x304: {  	[tilespmem:s11], [sflag:$0x1] =	stream.linear.gather [hbm4b:s26+s4], $0x1000, $0x38;
	[tilespmem:$0x1CA80] =	vst v63  }
0x305: {  	s0 =	rddreg [dreg:$0x1e]  }
0x306: {  	[tilespmem:s12], [sflag:$0x1] =	stream.linear.gather [hbm4b:s0+s4], $0x1000, $0x38;
	[tilespmem:$0x1CA80] =	vst v63  }
0x307: {  	s0 =	rddreg [dreg:$0x1f]  }
0x308: {  	[tilespmem:s13], [sflag:$0x1] =	stream.linear.gather [hbm4b:s0+s4], $0x1000, $0x38;
	[tilespmem:$0x1CA80] =	vst v63  }
0x309: {  	s0 =	simm.s32 $0x11040  }
0x30a: {  	v2 =	vld [tilespmem:s0+$0x30]  }
0x30b: {  	v3 =	vld [tilespmem:s0+$0xFFFFFFD0]  }
0x30c: {  	v4 =	vld [tilespmem:s0+$0xFFFFFFE0]  }
0x30d: {  	v5 =	vld [tilespmem:s0+$0xFFFFFFF0]  }
0x30e: {  	v7 =	vld [tilespmem:s0+$0x0]  }
0x30f: {  	v8 =	vld [tilespmem:s0+$0x10]  }
0x310: {  	v9 =	vld [tilespmem:s0+$0x20]  }
0x311: {  	s26 =	simm.s32 $0x13040;
	v10 =	vld [tilespmem:s0+$0xFFFFFFC0]  }
0x312: {  	v13 =	vld [tilespmem:s26+$0x30]  }
0x313: {  	v16 =	vld [tilespmem:s26+$0xFFFFFFD0]  }
0x314: {  	v11 =	vld [tilespmem:s26+$0xFFFFFFE0]  }
0x315: {  	v12 =	vld.idx.msk [tilespmem:v2+s4+$0x0], $0xffff  }
0x316: {  	v14 =	vld.idx.msk [tilespmem:v3+s4+$0x0], $0xffff  }
0x317: {  	v6 =	vld.idx.msk [tilespmem:v4+s4+$0x0], $0xffff  }
0x318: {  	v5 =	vld.idx.msk [tilespmem:v5+s4+$0x0], $0xffff  }
0x319: {  	v15 =	vld.idx.msk [tilespmem:v10+s4+$0x0], $0xffff  }
0x31a: {  	v3 =	vld.idx.msk [tilespmem:v9+s4+$0x0], $0xffff  }
0x31b: {  	v9 =	vld [tilespmem:s26+$0xFFFFFFC0]  }
0x31c: {  	v4 =	vld.idx.msk [tilespmem:v7+s4+$0x0], $0xffff  }
0x31d: {  	v2 =	vld.idx.msk [tilespmem:v8+s4+$0x0], $0xffff  }
0x31e: {  	v10 =	vld [tilespmem:s26+$0xFFFFFFF0]  }
0x31f: {  	v8 =	vld [tilespmem:s26+$0x0];
	v12 =	vmul.f32 v13, v12  }
0x320: {  	s28 =	simm.s32 $0x15040;
	v7 =	vld [tilespmem:s26+$0x10];
	v13 =	vmul.f32 v9, v15  }
0x321: {  	s29 =	simm.s32 $0x0;
	s30 =	simm.s32 $0x110C0;
	v9 =	vld [tilespmem:s26+$0x20];
	[tilespmem:s28+$0x30] =	vst v12;
	v12 =	vmul.f32 v16, v14  }
.LBB2_19:
0x322: {  	v14 =	vld [tilespmem:s30+$0x30];
	s29 =	sadd.s32 $0x8, s29;
	[tilespmem:s28+$0xFFFFFFC0] =	vst v13;
	v6 =	vmul.f32 v11, v6  }
0x323: {  	v11 =	vld [tilespmem:s30+$0xFFFFFFD0];
	p0 =	slt.u32 s29, $0xF8;
	[tilespmem:s28+$0xFFFFFFD0] =	vst v12;
	v5 =	vmul.f32 v10, v5  }
0x324: {  	v10 =	vld [tilespmem:s30+$0xFFFFFFE0];
	[tilespmem:s28+$0xFFFFFFE0] =	vst v6;
	v4 =	vmul.f32 v8, v4  }
0x325: {  	v8 =	vld [tilespmem:s30+$0xFFFFFFF0];
	[tilespmem:s28+$0xFFFFFFF0] =	vst v5;
	v2 =	vmul.f32 v7, v2  }
0x326: {  	v7 =	vld [tilespmem:s30+$0x0];
	[tilespmem:s28+$0x0] =	vst v4;
	v3 =	vmul.f32 v9, v3  }
0x327: {  	v9 =	vld [tilespmem:s30+$0x10];
	[tilespmem:s28+$0x10] =	vst v2  }
0x328: {  	v12 =	vld [tilespmem:s30+$0x20];
	[tilespmem:s28+$0x20] =	vst v3  }
0x329: {  	v3 =	vld [tilespmem:s30+$0xFFFFFFC0]  }
0x32a: {  	s26 =	sadd.s32 $0x80, s26;
	v13 =	vld.idx.msk [tilespmem:v14+s4+$0x0], $0xffff  }
0x32b: {  	v14 =	vld [tilespmem:s26+$0x30]  }
0x32c: {  	v15 =	vld.idx.msk [tilespmem:v11+s4+$0x0], $0xffff  }
0x32d: {  	v6 =	vld.idx.msk [tilespmem:v10+s4+$0x0], $0xffff  }
0x32e: {  	v5 =	vld.idx.msk [tilespmem:v8+s4+$0x0], $0xffff  }
0x32f: {  	v4 =	vld.idx.msk [tilespmem:v7+s4+$0x0], $0xffff  }
0x330: {  	v2 =	vld.idx.msk [tilespmem:v9+s4+$0x0], $0xffff;
	v7 =	vmul.f32 v14, v13  }
0x331: {  	s28 =	sadd.s32 $0x80, s28;
	v9 =	vld.idx.msk [tilespmem:v3+s4+$0x0], $0xffff  }
0x332: {  	v3 =	vld.idx.msk [tilespmem:v12+s4+$0x0], $0xffff;
	[tilespmem:s28+$0x30] =	vst v7  }
0x333: {  	v7 =	vld [tilespmem:s26+$0xFFFFFFC0]  }
0x334: {  	v12 =	vld [tilespmem:s26+$0xFFFFFFD0]  }
.Ltmp10:
0x335: {  	v11 =	vld [tilespmem:s26+$0xFFFFFFE0];
	(pc) =	sbr.rel @p0 .LBB2_19-.Ltmp10, $4  }
0x336: {  	v10 =	vld [tilespmem:s26+$0xFFFFFFF0]  }
0x337: {  	v8 =	vld [tilespmem:s26+$0x0]  }
0x338: {  	v13 =	vmul.f32 v7, v9;
	v7 =	vld [tilespmem:s26+$0x10]  }
0x339: {  	s30 =	sadd.s32 $0x80, s30;
	v12 =	vmul.f32 v12, v15;
	v9 =	vld [tilespmem:s26+$0x20]  }
0x33a: {  	[tilespmem:s28+$0xFFFFFFC0] =	vst v13;
	v6 =	vmul.f32 v11, v6  }
0x33b: {  	[tilespmem:s28+$0xFFFFFFD0] =	vst v12;
	v5 =	vmul.f32 v10, v5  }
0x33c: {  	[tilespmem:s28+$0xFFFFFFE0] =	vst v6;
	v4 =	vmul.f32 v8, v4  }
0x33d: {  	[tilespmem:s28+$0xFFFFFFF0] =	vst v5;
	v2 =	vmul.f32 v7, v2  }
0x33e: {  	[tilespmem:s28+$0x0] =	vst v4;
	v3 =	vmul.f32 v9, v3  }
0x33f: {  	[tilespmem:s28+$0x10] =	vst v2  }
0x340: {  	[tilespmem:s28+$0x20] =	vst v3  }
0x341: {  	[spmem:s5] =	stream.indirect.scatter.add.f32 [tilespmem:s22], [sflag:$0x4], $0x1, s17, s18, $0xb8;
	[tilespmem:$0x1CA80] =	vst v63  }
0x342: {  	_ =	swait.ge [sflag:s14], $0x1000  }
0x343: {  	[sflag:s14] =	ssyncset.done $0x0  }
0x344: {  	[sflag:s14] =	ssyncadd.s32 $0xFFFFF000  }
0x345: {  	_ =	swait.ge [sflag:s14], $0x1000  }
0x346: {  	[sflag:s14] =	ssyncset.done $0x0  }
0x347: {  	[sflag:s14] =	ssyncadd.s32 $0xFFFFF000  }
0x348: {  	_ =	swait.ge [sflag:s14], $0x1000  }
0x349: {  	[sflag:s14] =	ssyncset.done $0x0  }
0x34a: {  	[sflag:s14] =	ssyncadd.s32 $0xFFFFF000  }
0x34b: {  	_ =	swait.ge [sflag:s23], $0x1000  }
0x34c: {  	s26 =	sld [smem:$0x7AE]  }
0x34d: {  	[sflag:s23] =	ssyncset.done $0x0  }
0x34e: {  	s0 =	sld [smem:$0x7AF];
	[sflag:s23] =	ssyncadd.s32 $0xFFFFF000  }
0x34f: {  	[tilespmem:s15], [sflag:$0x2] =	stream.linear.gather [hbm4b:s26+s4], $0x1000, $0x38;
	[tilespmem:$0x1CA80] =	vst v63  }
0x350: {  	_ = 	snop  }
0x351: {  	[tilespmem:s16], [sflag:$0x2] =	stream.linear.gather [hbm4b:s0+s4], $0x1000, $0x38;
	[tilespmem:$0x1CA80] =	vst v63  }
0x352: {  	s0 =	sld [smem:$0x7B0];
	_ =	sdelay $0x2  }
0x353: {  	[tilespmem:s17], [sflag:$0x2] =	stream.linear.gather [hbm4b:s0+s4], $0x1000, $0x38;
	[tilespmem:$0x1CA80] =	vst v63  }
0x354: {  	s0 =	simm.s32 $0x10040  }
0x355: {  	v2 =	vld [tilespmem:s0+$0x30]  }
0x356: {  	v3 =	vld [tilespmem:s0+$0xFFFFFFD0]  }
0x357: {  	v4 =	vld [tilespmem:s0+$0xFFFFFFE0]  }
0x358: {  	v5 =	vld [tilespmem:s0+$0xFFFFFFF0]  }
0x359: {  	v7 =	vld [tilespmem:s0+$0x0]  }
0x35a: {  	v8 =	vld [tilespmem:s0+$0x10]  }
0x35b: {  	v9 =	vld [tilespmem:s0+$0x20]  }
0x35c: {  	s26 =	simm.s32 $0x12040;
	v10 =	vld [tilespmem:s0+$0xFFFFFFC0]  }
0x35d: {  	v13 =	vld [tilespmem:s26+$0x30]  }
0x35e: {  	v16 =	vld [tilespmem:s26+$0xFFFFFFD0]  }
0x35f: {  	v11 =	vld [tilespmem:s26+$0xFFFFFFE0]  }
0x360: {  	v12 =	vld.idx.msk [tilespmem:v2+s4+$0x0], $0xffff  }
0x361: {  	v14 =	vld.idx.msk [tilespmem:v3+s4+$0x0], $0xffff  }
0x362: {  	v6 =	vld.idx.msk [tilespmem:v4+s4+$0x0], $0xffff  }
0x363: {  	v5 =	vld.idx.msk [tilespmem:v5+s4+$0x0], $0xffff  }
0x364: {  	v15 =	vld.idx.msk [tilespmem:v10+s4+$0x0], $0xffff  }
0x365: {  	v3 =	vld.idx.msk [tilespmem:v9+s4+$0x0], $0xffff  }
0x366: {  	v9 =	vld [tilespmem:s26+$0xFFFFFFC0]  }
0x367: {  	v4 =	vld.idx.msk [tilespmem:v7+s4+$0x0], $0xffff  }
0x368: {  	v2 =	vld.idx.msk [tilespmem:v8+s4+$0x0], $0xffff  }
0x369: {  	v10 =	vld [tilespmem:s26+$0xFFFFFFF0]  }
0x36a: {  	v8 =	vld [tilespmem:s26+$0x0];
	v12 =	vmul.f32 v13, v12  }
0x36b: {  	s28 =	simm.s32 $0x14040;
	v7 =	vld [tilespmem:s26+$0x10];
	v13 =	vmul.f32 v9, v15  }
0x36c: {  	s29 =	simm.s32 $0x0;
	s30 =	simm.s32 $0x100C0;
	v9 =	vld [tilespmem:s26+$0x20];
	[tilespmem:s28+$0x30] =	vst v12;
	v12 =	vmul.f32 v16, v14  }
.LBB2_21:
0x36d: {  	v14 =	vld [tilespmem:s30+$0x30];
	s29 =	sadd.s32 $0x8, s29;
	[tilespmem:s28+$0xFFFFFFC0] =	vst v13;
	v6 =	vmul.f32 v11, v6  }
0x36e: {  	v11 =	vld [tilespmem:s30+$0xFFFFFFD0];
	p0 =	slt.u32 s29, $0xF8;
	[tilespmem:s28+$0xFFFFFFD0] =	vst v12;
	v5 =	vmul.f32 v10, v5  }
0x36f: {  	v10 =	vld [tilespmem:s30+$0xFFFFFFE0];
	[tilespmem:s28+$0xFFFFFFE0] =	vst v6;
	v4 =	vmul.f32 v8, v4  }
0x370: {  	v8 =	vld [tilespmem:s30+$0xFFFFFFF0];
	[tilespmem:s28+$0xFFFFFFF0] =	vst v5;
	v2 =	vmul.f32 v7, v2  }
0x371: {  	v7 =	vld [tilespmem:s30+$0x0];
	[tilespmem:s28+$0x0] =	vst v4;
	v3 =	vmul.f32 v9, v3  }
0x372: {  	v9 =	vld [tilespmem:s30+$0x10];
	[tilespmem:s28+$0x10] =	vst v2  }
0x373: {  	v12 =	vld [tilespmem:s30+$0x20];
	[tilespmem:s28+$0x20] =	vst v3  }
0x374: {  	v3 =	vld [tilespmem:s30+$0xFFFFFFC0]  }
0x375: {  	s26 =	sadd.s32 $0x80, s26;
	v13 =	vld.idx.msk [tilespmem:v14+s4+$0x0], $0xffff  }
0x376: {  	v14 =	vld [tilespmem:s26+$0x30]  }
0x377: {  	v15 =	vld.idx.msk [tilespmem:v11+s4+$0x0], $0xffff  }
0x378: {  	v6 =	vld.idx.msk [tilespmem:v10+s4+$0x0], $0xffff  }
0x379: {  	v5 =	vld.idx.msk [tilespmem:v8+s4+$0x0], $0xffff  }
0x37a: {  	v4 =	vld.idx.msk [tilespmem:v7+s4+$0x0], $0xffff  }
0x37b: {  	v2 =	vld.idx.msk [tilespmem:v9+s4+$0x0], $0xffff;
	v7 =	vmul.f32 v14, v13  }
0x37c: {  	s28 =	sadd.s32 $0x80, s28;
	v9 =	vld.idx.msk [tilespmem:v3+s4+$0x0], $0xffff  }
0x37d: {  	v3 =	vld.idx.msk [tilespmem:v12+s4+$0x0], $0xffff;
	[tilespmem:s28+$0x30] =	vst v7  }
0x37e: {  	v7 =	vld [tilespmem:s26+$0xFFFFFFC0]  }
0x37f: {  	v12 =	vld [tilespmem:s26+$0xFFFFFFD0]  }
.Ltmp11:
0x380: {  	v11 =	vld [tilespmem:s26+$0xFFFFFFE0];
	(pc) =	sbr.rel @p0 .LBB2_21-.Ltmp11, $4  }
0x381: {  	v10 =	vld [tilespmem:s26+$0xFFFFFFF0]  }
0x382: {  	v8 =	vld [tilespmem:s26+$0x0]  }
0x383: {  	v13 =	vmul.f32 v7, v9;
	v7 =	vld [tilespmem:s26+$0x10]  }
0x384: {  	s30 =	sadd.s32 $0x80, s30;
	v12 =	vmul.f32 v12, v15;
	v9 =	vld [tilespmem:s26+$0x20]  }
0x385: {  	[tilespmem:s28+$0xFFFFFFC0] =	vst v13;
	v6 =	vmul.f32 v11, v6  }
0x386: {  	[tilespmem:s28+$0xFFFFFFD0] =	vst v12;
	v5 =	vmul.f32 v10, v5  }
0x387: {  	[tilespmem:s28+$0xFFFFFFE0] =	vst v6;
	v4 =	vmul.f32 v8, v4  }
0x388: {  	[tilespmem:s28+$0xFFFFFFF0] =	vst v5;
	v2 =	vmul.f32 v7, v2  }
0x389: {  	[tilespmem:s28+$0x0] =	vst v4;
	v3 =	vmul.f32 v9, v3  }
0x38a: {  	[tilespmem:s28+$0x10] =	vst v2  }
0x38b: {  	[tilespmem:s28+$0x20] =	vst v3  }
0x38c: {  	[spmem:s5] =	stream.indirect.scatter.add.f32 [tilespmem:s19], [sflag:$0x3], $0x1, s13, s18, $0xb8;
	[tilespmem:$0x1CA80] =	vst v63  }
0x38d: {  	_ =	swait.ge [sflag:s20], $0x1000  }
0x38e: {  	[sflag:s20] =	ssyncset.done $0x0  }
0x38f: {  	[sflag:s20] =	ssyncadd.s32 $0xFFFFF000  }
0x390: {  	_ =	swait.ge [sflag:s20], $0x1000  }
0x391: {  	[sflag:s20] =	ssyncset.done $0x0  }
0x392: {  	[sflag:s20] =	ssyncadd.s32 $0xFFFFF000  }
0x393: {  	_ =	swait.ge [sflag:s20], $0x1000  }
0x394: {  	[sflag:s20] =	ssyncset.done $0x0  }
0x395: {  	[sflag:s20] =	ssyncadd.s32 $0xFFFFF000  }
0x396: {  	_ =	swait.ge [sflag:s21], $0x1000  }
0x397: {  	s26 =	sld [smem:$0x7B1]  }
0x398: {  	[sflag:s21] =	ssyncset.done $0x0  }
0x399: {  	s0 =	sld [smem:$0x7B2];
	[sflag:s21] =	ssyncadd.s32 $0xFFFFF000  }
0x39a: {  	[tilespmem:s11], [sflag:$0x1] =	stream.linear.gather [hbm4b:s26+s4], $0x1000, $0x38;
	[tilespmem:$0x1CA80] =	vst v63  }
0x39b: {  	_ = 	snop  }
0x39c: {  	[tilespmem:s12], [sflag:$0x1] =	stream.linear.gather [hbm4b:s0+s4], $0x1000, $0x38;
	[tilespmem:$0x1CA80] =	vst v63  }
0x39d: {  	s0 =	sld [smem:$0x7B3];
	_ =	sdelay $0x2  }
0x39e: {  	[tilespmem:s13], [sflag:$0x1] =	stream.linear.gather [hbm4b:s0+s4], $0x1000, $0x38;
	[tilespmem:$0x1CA80] =	vst v63  }
0x39f: {  	s0 =	simm.s32 $0x11040  }
0x3a0: {  	v2 =	vld [tilespmem:s0+$0x30]  }
0x3a1: {  	v3 =	vld [tilespmem:s0+$0xFFFFFFD0]  }
0x3a2: {  	v4 =	vld [tilespmem:s0+$0xFFFFFFE0]  }
0x3a3: {  	v5 =	vld [tilespmem:s0+$0xFFFFFFF0]  }
0x3a4: {  	v7 =	vld [tilespmem:s0+$0x0]  }
0x3a5: {  	v8 =	vld [tilespmem:s0+$0x10]  }
0x3a6: {  	v9 =	vld [tilespmem:s0+$0x20]  }
0x3a7: {  	s26 =	simm.s32 $0x13040;
	v10 =	vld [tilespmem:s0+$0xFFFFFFC0]  }
0x3a8: {  	v13 =	vld [tilespmem:s26+$0x30]  }
0x3a9: {  	v16 =	vld [tilespmem:s26+$0xFFFFFFD0]  }
0x3aa: {  	v11 =	vld [tilespmem:s26+$0xFFFFFFE0]  }
0x3ab: {  	v12 =	vld.idx.msk [tilespmem:v2+s4+$0x0], $0xffff  }
0x3ac: {  	v14 =	vld.idx.msk [tilespmem:v3+s4+$0x0], $0xffff  }
0x3ad: {  	v6 =	vld.idx.msk [tilespmem:v4+s4+$0x0], $0xffff  }
0x3ae: {  	v5 =	vld.idx.msk [tilespmem:v5+s4+$0x0], $0xffff  }
0x3af: {  	v15 =	vld.idx.msk [tilespmem:v10+s4+$0x0], $0xffff  }
0x3b0: {  	v3 =	vld.idx.msk [tilespmem:v9+s4+$0x0], $0xffff  }
0x3b1: {  	v9 =	vld [tilespmem:s26+$0xFFFFFFC0]  }
0x3b2: {  	v4 =	vld.idx.msk [tilespmem:v7+s4+$0x0], $0xffff  }
0x3b3: {  	v2 =	vld.idx.msk [tilespmem:v8+s4+$0x0], $0xffff  }
0x3b4: {  	v10 =	vld [tilespmem:s26+$0xFFFFFFF0]  }
0x3b5: {  	v8 =	vld [tilespmem:s26+$0x0];
	v12 =	vmul.f32 v13, v12  }
0x3b6: {  	s28 =	simm.s32 $0x15040;
	v7 =	vld [tilespmem:s26+$0x10];
	v13 =	vmul.f32 v9, v15  }
0x3b7: {  	s29 =	simm.s32 $0x0;
	s30 =	simm.s32 $0x110C0;
	v9 =	vld [tilespmem:s26+$0x20];
	[tilespmem:s28+$0x30] =	vst v12;
	v12 =	vmul.f32 v16, v14  }
.LBB2_23:
0x3b8: {  	v14 =	vld [tilespmem:s30+$0x30];
	s29 =	sadd.s32 $0x8, s29;
	[tilespmem:s28+$0xFFFFFFC0] =	vst v13;
	v6 =	vmul.f32 v11, v6  }
0x3b9: {  	v11 =	vld [tilespmem:s30+$0xFFFFFFD0];
	p0 =	slt.u32 s29, $0xF8;
	[tilespmem:s28+$0xFFFFFFD0] =	vst v12;
	v5 =	vmul.f32 v10, v5  }
0x3ba: {  	v10 =	vld [tilespmem:s30+$0xFFFFFFE0];
	[tilespmem:s28+$0xFFFFFFE0] =	vst v6;
	v4 =	vmul.f32 v8, v4  }
0x3bb: {  	v8 =	vld [tilespmem:s30+$0xFFFFFFF0];
	[tilespmem:s28+$0xFFFFFFF0] =	vst v5;
	v2 =	vmul.f32 v7, v2  }
0x3bc: {  	v7 =	vld [tilespmem:s30+$0x0];
	[tilespmem:s28+$0x0] =	vst v4;
	v3 =	vmul.f32 v9, v3  }
0x3bd: {  	v9 =	vld [tilespmem:s30+$0x10];
	[tilespmem:s28+$0x10] =	vst v2  }
0x3be: {  	v12 =	vld [tilespmem:s30+$0x20];
	[tilespmem:s28+$0x20] =	vst v3  }
0x3bf: {  	v3 =	vld [tilespmem:s30+$0xFFFFFFC0]  }
0x3c0: {  	s26 =	sadd.s32 $0x80, s26;
	v13 =	vld.idx.msk [tilespmem:v14+s4+$0x0], $0xffff  }
0x3c1: {  	v14 =	vld [tilespmem:s26+$0x30]  }
0x3c2: {  	v15 =	vld.idx.msk [tilespmem:v11+s4+$0x0], $0xffff  }
0x3c3: {  	v6 =	vld.idx.msk [tilespmem:v10+s4+$0x0], $0xffff  }
0x3c4: {  	v5 =	vld.idx.msk [tilespmem:v8+s4+$0x0], $0xffff  }
0x3c5: {  	v4 =	vld.idx.msk [tilespmem:v7+s4+$0x0], $0xffff  }
0x3c6: {  	v2 =	vld.idx.msk [tilespmem:v9+s4+$0x0], $0xffff;
	v7 =	vmul.f32 v14, v13  }
0x3c7: {  	s28 =	sadd.s32 $0x80, s28;
	v9 =	vld.idx.msk [tilespmem:v3+s4+$0x0], $0xffff  }
0x3c8: {  	v3 =	vld.idx.msk [tilespmem:v12+s4+$0x0], $0xffff;
	[tilespmem:s28+$0x30] =	vst v7  }
0x3c9: {  	v7 =	vld [tilespmem:s26+$0xFFFFFFC0]  }
0x3ca: {  	v12 =	vld [tilespmem:s26+$0xFFFFFFD0]  }
.Ltmp12:
0x3cb: {  	v11 =	vld [tilespmem:s26+$0xFFFFFFE0];
	(pc) =	sbr.rel @p0 .LBB2_23-.Ltmp12, $4  }
0x3cc: {  	v10 =	vld [tilespmem:s26+$0xFFFFFFF0]  }
0x3cd: {  	v8 =	vld [tilespmem:s26+$0x0]  }
0x3ce: {  	v13 =	vmul.f32 v7, v9;
	v7 =	vld [tilespmem:s26+$0x10]  }
0x3cf: {  	s30 =	sadd.s32 $0x80, s30;
	v12 =	vmul.f32 v12, v15;
	v9 =	vld [tilespmem:s26+$0x20]  }
0x3d0: {  	[tilespmem:s28+$0xFFFFFFC0] =	vst v13;
	v6 =	vmul.f32 v11, v6  }
0x3d1: {  	[tilespmem:s28+$0xFFFFFFD0] =	vst v12;
	v5 =	vmul.f32 v10, v5  }
0x3d2: {  	[tilespmem:s28+$0xFFFFFFE0] =	vst v6;
	v4 =	vmul.f32 v8, v4  }
0x3d3: {  	[tilespmem:s28+$0xFFFFFFF0] =	vst v5;
	v2 =	vmul.f32 v7, v2  }
0x3d4: {  	[tilespmem:s28+$0x0] =	vst v4;
	v3 =	vmul.f32 v9, v3  }
0x3d5: {  	[tilespmem:s28+$0x10] =	vst v2  }
0x3d6: {  	[tilespmem:s28+$0x20] =	vst v3  }
0x3d7: {  	[spmem:s5] =	stream.indirect.scatter.add.f32 [tilespmem:s22], [sflag:$0x4], $0x1, s17, s18, $0xb8;
	[tilespmem:$0x1CA80] =	vst v63  }
0x3d8: {  	_ =	swait.ge [sflag:s14], $0x1000  }
0x3d9: {  	[sflag:s14] =	ssyncset.done $0x0  }
0x3da: {  	[sflag:s14] =	ssyncadd.s32 $0xFFFFF000  }
0x3db: {  	_ =	swait.ge [sflag:s14], $0x1000  }
0x3dc: {  	[sflag:s14] =	ssyncset.done $0x0  }
0x3dd: {  	[sflag:s14] =	ssyncadd.s32 $0xFFFFF000  }
0x3de: {  	_ =	swait.ge [sflag:s14], $0x1000  }
0x3df: {  	[sflag:s14] =	ssyncset.done $0x0  }
0x3e0: {  	[sflag:s14] =	ssyncadd.s32 $0xFFFFF000  }
0x3e1: {  	_ =	swait.ge [sflag:s23], $0x1000  }
0x3e2: {  	s26 =	sld [smem:$0x7B4]  }
0x3e3: {  	[sflag:s23] =	ssyncset.done $0x0  }
0x3e4: {  	s0 =	sld [smem:$0x7B5];
	[sflag:s23] =	ssyncadd.s32 $0xFFFFF000  }
0x3e5: {  	[tilespmem:s15], [sflag:$0x2] =	stream.linear.gather [hbm4b:s26+s4], $0x1000, $0x38;
	[tilespmem:$0x1CA80] =	vst v63  }
0x3e6: {  	_ = 	snop  }
0x3e7: {  	[tilespmem:s16], [sflag:$0x2] =	stream.linear.gather [hbm4b:s0+s4], $0x1000, $0x38;
	[tilespmem:$0x1CA80] =	vst v63  }
0x3e8: {  	s0 =	sld [smem:$0x7B6];
	_ =	sdelay $0x2  }
0x3e9: {  	[tilespmem:s17], [sflag:$0x2] =	stream.linear.gather [hbm4b:s0+s4], $0x1000, $0x38;
	[tilespmem:$0x1CA80] =	vst v63  }
0x3ea: {  	s0 =	simm.s32 $0x10040  }
0x3eb: {  	v2 =	vld [tilespmem:s0+$0x30]  }
0x3ec: {  	v3 =	vld [tilespmem:s0+$0xFFFFFFD0]  }
0x3ed: {  	v4 =	vld [tilespmem:s0+$0xFFFFFFE0]  }
0x3ee: {  	v5 =	vld [tilespmem:s0+$0xFFFFFFF0]  }
0x3ef: {  	v7 =	vld [tilespmem:s0+$0x0]  }
0x3f0: {  	v8 =	vld [tilespmem:s0+$0x10]  }
0x3f1: {  	v9 =	vld [tilespmem:s0+$0x20]  }
0x3f2: {  	s26 =	simm.s32 $0x12040;
	v10 =	vld [tilespmem:s0+$0xFFFFFFC0]  }
0x3f3: {  	v13 =	vld [tilespmem:s26+$0x30]  }
0x3f4: {  	v16 =	vld [tilespmem:s26+$0xFFFFFFD0]  }
0x3f5: {  	v11 =	vld [tilespmem:s26+$0xFFFFFFE0]  }
0x3f6: {  	v12 =	vld.idx.msk [tilespmem:v2+s4+$0x0], $0xffff  }
0x3f7: {  	v14 =	vld.idx.msk [tilespmem:v3+s4+$0x0], $0xffff  }
0x3f8: {  	v6 =	vld.idx.msk [tilespmem:v4+s4+$0x0], $0xffff  }
0x3f9: {  	v5 =	vld.idx.msk [tilespmem:v5+s4+$0x0], $0xffff  }
0x3fa: {  	v15 =	vld.idx.msk [tilespmem:v10+s4+$0x0], $0xffff  }
0x3fb: {  	v3 =	vld.idx.msk [tilespmem:v9+s4+$0x0], $0xffff  }
0x3fc: {  	v9 =	vld [tilespmem:s26+$0xFFFFFFC0]  }
0x3fd: {  	v4 =	vld.idx.msk [tilespmem:v7+s4+$0x0], $0xffff  }
0x3fe: {  	v2 =	vld.idx.msk [tilespmem:v8+s4+$0x0], $0xffff  }
0x3ff: {  	v10 =	vld [tilespmem:s26+$0xFFFFFFF0]  }
0x400: {  	v8 =	vld [tilespmem:s26+$0x0];
	v12 =	vmul.f32 v13, v12  }
0x401: {  	s28 =	simm.s32 $0x14040;
	v7 =	vld [tilespmem:s26+$0x10];
	v13 =	vmul.f32 v9, v15  }
0x402: {  	s29 =	simm.s32 $0x0;
	s30 =	simm.s32 $0x100C0;
	v9 =	vld [tilespmem:s26+$0x20];
	[tilespmem:s28+$0x30] =	vst v12;
	v12 =	vmul.f32 v16, v14  }
.LBB2_25:
0x403: {  	v14 =	vld [tilespmem:s30+$0x30];
	s29 =	sadd.s32 $0x8, s29;
	[tilespmem:s28+$0xFFFFFFC0] =	vst v13;
	v6 =	vmul.f32 v11, v6  }
0x404: {  	v11 =	vld [tilespmem:s30+$0xFFFFFFD0];
	p0 =	slt.u32 s29, $0xF8;
	[tilespmem:s28+$0xFFFFFFD0] =	vst v12;
	v5 =	vmul.f32 v10, v5  }
0x405: {  	v10 =	vld [tilespmem:s30+$0xFFFFFFE0];
	[tilespmem:s28+$0xFFFFFFE0] =	vst v6;
	v4 =	vmul.f32 v8, v4  }
0x406: {  	v8 =	vld [tilespmem:s30+$0xFFFFFFF0];
	[tilespmem:s28+$0xFFFFFFF0] =	vst v5;
	v2 =	vmul.f32 v7, v2  }
0x407: {  	v7 =	vld [tilespmem:s30+$0x0];
	[tilespmem:s28+$0x0] =	vst v4;
	v3 =	vmul.f32 v9, v3  }
0x408: {  	v9 =	vld [tilespmem:s30+$0x10];
	[tilespmem:s28+$0x10] =	vst v2  }
0x409: {  	v12 =	vld [tilespmem:s30+$0x20];
	[tilespmem:s28+$0x20] =	vst v3  }
0x40a: {  	v3 =	vld [tilespmem:s30+$0xFFFFFFC0]  }
0x40b: {  	s26 =	sadd.s32 $0x80, s26;
	v13 =	vld.idx.msk [tilespmem:v14+s4+$0x0], $0xffff  }
0x40c: {  	v14 =	vld [tilespmem:s26+$0x30]  }
0x40d: {  	v15 =	vld.idx.msk [tilespmem:v11+s4+$0x0], $0xffff  }
0x40e: {  	v6 =	vld.idx.msk [tilespmem:v10+s4+$0x0], $0xffff  }
0x40f: {  	v5 =	vld.idx.msk [tilespmem:v8+s4+$0x0], $0xffff  }
0x410: {  	v4 =	vld.idx.msk [tilespmem:v7+s4+$0x0], $0xffff  }
0x411: {  	v2 =	vld.idx.msk [tilespmem:v9+s4+$0x0], $0xffff;
	v7 =	vmul.f32 v14, v13  }
0x412: {  	s28 =	sadd.s32 $0x80, s28;
	v9 =	vld.idx.msk [tilespmem:v3+s4+$0x0], $0xffff  }
0x413: {  	v3 =	vld.idx.msk [tilespmem:v12+s4+$0x0], $0xffff;
	[tilespmem:s28+$0x30] =	vst v7  }
0x414: {  	v7 =	vld [tilespmem:s26+$0xFFFFFFC0]  }
0x415: {  	v12 =	vld [tilespmem:s26+$0xFFFFFFD0]  }
.Ltmp13:
0x416: {  	v11 =	vld [tilespmem:s26+$0xFFFFFFE0];
	(pc) =	sbr.rel @p0 .LBB2_25-.Ltmp13, $4  }
0x417: {  	v10 =	vld [tilespmem:s26+$0xFFFFFFF0]  }
0x418: {  	v8 =	vld [tilespmem:s26+$0x0]  }
0x419: {  	v13 =	vmul.f32 v7, v9;
	v7 =	vld [tilespmem:s26+$0x10]  }
0x41a: {  	s30 =	sadd.s32 $0x80, s30;
	v12 =	vmul.f32 v12, v15;
	v9 =	vld [tilespmem:s26+$0x20]  }
0x41b: {  	[tilespmem:s28+$0xFFFFFFC0] =	vst v13;
	v6 =	vmul.f32 v11, v6  }
0x41c: {  	[tilespmem:s28+$0xFFFFFFD0] =	vst v12;
	v5 =	vmul.f32 v10, v5  }
0x41d: {  	[tilespmem:s28+$0xFFFFFFE0] =	vst v6;
	v4 =	vmul.f32 v8, v4  }
0x41e: {  	[tilespmem:s28+$0xFFFFFFF0] =	vst v5;
	v2 =	vmul.f32 v7, v2  }
0x41f: {  	[tilespmem:s28+$0x0] =	vst v4;
	v3 =	vmul.f32 v9, v3  }
0x420: {  	[tilespmem:s28+$0x10] =	vst v2  }
0x421: {  	[tilespmem:s28+$0x20] =	vst v3  }
0x422: {  	[spmem:s5] =	stream.indirect.scatter.add.f32 [tilespmem:s19], [sflag:$0x3], $0x1, s13, s18, $0xb8;
	[tilespmem:$0x1CA80] =	vst v63  }
0x423: {  	_ =	swait.ge [sflag:s20], $0x1000  }
0x424: {  	[sflag:s20] =	ssyncset.done $0x0  }
0x425: {  	[sflag:s20] =	ssyncadd.s32 $0xFFFFF000  }
0x426: {  	_ =	swait.ge [sflag:s20], $0x1000  }
0x427: {  	[sflag:s20] =	ssyncset.done $0x0  }
0x428: {  	[sflag:s20] =	ssyncadd.s32 $0xFFFFF000  }
0x429: {  	_ =	swait.ge [sflag:s20], $0x1000  }
0x42a: {  	[sflag:s20] =	ssyncset.done $0x0  }
0x42b: {  	[sflag:s20] =	ssyncadd.s32 $0xFFFFF000  }
0x42c: {  	_ =	swait.ge [sflag:s21], $0x1000  }
0x42d: {  	s26 =	sld [smem:$0x7B7]  }
0x42e: {  	[sflag:s21] =	ssyncset.done $0x0  }
0x42f: {  	s0 =	sld [smem:$0x7B8];
	[sflag:s21] =	ssyncadd.s32 $0xFFFFF000  }
0x430: {  	[tilespmem:s11], [sflag:$0x1] =	stream.linear.gather [hbm4b:s26+s4], $0x1000, $0x38;
	[tilespmem:$0x1CA80] =	vst v63  }
0x431: {  	_ = 	snop  }
0x432: {  	[tilespmem:s12], [sflag:$0x1] =	stream.linear.gather [hbm4b:s0+s4], $0x1000, $0x38;
	[tilespmem:$0x1CA80] =	vst v63  }
0x433: {  	s0 =	sld [smem:$0x7B9];
	_ =	sdelay $0x2  }
0x434: {  	[tilespmem:s13], [sflag:$0x1] =	stream.linear.gather [hbm4b:s0+s4], $0x1000, $0x38;
	[tilespmem:$0x1CA80] =	vst v63  }
0x435: {  	s0 =	simm.s32 $0x11040  }
0x436: {  	v2 =	vld [tilespmem:s0+$0x30]  }
0x437: {  	v3 =	vld [tilespmem:s0+$0xFFFFFFD0]  }
0x438: {  	v4 =	vld [tilespmem:s0+$0xFFFFFFE0]  }
0x439: {  	v5 =	vld [tilespmem:s0+$0xFFFFFFF0]  }
0x43a: {  	v7 =	vld [tilespmem:s0+$0x0]  }
0x43b: {  	v8 =	vld [tilespmem:s0+$0x10]  }
0x43c: {  	v9 =	vld [tilespmem:s0+$0x20]  }
0x43d: {  	s26 =	simm.s32 $0x13040;
	v10 =	vld [tilespmem:s0+$0xFFFFFFC0]  }
0x43e: {  	v13 =	vld [tilespmem:s26+$0x30]  }
0x43f: {  	v16 =	vld [tilespmem:s26+$0xFFFFFFD0]  }
0x440: {  	v11 =	vld [tilespmem:s26+$0xFFFFFFE0]  }
0x441: {  	v12 =	vld.idx.msk [tilespmem:v2+s4+$0x0], $0xffff  }
0x442: {  	v14 =	vld.idx.msk [tilespmem:v3+s4+$0x0], $0xffff  }
0x443: {  	v6 =	vld.idx.msk [tilespmem:v4+s4+$0x0], $0xffff  }
0x444: {  	v5 =	vld.idx.msk [tilespmem:v5+s4+$0x0], $0xffff  }
0x445: {  	v15 =	vld.idx.msk [tilespmem:v10+s4+$0x0], $0xffff  }
0x446: {  	v3 =	vld.idx.msk [tilespmem:v9+s4+$0x0], $0xffff  }
0x447: {  	v9 =	vld [tilespmem:s26+$0xFFFFFFC0]  }
0x448: {  	v4 =	vld.idx.msk [tilespmem:v7+s4+$0x0], $0xffff  }
0x449: {  	v2 =	vld.idx.msk [tilespmem:v8+s4+$0x0], $0xffff  }
0x44a: {  	v10 =	vld [tilespmem:s26+$0xFFFFFFF0]  }
0x44b: {  	v8 =	vld [tilespmem:s26+$0x0];
	v12 =	vmul.f32 v13, v12  }
0x44c: {  	s28 =	simm.s32 $0x15040;
	v7 =	vld [tilespmem:s26+$0x10];
	v13 =	vmul.f32 v9, v15  }
0x44d: {  	s29 =	simm.s32 $0x0;
	s30 =	simm.s32 $0x110C0;
	v9 =	vld [tilespmem:s26+$0x20];
	[tilespmem:s28+$0x30] =	vst v12;
	v12 =	vmul.f32 v16, v14  }
.LBB2_27:
0x44e: {  	v14 =	vld [tilespmem:s30+$0x30];
	s29 =	sadd.s32 $0x8, s29;
	[tilespmem:s28+$0xFFFFFFC0] =	vst v13;
	v6 =	vmul.f32 v11, v6  }
0x44f: {  	v11 =	vld [tilespmem:s30+$0xFFFFFFD0];
	p0 =	slt.u32 s29, $0xF8;
	[tilespmem:s28+$0xFFFFFFD0] =	vst v12;
	v5 =	vmul.f32 v10, v5  }
0x450: {  	v10 =	vld [tilespmem:s30+$0xFFFFFFE0];
	[tilespmem:s28+$0xFFFFFFE0] =	vst v6;
	v4 =	vmul.f32 v8, v4  }
0x451: {  	v8 =	vld [tilespmem:s30+$0xFFFFFFF0];
	[tilespmem:s28+$0xFFFFFFF0] =	vst v5;
	v2 =	vmul.f32 v7, v2  }
0x452: {  	v7 =	vld [tilespmem:s30+$0x0];
	[tilespmem:s28+$0x0] =	vst v4;
	v3 =	vmul.f32 v9, v3  }
0x453: {  	v9 =	vld [tilespmem:s30+$0x10];
	[tilespmem:s28+$0x10] =	vst v2  }
0x454: {  	v12 =	vld [tilespmem:s30+$0x20];
	[tilespmem:s28+$0x20] =	vst v3  }
0x455: {  	v3 =	vld [tilespmem:s30+$0xFFFFFFC0]  }
0x456: {  	s26 =	sadd.s32 $0x80, s26;
	v13 =	vld.idx.msk [tilespmem:v14+s4+$0x0], $0xffff  }
0x457: {  	v14 =	vld [tilespmem:s26+$0x30]  }
0x458: {  	v15 =	vld.idx.msk [tilespmem:v11+s4+$0x0], $0xffff  }
0x459: {  	v6 =	vld.idx.msk [tilespmem:v10+s4+$0x0], $0xffff  }
0x45a: {  	v5 =	vld.idx.msk [tilespmem:v8+s4+$0x0], $0xffff  }
0x45b: {  	v4 =	vld.idx.msk [tilespmem:v7+s4+$0x0], $0xffff  }
0x45c: {  	v2 =	vld.idx.msk [tilespmem:v9+s4+$0x0], $0xffff;
	v7 =	vmul.f32 v14, v13  }
0x45d: {  	s28 =	sadd.s32 $0x80, s28;
	v9 =	vld.idx.msk [tilespmem:v3+s4+$0x0], $0xffff  }
0x45e: {  	v3 =	vld.idx.msk [tilespmem:v12+s4+$0x0], $0xffff;
	[tilespmem:s28+$0x30] =	vst v7  }
0x45f: {  	v7 =	vld [tilespmem:s26+$0xFFFFFFC0]  }
0x460: {  	v12 =	vld [tilespmem:s26+$0xFFFFFFD0]  }
.Ltmp14:
0x461: {  	v11 =	vld [tilespmem:s26+$0xFFFFFFE0];
	(pc) =	sbr.rel @p0 .LBB2_27-.Ltmp14, $4  }
0x462: {  	v10 =	vld [tilespmem:s26+$0xFFFFFFF0]  }
0x463: {  	v8 =	vld [tilespmem:s26+$0x0]  }
0x464: {  	v13 =	vmul.f32 v7, v9;
	v7 =	vld [tilespmem:s26+$0x10]  }
0x465: {  	s30 =	sadd.s32 $0x80, s30;
	v12 =	vmul.f32 v12, v15;
	v9 =	vld [tilespmem:s26+$0x20]  }
0x466: {  	[tilespmem:s28+$0xFFFFFFC0] =	vst v13;
	v6 =	vmul.f32 v11, v6  }
0x467: {  	[tilespmem:s28+$0xFFFFFFD0] =	vst v12;
	v5 =	vmul.f32 v10, v5  }
0x468: {  	[tilespmem:s28+$0xFFFFFFE0] =	vst v6;
	v4 =	vmul.f32 v8, v4  }
0x469: {  	[tilespmem:s28+$0xFFFFFFF0] =	vst v5;
	v2 =	vmul.f32 v7, v2  }
0x46a: {  	[tilespmem:s28+$0x0] =	vst v4;
	v3 =	vmul.f32 v9, v3  }
0x46b: {  	[tilespmem:s28+$0x10] =	vst v2  }
0x46c: {  	[tilespmem:s28+$0x20] =	vst v3  }
0x46d: {  	[spmem:s5] =	stream.indirect.scatter.add.f32 [tilespmem:s22], [sflag:$0x4], $0x1, s17, s18, $0xb8;
	[tilespmem:$0x1CA80] =	vst v63  }
0x46e: {  	_ =	swait.ge [sflag:s14], $0x1000  }
0x46f: {  	[sflag:s14] =	ssyncset.done $0x0  }
0x470: {  	[sflag:s14] =	ssyncadd.s32 $0xFFFFF000  }
0x471: {  	_ =	swait.ge [sflag:s14], $0x1000  }
0x472: {  	[sflag:s14] =	ssyncset.done $0x0  }
0x473: {  	[sflag:s14] =	ssyncadd.s32 $0xFFFFF000  }
0x474: {  	_ =	swait.ge [sflag:s14], $0x1000  }
0x475: {  	[sflag:s14] =	ssyncset.done $0x0  }
0x476: {  	[sflag:s14] =	ssyncadd.s32 $0xFFFFF000  }
0x477: {  	_ =	swait.ge [sflag:s23], $0x1000  }
0x478: {  	s26 =	sld [smem:$0x7BA]  }
0x479: {  	[sflag:s23] =	ssyncset.done $0x0  }
0x47a: {  	s0 =	sld [smem:$0x7BB];
	[sflag:s23] =	ssyncadd.s32 $0xFFFFF000  }
0x47b: {  	[tilespmem:s15], [sflag:$0x2] =	stream.linear.gather [hbm4b:s26+s4], $0x1000, $0x38;
	[tilespmem:$0x1CA80] =	vst v63  }
0x47c: {  	_ = 	snop  }
0x47d: {  	[tilespmem:s16], [sflag:$0x2] =	stream.linear.gather [hbm4b:s0+s4], $0x1000, $0x38;
	[tilespmem:$0x1CA80] =	vst v63  }
0x47e: {  	s0 =	sld [smem:$0x7BC];
	_ =	sdelay $0x2  }
0x47f: {  	[tilespmem:s17], [sflag:$0x2] =	stream.linear.gather [hbm4b:s0+s4], $0x1000, $0x38;
	[tilespmem:$0x1CA80] =	vst v63  }
0x480: {  	s0 =	simm.s32 $0x10040  }
0x481: {  	v2 =	vld [tilespmem:s0+$0x30]  }
0x482: {  	v3 =	vld [tilespmem:s0+$0xFFFFFFD0]  }
0x483: {  	v4 =	vld [tilespmem:s0+$0xFFFFFFE0]  }
0x484: {  	v5 =	vld [tilespmem:s0+$0xFFFFFFF0]  }
0x485: {  	v7 =	vld [tilespmem:s0+$0x0]  }
0x486: {  	v8 =	vld [tilespmem:s0+$0x10]  }
0x487: {  	v9 =	vld [tilespmem:s0+$0x20]  }
0x488: {  	s26 =	simm.s32 $0x12040;
	v10 =	vld [tilespmem:s0+$0xFFFFFFC0]  }
0x489: {  	v13 =	vld [tilespmem:s26+$0x30]  }
0x48a: {  	v16 =	vld [tilespmem:s26+$0xFFFFFFD0]  }
0x48b: {  	v11 =	vld [tilespmem:s26+$0xFFFFFFE0]  }
0x48c: {  	v12 =	vld.idx.msk [tilespmem:v2+s4+$0x0], $0xffff  }
0x48d: {  	v14 =	vld.idx.msk [tilespmem:v3+s4+$0x0], $0xffff  }
0x48e: {  	v6 =	vld.idx.msk [tilespmem:v4+s4+$0x0], $0xffff  }
0x48f: {  	v5 =	vld.idx.msk [tilespmem:v5+s4+$0x0], $0xffff  }
0x490: {  	v15 =	vld.idx.msk [tilespmem:v10+s4+$0x0], $0xffff  }
0x491: {  	v3 =	vld.idx.msk [tilespmem:v9+s4+$0x0], $0xffff  }
0x492: {  	v9 =	vld [tilespmem:s26+$0xFFFFFFC0]  }
0x493: {  	v4 =	vld.idx.msk [tilespmem:v7+s4+$0x0], $0xffff  }
0x494: {  	v2 =	vld.idx.msk [tilespmem:v8+s4+$0x0], $0xffff  }
0x495: {  	v10 =	vld [tilespmem:s26+$0xFFFFFFF0]  }
0x496: {  	v8 =	vld [tilespmem:s26+$0x0];
	v12 =	vmul.f32 v13, v12  }
0x497: {  	s28 =	simm.s32 $0x14040;
	v7 =	vld [tilespmem:s26+$0x10];
	v13 =	vmul.f32 v9, v15  }
0x498: {  	s29 =	simm.s32 $0x0;
	s30 =	simm.s32 $0x100C0;
	v9 =	vld [tilespmem:s26+$0x20];
	[tilespmem:s28+$0x30] =	vst v12;
	v12 =	vmul.f32 v16, v14  }
.LBB2_29:
0x499: {  	v14 =	vld [tilespmem:s30+$0x30];
	s29 =	sadd.s32 $0x8, s29;
	[tilespmem:s28+$0xFFFFFFC0] =	vst v13;
	v6 =	vmul.f32 v11, v6  }
0x49a: {  	v11 =	vld [tilespmem:s30+$0xFFFFFFD0];
	p0 =	slt.u32 s29, $0xF8;
	[tilespmem:s28+$0xFFFFFFD0] =	vst v12;
	v5 =	vmul.f32 v10, v5  }
0x49b: {  	v10 =	vld [tilespmem:s30+$0xFFFFFFE0];
	[tilespmem:s28+$0xFFFFFFE0] =	vst v6;
	v4 =	vmul.f32 v8, v4  }
0x49c: {  	v8 =	vld [tilespmem:s30+$0xFFFFFFF0];
	[tilespmem:s28+$0xFFFFFFF0] =	vst v5;
	v2 =	vmul.f32 v7, v2  }
0x49d: {  	v7 =	vld [tilespmem:s30+$0x0];
	[tilespmem:s28+$0x0] =	vst v4;
	v3 =	vmul.f32 v9, v3  }
0x49e: {  	v9 =	vld [tilespmem:s30+$0x10];
	[tilespmem:s28+$0x10] =	vst v2  }
0x49f: {  	v12 =	vld [tilespmem:s30+$0x20];
	[tilespmem:s28+$0x20] =	vst v3  }
0x4a0: {  	v3 =	vld [tilespmem:s30+$0xFFFFFFC0]  }
0x4a1: {  	s26 =	sadd.s32 $0x80, s26;
	v13 =	vld.idx.msk [tilespmem:v14+s4+$0x0], $0xffff  }
0x4a2: {  	v14 =	vld [tilespmem:s26+$0x30]  }
0x4a3: {  	v15 =	vld.idx.msk [tilespmem:v11+s4+$0x0], $0xffff  }
0x4a4: {  	v6 =	vld.idx.msk [tilespmem:v10+s4+$0x0], $0xffff  }
0x4a5: {  	v5 =	vld.idx.msk [tilespmem:v8+s4+$0x0], $0xffff  }
0x4a6: {  	v4 =	vld.idx.msk [tilespmem:v7+s4+$0x0], $0xffff  }
0x4a7: {  	v2 =	vld.idx.msk [tilespmem:v9+s4+$0x0], $0xffff;
	v7 =	vmul.f32 v14, v13  }
0x4a8: {  	s28 =	sadd.s32 $0x80, s28;
	v9 =	vld.idx.msk [tilespmem:v3+s4+$0x0], $0xffff  }
0x4a9: {  	v3 =	vld.idx.msk [tilespmem:v12+s4+$0x0], $0xffff;
	[tilespmem:s28+$0x30] =	vst v7  }
0x4aa: {  	v7 =	vld [tilespmem:s26+$0xFFFFFFC0]  }
0x4ab: {  	v12 =	vld [tilespmem:s26+$0xFFFFFFD0]  }
.Ltmp15:
0x4ac: {  	v11 =	vld [tilespmem:s26+$0xFFFFFFE0];
	(pc) =	sbr.rel @p0 .LBB2_29-.Ltmp15, $4  }
0x4ad: {  	v10 =	vld [tilespmem:s26+$0xFFFFFFF0]  }
0x4ae: {  	v8 =	vld [tilespmem:s26+$0x0]  }
0x4af: {  	v13 =	vmul.f32 v7, v9;
	v7 =	vld [tilespmem:s26+$0x10]  }
0x4b0: {  	s30 =	sadd.s32 $0x80, s30;
	v12 =	vmul.f32 v12, v15;
	v9 =	vld [tilespmem:s26+$0x20]  }
0x4b1: {  	[tilespmem:s28+$0xFFFFFFC0] =	vst v13;
	v6 =	vmul.f32 v11, v6  }
0x4b2: {  	[tilespmem:s28+$0xFFFFFFD0] =	vst v12;
	v5 =	vmul.f32 v10, v5  }
0x4b3: {  	[tilespmem:s28+$0xFFFFFFE0] =	vst v6;
	v4 =	vmul.f32 v8, v4  }
0x4b4: {  	[tilespmem:s28+$0xFFFFFFF0] =	vst v5;
	v2 =	vmul.f32 v7, v2  }
0x4b5: {  	[tilespmem:s28+$0x0] =	vst v4;
	v3 =	vmul.f32 v9, v3  }
0x4b6: {  	[tilespmem:s28+$0x10] =	vst v2  }
0x4b7: {  	[tilespmem:s28+$0x20] =	vst v3  }
0x4b8: {  	[spmem:s5] =	stream.indirect.scatter.add.f32 [tilespmem:s19], [sflag:$0x3], $0x1, s13, s18, $0xb8;
	[tilespmem:$0x1CA80] =	vst v63  }
0x4b9: {  	_ =	swait.ge [sflag:s20], $0x1000  }
0x4ba: {  	[sflag:s20] =	ssyncset.done $0x0  }
0x4bb: {  	[sflag:s20] =	ssyncadd.s32 $0xFFFFF000  }
0x4bc: {  	_ =	swait.ge [sflag:s20], $0x1000  }
0x4bd: {  	[sflag:s20] =	ssyncset.done $0x0  }
0x4be: {  	[sflag:s20] =	ssyncadd.s32 $0xFFFFF000  }
0x4bf: {  	_ =	swait.ge [sflag:s20], $0x1000  }
0x4c0: {  	[sflag:s20] =	ssyncset.done $0x0  }
0x4c1: {  	[sflag:s20] =	ssyncadd.s32 $0xFFFFF000  }
0x4c2: {  	_ =	swait.ge [sflag:s21], $0x1000  }
0x4c3: {  	s26 =	sld [smem:$0x7BD]  }
0x4c4: {  	[sflag:s21] =	ssyncset.done $0x0  }
0x4c5: {  	s0 =	sld [smem:$0x7BE];
	[sflag:s21] =	ssyncadd.s32 $0xFFFFF000  }
0x4c6: {  	[tilespmem:s11], [sflag:$0x1] =	stream.linear.gather [hbm4b:s26+s4], $0x1000, $0x38;
	[tilespmem:$0x1CA80] =	vst v63  }
0x4c7: {  	_ = 	snop  }
0x4c8: {  	[tilespmem:s12], [sflag:$0x1] =	stream.linear.gather [hbm4b:s0+s4], $0x1000, $0x38;
	[tilespmem:$0x1CA80] =	vst v63  }
0x4c9: {  	s0 =	sld [smem:$0x7BF];
	_ =	sdelay $0x2  }
0x4ca: {  	[tilespmem:s13], [sflag:$0x1] =	stream.linear.gather [hbm4b:s0+s4], $0x1000, $0x38;
	[tilespmem:$0x1CA80] =	vst v63  }
0x4cb: {  	s0 =	simm.s32 $0x11040  }
0x4cc: {  	v2 =	vld [tilespmem:s0+$0x30]  }
0x4cd: {  	v3 =	vld [tilespmem:s0+$0xFFFFFFD0]  }
0x4ce: {  	v4 =	vld [tilespmem:s0+$0xFFFFFFE0]  }
0x4cf: {  	v5 =	vld [tilespmem:s0+$0xFFFFFFF0]  }
0x4d0: {  	v7 =	vld [tilespmem:s0+$0x0]  }
0x4d1: {  	v8 =	vld [tilespmem:s0+$0x10]  }
0x4d2: {  	v9 =	vld [tilespmem:s0+$0x20]  }
0x4d3: {  	s26 =	simm.s32 $0x13040;
	v10 =	vld [tilespmem:s0+$0xFFFFFFC0]  }
0x4d4: {  	v13 =	vld [tilespmem:s26+$0x30]  }
0x4d5: {  	v16 =	vld [tilespmem:s26+$0xFFFFFFD0]  }
0x4d6: {  	v11 =	vld [tilespmem:s26+$0xFFFFFFE0]  }
0x4d7: {  	v12 =	vld.idx.msk [tilespmem:v2+s4+$0x0], $0xffff  }
0x4d8: {  	v14 =	vld.idx.msk [tilespmem:v3+s4+$0x0], $0xffff  }
0x4d9: {  	v6 =	vld.idx.msk [tilespmem:v4+s4+$0x0], $0xffff  }
0x4da: {  	v5 =	vld.idx.msk [tilespmem:v5+s4+$0x0], $0xffff  }
0x4db: {  	v15 =	vld.idx.msk [tilespmem:v10+s4+$0x0], $0xffff  }
0x4dc: {  	v3 =	vld.idx.msk [tilespmem:v9+s4+$0x0], $0xffff  }
0x4dd: {  	v9 =	vld [tilespmem:s26+$0xFFFFFFC0]  }
0x4de: {  	v4 =	vld.idx.msk [tilespmem:v7+s4+$0x0], $0xffff  }
0x4df: {  	v2 =	vld.idx.msk [tilespmem:v8+s4+$0x0], $0xffff  }
0x4e0: {  	v10 =	vld [tilespmem:s26+$0xFFFFFFF0]  }
0x4e1: {  	v8 =	vld [tilespmem:s26+$0x0];
	v12 =	vmul.f32 v13, v12  }
0x4e2: {  	s28 =	simm.s32 $0x15040;
	v7 =	vld [tilespmem:s26+$0x10];
	v13 =	vmul.f32 v9, v15  }
0x4e3: {  	s29 =	simm.s32 $0x0;
	s30 =	simm.s32 $0x110C0;
	v9 =	vld [tilespmem:s26+$0x20];
	[tilespmem:s28+$0x30] =	vst v12;
	v12 =	vmul.f32 v16, v14  }
.LBB2_31:
0x4e4: {  	v14 =	vld [tilespmem:s30+$0x30];
	s29 =	sadd.s32 $0x8, s29;
	[tilespmem:s28+$0xFFFFFFC0] =	vst v13;
	v6 =	vmul.f32 v11, v6  }
0x4e5: {  	v11 =	vld [tilespmem:s30+$0xFFFFFFD0];
	p0 =	slt.u32 s29, $0xF8;
	[tilespmem:s28+$0xFFFFFFD0] =	vst v12;
	v5 =	vmul.f32 v10, v5  }
0x4e6: {  	v10 =	vld [tilespmem:s30+$0xFFFFFFE0];
	[tilespmem:s28+$0xFFFFFFE0] =	vst v6;
	v4 =	vmul.f32 v8, v4  }
0x4e7: {  	v8 =	vld [tilespmem:s30+$0xFFFFFFF0];
	[tilespmem:s28+$0xFFFFFFF0] =	vst v5;
	v2 =	vmul.f32 v7, v2  }
0x4e8: {  	v7 =	vld [tilespmem:s30+$0x0];
	[tilespmem:s28+$0x0] =	vst v4;
	v3 =	vmul.f32 v9, v3  }
0x4e9: {  	v9 =	vld [tilespmem:s30+$0x10];
	[tilespmem:s28+$0x10] =	vst v2  }
0x4ea: {  	v12 =	vld [tilespmem:s30+$0x20];
	[tilespmem:s28+$0x20] =	vst v3  }
0x4eb: {  	v3 =	vld [tilespmem:s30+$0xFFFFFFC0]  }
0x4ec: {  	s26 =	sadd.s32 $0x80, s26;
	v13 =	vld.idx.msk [tilespmem:v14+s4+$0x0], $0xffff  }
0x4ed: {  	v14 =	vld [tilespmem:s26+$0x30]  }
0x4ee: {  	v15 =	vld.idx.msk [tilespmem:v11+s4+$0x0], $0xffff  }
0x4ef: {  	v6 =	vld.idx.msk [tilespmem:v10+s4+$0x0], $0xffff  }
0x4f0: {  	v5 =	vld.idx.msk [tilespmem:v8+s4+$0x0], $0xffff  }
0x4f1: {  	v4 =	vld.idx.msk [tilespmem:v7+s4+$0x0], $0xffff  }
0x4f2: {  	v2 =	vld.idx.msk [tilespmem:v9+s4+$0x0], $0xffff;
	v7 =	vmul.f32 v14, v13  }
0x4f3: {  	s28 =	sadd.s32 $0x80, s28;
	v9 =	vld.idx.msk [tilespmem:v3+s4+$0x0], $0xffff  }
0x4f4: {  	v3 =	vld.idx.msk [tilespmem:v12+s4+$0x0], $0xffff;
	[tilespmem:s28+$0x30] =	vst v7  }
0x4f5: {  	v7 =	vld [tilespmem:s26+$0xFFFFFFC0]  }
0x4f6: {  	v12 =	vld [tilespmem:s26+$0xFFFFFFD0]  }
.Ltmp16:
0x4f7: {  	v11 =	vld [tilespmem:s26+$0xFFFFFFE0];
	(pc) =	sbr.rel @p0 .LBB2_31-.Ltmp16, $4  }
0x4f8: {  	v10 =	vld [tilespmem:s26+$0xFFFFFFF0]  }
0x4f9: {  	v8 =	vld [tilespmem:s26+$0x0]  }
0x4fa: {  	v13 =	vmul.f32 v7, v9;
	v7 =	vld [tilespmem:s26+$0x10]  }
0x4fb: {  	s30 =	sadd.s32 $0x80, s30;
	v12 =	vmul.f32 v12, v15;
	v9 =	vld [tilespmem:s26+$0x20]  }
0x4fc: {  	[tilespmem:s28+$0xFFFFFFC0] =	vst v13;
	v6 =	vmul.f32 v11, v6  }
0x4fd: {  	[tilespmem:s28+$0xFFFFFFD0] =	vst v12;
	v5 =	vmul.f32 v10, v5  }
0x4fe: {  	[tilespmem:s28+$0xFFFFFFE0] =	vst v6;
	v4 =	vmul.f32 v8, v4  }
0x4ff: {  	[tilespmem:s28+$0xFFFFFFF0] =	vst v5;
	v2 =	vmul.f32 v7, v2  }
0x500: {  	[tilespmem:s28+$0x0] =	vst v4;
	v3 =	vmul.f32 v9, v3  }
0x501: {  	[tilespmem:s28+$0x10] =	vst v2  }
0x502: {  	[tilespmem:s28+$0x20] =	vst v3  }
0x503: {  	[spmem:s5] =	stream.indirect.scatter.add.f32 [tilespmem:s22], [sflag:$0x4], $0x1, s17, s18, $0xb8;
	[tilespmem:$0x1CA80] =	vst v63  }
0x504: {  	_ =	swait.ge [sflag:s14], $0x1000  }
0x505: {  	[sflag:s14] =	ssyncset.done $0x0  }
0x506: {  	[sflag:s14] =	ssyncadd.s32 $0xFFFFF000  }
0x507: {  	_ =	swait.ge [sflag:s14], $0x1000  }
0x508: {  	[sflag:s14] =	ssyncset.done $0x0  }
0x509: {  	[sflag:s14] =	ssyncadd.s32 $0xFFFFF000  }
0x50a: {  	_ =	swait.ge [sflag:s14], $0x1000  }
0x50b: {  	[sflag:s14] =	ssyncset.done $0x0  }
0x50c: {  	[sflag:s14] =	ssyncadd.s32 $0xFFFFF000  }
0x50d: {  	_ =	swait.ge [sflag:s23], $0x1000  }
0x50e: {  	s26 =	sld [smem:$0x7C0]  }
0x50f: {  	[sflag:s23] =	ssyncset.done $0x0  }
0x510: {  	s0 =	sld [smem:$0x7C1];
	[sflag:s23] =	ssyncadd.s32 $0xFFFFF000  }
0x511: {  	[tilespmem:s15], [sflag:$0x2] =	stream.linear.gather [hbm4b:s26+s4], $0x1000, $0x38;
	[tilespmem:$0x1CA80] =	vst v63  }
0x512: {  	_ = 	snop  }
0x513: {  	[tilespmem:s16], [sflag:$0x2] =	stream.linear.gather [hbm4b:s0+s4], $0x1000, $0x38;
	[tilespmem:$0x1CA80] =	vst v63  }
0x514: {  	s0 =	sld [smem:$0x7C2];
	_ =	sdelay $0x2  }
0x515: {  	[tilespmem:s17], [sflag:$0x2] =	stream.linear.gather [hbm4b:s0+s4], $0x1000, $0x38;
	[tilespmem:$0x1CA80] =	vst v63  }
0x516: {  	s0 =	simm.s32 $0x10040  }
0x517: {  	v2 =	vld [tilespmem:s0+$0x30]  }
0x518: {  	v3 =	vld [tilespmem:s0+$0xFFFFFFD0]  }
0x519: {  	v4 =	vld [tilespmem:s0+$0xFFFFFFE0]  }
0x51a: {  	v5 =	vld [tilespmem:s0+$0xFFFFFFF0]  }
0x51b: {  	v7 =	vld [tilespmem:s0+$0x0]  }
0x51c: {  	v8 =	vld [tilespmem:s0+$0x10]  }
0x51d: {  	v9 =	vld [tilespmem:s0+$0x20]  }
0x51e: {  	s26 =	simm.s32 $0x12040;
	v10 =	vld [tilespmem:s0+$0xFFFFFFC0]  }
0x51f: {  	v13 =	vld [tilespmem:s26+$0x30]  }
0x520: {  	v16 =	vld [tilespmem:s26+$0xFFFFFFD0]  }
0x521: {  	v11 =	vld [tilespmem:s26+$0xFFFFFFE0]  }
0x522: {  	v12 =	vld.idx.msk [tilespmem:v2+s4+$0x0], $0xffff  }
0x523: {  	v14 =	vld.idx.msk [tilespmem:v3+s4+$0x0], $0xffff  }
0x524: {  	v6 =	vld.idx.msk [tilespmem:v4+s4+$0x0], $0xffff  }
0x525: {  	v5 =	vld.idx.msk [tilespmem:v5+s4+$0x0], $0xffff  }
0x526: {  	v15 =	vld.idx.msk [tilespmem:v10+s4+$0x0], $0xffff  }
0x527: {  	v3 =	vld.idx.msk [tilespmem:v9+s4+$0x0], $0xffff  }
0x528: {  	v9 =	vld [tilespmem:s26+$0xFFFFFFC0]  }
0x529: {  	v4 =	vld.idx.msk [tilespmem:v7+s4+$0x0], $0xffff  }
0x52a: {  	v2 =	vld.idx.msk [tilespmem:v8+s4+$0x0], $0xffff  }
0x52b: {  	v10 =	vld [tilespmem:s26+$0xFFFFFFF0]  }
0x52c: {  	v8 =	vld [tilespmem:s26+$0x0];
	v12 =	vmul.f32 v13, v12  }
0x52d: {  	s28 =	simm.s32 $0x14040;
	v7 =	vld [tilespmem:s26+$0x10];
	v13 =	vmul.f32 v9, v15  }
0x52e: {  	s29 =	simm.s32 $0x0;
	s30 =	simm.s32 $0x100C0;
	v9 =	vld [tilespmem:s26+$0x20];
	[tilespmem:s28+$0x30] =	vst v12;
	v12 =	vmul.f32 v16, v14  }
.LBB2_33:
0x52f: {  	v14 =	vld [tilespmem:s30+$0x30];
	s29 =	sadd.s32 $0x8, s29;
	[tilespmem:s28+$0xFFFFFFC0] =	vst v13;
	v6 =	vmul.f32 v11, v6  }
0x530: {  	v11 =	vld [tilespmem:s30+$0xFFFFFFD0];
	p0 =	slt.u32 s29, $0xF8;
	[tilespmem:s28+$0xFFFFFFD0] =	vst v12;
	v5 =	vmul.f32 v10, v5  }
0x531: {  	v10 =	vld [tilespmem:s30+$0xFFFFFFE0];
	[tilespmem:s28+$0xFFFFFFE0] =	vst v6;
	v4 =	vmul.f32 v8, v4  }
0x532: {  	v8 =	vld [tilespmem:s30+$0xFFFFFFF0];
	[tilespmem:s28+$0xFFFFFFF0] =	vst v5;
	v2 =	vmul.f32 v7, v2  }
0x533: {  	v7 =	vld [tilespmem:s30+$0x0];
	[tilespmem:s28+$0x0] =	vst v4;
	v3 =	vmul.f32 v9, v3  }
0x534: {  	v9 =	vld [tilespmem:s30+$0x10];
	[tilespmem:s28+$0x10] =	vst v2  }
0x535: {  	v12 =	vld [tilespmem:s30+$0x20];
	[tilespmem:s28+$0x20] =	vst v3  }
0x536: {  	v3 =	vld [tilespmem:s30+$0xFFFFFFC0]  }
0x537: {  	s26 =	sadd.s32 $0x80, s26;
	v13 =	vld.idx.msk [tilespmem:v14+s4+$0x0], $0xffff  }
0x538: {  	v14 =	vld [tilespmem:s26+$0x30]  }
0x539: {  	v15 =	vld.idx.msk [tilespmem:v11+s4+$0x0], $0xffff  }
0x53a: {  	v6 =	vld.idx.msk [tilespmem:v10+s4+$0x0], $0xffff  }
0x53b: {  	v5 =	vld.idx.msk [tilespmem:v8+s4+$0x0], $0xffff  }
0x53c: {  	v4 =	vld.idx.msk [tilespmem:v7+s4+$0x0], $0xffff  }
0x53d: {  	v2 =	vld.idx.msk [tilespmem:v9+s4+$0x0], $0xffff;
	v7 =	vmul.f32 v14, v13  }
0x53e: {  	s28 =	sadd.s32 $0x80, s28;
	v9 =	vld.idx.msk [tilespmem:v3+s4+$0x0], $0xffff  }
0x53f: {  	v3 =	vld.idx.msk [tilespmem:v12+s4+$0x0], $0xffff;
	[tilespmem:s28+$0x30] =	vst v7  }
0x540: {  	v7 =	vld [tilespmem:s26+$0xFFFFFFC0]  }
0x541: {  	v12 =	vld [tilespmem:s26+$0xFFFFFFD0]  }
.Ltmp17:
0x542: {  	v11 =	vld [tilespmem:s26+$0xFFFFFFE0];
	(pc) =	sbr.rel @p0 .LBB2_33-.Ltmp17, $4  }
0x543: {  	v10 =	vld [tilespmem:s26+$0xFFFFFFF0]  }
0x544: {  	v8 =	vld [tilespmem:s26+$0x0]  }
0x545: {  	v13 =	vmul.f32 v7, v9;
	v7 =	vld [tilespmem:s26+$0x10]  }
0x546: {  	s30 =	sadd.s32 $0x80, s30;
	v12 =	vmul.f32 v12, v15;
	v9 =	vld [tilespmem:s26+$0x20]  }
0x547: {  	[tilespmem:s28+$0xFFFFFFC0] =	vst v13;
	v6 =	vmul.f32 v11, v6  }
0x548: {  	[tilespmem:s28+$0xFFFFFFD0] =	vst v12;
	v5 =	vmul.f32 v10, v5  }
0x549: {  	[tilespmem:s28+$0xFFFFFFE0] =	vst v6;
	v4 =	vmul.f32 v8, v4  }
0x54a: {  	[tilespmem:s28+$0xFFFFFFF0] =	vst v5;
	v2 =	vmul.f32 v7, v2  }
0x54b: {  	[tilespmem:s28+$0x0] =	vst v4;
	v3 =	vmul.f32 v9, v3  }
0x54c: {  	[tilespmem:s28+$0x10] =	vst v2  }
0x54d: {  	[tilespmem:s28+$0x20] =	vst v3  }
0x54e: {  	[spmem:s5] =	stream.indirect.scatter.add.f32 [tilespmem:s19], [sflag:$0x3], $0x1, s13, s18, $0xb8;
	[tilespmem:$0x1CA80] =	vst v63  }
0x54f: {  	_ =	swait.ge [sflag:s20], $0x1000  }
0x550: {  	[sflag:s20] =	ssyncset.done $0x0  }
0x551: {  	[sflag:s20] =	ssyncadd.s32 $0xFFFFF000  }
0x552: {  	_ =	swait.ge [sflag:s20], $0x1000  }
0x553: {  	[sflag:s20] =	ssyncset.done $0x0  }
0x554: {  	[sflag:s20] =	ssyncadd.s32 $0xFFFFF000  }
0x555: {  	_ =	swait.ge [sflag:s20], $0x1000  }
0x556: {  	[sflag:s20] =	ssyncset.done $0x0  }
0x557: {  	[sflag:s20] =	ssyncadd.s32 $0xFFFFF000  }
0x558: {  	_ =	swait.ge [sflag:s21], $0x1000  }
0x559: {  	s26 =	sld [smem:$0x7C3]  }
0x55a: {  	[sflag:s21] =	ssyncset.done $0x0  }
0x55b: {  	s0 =	sld [smem:$0x7C4];
	[sflag:s21] =	ssyncadd.s32 $0xFFFFF000  }
0x55c: {  	[tilespmem:s11], [sflag:$0x1] =	stream.linear.gather [hbm4b:s26+s4], $0x1000, $0x38;
	[tilespmem:$0x1CA80] =	vst v63  }
0x55d: {  	_ = 	snop  }
0x55e: {  	[tilespmem:s12], [sflag:$0x1] =	stream.linear.gather [hbm4b:s0+s4], $0x1000, $0x38;
	[tilespmem:$0x1CA80] =	vst v63  }
0x55f: {  	s0 =	sld [smem:$0x7C5];
	_ =	sdelay $0x2  }
0x560: {  	[tilespmem:s13], [sflag:$0x1] =	stream.linear.gather [hbm4b:s0+s4], $0x1000, $0x38;
	[tilespmem:$0x1CA80] =	vst v63  }
0x561: {  	s0 =	simm.s32 $0x11040  }
0x562: {  	v2 =	vld [tilespmem:s0+$0x30]  }
0x563: {  	v3 =	vld [tilespmem:s0+$0xFFFFFFD0]  }
0x564: {  	v4 =	vld [tilespmem:s0+$0xFFFFFFE0]  }
0x565: {  	v5 =	vld [tilespmem:s0+$0xFFFFFFF0]  }
0x566: {  	v7 =	vld [tilespmem:s0+$0x0]  }
0x567: {  	v8 =	vld [tilespmem:s0+$0x10]  }
0x568: {  	v9 =	vld [tilespmem:s0+$0x20]  }
0x569: {  	s26 =	simm.s32 $0x13040;
	v10 =	vld [tilespmem:s0+$0xFFFFFFC0]  }
0x56a: {  	v13 =	vld [tilespmem:s26+$0x30]  }
0x56b: {  	v16 =	vld [tilespmem:s26+$0xFFFFFFD0]  }
0x56c: {  	v11 =	vld [tilespmem:s26+$0xFFFFFFE0]  }
0x56d: {  	v12 =	vld.idx.msk [tilespmem:v2+s4+$0x0], $0xffff  }
0x56e: {  	v14 =	vld.idx.msk [tilespmem:v3+s4+$0x0], $0xffff  }
0x56f: {  	v6 =	vld.idx.msk [tilespmem:v4+s4+$0x0], $0xffff  }
0x570: {  	v5 =	vld.idx.msk [tilespmem:v5+s4+$0x0], $0xffff  }
0x571: {  	v15 =	vld.idx.msk [tilespmem:v10+s4+$0x0], $0xffff  }
0x572: {  	v3 =	vld.idx.msk [tilespmem:v9+s4+$0x0], $0xffff  }
0x573: {  	v9 =	vld [tilespmem:s26+$0xFFFFFFC0]  }
0x574: {  	v4 =	vld.idx.msk [tilespmem:v7+s4+$0x0], $0xffff  }
0x575: {  	v2 =	vld.idx.msk [tilespmem:v8+s4+$0x0], $0xffff  }
0x576: {  	v10 =	vld [tilespmem:s26+$0xFFFFFFF0]  }
0x577: {  	v8 =	vld [tilespmem:s26+$0x0];
	v12 =	vmul.f32 v13, v12  }
0x578: {  	s28 =	simm.s32 $0x15040;
	v7 =	vld [tilespmem:s26+$0x10];
	v13 =	vmul.f32 v9, v15  }
0x579: {  	s29 =	simm.s32 $0x0;
	s30 =	simm.s32 $0x110C0;
	v9 =	vld [tilespmem:s26+$0x20];
	[tilespmem:s28+$0x30] =	vst v12;
	v12 =	vmul.f32 v16, v14  }
.LBB2_35:
0x57a: {  	v14 =	vld [tilespmem:s30+$0x30];
	s29 =	sadd.s32 $0x8, s29;
	[tilespmem:s28+$0xFFFFFFC0] =	vst v13;
	v6 =	vmul.f32 v11, v6  }
0x57b: {  	v11 =	vld [tilespmem:s30+$0xFFFFFFD0];
	p0 =	slt.u32 s29, $0xF8;
	[tilespmem:s28+$0xFFFFFFD0] =	vst v12;
	v5 =	vmul.f32 v10, v5  }
0x57c: {  	v10 =	vld [tilespmem:s30+$0xFFFFFFE0];
	[tilespmem:s28+$0xFFFFFFE0] =	vst v6;
	v4 =	vmul.f32 v8, v4  }
0x57d: {  	v8 =	vld [tilespmem:s30+$0xFFFFFFF0];
	[tilespmem:s28+$0xFFFFFFF0] =	vst v5;
	v2 =	vmul.f32 v7, v2  }
0x57e: {  	v7 =	vld [tilespmem:s30+$0x0];
	[tilespmem:s28+$0x0] =	vst v4;
	v3 =	vmul.f32 v9, v3  }
0x57f: {  	v9 =	vld [tilespmem:s30+$0x10];
	[tilespmem:s28+$0x10] =	vst v2  }
0x580: {  	v12 =	vld [tilespmem:s30+$0x20];
	[tilespmem:s28+$0x20] =	vst v3  }
0x581: {  	v3 =	vld [tilespmem:s30+$0xFFFFFFC0]  }
0x582: {  	s26 =	sadd.s32 $0x80, s26;
	v13 =	vld.idx.msk [tilespmem:v14+s4+$0x0], $0xffff  }
0x583: {  	v14 =	vld [tilespmem:s26+$0x30]  }
0x584: {  	v15 =	vld.idx.msk [tilespmem:v11+s4+$0x0], $0xffff  }
0x585: {  	v6 =	vld.idx.msk [tilespmem:v10+s4+$0x0], $0xffff  }
0x586: {  	v5 =	vld.idx.msk [tilespmem:v8+s4+$0x0], $0xffff  }
0x587: {  	v4 =	vld.idx.msk [tilespmem:v7+s4+$0x0], $0xffff  }
0x588: {  	v2 =	vld.idx.msk [tilespmem:v9+s4+$0x0], $0xffff;
	v7 =	vmul.f32 v14, v13  }
0x589: {  	s28 =	sadd.s32 $0x80, s28;
	v9 =	vld.idx.msk [tilespmem:v3+s4+$0x0], $0xffff  }
0x58a: {  	v3 =	vld.idx.msk [tilespmem:v12+s4+$0x0], $0xffff;
	[tilespmem:s28+$0x30] =	vst v7  }
0x58b: {  	v7 =	vld [tilespmem:s26+$0xFFFFFFC0]  }
0x58c: {  	v12 =	vld [tilespmem:s26+$0xFFFFFFD0]  }
.Ltmp18:
0x58d: {  	v11 =	vld [tilespmem:s26+$0xFFFFFFE0];
	(pc) =	sbr.rel @p0 .LBB2_35-.Ltmp18, $4  }
0x58e: {  	v10 =	vld [tilespmem:s26+$0xFFFFFFF0]  }
0x58f: {  	v8 =	vld [tilespmem:s26+$0x0]  }
0x590: {  	v13 =	vmul.f32 v7, v9;
	v7 =	vld [tilespmem:s26+$0x10]  }
0x591: {  	s30 =	sadd.s32 $0x80, s30;
	v12 =	vmul.f32 v12, v15;
	v9 =	vld [tilespmem:s26+$0x20]  }
0x592: {  	[tilespmem:s28+$0xFFFFFFC0] =	vst v13;
	v6 =	vmul.f32 v11, v6  }
0x593: {  	[tilespmem:s28+$0xFFFFFFD0] =	vst v12;
	v5 =	vmul.f32 v10, v5  }
0x594: {  	[tilespmem:s28+$0xFFFFFFE0] =	vst v6;
	v4 =	vmul.f32 v8, v4  }
0x595: {  	[tilespmem:s28+$0xFFFFFFF0] =	vst v5;
	v2 =	vmul.f32 v7, v2  }
0x596: {  	[tilespmem:s28+$0x0] =	vst v4;
	v3 =	vmul.f32 v9, v3  }
0x597: {  	[tilespmem:s28+$0x10] =	vst v2  }
0x598: {  	[tilespmem:s28+$0x20] =	vst v3  }
0x599: {  	[spmem:s5] =	stream.indirect.scatter.add.f32 [tilespmem:s22], [sflag:$0x4], $0x1, s17, s18, $0xb8;
	[tilespmem:$0x1CA80] =	vst v63  }
0x59a: {  	_ =	swait.ge [sflag:s14], $0x1000  }
0x59b: {  	[sflag:s14] =	ssyncset.done $0x0  }
0x59c: {  	[sflag:s14] =	ssyncadd.s32 $0xFFFFF000  }
0x59d: {  	_ =	swait.ge [sflag:s14], $0x1000  }
0x59e: {  	[sflag:s14] =	ssyncset.done $0x0  }
0x59f: {  	[sflag:s14] =	ssyncadd.s32 $0xFFFFF000  }
0x5a0: {  	_ =	swait.ge [sflag:s14], $0x1000  }
0x5a1: {  	[sflag:s14] =	ssyncset.done $0x0  }
0x5a2: {  	[sflag:s14] =	ssyncadd.s32 $0xFFFFF000  }
0x5a3: {  	_ =	swait.ge [sflag:s23], $0x1000  }
0x5a4: {  	s26 =	sld [smem:$0x7C6]  }
0x5a5: {  	[sflag:s23] =	ssyncset.done $0x0  }
0x5a6: {  	s0 =	sld [smem:$0x7C7];
	[sflag:s23] =	ssyncadd.s32 $0xFFFFF000  }
0x5a7: {  	[tilespmem:s15], [sflag:$0x2] =	stream.linear.gather [hbm4b:s26+s4], $0x1000, $0x38;
	[tilespmem:$0x1CA80] =	vst v63  }
0x5a8: {  	_ = 	snop  }
0x5a9: {  	[tilespmem:s16], [sflag:$0x2] =	stream.linear.gather [hbm4b:s0+s4], $0x1000, $0x38;
	[tilespmem:$0x1CA80] =	vst v63  }
0x5aa: {  	s0 =	sld [smem:$0x7C8];
	_ =	sdelay $0x2  }
0x5ab: {  	[tilespmem:s17], [sflag:$0x2] =	stream.linear.gather [hbm4b:s0+s4], $0x1000, $0x38;
	[tilespmem:$0x1CA80] =	vst v63  }
0x5ac: {  	s0 =	simm.s32 $0x10040  }
0x5ad: {  	v2 =	vld [tilespmem:s0+$0x30]  }
0x5ae: {  	v3 =	vld [tilespmem:s0+$0xFFFFFFD0]  }
0x5af: {  	v4 =	vld [tilespmem:s0+$0xFFFFFFE0]  }
0x5b0: {  	v5 =	vld [tilespmem:s0+$0xFFFFFFF0]  }
0x5b1: {  	v7 =	vld [tilespmem:s0+$0x0]  }
0x5b2: {  	v8 =	vld [tilespmem:s0+$0x10]  }
0x5b3: {  	v9 =	vld [tilespmem:s0+$0x20]  }
0x5b4: {  	s26 =	simm.s32 $0x12040;
	v10 =	vld [tilespmem:s0+$0xFFFFFFC0]  }
0x5b5: {  	v13 =	vld [tilespmem:s26+$0x30]  }
0x5b6: {  	v16 =	vld [tilespmem:s26+$0xFFFFFFD0]  }
0x5b7: {  	v11 =	vld [tilespmem:s26+$0xFFFFFFE0]  }
0x5b8: {  	v12 =	vld.idx.msk [tilespmem:v2+s4+$0x0], $0xffff  }
0x5b9: {  	v14 =	vld.idx.msk [tilespmem:v3+s4+$0x0], $0xffff  }
0x5ba: {  	v6 =	vld.idx.msk [tilespmem:v4+s4+$0x0], $0xffff  }
0x5bb: {  	v5 =	vld.idx.msk [tilespmem:v5+s4+$0x0], $0xffff  }
0x5bc: {  	v15 =	vld.idx.msk [tilespmem:v10+s4+$0x0], $0xffff  }
0x5bd: {  	v3 =	vld.idx.msk [tilespmem:v9+s4+$0x0], $0xffff  }
0x5be: {  	v9 =	vld [tilespmem:s26+$0xFFFFFFC0]  }
0x5bf: {  	v4 =	vld.idx.msk [tilespmem:v7+s4+$0x0], $0xffff  }
0x5c0: {  	v2 =	vld.idx.msk [tilespmem:v8+s4+$0x0], $0xffff  }
0x5c1: {  	v10 =	vld [tilespmem:s26+$0xFFFFFFF0]  }
0x5c2: {  	v8 =	vld [tilespmem:s26+$0x0];
	v12 =	vmul.f32 v13, v12  }
0x5c3: {  	s28 =	simm.s32 $0x14040;
	v7 =	vld [tilespmem:s26+$0x10];
	v13 =	vmul.f32 v9, v15  }
0x5c4: {  	s29 =	simm.s32 $0x0;
	s30 =	simm.s32 $0x100C0;
	v9 =	vld [tilespmem:s26+$0x20];
	[tilespmem:s28+$0x30] =	vst v12;
	v12 =	vmul.f32 v16, v14  }
.LBB2_37:
0x5c5: {  	v14 =	vld [tilespmem:s30+$0x30];
	s29 =	sadd.s32 $0x8, s29;
	[tilespmem:s28+$0xFFFFFFC0] =	vst v13;
	v6 =	vmul.f32 v11, v6  }
0x5c6: {  	v11 =	vld [tilespmem:s30+$0xFFFFFFD0];
	p0 =	slt.u32 s29, $0xF8;
	[tilespmem:s28+$0xFFFFFFD0] =	vst v12;
	v5 =	vmul.f32 v10, v5  }
0x5c7: {  	v10 =	vld [tilespmem:s30+$0xFFFFFFE0];
	[tilespmem:s28+$0xFFFFFFE0] =	vst v6;
	v4 =	vmul.f32 v8, v4  }
0x5c8: {  	v8 =	vld [tilespmem:s30+$0xFFFFFFF0];
	[tilespmem:s28+$0xFFFFFFF0] =	vst v5;
	v2 =	vmul.f32 v7, v2  }
0x5c9: {  	v7 =	vld [tilespmem:s30+$0x0];
	[tilespmem:s28+$0x0] =	vst v4;
	v3 =	vmul.f32 v9, v3  }
0x5ca: {  	v9 =	vld [tilespmem:s30+$0x10];
	[tilespmem:s28+$0x10] =	vst v2  }
0x5cb: {  	v12 =	vld [tilespmem:s30+$0x20];
	[tilespmem:s28+$0x20] =	vst v3  }
0x5cc: {  	v3 =	vld [tilespmem:s30+$0xFFFFFFC0]  }
0x5cd: {  	s26 =	sadd.s32 $0x80, s26;
	v13 =	vld.idx.msk [tilespmem:v14+s4+$0x0], $0xffff  }
0x5ce: {  	v14 =	vld [tilespmem:s26+$0x30]  }
0x5cf: {  	v15 =	vld.idx.msk [tilespmem:v11+s4+$0x0], $0xffff  }
0x5d0: {  	v6 =	vld.idx.msk [tilespmem:v10+s4+$0x0], $0xffff  }
0x5d1: {  	v5 =	vld.idx.msk [tilespmem:v8+s4+$0x0], $0xffff  }
0x5d2: {  	v4 =	vld.idx.msk [tilespmem:v7+s4+$0x0], $0xffff  }
0x5d3: {  	v2 =	vld.idx.msk [tilespmem:v9+s4+$0x0], $0xffff;
	v7 =	vmul.f32 v14, v13  }
0x5d4: {  	s28 =	sadd.s32 $0x80, s28;
	v9 =	vld.idx.msk [tilespmem:v3+s4+$0x0], $0xffff  }
0x5d5: {  	v3 =	vld.idx.msk [tilespmem:v12+s4+$0x0], $0xffff;
	[tilespmem:s28+$0x30] =	vst v7  }
0x5d6: {  	v7 =	vld [tilespmem:s26+$0xFFFFFFC0]  }
0x5d7: {  	v12 =	vld [tilespmem:s26+$0xFFFFFFD0]  }
.Ltmp19:
0x5d8: {  	v11 =	vld [tilespmem:s26+$0xFFFFFFE0];
	(pc) =	sbr.rel @p0 .LBB2_37-.Ltmp19, $4  }
0x5d9: {  	v10 =	vld [tilespmem:s26+$0xFFFFFFF0]  }
0x5da: {  	v8 =	vld [tilespmem:s26+$0x0]  }
0x5db: {  	v13 =	vmul.f32 v7, v9;
	v7 =	vld [tilespmem:s26+$0x10]  }
0x5dc: {  	s30 =	sadd.s32 $0x80, s30;
	v12 =	vmul.f32 v12, v15;
	v9 =	vld [tilespmem:s26+$0x20]  }
0x5dd: {  	[tilespmem:s28+$0xFFFFFFC0] =	vst v13;
	v6 =	vmul.f32 v11, v6  }
0x5de: {  	[tilespmem:s28+$0xFFFFFFD0] =	vst v12;
	v5 =	vmul.f32 v10, v5  }
0x5df: {  	[tilespmem:s28+$0xFFFFFFE0] =	vst v6;
	v4 =	vmul.f32 v8, v4  }
0x5e0: {  	[tilespmem:s28+$0xFFFFFFF0] =	vst v5;
	v2 =	vmul.f32 v7, v2  }
0x5e1: {  	[tilespmem:s28+$0x0] =	vst v4;
	v3 =	vmul.f32 v9, v3  }
0x5e2: {  	[tilespmem:s28+$0x10] =	vst v2  }
0x5e3: {  	[tilespmem:s28+$0x20] =	vst v3  }
0x5e4: {  	[spmem:s5] =	stream.indirect.scatter.add.f32 [tilespmem:s19], [sflag:$0x3], $0x1, s13, s18, $0xb8;
	[tilespmem:$0x1CA80] =	vst v63  }
0x5e5: {  	_ =	swait.ge [sflag:s20], $0x1000  }
0x5e6: {  	[sflag:s20] =	ssyncset.done $0x0  }
0x5e7: {  	[sflag:s20] =	ssyncadd.s32 $0xFFFFF000  }
0x5e8: {  	_ =	swait.ge [sflag:s20], $0x1000  }
0x5e9: {  	[sflag:s20] =	ssyncset.done $0x0  }
0x5ea: {  	[sflag:s20] =	ssyncadd.s32 $0xFFFFF000  }
0x5eb: {  	_ =	swait.ge [sflag:s20], $0x1000  }
0x5ec: {  	[sflag:s20] =	ssyncset.done $0x0  }
0x5ed: {  	[sflag:s20] =	ssyncadd.s32 $0xFFFFF000  }
0x5ee: {  	_ =	swait.ge [sflag:s21], $0x1000  }
0x5ef: {  	s26 =	sld [smem:$0x7C9]  }
0x5f0: {  	[sflag:s21] =	ssyncset.done $0x0  }
0x5f1: {  	s0 =	sld [smem:$0x7CA];
	[sflag:s21] =	ssyncadd.s32 $0xFFFFF000  }
0x5f2: {  	[tilespmem:s11], [sflag:$0x1] =	stream.linear.gather [hbm4b:s26+s4], $0x1000, $0x38;
	[tilespmem:$0x1CA80] =	vst v63  }
0x5f3: {  	_ = 	snop  }
0x5f4: {  	[tilespmem:s12], [sflag:$0x1] =	stream.linear.gather [hbm4b:s0+s4], $0x1000, $0x38;
	[tilespmem:$0x1CA80] =	vst v63  }
0x5f5: {  	s0 =	sld [smem:$0x7CB];
	_ =	sdelay $0x2  }
0x5f6: {  	[tilespmem:s13], [sflag:$0x1] =	stream.linear.gather [hbm4b:s0+s4], $0x1000, $0x38;
	[tilespmem:$0x1CA80] =	vst v63  }
0x5f7: {  	s0 =	simm.s32 $0x11040  }
0x5f8: {  	v2 =	vld [tilespmem:s0+$0x30]  }
0x5f9: {  	v3 =	vld [tilespmem:s0+$0xFFFFFFD0]  }
0x5fa: {  	v4 =	vld [tilespmem:s0+$0xFFFFFFE0]  }
0x5fb: {  	v5 =	vld [tilespmem:s0+$0xFFFFFFF0]  }
0x5fc: {  	v7 =	vld [tilespmem:s0+$0x0]  }
0x5fd: {  	v8 =	vld [tilespmem:s0+$0x10]  }
0x5fe: {  	v9 =	vld [tilespmem:s0+$0x20]  }
0x5ff: {  	s26 =	simm.s32 $0x13040;
	v10 =	vld [tilespmem:s0+$0xFFFFFFC0]  }
0x600: {  	v13 =	vld [tilespmem:s26+$0x30]  }
0x601: {  	v16 =	vld [tilespmem:s26+$0xFFFFFFD0]  }
0x602: {  	v11 =	vld [tilespmem:s26+$0xFFFFFFE0]  }
0x603: {  	v12 =	vld.idx.msk [tilespmem:v2+s4+$0x0], $0xffff  }
0x604: {  	v14 =	vld.idx.msk [tilespmem:v3+s4+$0x0], $0xffff  }
0x605: {  	v6 =	vld.idx.msk [tilespmem:v4+s4+$0x0], $0xffff  }
0x606: {  	v5 =	vld.idx.msk [tilespmem:v5+s4+$0x0], $0xffff  }
0x607: {  	v15 =	vld.idx.msk [tilespmem:v10+s4+$0x0], $0xffff  }
0x608: {  	v3 =	vld.idx.msk [tilespmem:v9+s4+$0x0], $0xffff  }
0x609: {  	v9 =	vld [tilespmem:s26+$0xFFFFFFC0]  }
0x60a: {  	v4 =	vld.idx.msk [tilespmem:v7+s4+$0x0], $0xffff  }
0x60b: {  	v2 =	vld.idx.msk [tilespmem:v8+s4+$0x0], $0xffff  }
0x60c: {  	v10 =	vld [tilespmem:s26+$0xFFFFFFF0]  }
0x60d: {  	v8 =	vld [tilespmem:s26+$0x0];
	v12 =	vmul.f32 v13, v12  }
0x60e: {  	s28 =	simm.s32 $0x15040;
	v7 =	vld [tilespmem:s26+$0x10];
	v13 =	vmul.f32 v9, v15  }
0x60f: {  	s29 =	simm.s32 $0x0;
	s30 =	simm.s32 $0x110C0;
	v9 =	vld [tilespmem:s26+$0x20];
	[tilespmem:s28+$0x30] =	vst v12;
	v12 =	vmul.f32 v16, v14  }
.LBB2_39:
0x610: {  	v14 =	vld [tilespmem:s30+$0x30];
	s29 =	sadd.s32 $0x8, s29;
	[tilespmem:s28+$0xFFFFFFC0] =	vst v13;
	v6 =	vmul.f32 v11, v6  }
0x611: {  	v11 =	vld [tilespmem:s30+$0xFFFFFFD0];
	p0 =	slt.u32 s29, $0xF8;
	[tilespmem:s28+$0xFFFFFFD0] =	vst v12;
	v5 =	vmul.f32 v10, v5  }
0x612: {  	v10 =	vld [tilespmem:s30+$0xFFFFFFE0];
	[tilespmem:s28+$0xFFFFFFE0] =	vst v6;
	v4 =	vmul.f32 v8, v4  }
0x613: {  	v8 =	vld [tilespmem:s30+$0xFFFFFFF0];
	[tilespmem:s28+$0xFFFFFFF0] =	vst v5;
	v2 =	vmul.f32 v7, v2  }
0x614: {  	v7 =	vld [tilespmem:s30+$0x0];
	[tilespmem:s28+$0x0] =	vst v4;
	v3 =	vmul.f32 v9, v3  }
0x615: {  	v9 =	vld [tilespmem:s30+$0x10];
	[tilespmem:s28+$0x10] =	vst v2  }
0x616: {  	v12 =	vld [tilespmem:s30+$0x20];
	[tilespmem:s28+$0x20] =	vst v3  }
0x617: {  	v3 =	vld [tilespmem:s30+$0xFFFFFFC0]  }
0x618: {  	s26 =	sadd.s32 $0x80, s26;
	v13 =	vld.idx.msk [tilespmem:v14+s4+$0x0], $0xffff  }
0x619: {  	v14 =	vld [tilespmem:s26+$0x30]  }
0x61a: {  	v15 =	vld.idx.msk [tilespmem:v11+s4+$0x0], $0xffff  }
0x61b: {  	v6 =	vld.idx.msk [tilespmem:v10+s4+$0x0], $0xffff  }
0x61c: {  	v5 =	vld.idx.msk [tilespmem:v8+s4+$0x0], $0xffff  }
0x61d: {  	v4 =	vld.idx.msk [tilespmem:v7+s4+$0x0], $0xffff  }
0x61e: {  	v2 =	vld.idx.msk [tilespmem:v9+s4+$0x0], $0xffff;
	v7 =	vmul.f32 v14, v13  }
0x61f: {  	s28 =	sadd.s32 $0x80, s28;
	v9 =	vld.idx.msk [tilespmem:v3+s4+$0x0], $0xffff  }
0x620: {  	v3 =	vld.idx.msk [tilespmem:v12+s4+$0x0], $0xffff;
	[tilespmem:s28+$0x30] =	vst v7  }
0x621: {  	v7 =	vld [tilespmem:s26+$0xFFFFFFC0]  }
0x622: {  	v12 =	vld [tilespmem:s26+$0xFFFFFFD0]  }
.Ltmp20:
0x623: {  	v11 =	vld [tilespmem:s26+$0xFFFFFFE0];
	(pc) =	sbr.rel @p0 .LBB2_39-.Ltmp20, $4  }
0x624: {  	v10 =	vld [tilespmem:s26+$0xFFFFFFF0]  }
0x625: {  	v8 =	vld [tilespmem:s26+$0x0]  }
0x626: {  	v13 =	vmul.f32 v7, v9;
	v7 =	vld [tilespmem:s26+$0x10]  }
0x627: {  	s30 =	sadd.s32 $0x80, s30;
	v12 =	vmul.f32 v12, v15;
	v9 =	vld [tilespmem:s26+$0x20]  }
0x628: {  	[tilespmem:s28+$0xFFFFFFC0] =	vst v13;
	v6 =	vmul.f32 v11, v6  }
0x629: {  	[tilespmem:s28+$0xFFFFFFD0] =	vst v12;
	v5 =	vmul.f32 v10, v5  }
0x62a: {  	[tilespmem:s28+$0xFFFFFFE0] =	vst v6;
	v4 =	vmul.f32 v8, v4  }
0x62b: {  	[tilespmem:s28+$0xFFFFFFF0] =	vst v5;
	v2 =	vmul.f32 v7, v2  }
0x62c: {  	[tilespmem:s28+$0x0] =	vst v4;
	v3 =	vmul.f32 v9, v3  }
0x62d: {  	[tilespmem:s28+$0x10] =	vst v2  }
0x62e: {  	[tilespmem:s28+$0x20] =	vst v3  }
0x62f: {  	[spmem:s5] =	stream.indirect.scatter.add.f32 [tilespmem:s22], [sflag:$0x4], $0x1, s17, s18, $0xb8;
	[tilespmem:$0x1CA80] =	vst v63  }
0x630: {  	_ =	swait.ge [sflag:s14], $0x1000  }
0x631: {  	[sflag:s14] =	ssyncset.done $0x0  }
0x632: {  	[sflag:s14] =	ssyncadd.s32 $0xFFFFF000  }
0x633: {  	_ =	swait.ge [sflag:s14], $0x1000  }
0x634: {  	[sflag:s14] =	ssyncset.done $0x0  }
0x635: {  	[sflag:s14] =	ssyncadd.s32 $0xFFFFF000  }
0x636: {  	_ =	swait.ge [sflag:s14], $0x1000  }
0x637: {  	[sflag:s14] =	ssyncset.done $0x0  }
0x638: {  	[sflag:s14] =	ssyncadd.s32 $0xFFFFF000  }
0x639: {  	_ =	swait.ge [sflag:s23], $0x1000  }
0x63a: {  	s26 =	sld [smem:$0x7CC]  }
0x63b: {  	[sflag:s23] =	ssyncset.done $0x0  }
0x63c: {  	s0 =	sld [smem:$0x7CD];
	[sflag:s23] =	ssyncadd.s32 $0xFFFFF000  }
0x63d: {  	[tilespmem:s15], [sflag:$0x2] =	stream.linear.gather [hbm4b:s26+s4], $0x1000, $0x38;
	[tilespmem:$0x1CA80] =	vst v63  }
0x63e: {  	_ = 	snop  }
0x63f: {  	[tilespmem:s16], [sflag:$0x2] =	stream.linear.gather [hbm4b:s0+s4], $0x1000, $0x38;
	[tilespmem:$0x1CA80] =	vst v63  }
0x640: {  	s0 =	sld [smem:$0x7CE];
	_ =	sdelay $0x2  }
0x641: {  	[tilespmem:s17], [sflag:$0x2] =	stream.linear.gather [hbm4b:s0+s4], $0x1000, $0x38;
	[tilespmem:$0x1CA80] =	vst v63  }
0x642: {  	s0 =	simm.s32 $0x10040  }
0x643: {  	v2 =	vld [tilespmem:s0+$0x30]  }
0x644: {  	v3 =	vld [tilespmem:s0+$0xFFFFFFD0]  }
0x645: {  	v4 =	vld [tilespmem:s0+$0xFFFFFFE0]  }
0x646: {  	v5 =	vld [tilespmem:s0+$0xFFFFFFF0]  }
0x647: {  	v7 =	vld [tilespmem:s0+$0x0]  }
0x648: {  	v8 =	vld [tilespmem:s0+$0x10]  }
0x649: {  	v9 =	vld [tilespmem:s0+$0x20]  }
0x64a: {  	s26 =	simm.s32 $0x12040;
	v10 =	vld [tilespmem:s0+$0xFFFFFFC0]  }
0x64b: {  	v13 =	vld [tilespmem:s26+$0x30]  }
0x64c: {  	v16 =	vld [tilespmem:s26+$0xFFFFFFD0]  }
0x64d: {  	v11 =	vld [tilespmem:s26+$0xFFFFFFE0]  }
0x64e: {  	v12 =	vld.idx.msk [tilespmem:v2+s4+$0x0], $0xffff  }
0x64f: {  	v14 =	vld.idx.msk [tilespmem:v3+s4+$0x0], $0xffff  }
0x650: {  	v6 =	vld.idx.msk [tilespmem:v4+s4+$0x0], $0xffff  }
0x651: {  	v5 =	vld.idx.msk [tilespmem:v5+s4+$0x0], $0xffff  }
0x652: {  	v15 =	vld.idx.msk [tilespmem:v10+s4+$0x0], $0xffff  }
0x653: {  	v3 =	vld.idx.msk [tilespmem:v9+s4+$0x0], $0xffff  }
0x654: {  	v9 =	vld [tilespmem:s26+$0xFFFFFFC0]  }
0x655: {  	v4 =	vld.idx.msk [tilespmem:v7+s4+$0x0], $0xffff  }
0x656: {  	v2 =	vld.idx.msk [tilespmem:v8+s4+$0x0], $0xffff  }
0x657: {  	v10 =	vld [tilespmem:s26+$0xFFFFFFF0]  }
0x658: {  	v8 =	vld [tilespmem:s26+$0x0];
	v12 =	vmul.f32 v13, v12  }
0x659: {  	s28 =	simm.s32 $0x14040;
	v7 =	vld [tilespmem:s26+$0x10];
	v13 =	vmul.f32 v9, v15  }
0x65a: {  	s29 =	simm.s32 $0x0;
	s30 =	simm.s32 $0x100C0;
	v9 =	vld [tilespmem:s26+$0x20];
	[tilespmem:s28+$0x30] =	vst v12;
	v12 =	vmul.f32 v16, v14  }
.LBB2_41:
0x65b: {  	v14 =	vld [tilespmem:s30+$0x30];
	s29 =	sadd.s32 $0x8, s29;
	[tilespmem:s28+$0xFFFFFFC0] =	vst v13;
	v6 =	vmul.f32 v11, v6  }
0x65c: {  	v11 =	vld [tilespmem:s30+$0xFFFFFFD0];
	p0 =	slt.u32 s29, $0xF8;
	[tilespmem:s28+$0xFFFFFFD0] =	vst v12;
	v5 =	vmul.f32 v10, v5  }
0x65d: {  	v10 =	vld [tilespmem:s30+$0xFFFFFFE0];
	[tilespmem:s28+$0xFFFFFFE0] =	vst v6;
	v4 =	vmul.f32 v8, v4  }
0x65e: {  	v8 =	vld [tilespmem:s30+$0xFFFFFFF0];
	[tilespmem:s28+$0xFFFFFFF0] =	vst v5;
	v2 =	vmul.f32 v7, v2  }
0x65f: {  	v7 =	vld [tilespmem:s30+$0x0];
	[tilespmem:s28+$0x0] =	vst v4;
	v3 =	vmul.f32 v9, v3  }
0x660: {  	v9 =	vld [tilespmem:s30+$0x10];
	[tilespmem:s28+$0x10] =	vst v2  }
0x661: {  	v12 =	vld [tilespmem:s30+$0x20];
	[tilespmem:s28+$0x20] =	vst v3  }
0x662: {  	v3 =	vld [tilespmem:s30+$0xFFFFFFC0]  }
0x663: {  	s26 =	sadd.s32 $0x80, s26;
	v13 =	vld.idx.msk [tilespmem:v14+s4+$0x0], $0xffff  }
0x664: {  	v14 =	vld [tilespmem:s26+$0x30]  }
0x665: {  	v15 =	vld.idx.msk [tilespmem:v11+s4+$0x0], $0xffff  }
0x666: {  	v6 =	vld.idx.msk [tilespmem:v10+s4+$0x0], $0xffff  }
0x667: {  	v5 =	vld.idx.msk [tilespmem:v8+s4+$0x0], $0xffff  }
0x668: {  	v4 =	vld.idx.msk [tilespmem:v7+s4+$0x0], $0xffff  }
0x669: {  	v2 =	vld.idx.msk [tilespmem:v9+s4+$0x0], $0xffff;
	v7 =	vmul.f32 v14, v13  }
0x66a: {  	s28 =	sadd.s32 $0x80, s28;
	v9 =	vld.idx.msk [tilespmem:v3+s4+$0x0], $0xffff  }
0x66b: {  	v3 =	vld.idx.msk [tilespmem:v12+s4+$0x0], $0xffff;
	[tilespmem:s28+$0x30] =	vst v7  }
0x66c: {  	v7 =	vld [tilespmem:s26+$0xFFFFFFC0]  }
0x66d: {  	v12 =	vld [tilespmem:s26+$0xFFFFFFD0]  }
.Ltmp21:
0x66e: {  	v11 =	vld [tilespmem:s26+$0xFFFFFFE0];
	(pc) =	sbr.rel @p0 .LBB2_41-.Ltmp21, $4  }
0x66f: {  	v10 =	vld [tilespmem:s26+$0xFFFFFFF0]  }
0x670: {  	v8 =	vld [tilespmem:s26+$0x0]  }
0x671: {  	v13 =	vmul.f32 v7, v9;
	v7 =	vld [tilespmem:s26+$0x10]  }
0x672: {  	s30 =	sadd.s32 $0x80, s30;
	v12 =	vmul.f32 v12, v15;
	v9 =	vld [tilespmem:s26+$0x20]  }
0x673: {  	[tilespmem:s28+$0xFFFFFFC0] =	vst v13;
	v6 =	vmul.f32 v11, v6  }
0x674: {  	[tilespmem:s28+$0xFFFFFFD0] =	vst v12;
	v5 =	vmul.f32 v10, v5  }
0x675: {  	[tilespmem:s28+$0xFFFFFFE0] =	vst v6;
	v4 =	vmul.f32 v8, v4  }
0x676: {  	[tilespmem:s28+$0xFFFFFFF0] =	vst v5;
	v2 =	vmul.f32 v7, v2  }
0x677: {  	[tilespmem:s28+$0x0] =	vst v4;
	v3 =	vmul.f32 v9, v3  }
0x678: {  	[tilespmem:s28+$0x10] =	vst v2  }
0x679: {  	[tilespmem:s28+$0x20] =	vst v3  }
0x67a: {  	[spmem:s5] =	stream.indirect.scatter.add.f32 [tilespmem:s19], [sflag:$0x3], $0x1, s13, s18, $0xb8;
	[tilespmem:$0x1CA80] =	vst v63  }
0x67b: {  	_ =	swait.ge [sflag:s20], $0x1000  }
0x67c: {  	[sflag:s20] =	ssyncset.done $0x0  }
0x67d: {  	[sflag:s20] =	ssyncadd.s32 $0xFFFFF000  }
0x67e: {  	_ =	swait.ge [sflag:s20], $0x1000  }
0x67f: {  	[sflag:s20] =	ssyncset.done $0x0  }
0x680: {  	[sflag:s20] =	ssyncadd.s32 $0xFFFFF000  }
0x681: {  	_ =	swait.ge [sflag:s20], $0x1000  }
0x682: {  	[sflag:s20] =	ssyncset.done $0x0  }
0x683: {  	[sflag:s20] =	ssyncadd.s32 $0xFFFFF000  }
0x684: {  	_ =	swait.ge [sflag:s21], $0x1000  }
0x685: {  	s26 =	sld [smem:$0x7CF]  }
0x686: {  	[sflag:s21] =	ssyncset.done $0x0  }
0x687: {  	s0 =	sld [smem:$0x7D0];
	[sflag:s21] =	ssyncadd.s32 $0xFFFFF000  }
0x688: {  	[tilespmem:s11], [sflag:$0x1] =	stream.linear.gather [hbm4b:s26+s4], $0x1000, $0x38;
	[tilespmem:$0x1CA80] =	vst v63  }
0x689: {  	_ = 	snop  }
0x68a: {  	[tilespmem:s12], [sflag:$0x1] =	stream.linear.gather [hbm4b:s0+s4], $0x1000, $0x38;
	[tilespmem:$0x1CA80] =	vst v63  }
0x68b: {  	s0 =	sld [smem:$0x7D1];
	_ =	sdelay $0x2  }
0x68c: {  	[tilespmem:s13], [sflag:$0x1] =	stream.linear.gather [hbm4b:s0+s4], $0x1000, $0x38;
	[tilespmem:$0x1CA80] =	vst v63  }
0x68d: {  	s0 =	simm.s32 $0x11040  }
0x68e: {  	v2 =	vld [tilespmem:s0+$0x30]  }
0x68f: {  	v3 =	vld [tilespmem:s0+$0xFFFFFFD0]  }
0x690: {  	v4 =	vld [tilespmem:s0+$0xFFFFFFE0]  }
0x691: {  	v5 =	vld [tilespmem:s0+$0xFFFFFFF0]  }
0x692: {  	v7 =	vld [tilespmem:s0+$0x0]  }
0x693: {  	v8 =	vld [tilespmem:s0+$0x10]  }
0x694: {  	v9 =	vld [tilespmem:s0+$0x20]  }
0x695: {  	s26 =	simm.s32 $0x13040;
	v10 =	vld [tilespmem:s0+$0xFFFFFFC0]  }
0x696: {  	v13 =	vld [tilespmem:s26+$0x30]  }
0x697: {  	v16 =	vld [tilespmem:s26+$0xFFFFFFD0]  }
0x698: {  	v11 =	vld [tilespmem:s26+$0xFFFFFFE0]  }
0x699: {  	v12 =	vld.idx.msk [tilespmem:v2+s4+$0x0], $0xffff  }
0x69a: {  	v14 =	vld.idx.msk [tilespmem:v3+s4+$0x0], $0xffff  }
0x69b: {  	v6 =	vld.idx.msk [tilespmem:v4+s4+$0x0], $0xffff  }
0x69c: {  	v5 =	vld.idx.msk [tilespmem:v5+s4+$0x0], $0xffff  }
0x69d: {  	v15 =	vld.idx.msk [tilespmem:v10+s4+$0x0], $0xffff  }
0x69e: {  	v3 =	vld.idx.msk [tilespmem:v9+s4+$0x0], $0xffff  }
0x69f: {  	v9 =	vld [tilespmem:s26+$0xFFFFFFC0]  }
0x6a0: {  	v4 =	vld.idx.msk [tilespmem:v7+s4+$0x0], $0xffff  }
0x6a1: {  	v2 =	vld.idx.msk [tilespmem:v8+s4+$0x0], $0xffff  }
0x6a2: {  	v10 =	vld [tilespmem:s26+$0xFFFFFFF0]  }
0x6a3: {  	v8 =	vld [tilespmem:s26+$0x0];
	v12 =	vmul.f32 v13, v12  }
0x6a4: {  	s28 =	simm.s32 $0x15040;
	v7 =	vld [tilespmem:s26+$0x10];
	v13 =	vmul.f32 v9, v15  }
0x6a5: {  	s29 =	simm.s32 $0x0;
	s30 =	simm.s32 $0x110C0;
	v9 =	vld [tilespmem:s26+$0x20];
	[tilespmem:s28+$0x30] =	vst v12;
	v12 =	vmul.f32 v16, v14  }
.LBB2_43:
0x6a6: {  	v14 =	vld [tilespmem:s30+$0x30];
	s29 =	sadd.s32 $0x8, s29;
	[tilespmem:s28+$0xFFFFFFC0] =	vst v13;
	v6 =	vmul.f32 v11, v6  }
0x6a7: {  	v11 =	vld [tilespmem:s30+$0xFFFFFFD0];
	p0 =	slt.u32 s29, $0xF8;
	[tilespmem:s28+$0xFFFFFFD0] =	vst v12;
	v5 =	vmul.f32 v10, v5  }
0x6a8: {  	v10 =	vld [tilespmem:s30+$0xFFFFFFE0];
	[tilespmem:s28+$0xFFFFFFE0] =	vst v6;
	v4 =	vmul.f32 v8, v4  }
0x6a9: {  	v8 =	vld [tilespmem:s30+$0xFFFFFFF0];
	[tilespmem:s28+$0xFFFFFFF0] =	vst v5;
	v2 =	vmul.f32 v7, v2  }
0x6aa: {  	v7 =	vld [tilespmem:s30+$0x0];
	[tilespmem:s28+$0x0] =	vst v4;
	v3 =	vmul.f32 v9, v3  }
0x6ab: {  	v9 =	vld [tilespmem:s30+$0x10];
	[tilespmem:s28+$0x10] =	vst v2  }
0x6ac: {  	v12 =	vld [tilespmem:s30+$0x20];
	[tilespmem:s28+$0x20] =	vst v3  }
0x6ad: {  	v3 =	vld [tilespmem:s30+$0xFFFFFFC0]  }
0x6ae: {  	s26 =	sadd.s32 $0x80, s26;
	v13 =	vld.idx.msk [tilespmem:v14+s4+$0x0], $0xffff  }
0x6af: {  	v14 =	vld [tilespmem:s26+$0x30]  }
0x6b0: {  	v15 =	vld.idx.msk [tilespmem:v11+s4+$0x0], $0xffff  }
0x6b1: {  	v6 =	vld.idx.msk [tilespmem:v10+s4+$0x0], $0xffff  }
0x6b2: {  	v5 =	vld.idx.msk [tilespmem:v8+s4+$0x0], $0xffff  }
0x6b3: {  	v4 =	vld.idx.msk [tilespmem:v7+s4+$0x0], $0xffff  }
0x6b4: {  	v2 =	vld.idx.msk [tilespmem:v9+s4+$0x0], $0xffff;
	v7 =	vmul.f32 v14, v13  }
0x6b5: {  	s28 =	sadd.s32 $0x80, s28;
	v9 =	vld.idx.msk [tilespmem:v3+s4+$0x0], $0xffff  }
0x6b6: {  	v3 =	vld.idx.msk [tilespmem:v12+s4+$0x0], $0xffff;
	[tilespmem:s28+$0x30] =	vst v7  }
0x6b7: {  	v7 =	vld [tilespmem:s26+$0xFFFFFFC0]  }
0x6b8: {  	v12 =	vld [tilespmem:s26+$0xFFFFFFD0]  }
.Ltmp22:
0x6b9: {  	v11 =	vld [tilespmem:s26+$0xFFFFFFE0];
	(pc) =	sbr.rel @p0 .LBB2_43-.Ltmp22, $4  }
0x6ba: {  	v10 =	vld [tilespmem:s26+$0xFFFFFFF0]  }
0x6bb: {  	v8 =	vld [tilespmem:s26+$0x0]  }
0x6bc: {  	v13 =	vmul.f32 v7, v9;
	v7 =	vld [tilespmem:s26+$0x10]  }
0x6bd: {  	s30 =	sadd.s32 $0x80, s30;
	v12 =	vmul.f32 v12, v15;
	v9 =	vld [tilespmem:s26+$0x20]  }
0x6be: {  	[tilespmem:s28+$0xFFFFFFC0] =	vst v13;
	v6 =	vmul.f32 v11, v6  }
0x6bf: {  	[tilespmem:s28+$0xFFFFFFD0] =	vst v12;
	v5 =	vmul.f32 v10, v5  }
0x6c0: {  	[tilespmem:s28+$0xFFFFFFE0] =	vst v6;
	v4 =	vmul.f32 v8, v4  }
0x6c1: {  	[tilespmem:s28+$0xFFFFFFF0] =	vst v5;
	v2 =	vmul.f32 v7, v2  }
0x6c2: {  	[tilespmem:s28+$0x0] =	vst v4;
	v3 =	vmul.f32 v9, v3  }
0x6c3: {  	[tilespmem:s28+$0x10] =	vst v2  }
0x6c4: {  	[tilespmem:s28+$0x20] =	vst v3  }
0x6c5: {  	[spmem:s5] =	stream.indirect.scatter.add.f32 [tilespmem:s22], [sflag:$0x4], $0x1, s17, s18, $0xb8;
	[tilespmem:$0x1CA80] =	vst v63  }
0x6c6: {  	_ =	swait.ge [sflag:s14], $0x1000  }
0x6c7: {  	[sflag:s14] =	ssyncset.done $0x0  }
0x6c8: {  	[sflag:s14] =	ssyncadd.s32 $0xFFFFF000  }
0x6c9: {  	_ =	swait.ge [sflag:s14], $0x1000  }
0x6ca: {  	[sflag:s14] =	ssyncset.done $0x0  }
0x6cb: {  	[sflag:s14] =	ssyncadd.s32 $0xFFFFF000  }
0x6cc: {  	_ =	swait.ge [sflag:s14], $0x1000  }
0x6cd: {  	[sflag:s14] =	ssyncset.done $0x0  }
0x6ce: {  	[sflag:s14] =	ssyncadd.s32 $0xFFFFF000  }
0x6cf: {  	_ =	swait.ge [sflag:s23], $0x1000  }
0x6d0: {  	s26 =	sld [smem:$0x7D2]  }
0x6d1: {  	[sflag:s23] =	ssyncset.done $0x0  }
0x6d2: {  	s0 =	sld [smem:$0x7D3];
	[sflag:s23] =	ssyncadd.s32 $0xFFFFF000  }
0x6d3: {  	[tilespmem:s15], [sflag:$0x2] =	stream.linear.gather [hbm4b:s26+s4], $0x1000, $0x38;
	[tilespmem:$0x1CA80] =	vst v63  }
0x6d4: {  	_ = 	snop  }
0x6d5: {  	[tilespmem:s16], [sflag:$0x2] =	stream.linear.gather [hbm4b:s0+s4], $0x1000, $0x38;
	[tilespmem:$0x1CA80] =	vst v63  }
0x6d6: {  	s0 =	sld [smem:$0x7D4];
	_ =	sdelay $0x2  }
0x6d7: {  	[tilespmem:s17], [sflag:$0x2] =	stream.linear.gather [hbm4b:s0+s4], $0x1000, $0x38;
	[tilespmem:$0x1CA80] =	vst v63  }
0x6d8: {  	s0 =	simm.s32 $0x10040  }
0x6d9: {  	v2 =	vld [tilespmem:s0+$0x30]  }
0x6da: {  	v3 =	vld [tilespmem:s0+$0xFFFFFFD0]  }
0x6db: {  	v4 =	vld [tilespmem:s0+$0xFFFFFFE0]  }
0x6dc: {  	v5 =	vld [tilespmem:s0+$0xFFFFFFF0]  }
0x6dd: {  	v7 =	vld [tilespmem:s0+$0x0]  }
0x6de: {  	v8 =	vld [tilespmem:s0+$0x10]  }
0x6df: {  	v9 =	vld [tilespmem:s0+$0x20]  }
0x6e0: {  	s26 =	simm.s32 $0x12040;
	v10 =	vld [tilespmem:s0+$0xFFFFFFC0]  }
0x6e1: {  	v13 =	vld [tilespmem:s26+$0x30]  }
0x6e2: {  	v16 =	vld [tilespmem:s26+$0xFFFFFFD0]  }
0x6e3: {  	v11 =	vld [tilespmem:s26+$0xFFFFFFE0]  }
0x6e4: {  	v12 =	vld.idx.msk [tilespmem:v2+s4+$0x0], $0xffff  }
0x6e5: {  	v14 =	vld.idx.msk [tilespmem:v3+s4+$0x0], $0xffff  }
0x6e6: {  	v6 =	vld.idx.msk [tilespmem:v4+s4+$0x0], $0xffff  }
0x6e7: {  	v5 =	vld.idx.msk [tilespmem:v5+s4+$0x0], $0xffff  }
0x6e8: {  	v15 =	vld.idx.msk [tilespmem:v10+s4+$0x0], $0xffff  }
0x6e9: {  	v3 =	vld.idx.msk [tilespmem:v9+s4+$0x0], $0xffff  }
0x6ea: {  	v9 =	vld [tilespmem:s26+$0xFFFFFFC0]  }
0x6eb: {  	v4 =	vld.idx.msk [tilespmem:v7+s4+$0x0], $0xffff  }
0x6ec: {  	v2 =	vld.idx.msk [tilespmem:v8+s4+$0x0], $0xffff  }
0x6ed: {  	v10 =	vld [tilespmem:s26+$0xFFFFFFF0]  }
0x6ee: {  	v8 =	vld [tilespmem:s26+$0x0];
	v12 =	vmul.f32 v13, v12  }
0x6ef: {  	s28 =	simm.s32 $0x14040;
	v7 =	vld [tilespmem:s26+$0x10];
	v13 =	vmul.f32 v9, v15  }
0x6f0: {  	s29 =	simm.s32 $0x0;
	s30 =	simm.s32 $0x100C0;
	v9 =	vld [tilespmem:s26+$0x20];
	[tilespmem:s28+$0x30] =	vst v12;
	v12 =	vmul.f32 v16, v14  }
.LBB2_45:
0x6f1: {  	v14 =	vld [tilespmem:s30+$0x30];
	s29 =	sadd.s32 $0x8, s29;
	[tilespmem:s28+$0xFFFFFFC0] =	vst v13;
	v6 =	vmul.f32 v11, v6  }
0x6f2: {  	v11 =	vld [tilespmem:s30+$0xFFFFFFD0];
	p0 =	slt.u32 s29, $0xF8;
	[tilespmem:s28+$0xFFFFFFD0] =	vst v12;
	v5 =	vmul.f32 v10, v5  }
0x6f3: {  	v10 =	vld [tilespmem:s30+$0xFFFFFFE0];
	[tilespmem:s28+$0xFFFFFFE0] =	vst v6;
	v4 =	vmul.f32 v8, v4  }
0x6f4: {  	v8 =	vld [tilespmem:s30+$0xFFFFFFF0];
	[tilespmem:s28+$0xFFFFFFF0] =	vst v5;
	v2 =	vmul.f32 v7, v2  }
0x6f5: {  	v7 =	vld [tilespmem:s30+$0x0];
	[tilespmem:s28+$0x0] =	vst v4;
	v3 =	vmul.f32 v9, v3  }
0x6f6: {  	v9 =	vld [tilespmem:s30+$0x10];
	[tilespmem:s28+$0x10] =	vst v2  }
0x6f7: {  	v12 =	vld [tilespmem:s30+$0x20];
	[tilespmem:s28+$0x20] =	vst v3  }
0x6f8: {  	v3 =	vld [tilespmem:s30+$0xFFFFFFC0]  }
0x6f9: {  	s26 =	sadd.s32 $0x80, s26;
	v13 =	vld.idx.msk [tilespmem:v14+s4+$0x0], $0xffff  }
0x6fa: {  	v14 =	vld [tilespmem:s26+$0x30]  }
0x6fb: {  	v15 =	vld.idx.msk [tilespmem:v11+s4+$0x0], $0xffff  }
0x6fc: {  	v6 =	vld.idx.msk [tilespmem:v10+s4+$0x0], $0xffff  }
0x6fd: {  	v5 =	vld.idx.msk [tilespmem:v8+s4+$0x0], $0xffff  }
0x6fe: {  	v4 =	vld.idx.msk [tilespmem:v7+s4+$0x0], $0xffff  }
0x6ff: {  	v2 =	vld.idx.msk [tilespmem:v9+s4+$0x0], $0xffff;
	v7 =	vmul.f32 v14, v13  }
0x700: {  	s28 =	sadd.s32 $0x80, s28;
	v9 =	vld.idx.msk [tilespmem:v3+s4+$0x0], $0xffff  }
0x701: {  	v3 =	vld.idx.msk [tilespmem:v12+s4+$0x0], $0xffff;
	[tilespmem:s28+$0x30] =	vst v7  }
0x702: {  	v7 =	vld [tilespmem:s26+$0xFFFFFFC0]  }
0x703: {  	v12 =	vld [tilespmem:s26+$0xFFFFFFD0]  }
.Ltmp23:
0x704: {  	v11 =	vld [tilespmem:s26+$0xFFFFFFE0];
	(pc) =	sbr.rel @p0 .LBB2_45-.Ltmp23, $4  }
0x705: {  	v10 =	vld [tilespmem:s26+$0xFFFFFFF0]  }
0x706: {  	v8 =	vld [tilespmem:s26+$0x0]  }
0x707: {  	v13 =	vmul.f32 v7, v9;
	v7 =	vld [tilespmem:s26+$0x10]  }
0x708: {  	s30 =	sadd.s32 $0x80, s30;
	v12 =	vmul.f32 v12, v15;
	v9 =	vld [tilespmem:s26+$0x20]  }
0x709: {  	[tilespmem:s28+$0xFFFFFFC0] =	vst v13;
	v6 =	vmul.f32 v11, v6  }
0x70a: {  	[tilespmem:s28+$0xFFFFFFD0] =	vst v12;
	v5 =	vmul.f32 v10, v5  }
0x70b: {  	[tilespmem:s28+$0xFFFFFFE0] =	vst v6;
	v4 =	vmul.f32 v8, v4  }
0x70c: {  	[tilespmem:s28+$0xFFFFFFF0] =	vst v5;
	v2 =	vmul.f32 v7, v2  }
0x70d: {  	[tilespmem:s28+$0x0] =	vst v4;
	v3 =	vmul.f32 v9, v3  }
0x70e: {  	[tilespmem:s28+$0x10] =	vst v2  }
0x70f: {  	[tilespmem:s28+$0x20] =	vst v3  }
0x710: {  	[spmem:s5] =	stream.indirect.scatter.add.f32 [tilespmem:s19], [sflag:$0x3], $0x1, s13, s18, $0xb8;
	[tilespmem:$0x1CA80] =	vst v63  }
0x711: {  	_ =	swait.ge [sflag:s20], $0x1000  }
0x712: {  	[sflag:s20] =	ssyncset.done $0x0  }
0x713: {  	[sflag:s20] =	ssyncadd.s32 $0xFFFFF000  }
0x714: {  	_ =	swait.ge [sflag:s20], $0x1000  }
0x715: {  	[sflag:s20] =	ssyncset.done $0x0  }
0x716: {  	[sflag:s20] =	ssyncadd.s32 $0xFFFFF000  }
0x717: {  	_ =	swait.ge [sflag:s20], $0x1000  }
0x718: {  	[sflag:s20] =	ssyncset.done $0x0  }
0x719: {  	[sflag:s20] =	ssyncadd.s32 $0xFFFFF000  }
0x71a: {  	_ =	swait.ge [sflag:s21], $0x1000  }
0x71b: {  	s26 =	sld [smem:$0x7D5]  }
0x71c: {  	[sflag:s21] =	ssyncset.done $0x0  }
0x71d: {  	s0 =	sld [smem:$0x7D6];
	[sflag:s21] =	ssyncadd.s32 $0xFFFFF000  }
0x71e: {  	[tilespmem:s11], [sflag:$0x1] =	stream.linear.gather [hbm4b:s26+s4], $0x1000, $0x38;
	[tilespmem:$0x1CA80] =	vst v63  }
0x71f: {  	_ = 	snop  }
0x720: {  	[tilespmem:s12], [sflag:$0x1] =	stream.linear.gather [hbm4b:s0+s4], $0x1000, $0x38;
	[tilespmem:$0x1CA80] =	vst v63  }
0x721: {  	s0 =	sld [smem:$0x7D7];
	_ =	sdelay $0x2  }
0x722: {  	[tilespmem:s13], [sflag:$0x1] =	stream.linear.gather [hbm4b:s0+s4], $0x1000, $0x38;
	[tilespmem:$0x1CA80] =	vst v63  }
0x723: {  	s0 =	simm.s32 $0x11040  }
0x724: {  	v2 =	vld [tilespmem:s0+$0x30]  }
0x725: {  	v3 =	vld [tilespmem:s0+$0xFFFFFFD0]  }
0x726: {  	v4 =	vld [tilespmem:s0+$0xFFFFFFE0]  }
0x727: {  	v5 =	vld [tilespmem:s0+$0xFFFFFFF0]  }
0x728: {  	v7 =	vld [tilespmem:s0+$0x0]  }
0x729: {  	v8 =	vld [tilespmem:s0+$0x10]  }
0x72a: {  	v9 =	vld [tilespmem:s0+$0x20]  }
0x72b: {  	s26 =	simm.s32 $0x13040;
	v10 =	vld [tilespmem:s0+$0xFFFFFFC0]  }
0x72c: {  	v13 =	vld [tilespmem:s26+$0x30]  }
0x72d: {  	v16 =	vld [tilespmem:s26+$0xFFFFFFD0]  }
0x72e: {  	v11 =	vld [tilespmem:s26+$0xFFFFFFE0]  }
0x72f: {  	v12 =	vld.idx.msk [tilespmem:v2+s4+$0x0], $0xffff  }
0x730: {  	v14 =	vld.idx.msk [tilespmem:v3+s4+$0x0], $0xffff  }
0x731: {  	v6 =	vld.idx.msk [tilespmem:v4+s4+$0x0], $0xffff  }
0x732: {  	v5 =	vld.idx.msk [tilespmem:v5+s4+$0x0], $0xffff  }
0x733: {  	v15 =	vld.idx.msk [tilespmem:v10+s4+$0x0], $0xffff  }
0x734: {  	v3 =	vld.idx.msk [tilespmem:v9+s4+$0x0], $0xffff  }
0x735: {  	v9 =	vld [tilespmem:s26+$0xFFFFFFC0]  }
0x736: {  	v4 =	vld.idx.msk [tilespmem:v7+s4+$0x0], $0xffff  }
0x737: {  	v2 =	vld.idx.msk [tilespmem:v8+s4+$0x0], $0xffff  }
0x738: {  	v10 =	vld [tilespmem:s26+$0xFFFFFFF0]  }
0x739: {  	v8 =	vld [tilespmem:s26+$0x0];
	v12 =	vmul.f32 v13, v12  }
0x73a: {  	s28 =	simm.s32 $0x15040;
	v7 =	vld [tilespmem:s26+$0x10];
	v13 =	vmul.f32 v9, v15  }
0x73b: {  	s29 =	simm.s32 $0x0;
	s30 =	simm.s32 $0x110C0;
	v9 =	vld [tilespmem:s26+$0x20];
	[tilespmem:s28+$0x30] =	vst v12;
	v12 =	vmul.f32 v16, v14  }
.LBB2_47:
0x73c: {  	v14 =	vld [tilespmem:s30+$0x30];
	s29 =	sadd.s32 $0x8, s29;
	[tilespmem:s28+$0xFFFFFFC0] =	vst v13;
	v6 =	vmul.f32 v11, v6  }
0x73d: {  	v11 =	vld [tilespmem:s30+$0xFFFFFFD0];
	p0 =	slt.u32 s29, $0xF8;
	[tilespmem:s28+$0xFFFFFFD0] =	vst v12;
	v5 =	vmul.f32 v10, v5  }
0x73e: {  	v10 =	vld [tilespmem:s30+$0xFFFFFFE0];
	[tilespmem:s28+$0xFFFFFFE0] =	vst v6;
	v4 =	vmul.f32 v8, v4  }
0x73f: {  	v8 =	vld [tilespmem:s30+$0xFFFFFFF0];
	[tilespmem:s28+$0xFFFFFFF0] =	vst v5;
	v2 =	vmul.f32 v7, v2  }
0x740: {  	v7 =	vld [tilespmem:s30+$0x0];
	[tilespmem:s28+$0x0] =	vst v4;
	v3 =	vmul.f32 v9, v3  }
0x741: {  	v9 =	vld [tilespmem:s30+$0x10];
	[tilespmem:s28+$0x10] =	vst v2  }
0x742: {  	v12 =	vld [tilespmem:s30+$0x20];
	[tilespmem:s28+$0x20] =	vst v3  }
0x743: {  	v3 =	vld [tilespmem:s30+$0xFFFFFFC0]  }
0x744: {  	s26 =	sadd.s32 $0x80, s26;
	v13 =	vld.idx.msk [tilespmem:v14+s4+$0x0], $0xffff  }
0x745: {  	v14 =	vld [tilespmem:s26+$0x30]  }
0x746: {  	v15 =	vld.idx.msk [tilespmem:v11+s4+$0x0], $0xffff  }
0x747: {  	v6 =	vld.idx.msk [tilespmem:v10+s4+$0x0], $0xffff  }
0x748: {  	v5 =	vld.idx.msk [tilespmem:v8+s4+$0x0], $0xffff  }
0x749: {  	v4 =	vld.idx.msk [tilespmem:v7+s4+$0x0], $0xffff  }
0x74a: {  	v2 =	vld.idx.msk [tilespmem:v9+s4+$0x0], $0xffff;
	v7 =	vmul.f32 v14, v13  }
0x74b: {  	s28 =	sadd.s32 $0x80, s28;
	v9 =	vld.idx.msk [tilespmem:v3+s4+$0x0], $0xffff  }
0x74c: {  	v3 =	vld.idx.msk [tilespmem:v12+s4+$0x0], $0xffff;
	[tilespmem:s28+$0x30] =	vst v7  }
0x74d: {  	v7 =	vld [tilespmem:s26+$0xFFFFFFC0]  }
0x74e: {  	v12 =	vld [tilespmem:s26+$0xFFFFFFD0]  }
.Ltmp24:
0x74f: {  	v11 =	vld [tilespmem:s26+$0xFFFFFFE0];
	(pc) =	sbr.rel @p0 .LBB2_47-.Ltmp24, $4  }
0x750: {  	v10 =	vld [tilespmem:s26+$0xFFFFFFF0]  }
0x751: {  	v8 =	vld [tilespmem:s26+$0x0]  }
0x752: {  	v13 =	vmul.f32 v7, v9;
	v7 =	vld [tilespmem:s26+$0x10]  }
0x753: {  	s30 =	sadd.s32 $0x80, s30;
	v12 =	vmul.f32 v12, v15;
	v9 =	vld [tilespmem:s26+$0x20]  }
0x754: {  	[tilespmem:s28+$0xFFFFFFC0] =	vst v13;
	v6 =	vmul.f32 v11, v6  }
0x755: {  	[tilespmem:s28+$0xFFFFFFD0] =	vst v12;
	v5 =	vmul.f32 v10, v5  }
0x756: {  	[tilespmem:s28+$0xFFFFFFE0] =	vst v6;
	v4 =	vmul.f32 v8, v4  }
0x757: {  	[tilespmem:s28+$0xFFFFFFF0] =	vst v5;
	v2 =	vmul.f32 v7, v2  }
0x758: {  	[tilespmem:s28+$0x0] =	vst v4;
	v3 =	vmul.f32 v9, v3  }
0x759: {  	[tilespmem:s28+$0x10] =	vst v2  }
0x75a: {  	[tilespmem:s28+$0x20] =	vst v3  }
0x75b: {  	[spmem:s5] =	stream.indirect.scatter.add.f32 [tilespmem:s22], [sflag:$0x4], $0x1, s17, s18, $0xb8;
	[tilespmem:$0x1CA80] =	vst v63  }
0x75c: {  	_ =	swait.ge [sflag:s14], $0x1000  }
0x75d: {  	[sflag:s14] =	ssyncset.done $0x0  }
0x75e: {  	[sflag:s14] =	ssyncadd.s32 $0xFFFFF000  }
0x75f: {  	_ =	swait.ge [sflag:s14], $0x1000  }
0x760: {  	[sflag:s14] =	ssyncset.done $0x0  }
0x761: {  	[sflag:s14] =	ssyncadd.s32 $0xFFFFF000  }
0x762: {  	_ =	swait.ge [sflag:s14], $0x1000  }
0x763: {  	[sflag:s14] =	ssyncset.done $0x0  }
0x764: {  	[sflag:s14] =	ssyncadd.s32 $0xFFFFF000  }
0x765: {  	_ =	swait.ge [sflag:s23], $0x1000  }
0x766: {  	s26 =	sld [smem:$0x7D8]  }
0x767: {  	[sflag:s23] =	ssyncset.done $0x0  }
0x768: {  	s0 =	sld [smem:$0x7D9];
	[sflag:s23] =	ssyncadd.s32 $0xFFFFF000  }
0x769: {  	[tilespmem:s15], [sflag:$0x2] =	stream.linear.gather [hbm4b:s26+s4], $0x1000, $0x38;
	[tilespmem:$0x1CA80] =	vst v63  }
0x76a: {  	_ = 	snop  }
0x76b: {  	[tilespmem:s16], [sflag:$0x2] =	stream.linear.gather [hbm4b:s0+s4], $0x1000, $0x38;
	[tilespmem:$0x1CA80] =	vst v63  }
0x76c: {  	s0 =	sld [smem:$0x7DA];
	_ =	sdelay $0x2  }
0x76d: {  	[tilespmem:s17], [sflag:$0x2] =	stream.linear.gather [hbm4b:s0+s4], $0x1000, $0x38;
	[tilespmem:$0x1CA80] =	vst v63  }
0x76e: {  	s0 =	simm.s32 $0x10040  }
0x76f: {  	v2 =	vld [tilespmem:s0+$0x30]  }
0x770: {  	v3 =	vld [tilespmem:s0+$0xFFFFFFD0]  }
0x771: {  	v4 =	vld [tilespmem:s0+$0xFFFFFFE0]  }
0x772: {  	v5 =	vld [tilespmem:s0+$0xFFFFFFF0]  }
0x773: {  	v7 =	vld [tilespmem:s0+$0x0]  }
0x774: {  	v8 =	vld [tilespmem:s0+$0x10]  }
0x775: {  	v9 =	vld [tilespmem:s0+$0x20]  }
0x776: {  	s26 =	simm.s32 $0x12040;
	v10 =	vld [tilespmem:s0+$0xFFFFFFC0]  }
0x777: {  	v13 =	vld [tilespmem:s26+$0x30]  }
0x778: {  	v16 =	vld [tilespmem:s26+$0xFFFFFFD0]  }
0x779: {  	v11 =	vld [tilespmem:s26+$0xFFFFFFE0]  }
0x77a: {  	v12 =	vld.idx.msk [tilespmem:v2+s4+$0x0], $0xffff  }
0x77b: {  	v14 =	vld.idx.msk [tilespmem:v3+s4+$0x0], $0xffff  }
0x77c: {  	v6 =	vld.idx.msk [tilespmem:v4+s4+$0x0], $0xffff  }
0x77d: {  	v5 =	vld.idx.msk [tilespmem:v5+s4+$0x0], $0xffff  }
0x77e: {  	v15 =	vld.idx.msk [tilespmem:v10+s4+$0x0], $0xffff  }
0x77f: {  	v3 =	vld.idx.msk [tilespmem:v9+s4+$0x0], $0xffff  }
0x780: {  	v9 =	vld [tilespmem:s26+$0xFFFFFFC0]  }
0x781: {  	v4 =	vld.idx.msk [tilespmem:v7+s4+$0x0], $0xffff  }
0x782: {  	v2 =	vld.idx.msk [tilespmem:v8+s4+$0x0], $0xffff  }
0x783: {  	v10 =	vld [tilespmem:s26+$0xFFFFFFF0]  }
0x784: {  	v8 =	vld [tilespmem:s26+$0x0];
	v12 =	vmul.f32 v13, v12  }
0x785: {  	s28 =	simm.s32 $0x14040;
	v7 =	vld [tilespmem:s26+$0x10];
	v13 =	vmul.f32 v9, v15  }
0x786: {  	s29 =	simm.s32 $0x0;
	s30 =	simm.s32 $0x100C0;
	v9 =	vld [tilespmem:s26+$0x20];
	[tilespmem:s28+$0x30] =	vst v12;
	v12 =	vmul.f32 v16, v14  }
.LBB2_49:
0x787: {  	v14 =	vld [tilespmem:s30+$0x30];
	s29 =	sadd.s32 $0x8, s29;
	[tilespmem:s28+$0xFFFFFFC0] =	vst v13;
	v6 =	vmul.f32 v11, v6  }
0x788: {  	v11 =	vld [tilespmem:s30+$0xFFFFFFD0];
	p0 =	slt.u32 s29, $0xF8;
	[tilespmem:s28+$0xFFFFFFD0] =	vst v12;
	v5 =	vmul.f32 v10, v5  }
0x789: {  	v10 =	vld [tilespmem:s30+$0xFFFFFFE0];
	[tilespmem:s28+$0xFFFFFFE0] =	vst v6;
	v4 =	vmul.f32 v8, v4  }
0x78a: {  	v8 =	vld [tilespmem:s30+$0xFFFFFFF0];
	[tilespmem:s28+$0xFFFFFFF0] =	vst v5;
	v2 =	vmul.f32 v7, v2  }
0x78b: {  	v7 =	vld [tilespmem:s30+$0x0];
	[tilespmem:s28+$0x0] =	vst v4;
	v3 =	vmul.f32 v9, v3  }
0x78c: {  	v9 =	vld [tilespmem:s30+$0x10];
	[tilespmem:s28+$0x10] =	vst v2  }
0x78d: {  	v12 =	vld [tilespmem:s30+$0x20];
	[tilespmem:s28+$0x20] =	vst v3  }
0x78e: {  	v3 =	vld [tilespmem:s30+$0xFFFFFFC0]  }
0x78f: {  	s26 =	sadd.s32 $0x80, s26;
	v13 =	vld.idx.msk [tilespmem:v14+s4+$0x0], $0xffff  }
0x790: {  	v14 =	vld [tilespmem:s26+$0x30]  }
0x791: {  	v15 =	vld.idx.msk [tilespmem:v11+s4+$0x0], $0xffff  }
0x792: {  	v6 =	vld.idx.msk [tilespmem:v10+s4+$0x0], $0xffff  }
0x793: {  	v5 =	vld.idx.msk [tilespmem:v8+s4+$0x0], $0xffff  }
0x794: {  	v4 =	vld.idx.msk [tilespmem:v7+s4+$0x0], $0xffff  }
0x795: {  	v2 =	vld.idx.msk [tilespmem:v9+s4+$0x0], $0xffff;
	v7 =	vmul.f32 v14, v13  }
0x796: {  	s28 =	sadd.s32 $0x80, s28;
	v9 =	vld.idx.msk [tilespmem:v3+s4+$0x0], $0xffff  }
0x797: {  	v3 =	vld.idx.msk [tilespmem:v12+s4+$0x0], $0xffff;
	[tilespmem:s28+$0x30] =	vst v7  }
0x798: {  	v7 =	vld [tilespmem:s26+$0xFFFFFFC0]  }
0x799: {  	v12 =	vld [tilespmem:s26+$0xFFFFFFD0]  }
.Ltmp25:
0x79a: {  	v11 =	vld [tilespmem:s26+$0xFFFFFFE0];
	(pc) =	sbr.rel @p0 .LBB2_49-.Ltmp25, $4  }
0x79b: {  	v10 =	vld [tilespmem:s26+$0xFFFFFFF0]  }
0x79c: {  	v8 =	vld [tilespmem:s26+$0x0]  }
0x79d: {  	v13 =	vmul.f32 v7, v9;
	v7 =	vld [tilespmem:s26+$0x10]  }
0x79e: {  	s30 =	sadd.s32 $0x80, s30;
	v12 =	vmul.f32 v12, v15;
	v9 =	vld [tilespmem:s26+$0x20]  }
0x79f: {  	[tilespmem:s28+$0xFFFFFFC0] =	vst v13;
	v6 =	vmul.f32 v11, v6  }
0x7a0: {  	[tilespmem:s28+$0xFFFFFFD0] =	vst v12;
	v5 =	vmul.f32 v10, v5  }
0x7a1: {  	[tilespmem:s28+$0xFFFFFFE0] =	vst v6;
	v4 =	vmul.f32 v8, v4  }
0x7a2: {  	[tilespmem:s28+$0xFFFFFFF0] =	vst v5;
	v2 =	vmul.f32 v7, v2  }
0x7a3: {  	[tilespmem:s28+$0x0] =	vst v4;
	v3 =	vmul.f32 v9, v3  }
0x7a4: {  	[tilespmem:s28+$0x10] =	vst v2  }
0x7a5: {  	[tilespmem:s28+$0x20] =	vst v3  }
0x7a6: {  	[spmem:s5] =	stream.indirect.scatter.add.f32 [tilespmem:s19], [sflag:$0x3], $0x1, s13, s18, $0xb8;
	[tilespmem:$0x1CA80] =	vst v63  }
0x7a7: {  	_ =	swait.ge [sflag:s20], $0x1000  }
0x7a8: {  	[sflag:s20] =	ssyncset.done $0x0  }
0x7a9: {  	[sflag:s20] =	ssyncadd.s32 $0xFFFFF000  }
0x7aa: {  	_ =	swait.ge [sflag:s20], $0x1000  }
0x7ab: {  	[sflag:s20] =	ssyncset.done $0x0  }
0x7ac: {  	[sflag:s20] =	ssyncadd.s32 $0xFFFFF000  }
0x7ad: {  	_ =	swait.ge [sflag:s20], $0x1000  }
0x7ae: {  	[sflag:s20] =	ssyncset.done $0x0  }
0x7af: {  	[sflag:s20] =	ssyncadd.s32 $0xFFFFF000  }
0x7b0: {  	_ =	swait.ge [sflag:s21], $0x1000  }
0x7b1: {  	s26 =	sld [smem:$0x7DB]  }
0x7b2: {  	[sflag:s21] =	ssyncset.done $0x0  }
0x7b3: {  	s0 =	sld [smem:$0x7DC];
	[sflag:s21] =	ssyncadd.s32 $0xFFFFF000  }
0x7b4: {  	[tilespmem:s11], [sflag:$0x1] =	stream.linear.gather [hbm4b:s26+s4], $0x1000, $0x38;
	[tilespmem:$0x1CA80] =	vst v63  }
0x7b5: {  	_ = 	snop  }
0x7b6: {  	[tilespmem:s12], [sflag:$0x1] =	stream.linear.gather [hbm4b:s0+s4], $0x1000, $0x38;
	[tilespmem:$0x1CA80] =	vst v63  }
0x7b7: {  	s0 =	sld [smem:$0x7DD];
	_ =	sdelay $0x2  }
0x7b8: {  	[tilespmem:s13], [sflag:$0x1] =	stream.linear.gather [hbm4b:s0+s4], $0x1000, $0x38;
	[tilespmem:$0x1CA80] =	vst v63  }
0x7b9: {  	s0 =	simm.s32 $0x11040  }
0x7ba: {  	v2 =	vld [tilespmem:s0+$0x30]  }
0x7bb: {  	v3 =	vld [tilespmem:s0+$0xFFFFFFD0]  }
0x7bc: {  	v4 =	vld [tilespmem:s0+$0xFFFFFFE0]  }
0x7bd: {  	v5 =	vld [tilespmem:s0+$0xFFFFFFF0]  }
0x7be: {  	v7 =	vld [tilespmem:s0+$0x0]  }
0x7bf: {  	v8 =	vld [tilespmem:s0+$0x10]  }
0x7c0: {  	v9 =	vld [tilespmem:s0+$0x20]  }
0x7c1: {  	s26 =	simm.s32 $0x13040;
	v10 =	vld [tilespmem:s0+$0xFFFFFFC0]  }
0x7c2: {  	v13 =	vld [tilespmem:s26+$0x30]  }
0x7c3: {  	v16 =	vld [tilespmem:s26+$0xFFFFFFD0]  }
0x7c4: {  	v11 =	vld [tilespmem:s26+$0xFFFFFFE0]  }
0x7c5: {  	v12 =	vld.idx.msk [tilespmem:v2+s4+$0x0], $0xffff  }
0x7c6: {  	v14 =	vld.idx.msk [tilespmem:v3+s4+$0x0], $0xffff  }
0x7c7: {  	v6 =	vld.idx.msk [tilespmem:v4+s4+$0x0], $0xffff  }
0x7c8: {  	v5 =	vld.idx.msk [tilespmem:v5+s4+$0x0], $0xffff  }
0x7c9: {  	v15 =	vld.idx.msk [tilespmem:v10+s4+$0x0], $0xffff  }
0x7ca: {  	v3 =	vld.idx.msk [tilespmem:v9+s4+$0x0], $0xffff  }
0x7cb: {  	v9 =	vld [tilespmem:s26+$0xFFFFFFC0]  }
0x7cc: {  	v4 =	vld.idx.msk [tilespmem:v7+s4+$0x0], $0xffff  }
0x7cd: {  	v2 =	vld.idx.msk [tilespmem:v8+s4+$0x0], $0xffff  }
0x7ce: {  	v10 =	vld [tilespmem:s26+$0xFFFFFFF0]  }
0x7cf: {  	v8 =	vld [tilespmem:s26+$0x0];
	v12 =	vmul.f32 v13, v12  }
0x7d0: {  	s28 =	simm.s32 $0x15040;
	v7 =	vld [tilespmem:s26+$0x10];
	v13 =	vmul.f32 v9, v15  }
0x7d1: {  	s29 =	simm.s32 $0x0;
	s30 =	simm.s32 $0x110C0;
	v9 =	vld [tilespmem:s26+$0x20];
	[tilespmem:s28+$0x30] =	vst v12;
	v12 =	vmul.f32 v16, v14  }
.LBB2_51:
0x7d2: {  	v14 =	vld [tilespmem:s30+$0x30];
	s29 =	sadd.s32 $0x8, s29;
	[tilespmem:s28+$0xFFFFFFC0] =	vst v13;
	v6 =	vmul.f32 v11, v6  }
0x7d3: {  	v11 =	vld [tilespmem:s30+$0xFFFFFFD0];
	p0 =	slt.u32 s29, $0xF8;
	[tilespmem:s28+$0xFFFFFFD0] =	vst v12;
	v5 =	vmul.f32 v10, v5  }
0x7d4: {  	v10 =	vld [tilespmem:s30+$0xFFFFFFE0];
	[tilespmem:s28+$0xFFFFFFE0] =	vst v6;
	v4 =	vmul.f32 v8, v4  }
0x7d5: {  	v8 =	vld [tilespmem:s30+$0xFFFFFFF0];
	[tilespmem:s28+$0xFFFFFFF0] =	vst v5;
	v2 =	vmul.f32 v7, v2  }
0x7d6: {  	v7 =	vld [tilespmem:s30+$0x0];
	[tilespmem:s28+$0x0] =	vst v4;
	v3 =	vmul.f32 v9, v3  }
0x7d7: {  	v9 =	vld [tilespmem:s30+$0x10];
	[tilespmem:s28+$0x10] =	vst v2  }
0x7d8: {  	v12 =	vld [tilespmem:s30+$0x20];
	[tilespmem:s28+$0x20] =	vst v3  }
0x7d9: {  	v3 =	vld [tilespmem:s30+$0xFFFFFFC0]  }
0x7da: {  	s26 =	sadd.s32 $0x80, s26;
	v13 =	vld.idx.msk [tilespmem:v14+s4+$0x0], $0xffff  }
0x7db: {  	v14 =	vld [tilespmem:s26+$0x30]  }
0x7dc: {  	v15 =	vld.idx.msk [tilespmem:v11+s4+$0x0], $0xffff  }
0x7dd: {  	v6 =	vld.idx.msk [tilespmem:v10+s4+$0x0], $0xffff  }
0x7de: {  	v5 =	vld.idx.msk [tilespmem:v8+s4+$0x0], $0xffff  }
0x7df: {  	v4 =	vld.idx.msk [tilespmem:v7+s4+$0x0], $0xffff  }
0x7e0: {  	v2 =	vld.idx.msk [tilespmem:v9+s4+$0x0], $0xffff;
	v7 =	vmul.f32 v14, v13  }
0x7e1: {  	s28 =	sadd.s32 $0x80, s28;
	v9 =	vld.idx.msk [tilespmem:v3+s4+$0x0], $0xffff  }
0x7e2: {  	v3 =	vld.idx.msk [tilespmem:v12+s4+$0x0], $0xffff;
	[tilespmem:s28+$0x30] =	vst v7  }
0x7e3: {  	v7 =	vld [tilespmem:s26+$0xFFFFFFC0]  }
0x7e4: {  	v12 =	vld [tilespmem:s26+$0xFFFFFFD0]  }
.Ltmp26:
0x7e5: {  	v11 =	vld [tilespmem:s26+$0xFFFFFFE0];
	(pc) =	sbr.rel @p0 .LBB2_51-.Ltmp26, $4  }
0x7e6: {  	v10 =	vld [tilespmem:s26+$0xFFFFFFF0]  }
0x7e7: {  	v8 =	vld [tilespmem:s26+$0x0]  }
0x7e8: {  	v13 =	vmul.f32 v7, v9;
	v7 =	vld [tilespmem:s26+$0x10]  }
0x7e9: {  	s30 =	sadd.s32 $0x80, s30;
	v12 =	vmul.f32 v12, v15;
	v9 =	vld [tilespmem:s26+$0x20]  }
0x7ea: {  	[tilespmem:s28+$0xFFFFFFC0] =	vst v13;
	v6 =	vmul.f32 v11, v6  }
0x7eb: {  	[tilespmem:s28+$0xFFFFFFD0] =	vst v12;
	v5 =	vmul.f32 v10, v5  }
0x7ec: {  	[tilespmem:s28+$0xFFFFFFE0] =	vst v6;
	v4 =	vmul.f32 v8, v4  }
0x7ed: {  	[tilespmem:s28+$0xFFFFFFF0] =	vst v5;
	v2 =	vmul.f32 v7, v2  }
0x7ee: {  	[tilespmem:s28+$0x0] =	vst v4;
	v3 =	vmul.f32 v9, v3  }
0x7ef: {  	[tilespmem:s28+$0x10] =	vst v2  }
0x7f0: {  	[tilespmem:s28+$0x20] =	vst v3  }
0x7f1: {  	[spmem:s5] =	stream.indirect.scatter.add.f32 [tilespmem:s22], [sflag:$0x4], $0x1, s17, s18, $0xb8;
	[tilespmem:$0x1CA80] =	vst v63  }
0x7f2: {  	_ =	swait.ge [sflag:s14], $0x1000  }
0x7f3: {  	[sflag:s14] =	ssyncset.done $0x0  }
0x7f4: {  	[sflag:s14] =	ssyncadd.s32 $0xFFFFF000  }
0x7f5: {  	_ =	swait.ge [sflag:s14], $0x1000  }
0x7f6: {  	[sflag:s14] =	ssyncset.done $0x0  }
0x7f7: {  	[sflag:s14] =	ssyncadd.s32 $0xFFFFF000  }
0x7f8: {  	_ =	swait.ge [sflag:s14], $0x1000  }
0x7f9: {  	[sflag:s14] =	ssyncset.done $0x0  }
0x7fa: {  	[sflag:s14] =	ssyncadd.s32 $0xFFFFF000  }
0x7fb: {  	_ =	swait.ge [sflag:s23], $0x1000  }
0x7fc: {  	s26 =	sld [smem:$0x7DE]  }
0x7fd: {  	[sflag:s23] =	ssyncset.done $0x0  }
0x7fe: {  	s0 =	sld [smem:$0x7DF];
	[sflag:s23] =	ssyncadd.s32 $0xFFFFF000  }
0x7ff: {  	[tilespmem:s15], [sflag:$0x2] =	stream.linear.gather [hbm4b:s26+s4], $0x1000, $0x38;
	[tilespmem:$0x1CA80] =	vst v63  }
0x800: {  	_ = 	snop  }
0x801: {  	[tilespmem:s16], [sflag:$0x2] =	stream.linear.gather [hbm4b:s0+s4], $0x1000, $0x38;
	[tilespmem:$0x1CA80] =	vst v63  }
0x802: {  	s0 =	sld [smem:$0x7E0];
	_ =	sdelay $0x2  }
0x803: {  	[tilespmem:s17], [sflag:$0x2] =	stream.linear.gather [hbm4b:s0+s4], $0x1000, $0x38;
	[tilespmem:$0x1CA80] =	vst v63  }
0x804: {  	s0 =	simm.s32 $0x10040  }
0x805: {  	v2 =	vld [tilespmem:s0+$0x30]  }
0x806: {  	v3 =	vld [tilespmem:s0+$0xFFFFFFD0]  }
0x807: {  	v4 =	vld [tilespmem:s0+$0xFFFFFFE0]  }
0x808: {  	v5 =	vld [tilespmem:s0+$0xFFFFFFF0]  }
0x809: {  	v7 =	vld [tilespmem:s0+$0x0]  }
0x80a: {  	v8 =	vld [tilespmem:s0+$0x10]  }
0x80b: {  	v9 =	vld [tilespmem:s0+$0x20]  }
0x80c: {  	s26 =	simm.s32 $0x12040;
	v10 =	vld [tilespmem:s0+$0xFFFFFFC0]  }
0x80d: {  	v13 =	vld [tilespmem:s26+$0x30]  }
0x80e: {  	v16 =	vld [tilespmem:s26+$0xFFFFFFD0]  }
0x80f: {  	v11 =	vld [tilespmem:s26+$0xFFFFFFE0]  }
0x810: {  	v12 =	vld.idx.msk [tilespmem:v2+s4+$0x0], $0xffff  }
0x811: {  	v14 =	vld.idx.msk [tilespmem:v3+s4+$0x0], $0xffff  }
0x812: {  	v6 =	vld.idx.msk [tilespmem:v4+s4+$0x0], $0xffff  }
0x813: {  	v5 =	vld.idx.msk [tilespmem:v5+s4+$0x0], $0xffff  }
0x814: {  	v15 =	vld.idx.msk [tilespmem:v10+s4+$0x0], $0xffff  }
0x815: {  	v3 =	vld.idx.msk [tilespmem:v9+s4+$0x0], $0xffff  }
0x816: {  	v9 =	vld [tilespmem:s26+$0xFFFFFFC0]  }
0x817: {  	v4 =	vld.idx.msk [tilespmem:v7+s4+$0x0], $0xffff  }
0x818: {  	v2 =	vld.idx.msk [tilespmem:v8+s4+$0x0], $0xffff  }
0x819: {  	v10 =	vld [tilespmem:s26+$0xFFFFFFF0]  }
0x81a: {  	v8 =	vld [tilespmem:s26+$0x0];
	v12 =	vmul.f32 v13, v12  }
0x81b: {  	s28 =	simm.s32 $0x14040;
	v7 =	vld [tilespmem:s26+$0x10];
	v13 =	vmul.f32 v9, v15  }
0x81c: {  	s29 =	simm.s32 $0x0;
	s30 =	simm.s32 $0x100C0;
	v9 =	vld [tilespmem:s26+$0x20];
	[tilespmem:s28+$0x30] =	vst v12;
	v12 =	vmul.f32 v16, v14  }
.LBB2_53:
0x81d: {  	v14 =	vld [tilespmem:s30+$0x30];
	s29 =	sadd.s32 $0x8, s29;
	[tilespmem:s28+$0xFFFFFFC0] =	vst v13;
	v6 =	vmul.f32 v11, v6  }
0x81e: {  	v11 =	vld [tilespmem:s30+$0xFFFFFFD0];
	p0 =	slt.u32 s29, $0xF8;
	[tilespmem:s28+$0xFFFFFFD0] =	vst v12;
	v5 =	vmul.f32 v10, v5  }
0x81f: {  	v10 =	vld [tilespmem:s30+$0xFFFFFFE0];
	[tilespmem:s28+$0xFFFFFFE0] =	vst v6;
	v4 =	vmul.f32 v8, v4  }
0x820: {  	v8 =	vld [tilespmem:s30+$0xFFFFFFF0];
	[tilespmem:s28+$0xFFFFFFF0] =	vst v5;
	v2 =	vmul.f32 v7, v2  }
0x821: {  	v7 =	vld [tilespmem:s30+$0x0];
	[tilespmem:s28+$0x0] =	vst v4;
	v3 =	vmul.f32 v9, v3  }
0x822: {  	v9 =	vld [tilespmem:s30+$0x10];
	[tilespmem:s28+$0x10] =	vst v2  }
0x823: {  	v12 =	vld [tilespmem:s30+$0x20];
	[tilespmem:s28+$0x20] =	vst v3  }
0x824: {  	v3 =	vld [tilespmem:s30+$0xFFFFFFC0]  }
0x825: {  	s26 =	sadd.s32 $0x80, s26;
	v13 =	vld.idx.msk [tilespmem:v14+s4+$0x0], $0xffff  }
0x826: {  	v14 =	vld [tilespmem:s26+$0x30]  }
0x827: {  	v15 =	vld.idx.msk [tilespmem:v11+s4+$0x0], $0xffff  }
0x828: {  	v6 =	vld.idx.msk [tilespmem:v10+s4+$0x0], $0xffff  }
0x829: {  	v5 =	vld.idx.msk [tilespmem:v8+s4+$0x0], $0xffff  }
0x82a: {  	v4 =	vld.idx.msk [tilespmem:v7+s4+$0x0], $0xffff  }
0x82b: {  	v2 =	vld.idx.msk [tilespmem:v9+s4+$0x0], $0xffff;
	v7 =	vmul.f32 v14, v13  }
0x82c: {  	s28 =	sadd.s32 $0x80, s28;
	v9 =	vld.idx.msk [tilespmem:v3+s4+$0x0], $0xffff  }
0x82d: {  	v3 =	vld.idx.msk [tilespmem:v12+s4+$0x0], $0xffff;
	[tilespmem:s28+$0x30] =	vst v7  }
0x82e: {  	v7 =	vld [tilespmem:s26+$0xFFFFFFC0]  }
0x82f: {  	v12 =	vld [tilespmem:s26+$0xFFFFFFD0]  }
.Ltmp27:
0x830: {  	v11 =	vld [tilespmem:s26+$0xFFFFFFE0];
	(pc) =	sbr.rel @p0 .LBB2_53-.Ltmp27, $4  }
0x831: {  	v10 =	vld [tilespmem:s26+$0xFFFFFFF0]  }
0x832: {  	v8 =	vld [tilespmem:s26+$0x0]  }
0x833: {  	v13 =	vmul.f32 v7, v9;
	v7 =	vld [tilespmem:s26+$0x10]  }
0x834: {  	s30 =	sadd.s32 $0x80, s30;
	v12 =	vmul.f32 v12, v15;
	v9 =	vld [tilespmem:s26+$0x20]  }
0x835: {  	[tilespmem:s28+$0xFFFFFFC0] =	vst v13;
	v6 =	vmul.f32 v11, v6  }
0x836: {  	[tilespmem:s28+$0xFFFFFFD0] =	vst v12;
	v5 =	vmul.f32 v10, v5  }
0x837: {  	[tilespmem:s28+$0xFFFFFFE0] =	vst v6;
	v4 =	vmul.f32 v8, v4  }
0x838: {  	[tilespmem:s28+$0xFFFFFFF0] =	vst v5;
	v2 =	vmul.f32 v7, v2  }
0x839: {  	[tilespmem:s28+$0x0] =	vst v4;
	v3 =	vmul.f32 v9, v3  }
0x83a: {  	[tilespmem:s28+$0x10] =	vst v2  }
0x83b: {  	[tilespmem:s28+$0x20] =	vst v3  }
0x83c: {  	[spmem:s5] =	stream.indirect.scatter.add.f32 [tilespmem:s19], [sflag:$0x3], $0x1, s13, s18, $0xb8;
	[tilespmem:$0x1CA80] =	vst v63  }
0x83d: {  	_ =	swait.ge [sflag:s20], $0x1000  }
0x83e: {  	[sflag:s20] =	ssyncset.done $0x0  }
0x83f: {  	[sflag:s20] =	ssyncadd.s32 $0xFFFFF000  }
0x840: {  	_ =	swait.ge [sflag:s20], $0x1000  }
0x841: {  	[sflag:s20] =	ssyncset.done $0x0  }
0x842: {  	[sflag:s20] =	ssyncadd.s32 $0xFFFFF000  }
0x843: {  	_ =	swait.ge [sflag:s20], $0x1000  }
0x844: {  	[sflag:s20] =	ssyncset.done $0x0  }
0x845: {  	[sflag:s20] =	ssyncadd.s32 $0xFFFFF000  }
0x846: {  	_ =	swait.ge [sflag:s21], $0x1000  }
0x847: {  	s26 =	sld [smem:$0x7E1]  }
0x848: {  	[sflag:s21] =	ssyncset.done $0x0  }
0x849: {  	s0 =	sld [smem:$0x7E2];
	[sflag:s21] =	ssyncadd.s32 $0xFFFFF000  }
0x84a: {  	[tilespmem:s11], [sflag:$0x1] =	stream.linear.gather [hbm4b:s26+s4], $0x1000, $0x38;
	[tilespmem:$0x1CA80] =	vst v63  }
0x84b: {  	_ = 	snop  }
0x84c: {  	[tilespmem:s12], [sflag:$0x1] =	stream.linear.gather [hbm4b:s0+s4], $0x1000, $0x38;
	[tilespmem:$0x1CA80] =	vst v63  }
0x84d: {  	s0 =	sld [smem:$0x7E3];
	_ =	sdelay $0x2  }
0x84e: {  	[tilespmem:s13], [sflag:$0x1] =	stream.linear.gather [hbm4b:s0+s4], $0x1000, $0x38;
	[tilespmem:$0x1CA80] =	vst v63  }
0x84f: {  	s0 =	simm.s32 $0x11040  }
0x850: {  	v2 =	vld [tilespmem:s0+$0x30]  }
0x851: {  	v3 =	vld [tilespmem:s0+$0xFFFFFFD0]  }
0x852: {  	v4 =	vld [tilespmem:s0+$0xFFFFFFE0]  }
0x853: {  	v5 =	vld [tilespmem:s0+$0xFFFFFFF0]  }
0x854: {  	v7 =	vld [tilespmem:s0+$0x0]  }
0x855: {  	v8 =	vld [tilespmem:s0+$0x10]  }
0x856: {  	v9 =	vld [tilespmem:s0+$0x20]  }
0x857: {  	s26 =	simm.s32 $0x13040;
	v10 =	vld [tilespmem:s0+$0xFFFFFFC0]  }
0x858: {  	v13 =	vld [tilespmem:s26+$0x30]  }
0x859: {  	v16 =	vld [tilespmem:s26+$0xFFFFFFD0]  }
0x85a: {  	v11 =	vld [tilespmem:s26+$0xFFFFFFE0]  }
0x85b: {  	v12 =	vld.idx.msk [tilespmem:v2+s4+$0x0], $0xffff  }
0x85c: {  	v14 =	vld.idx.msk [tilespmem:v3+s4+$0x0], $0xffff  }
0x85d: {  	v6 =	vld.idx.msk [tilespmem:v4+s4+$0x0], $0xffff  }
0x85e: {  	v5 =	vld.idx.msk [tilespmem:v5+s4+$0x0], $0xffff  }
0x85f: {  	v15 =	vld.idx.msk [tilespmem:v10+s4+$0x0], $0xffff  }
0x860: {  	v3 =	vld.idx.msk [tilespmem:v9+s4+$0x0], $0xffff  }
0x861: {  	v9 =	vld [tilespmem:s26+$0xFFFFFFC0]  }
0x862: {  	v4 =	vld.idx.msk [tilespmem:v7+s4+$0x0], $0xffff  }
0x863: {  	v2 =	vld.idx.msk [tilespmem:v8+s4+$0x0], $0xffff  }
0x864: {  	v10 =	vld [tilespmem:s26+$0xFFFFFFF0]  }
0x865: {  	v8 =	vld [tilespmem:s26+$0x0];
	v12 =	vmul.f32 v13, v12  }
0x866: {  	s28 =	simm.s32 $0x15040;
	v7 =	vld [tilespmem:s26+$0x10];
	v13 =	vmul.f32 v9, v15  }
0x867: {  	s29 =	simm.s32 $0x0;
	s30 =	simm.s32 $0x110C0;
	v9 =	vld [tilespmem:s26+$0x20];
	[tilespmem:s28+$0x30] =	vst v12;
	v12 =	vmul.f32 v16, v14  }
.LBB2_55:
0x868: {  	v14 =	vld [tilespmem:s30+$0x30];
	s29 =	sadd.s32 $0x8, s29;
	[tilespmem:s28+$0xFFFFFFC0] =	vst v13;
	v6 =	vmul.f32 v11, v6  }
0x869: {  	v11 =	vld [tilespmem:s30+$0xFFFFFFD0];
	p0 =	slt.u32 s29, $0xF8;
	[tilespmem:s28+$0xFFFFFFD0] =	vst v12;
	v5 =	vmul.f32 v10, v5  }
0x86a: {  	v10 =	vld [tilespmem:s30+$0xFFFFFFE0];
	[tilespmem:s28+$0xFFFFFFE0] =	vst v6;
	v4 =	vmul.f32 v8, v4  }
0x86b: {  	v8 =	vld [tilespmem:s30+$0xFFFFFFF0];
	[tilespmem:s28+$0xFFFFFFF0] =	vst v5;
	v2 =	vmul.f32 v7, v2  }
0x86c: {  	v7 =	vld [tilespmem:s30+$0x0];
	[tilespmem:s28+$0x0] =	vst v4;
	v3 =	vmul.f32 v9, v3  }
0x86d: {  	v9 =	vld [tilespmem:s30+$0x10];
	[tilespmem:s28+$0x10] =	vst v2  }
0x86e: {  	v12 =	vld [tilespmem:s30+$0x20];
	[tilespmem:s28+$0x20] =	vst v3  }
0x86f: {  	v3 =	vld [tilespmem:s30+$0xFFFFFFC0]  }
0x870: {  	s26 =	sadd.s32 $0x80, s26;
	v13 =	vld.idx.msk [tilespmem:v14+s4+$0x0], $0xffff  }
0x871: {  	v14 =	vld [tilespmem:s26+$0x30]  }
0x872: {  	v15 =	vld.idx.msk [tilespmem:v11+s4+$0x0], $0xffff  }
0x873: {  	v6 =	vld.idx.msk [tilespmem:v10+s4+$0x0], $0xffff  }
0x874: {  	v5 =	vld.idx.msk [tilespmem:v8+s4+$0x0], $0xffff  }
0x875: {  	v4 =	vld.idx.msk [tilespmem:v7+s4+$0x0], $0xffff  }
0x876: {  	v2 =	vld.idx.msk [tilespmem:v9+s4+$0x0], $0xffff;
	v7 =	vmul.f32 v14, v13  }
0x877: {  	s28 =	sadd.s32 $0x80, s28;
	v9 =	vld.idx.msk [tilespmem:v3+s4+$0x0], $0xffff  }
0x878: {  	v3 =	vld.idx.msk [tilespmem:v12+s4+$0x0], $0xffff;
	[tilespmem:s28+$0x30] =	vst v7  }
0x879: {  	v7 =	vld [tilespmem:s26+$0xFFFFFFC0]  }
0x87a: {  	v12 =	vld [tilespmem:s26+$0xFFFFFFD0]  }
.Ltmp28:
0x87b: {  	v11 =	vld [tilespmem:s26+$0xFFFFFFE0];
	(pc) =	sbr.rel @p0 .LBB2_55-.Ltmp28, $4  }
0x87c: {  	v10 =	vld [tilespmem:s26+$0xFFFFFFF0]  }
0x87d: {  	v8 =	vld [tilespmem:s26+$0x0]  }
0x87e: {  	v13 =	vmul.f32 v7, v9;
	v7 =	vld [tilespmem:s26+$0x10]  }
0x87f: {  	s30 =	sadd.s32 $0x80, s30;
	v12 =	vmul.f32 v12, v15;
	v9 =	vld [tilespmem:s26+$0x20]  }
0x880: {  	[tilespmem:s28+$0xFFFFFFC0] =	vst v13;
	v6 =	vmul.f32 v11, v6  }
0x881: {  	[tilespmem:s28+$0xFFFFFFD0] =	vst v12;
	v5 =	vmul.f32 v10, v5  }
0x882: {  	[tilespmem:s28+$0xFFFFFFE0] =	vst v6;
	v4 =	vmul.f32 v8, v4  }
0x883: {  	[tilespmem:s28+$0xFFFFFFF0] =	vst v5;
	v2 =	vmul.f32 v7, v2  }
0x884: {  	[tilespmem:s28+$0x0] =	vst v4;
	v3 =	vmul.f32 v9, v3  }
0x885: {  	[tilespmem:s28+$0x10] =	vst v2  }
0x886: {  	[tilespmem:s28+$0x20] =	vst v3  }
0x887: {  	[spmem:s5] =	stream.indirect.scatter.add.f32 [tilespmem:s22], [sflag:$0x4], $0x1, s17, s18, $0xb8;
	[tilespmem:$0x1CA80] =	vst v63  }
0x888: {  	_ =	swait.ge [sflag:s14], $0x1000  }
0x889: {  	[sflag:s14] =	ssyncset.done $0x0  }
0x88a: {  	[sflag:s14] =	ssyncadd.s32 $0xFFFFF000  }
0x88b: {  	_ =	swait.ge [sflag:s14], $0x1000  }
0x88c: {  	[sflag:s14] =	ssyncset.done $0x0  }
0x88d: {  	[sflag:s14] =	ssyncadd.s32 $0xFFFFF000  }
0x88e: {  	_ =	swait.ge [sflag:s14], $0x1000  }
0x88f: {  	[sflag:s14] =	ssyncset.done $0x0  }
0x890: {  	[sflag:s14] =	ssyncadd.s32 $0xFFFFF000  }
0x891: {  	_ =	swait.ge [sflag:s23], $0x1000  }
0x892: {  	s26 =	sld [smem:$0x7E4]  }
0x893: {  	[sflag:s23] =	ssyncset.done $0x0  }
0x894: {  	s0 =	sld [smem:$0x7E5];
	[sflag:s23] =	ssyncadd.s32 $0xFFFFF000  }
0x895: {  	[tilespmem:s15], [sflag:$0x2] =	stream.linear.gather [hbm4b:s26+s4], $0x1000, $0x38;
	[tilespmem:$0x1CA80] =	vst v63  }
0x896: {  	_ = 	snop  }
0x897: {  	[tilespmem:s16], [sflag:$0x2] =	stream.linear.gather [hbm4b:s0+s4], $0x1000, $0x38;
	[tilespmem:$0x1CA80] =	vst v63  }
0x898: {  	s0 =	sld [smem:$0x7E6];
	_ =	sdelay $0x2  }
0x899: {  	[tilespmem:s17], [sflag:$0x2] =	stream.linear.gather [hbm4b:s0+s4], $0x1000, $0x38;
	[tilespmem:$0x1CA80] =	vst v63  }
0x89a: {  	s0 =	simm.s32 $0x10040  }
0x89b: {  	v2 =	vld [tilespmem:s0+$0x30]  }
0x89c: {  	v3 =	vld [tilespmem:s0+$0xFFFFFFD0]  }
0x89d: {  	v4 =	vld [tilespmem:s0+$0xFFFFFFE0]  }
0x89e: {  	v5 =	vld [tilespmem:s0+$0xFFFFFFF0]  }
0x89f: {  	v7 =	vld [tilespmem:s0+$0x0]  }
0x8a0: {  	v8 =	vld [tilespmem:s0+$0x10]  }
0x8a1: {  	v9 =	vld [tilespmem:s0+$0x20]  }
0x8a2: {  	s26 =	simm.s32 $0x12040;
	v10 =	vld [tilespmem:s0+$0xFFFFFFC0]  }
0x8a3: {  	v13 =	vld [tilespmem:s26+$0x30]  }
0x8a4: {  	v16 =	vld [tilespmem:s26+$0xFFFFFFD0]  }
0x8a5: {  	v11 =	vld [tilespmem:s26+$0xFFFFFFE0]  }
0x8a6: {  	v12 =	vld.idx.msk [tilespmem:v2+s4+$0x0], $0xffff  }
0x8a7: {  	v14 =	vld.idx.msk [tilespmem:v3+s4+$0x0], $0xffff  }
0x8a8: {  	v6 =	vld.idx.msk [tilespmem:v4+s4+$0x0], $0xffff  }
0x8a9: {  	v5 =	vld.idx.msk [tilespmem:v5+s4+$0x0], $0xffff  }
0x8aa: {  	v15 =	vld.idx.msk [tilespmem:v10+s4+$0x0], $0xffff  }
0x8ab: {  	v3 =	vld.idx.msk [tilespmem:v9+s4+$0x0], $0xffff  }
0x8ac: {  	v9 =	vld [tilespmem:s26+$0xFFFFFFC0]  }
0x8ad: {  	v4 =	vld.idx.msk [tilespmem:v7+s4+$0x0], $0xffff  }
0x8ae: {  	v2 =	vld.idx.msk [tilespmem:v8+s4+$0x0], $0xffff  }
0x8af: {  	v10 =	vld [tilespmem:s26+$0xFFFFFFF0]  }
0x8b0: {  	v8 =	vld [tilespmem:s26+$0x0];
	v12 =	vmul.f32 v13, v12  }
0x8b1: {  	s28 =	simm.s32 $0x14040;
	v7 =	vld [tilespmem:s26+$0x10];
	v13 =	vmul.f32 v9, v15  }
0x8b2: {  	s29 =	simm.s32 $0x0;
	s30 =	simm.s32 $0x100C0;
	v9 =	vld [tilespmem:s26+$0x20];
	[tilespmem:s28+$0x30] =	vst v12;
	v12 =	vmul.f32 v16, v14  }
.LBB2_57:
0x8b3: {  	v14 =	vld [tilespmem:s30+$0x30];
	s29 =	sadd.s32 $0x8, s29;
	[tilespmem:s28+$0xFFFFFFC0] =	vst v13;
	v6 =	vmul.f32 v11, v6  }
0x8b4: {  	v11 =	vld [tilespmem:s30+$0xFFFFFFD0];
	p0 =	slt.u32 s29, $0xF8;
	[tilespmem:s28+$0xFFFFFFD0] =	vst v12;
	v5 =	vmul.f32 v10, v5  }
0x8b5: {  	v10 =	vld [tilespmem:s30+$0xFFFFFFE0];
	[tilespmem:s28+$0xFFFFFFE0] =	vst v6;
	v4 =	vmul.f32 v8, v4  }
0x8b6: {  	v8 =	vld [tilespmem:s30+$0xFFFFFFF0];
	[tilespmem:s28+$0xFFFFFFF0] =	vst v5;
	v2 =	vmul.f32 v7, v2  }
0x8b7: {  	v7 =	vld [tilespmem:s30+$0x0];
	[tilespmem:s28+$0x0] =	vst v4;
	v3 =	vmul.f32 v9, v3  }
0x8b8: {  	v9 =	vld [tilespmem:s30+$0x10];
	[tilespmem:s28+$0x10] =	vst v2  }
0x8b9: {  	v12 =	vld [tilespmem:s30+$0x20];
	[tilespmem:s28+$0x20] =	vst v3  }
0x8ba: {  	v3 =	vld [tilespmem:s30+$0xFFFFFFC0]  }
0x8bb: {  	s26 =	sadd.s32 $0x80, s26;
	v13 =	vld.idx.msk [tilespmem:v14+s4+$0x0], $0xffff  }
0x8bc: {  	v14 =	vld [tilespmem:s26+$0x30]  }
0x8bd: {  	v15 =	vld.idx.msk [tilespmem:v11+s4+$0x0], $0xffff  }
0x8be: {  	v6 =	vld.idx.msk [tilespmem:v10+s4+$0x0], $0xffff  }
0x8bf: {  	v5 =	vld.idx.msk [tilespmem:v8+s4+$0x0], $0xffff  }
0x8c0: {  	v4 =	vld.idx.msk [tilespmem:v7+s4+$0x0], $0xffff  }
0x8c1: {  	v2 =	vld.idx.msk [tilespmem:v9+s4+$0x0], $0xffff;
	v7 =	vmul.f32 v14, v13  }
0x8c2: {  	s28 =	sadd.s32 $0x80, s28;
	v9 =	vld.idx.msk [tilespmem:v3+s4+$0x0], $0xffff  }
0x8c3: {  	v3 =	vld.idx.msk [tilespmem:v12+s4+$0x0], $0xffff;
	[tilespmem:s28+$0x30] =	vst v7  }
0x8c4: {  	v7 =	vld [tilespmem:s26+$0xFFFFFFC0]  }
0x8c5: {  	v12 =	vld [tilespmem:s26+$0xFFFFFFD0]  }
.Ltmp29:
0x8c6: {  	v11 =	vld [tilespmem:s26+$0xFFFFFFE0];
	(pc) =	sbr.rel @p0 .LBB2_57-.Ltmp29, $4  }
0x8c7: {  	v10 =	vld [tilespmem:s26+$0xFFFFFFF0]  }
0x8c8: {  	v8 =	vld [tilespmem:s26+$0x0]  }
0x8c9: {  	v13 =	vmul.f32 v7, v9;
	v7 =	vld [tilespmem:s26+$0x10]  }
0x8ca: {  	s30 =	sadd.s32 $0x80, s30;
	v12 =	vmul.f32 v12, v15;
	v9 =	vld [tilespmem:s26+$0x20]  }
0x8cb: {  	[tilespmem:s28+$0xFFFFFFC0] =	vst v13;
	v6 =	vmul.f32 v11, v6  }
0x8cc: {  	[tilespmem:s28+$0xFFFFFFD0] =	vst v12;
	v5 =	vmul.f32 v10, v5  }
0x8cd: {  	[tilespmem:s28+$0xFFFFFFE0] =	vst v6;
	v4 =	vmul.f32 v8, v4  }
0x8ce: {  	[tilespmem:s28+$0xFFFFFFF0] =	vst v5;
	v2 =	vmul.f32 v7, v2  }
0x8cf: {  	[tilespmem:s28+$0x0] =	vst v4;
	v3 =	vmul.f32 v9, v3  }
0x8d0: {  	[tilespmem:s28+$0x10] =	vst v2  }
0x8d1: {  	[tilespmem:s28+$0x20] =	vst v3  }
0x8d2: {  	[spmem:s5] =	stream.indirect.scatter.add.f32 [tilespmem:s19], [sflag:$0x3], $0x1, s13, s18, $0xb8;
	[tilespmem:$0x1CA80] =	vst v63  }
0x8d3: {  	_ =	swait.ge [sflag:s20], $0x1000  }
0x8d4: {  	[sflag:s20] =	ssyncset.done $0x0  }
0x8d5: {  	[sflag:s20] =	ssyncadd.s32 $0xFFFFF000  }
0x8d6: {  	_ =	swait.ge [sflag:s20], $0x1000  }
0x8d7: {  	[sflag:s20] =	ssyncset.done $0x0  }
0x8d8: {  	[sflag:s20] =	ssyncadd.s32 $0xFFFFF000  }
0x8d9: {  	_ =	swait.ge [sflag:s20], $0x1000  }
0x8da: {  	[sflag:s20] =	ssyncset.done $0x0  }
0x8db: {  	[sflag:s20] =	ssyncadd.s32 $0xFFFFF000  }
0x8dc: {  	_ =	swait.ge [sflag:s21], $0x1000  }
0x8dd: {  	s26 =	sld [smem:$0x7E7]  }
0x8de: {  	[sflag:s21] =	ssyncset.done $0x0  }
0x8df: {  	s0 =	sld [smem:$0x7E8];
	[sflag:s21] =	ssyncadd.s32 $0xFFFFF000  }
0x8e0: {  	[tilespmem:s11], [sflag:$0x1] =	stream.linear.gather [hbm4b:s26+s4], $0x1000, $0x38;
	[tilespmem:$0x1CA80] =	vst v63  }
0x8e1: {  	_ = 	snop  }
0x8e2: {  	[tilespmem:s12], [sflag:$0x1] =	stream.linear.gather [hbm4b:s0+s4], $0x1000, $0x38;
	[tilespmem:$0x1CA80] =	vst v63  }
0x8e3: {  	s0 =	sld [smem:$0x7E9];
	_ =	sdelay $0x2  }
0x8e4: {  	[tilespmem:s13], [sflag:$0x1] =	stream.linear.gather [hbm4b:s0+s4], $0x1000, $0x38;
	[tilespmem:$0x1CA80] =	vst v63  }
0x8e5: {  	s0 =	simm.s32 $0x11040  }
0x8e6: {  	v2 =	vld [tilespmem:s0+$0x30]  }
0x8e7: {  	v3 =	vld [tilespmem:s0+$0xFFFFFFD0]  }
0x8e8: {  	v4 =	vld [tilespmem:s0+$0xFFFFFFE0]  }
0x8e9: {  	v5 =	vld [tilespmem:s0+$0xFFFFFFF0]  }
0x8ea: {  	v7 =	vld [tilespmem:s0+$0x0]  }
0x8eb: {  	v8 =	vld [tilespmem:s0+$0x10]  }
0x8ec: {  	v9 =	vld [tilespmem:s0+$0x20]  }
0x8ed: {  	s26 =	simm.s32 $0x13040;
	v10 =	vld [tilespmem:s0+$0xFFFFFFC0]  }
0x8ee: {  	v13 =	vld [tilespmem:s26+$0x30]  }
0x8ef: {  	v16 =	vld [tilespmem:s26+$0xFFFFFFD0]  }
0x8f0: {  	v11 =	vld [tilespmem:s26+$0xFFFFFFE0]  }
0x8f1: {  	v12 =	vld.idx.msk [tilespmem:v2+s4+$0x0], $0xffff  }
0x8f2: {  	v14 =	vld.idx.msk [tilespmem:v3+s4+$0x0], $0xffff  }
0x8f3: {  	v6 =	vld.idx.msk [tilespmem:v4+s4+$0x0], $0xffff  }
0x8f4: {  	v5 =	vld.idx.msk [tilespmem:v5+s4+$0x0], $0xffff  }
0x8f5: {  	v15 =	vld.idx.msk [tilespmem:v10+s4+$0x0], $0xffff  }
0x8f6: {  	v3 =	vld.idx.msk [tilespmem:v9+s4+$0x0], $0xffff  }
0x8f7: {  	v9 =	vld [tilespmem:s26+$0xFFFFFFC0]  }
0x8f8: {  	v4 =	vld.idx.msk [tilespmem:v7+s4+$0x0], $0xffff  }
0x8f9: {  	v2 =	vld.idx.msk [tilespmem:v8+s4+$0x0], $0xffff  }
0x8fa: {  	v10 =	vld [tilespmem:s26+$0xFFFFFFF0]  }
0x8fb: {  	v8 =	vld [tilespmem:s26+$0x0];
	v12 =	vmul.f32 v13, v12  }
0x8fc: {  	s28 =	simm.s32 $0x15040;
	v7 =	vld [tilespmem:s26+$0x10];
	v13 =	vmul.f32 v9, v15  }
0x8fd: {  	s29 =	simm.s32 $0x0;
	s30 =	simm.s32 $0x110C0;
	v9 =	vld [tilespmem:s26+$0x20];
	[tilespmem:s28+$0x30] =	vst v12;
	v12 =	vmul.f32 v16, v14  }
.LBB2_59:
0x8fe: {  	v14 =	vld [tilespmem:s30+$0x30];
	s29 =	sadd.s32 $0x8, s29;
	[tilespmem:s28+$0xFFFFFFC0] =	vst v13;
	v6 =	vmul.f32 v11, v6  }
0x8ff: {  	v11 =	vld [tilespmem:s30+$0xFFFFFFD0];
	p0 =	slt.u32 s29, $0xF8;
	[tilespmem:s28+$0xFFFFFFD0] =	vst v12;
	v5 =	vmul.f32 v10, v5  }
0x900: {  	v10 =	vld [tilespmem:s30+$0xFFFFFFE0];
	[tilespmem:s28+$0xFFFFFFE0] =	vst v6;
	v4 =	vmul.f32 v8, v4  }
0x901: {  	v8 =	vld [tilespmem:s30+$0xFFFFFFF0];
	[tilespmem:s28+$0xFFFFFFF0] =	vst v5;
	v2 =	vmul.f32 v7, v2  }
0x902: {  	v7 =	vld [tilespmem:s30+$0x0];
	[tilespmem:s28+$0x0] =	vst v4;
	v3 =	vmul.f32 v9, v3  }
0x903: {  	v9 =	vld [tilespmem:s30+$0x10];
	[tilespmem:s28+$0x10] =	vst v2  }
0x904: {  	v12 =	vld [tilespmem:s30+$0x20];
	[tilespmem:s28+$0x20] =	vst v3  }
0x905: {  	v3 =	vld [tilespmem:s30+$0xFFFFFFC0]  }
0x906: {  	s26 =	sadd.s32 $0x80, s26;
	v13 =	vld.idx.msk [tilespmem:v14+s4+$0x0], $0xffff  }
0x907: {  	v14 =	vld [tilespmem:s26+$0x30]  }
0x908: {  	v15 =	vld.idx.msk [tilespmem:v11+s4+$0x0], $0xffff  }
0x909: {  	v6 =	vld.idx.msk [tilespmem:v10+s4+$0x0], $0xffff  }
0x90a: {  	v5 =	vld.idx.msk [tilespmem:v8+s4+$0x0], $0xffff  }
0x90b: {  	v4 =	vld.idx.msk [tilespmem:v7+s4+$0x0], $0xffff  }
0x90c: {  	v2 =	vld.idx.msk [tilespmem:v9+s4+$0x0], $0xffff;
	v7 =	vmul.f32 v14, v13  }
0x90d: {  	s28 =	sadd.s32 $0x80, s28;
	v9 =	vld.idx.msk [tilespmem:v3+s4+$0x0], $0xffff  }
0x90e: {  	v3 =	vld.idx.msk [tilespmem:v12+s4+$0x0], $0xffff;
	[tilespmem:s28+$0x30] =	vst v7  }
0x90f: {  	v7 =	vld [tilespmem:s26+$0xFFFFFFC0]  }
0x910: {  	v12 =	vld [tilespmem:s26+$0xFFFFFFD0]  }
.Ltmp30:
0x911: {  	v11 =	vld [tilespmem:s26+$0xFFFFFFE0];
	(pc) =	sbr.rel @p0 .LBB2_59-.Ltmp30, $4  }
0x912: {  	v10 =	vld [tilespmem:s26+$0xFFFFFFF0]  }
0x913: {  	v8 =	vld [tilespmem:s26+$0x0]  }
0x914: {  	v13 =	vmul.f32 v7, v9;
	v7 =	vld [tilespmem:s26+$0x10]  }
0x915: {  	s30 =	sadd.s32 $0x80, s30;
	v12 =	vmul.f32 v12, v15;
	v9 =	vld [tilespmem:s26+$0x20]  }
0x916: {  	[tilespmem:s28+$0xFFFFFFC0] =	vst v13;
	v6 =	vmul.f32 v11, v6  }
0x917: {  	[tilespmem:s28+$0xFFFFFFD0] =	vst v12;
	v5 =	vmul.f32 v10, v5  }
0x918: {  	[tilespmem:s28+$0xFFFFFFE0] =	vst v6;
	v4 =	vmul.f32 v8, v4  }
0x919: {  	[tilespmem:s28+$0xFFFFFFF0] =	vst v5;
	v2 =	vmul.f32 v7, v2  }
0x91a: {  	[tilespmem:s28+$0x0] =	vst v4;
	v3 =	vmul.f32 v9, v3  }
0x91b: {  	[tilespmem:s28+$0x10] =	vst v2  }
0x91c: {  	[tilespmem:s28+$0x20] =	vst v3  }
0x91d: {  	[spmem:s5] =	stream.indirect.scatter.add.f32 [tilespmem:s22], [sflag:$0x4], $0x1, s17, s18, $0xb8;
	[tilespmem:$0x1CA80] =	vst v63  }
0x91e: {  	_ =	swait.ge [sflag:s14], $0x1000  }
0x91f: {  	[sflag:s14] =	ssyncset.done $0x0  }
0x920: {  	[sflag:s14] =	ssyncadd.s32 $0xFFFFF000  }
0x921: {  	_ =	swait.ge [sflag:s14], $0x1000  }
0x922: {  	[sflag:s14] =	ssyncset.done $0x0  }
0x923: {  	[sflag:s14] =	ssyncadd.s32 $0xFFFFF000  }
0x924: {  	_ =	swait.ge [sflag:s14], $0x1000  }
0x925: {  	[sflag:s14] =	ssyncset.done $0x0  }
0x926: {  	[sflag:s14] =	ssyncadd.s32 $0xFFFFF000  }
0x927: {  	_ =	swait.ge [sflag:s23], $0x1000  }
0x928: {  	s26 =	sld [smem:$0x7EA]  }
0x929: {  	[sflag:s23] =	ssyncset.done $0x0  }
0x92a: {  	s0 =	sld [smem:$0x7EB];
	[sflag:s23] =	ssyncadd.s32 $0xFFFFF000  }
0x92b: {  	[tilespmem:s15], [sflag:$0x2] =	stream.linear.gather [hbm4b:s26+s4], $0x1000, $0x38;
	[tilespmem:$0x1CA80] =	vst v63  }
0x92c: {  	_ = 	snop  }
0x92d: {  	[tilespmem:s16], [sflag:$0x2] =	stream.linear.gather [hbm4b:s0+s4], $0x1000, $0x38;
	[tilespmem:$0x1CA80] =	vst v63  }
0x92e: {  	s0 =	sld [smem:$0x7EC];
	_ =	sdelay $0x2  }
0x92f: {  	[tilespmem:s17], [sflag:$0x2] =	stream.linear.gather [hbm4b:s0+s4], $0x1000, $0x38;
	[tilespmem:$0x1CA80] =	vst v63  }
0x930: {  	s0 =	simm.s32 $0x10040  }
0x931: {  	v2 =	vld [tilespmem:s0+$0x30]  }
0x932: {  	v3 =	vld [tilespmem:s0+$0xFFFFFFD0]  }
0x933: {  	v4 =	vld [tilespmem:s0+$0xFFFFFFE0]  }
0x934: {  	v5 =	vld [tilespmem:s0+$0xFFFFFFF0]  }
0x935: {  	v7 =	vld [tilespmem:s0+$0x0]  }
0x936: {  	v8 =	vld [tilespmem:s0+$0x10]  }
0x937: {  	v9 =	vld [tilespmem:s0+$0x20]  }
0x938: {  	s26 =	simm.s32 $0x12040;
	v10 =	vld [tilespmem:s0+$0xFFFFFFC0]  }
0x939: {  	v13 =	vld [tilespmem:s26+$0x30]  }
0x93a: {  	v16 =	vld [tilespmem:s26+$0xFFFFFFD0]  }
0x93b: {  	v11 =	vld [tilespmem:s26+$0xFFFFFFE0]  }
0x93c: {  	v12 =	vld.idx.msk [tilespmem:v2+s4+$0x0], $0xffff  }
0x93d: {  	v14 =	vld.idx.msk [tilespmem:v3+s4+$0x0], $0xffff  }
0x93e: {  	v6 =	vld.idx.msk [tilespmem:v4+s4+$0x0], $0xffff  }
0x93f: {  	v5 =	vld.idx.msk [tilespmem:v5+s4+$0x0], $0xffff  }
0x940: {  	v15 =	vld.idx.msk [tilespmem:v10+s4+$0x0], $0xffff  }
0x941: {  	v3 =	vld.idx.msk [tilespmem:v9+s4+$0x0], $0xffff  }
0x942: {  	v9 =	vld [tilespmem:s26+$0xFFFFFFC0]  }
0x943: {  	v4 =	vld.idx.msk [tilespmem:v7+s4+$0x0], $0xffff  }
0x944: {  	v2 =	vld.idx.msk [tilespmem:v8+s4+$0x0], $0xffff  }
0x945: {  	v10 =	vld [tilespmem:s26+$0xFFFFFFF0]  }
0x946: {  	v8 =	vld [tilespmem:s26+$0x0];
	v12 =	vmul.f32 v13, v12  }
0x947: {  	s28 =	simm.s32 $0x14040;
	v7 =	vld [tilespmem:s26+$0x10];
	v13 =	vmul.f32 v9, v15  }
0x948: {  	s29 =	simm.s32 $0x0;
	s30 =	simm.s32 $0x100C0;
	v9 =	vld [tilespmem:s26+$0x20];
	[tilespmem:s28+$0x30] =	vst v12;
	v12 =	vmul.f32 v16, v14  }
.LBB2_61:
0x949: {  	v14 =	vld [tilespmem:s30+$0x30];
	s29 =	sadd.s32 $0x8, s29;
	[tilespmem:s28+$0xFFFFFFC0] =	vst v13;
	v6 =	vmul.f32 v11, v6  }
0x94a: {  	v11 =	vld [tilespmem:s30+$0xFFFFFFD0];
	p0 =	slt.u32 s29, $0xF8;
	[tilespmem:s28+$0xFFFFFFD0] =	vst v12;
	v5 =	vmul.f32 v10, v5  }
0x94b: {  	v10 =	vld [tilespmem:s30+$0xFFFFFFE0];
	[tilespmem:s28+$0xFFFFFFE0] =	vst v6;
	v4 =	vmul.f32 v8, v4  }
0x94c: {  	v8 =	vld [tilespmem:s30+$0xFFFFFFF0];
	[tilespmem:s28+$0xFFFFFFF0] =	vst v5;
	v2 =	vmul.f32 v7, v2  }
0x94d: {  	v7 =	vld [tilespmem:s30+$0x0];
	[tilespmem:s28+$0x0] =	vst v4;
	v3 =	vmul.f32 v9, v3  }
0x94e: {  	v9 =	vld [tilespmem:s30+$0x10];
	[tilespmem:s28+$0x10] =	vst v2  }
0x94f: {  	v12 =	vld [tilespmem:s30+$0x20];
	[tilespmem:s28+$0x20] =	vst v3  }
0x950: {  	v3 =	vld [tilespmem:s30+$0xFFFFFFC0]  }
0x951: {  	s26 =	sadd.s32 $0x80, s26;
	v13 =	vld.idx.msk [tilespmem:v14+s4+$0x0], $0xffff  }
0x952: {  	v14 =	vld [tilespmem:s26+$0x30]  }
0x953: {  	v15 =	vld.idx.msk [tilespmem:v11+s4+$0x0], $0xffff  }
0x954: {  	v6 =	vld.idx.msk [tilespmem:v10+s4+$0x0], $0xffff  }
0x955: {  	v5 =	vld.idx.msk [tilespmem:v8+s4+$0x0], $0xffff  }
0x956: {  	v4 =	vld.idx.msk [tilespmem:v7+s4+$0x0], $0xffff  }
0x957: {  	v2 =	vld.idx.msk [tilespmem:v9+s4+$0x0], $0xffff;
	v7 =	vmul.f32 v14, v13  }
0x958: {  	s28 =	sadd.s32 $0x80, s28;
	v9 =	vld.idx.msk [tilespmem:v3+s4+$0x0], $0xffff  }
0x959: {  	v3 =	vld.idx.msk [tilespmem:v12+s4+$0x0], $0xffff;
	[tilespmem:s28+$0x30] =	vst v7  }
0x95a: {  	v7 =	vld [tilespmem:s26+$0xFFFFFFC0]  }
0x95b: {  	v12 =	vld [tilespmem:s26+$0xFFFFFFD0]  }
.Ltmp31:
0x95c: {  	v11 =	vld [tilespmem:s26+$0xFFFFFFE0];
	(pc) =	sbr.rel @p0 .LBB2_61-.Ltmp31, $4  }
0x95d: {  	v10 =	vld [tilespmem:s26+$0xFFFFFFF0]  }
0x95e: {  	v8 =	vld [tilespmem:s26+$0x0]  }
0x95f: {  	v13 =	vmul.f32 v7, v9;
	v7 =	vld [tilespmem:s26+$0x10]  }
0x960: {  	s30 =	sadd.s32 $0x80, s30;
	v12 =	vmul.f32 v12, v15;
	v9 =	vld [tilespmem:s26+$0x20]  }
0x961: {  	[tilespmem:s28+$0xFFFFFFC0] =	vst v13;
	v6 =	vmul.f32 v11, v6  }
0x962: {  	[tilespmem:s28+$0xFFFFFFD0] =	vst v12;
	v5 =	vmul.f32 v10, v5  }
0x963: {  	[tilespmem:s28+$0xFFFFFFE0] =	vst v6;
	v4 =	vmul.f32 v8, v4  }
0x964: {  	[tilespmem:s28+$0xFFFFFFF0] =	vst v5;
	v2 =	vmul.f32 v7, v2  }
0x965: {  	[tilespmem:s28+$0x0] =	vst v4;
	v3 =	vmul.f32 v9, v3  }
0x966: {  	[tilespmem:s28+$0x10] =	vst v2  }
0x967: {  	[tilespmem:s28+$0x20] =	vst v3  }
0x968: {  	[spmem:s5] =	stream.indirect.scatter.add.f32 [tilespmem:s19], [sflag:$0x3], $0x1, s13, s18, $0xb8;
	[tilespmem:$0x1CA80] =	vst v63  }
0x969: {  	_ =	swait.ge [sflag:s20], $0x1000  }
0x96a: {  	[sflag:s20] =	ssyncset.done $0x0  }
0x96b: {  	[sflag:s20] =	ssyncadd.s32 $0xFFFFF000  }
0x96c: {  	_ =	swait.ge [sflag:s20], $0x1000  }
0x96d: {  	[sflag:s20] =	ssyncset.done $0x0  }
0x96e: {  	[sflag:s20] =	ssyncadd.s32 $0xFFFFF000  }
0x96f: {  	_ =	swait.ge [sflag:s20], $0x1000  }
0x970: {  	[sflag:s20] =	ssyncset.done $0x0  }
0x971: {  	[sflag:s20] =	ssyncadd.s32 $0xFFFFF000  }
0x972: {  	_ =	swait.ge [sflag:s21], $0x1000  }
0x973: {  	s26 =	sld [smem:$0x7ED]  }
0x974: {  	[sflag:s21] =	ssyncset.done $0x0  }
0x975: {  	s0 =	sld [smem:$0x7EE];
	[sflag:s21] =	ssyncadd.s32 $0xFFFFF000  }
0x976: {  	[tilespmem:s11], [sflag:$0x1] =	stream.linear.gather [hbm4b:s26+s4], $0x1000, $0x38;
	[tilespmem:$0x1CA80] =	vst v63  }
0x977: {  	_ = 	snop  }
0x978: {  	[tilespmem:s12], [sflag:$0x1] =	stream.linear.gather [hbm4b:s0+s4], $0x1000, $0x38;
	[tilespmem:$0x1CA80] =	vst v63  }
0x979: {  	s0 =	sld [smem:$0x7EF];
	_ =	sdelay $0x2  }
0x97a: {  	[tilespmem:s13], [sflag:$0x1] =	stream.linear.gather [hbm4b:s0+s4], $0x1000, $0x38;
	[tilespmem:$0x1CA80] =	vst v63  }
0x97b: {  	s0 =	simm.s32 $0x11040  }
0x97c: {  	v2 =	vld [tilespmem:s0+$0x30]  }
0x97d: {  	v3 =	vld [tilespmem:s0+$0xFFFFFFD0]  }
0x97e: {  	v4 =	vld [tilespmem:s0+$0xFFFFFFE0]  }
0x97f: {  	v5 =	vld [tilespmem:s0+$0xFFFFFFF0]  }
0x980: {  	v7 =	vld [tilespmem:s0+$0x0]  }
0x981: {  	v8 =	vld [tilespmem:s0+$0x10]  }
0x982: {  	v9 =	vld [tilespmem:s0+$0x20]  }
0x983: {  	s26 =	simm.s32 $0x13040;
	v10 =	vld [tilespmem:s0+$0xFFFFFFC0]  }
0x984: {  	v13 =	vld [tilespmem:s26+$0x30]  }
0x985: {  	v16 =	vld [tilespmem:s26+$0xFFFFFFD0]  }
0x986: {  	v11 =	vld [tilespmem:s26+$0xFFFFFFE0]  }
0x987: {  	v12 =	vld.idx.msk [tilespmem:v2+s4+$0x0], $0xffff  }
0x988: {  	v14 =	vld.idx.msk [tilespmem:v3+s4+$0x0], $0xffff  }
0x989: {  	v6 =	vld.idx.msk [tilespmem:v4+s4+$0x0], $0xffff  }
0x98a: {  	v5 =	vld.idx.msk [tilespmem:v5+s4+$0x0], $0xffff  }
0x98b: {  	v15 =	vld.idx.msk [tilespmem:v10+s4+$0x0], $0xffff  }
0x98c: {  	v3 =	vld.idx.msk [tilespmem:v9+s4+$0x0], $0xffff  }
0x98d: {  	v9 =	vld [tilespmem:s26+$0xFFFFFFC0]  }
0x98e: {  	v4 =	vld.idx.msk [tilespmem:v7+s4+$0x0], $0xffff  }
0x98f: {  	v2 =	vld.idx.msk [tilespmem:v8+s4+$0x0], $0xffff  }
0x990: {  	v10 =	vld [tilespmem:s26+$0xFFFFFFF0]  }
0x991: {  	v8 =	vld [tilespmem:s26+$0x0];
	v12 =	vmul.f32 v13, v12  }
0x992: {  	s28 =	simm.s32 $0x15040;
	v7 =	vld [tilespmem:s26+$0x10];
	v13 =	vmul.f32 v9, v15  }
0x993: {  	s29 =	simm.s32 $0x0;
	s30 =	simm.s32 $0x110C0;
	v9 =	vld [tilespmem:s26+$0x20];
	[tilespmem:s28+$0x30] =	vst v12;
	v12 =	vmul.f32 v16, v14  }
.LBB2_63:
0x994: {  	v14 =	vld [tilespmem:s30+$0x30];
	s29 =	sadd.s32 $0x8, s29;
	[tilespmem:s28+$0xFFFFFFC0] =	vst v13;
	v6 =	vmul.f32 v11, v6  }
0x995: {  	v11 =	vld [tilespmem:s30+$0xFFFFFFD0];
	p0 =	slt.u32 s29, $0xF8;
	[tilespmem:s28+$0xFFFFFFD0] =	vst v12;
	v5 =	vmul.f32 v10, v5  }
0x996: {  	v10 =	vld [tilespmem:s30+$0xFFFFFFE0];
	[tilespmem:s28+$0xFFFFFFE0] =	vst v6;
	v4 =	vmul.f32 v8, v4  }
0x997: {  	v8 =	vld [tilespmem:s30+$0xFFFFFFF0];
	[tilespmem:s28+$0xFFFFFFF0] =	vst v5;
	v2 =	vmul.f32 v7, v2  }
0x998: {  	v7 =	vld [tilespmem:s30+$0x0];
	[tilespmem:s28+$0x0] =	vst v4;
	v3 =	vmul.f32 v9, v3  }
0x999: {  	v9 =	vld [tilespmem:s30+$0x10];
	[tilespmem:s28+$0x10] =	vst v2  }
0x99a: {  	v12 =	vld [tilespmem:s30+$0x20];
	[tilespmem:s28+$0x20] =	vst v3  }
0x99b: {  	v3 =	vld [tilespmem:s30+$0xFFFFFFC0]  }
0x99c: {  	s26 =	sadd.s32 $0x80, s26;
	v13 =	vld.idx.msk [tilespmem:v14+s4+$0x0], $0xffff  }
0x99d: {  	v14 =	vld [tilespmem:s26+$0x30]  }
0x99e: {  	v15 =	vld.idx.msk [tilespmem:v11+s4+$0x0], $0xffff  }
0x99f: {  	v6 =	vld.idx.msk [tilespmem:v10+s4+$0x0], $0xffff  }
0x9a0: {  	v5 =	vld.idx.msk [tilespmem:v8+s4+$0x0], $0xffff  }
0x9a1: {  	v4 =	vld.idx.msk [tilespmem:v7+s4+$0x0], $0xffff  }
0x9a2: {  	v2 =	vld.idx.msk [tilespmem:v9+s4+$0x0], $0xffff;
	v7 =	vmul.f32 v14, v13  }
0x9a3: {  	s28 =	sadd.s32 $0x80, s28;
	v9 =	vld.idx.msk [tilespmem:v3+s4+$0x0], $0xffff  }
0x9a4: {  	v3 =	vld.idx.msk [tilespmem:v12+s4+$0x0], $0xffff;
	[tilespmem:s28+$0x30] =	vst v7  }
0x9a5: {  	v7 =	vld [tilespmem:s26+$0xFFFFFFC0]  }
0x9a6: {  	v12 =	vld [tilespmem:s26+$0xFFFFFFD0]  }
.Ltmp32:
0x9a7: {  	v11 =	vld [tilespmem:s26+$0xFFFFFFE0];
	(pc) =	sbr.rel @p0 .LBB2_63-.Ltmp32, $4  }
0x9a8: {  	v10 =	vld [tilespmem:s26+$0xFFFFFFF0]  }
0x9a9: {  	v8 =	vld [tilespmem:s26+$0x0]  }
0x9aa: {  	v13 =	vmul.f32 v7, v9;
	v7 =	vld [tilespmem:s26+$0x10]  }
0x9ab: {  	s30 =	sadd.s32 $0x80, s30;
	v12 =	vmul.f32 v12, v15;
	v9 =	vld [tilespmem:s26+$0x20]  }
0x9ac: {  	[tilespmem:s28+$0xFFFFFFC0] =	vst v13;
	v6 =	vmul.f32 v11, v6  }
0x9ad: {  	[tilespmem:s28+$0xFFFFFFD0] =	vst v12;
	v5 =	vmul.f32 v10, v5  }
0x9ae: {  	[tilespmem:s28+$0xFFFFFFE0] =	vst v6;
	v4 =	vmul.f32 v8, v4  }
0x9af: {  	[tilespmem:s28+$0xFFFFFFF0] =	vst v5;
	v2 =	vmul.f32 v7, v2  }
0x9b0: {  	[tilespmem:s28+$0x0] =	vst v4;
	v3 =	vmul.f32 v9, v3  }
0x9b1: {  	[tilespmem:s28+$0x10] =	vst v2  }
0x9b2: {  	[tilespmem:s28+$0x20] =	vst v3  }
0x9b3: {  	[spmem:s5] =	stream.indirect.scatter.add.f32 [tilespmem:s22], [sflag:$0x4], $0x1, s17, s18, $0xb8;
	[tilespmem:$0x1CA80] =	vst v63  }
0x9b4: {  	_ =	swait.ge [sflag:s14], $0x1000  }
0x9b5: {  	[sflag:s14] =	ssyncset.done $0x0  }
0x9b6: {  	[sflag:s14] =	ssyncadd.s32 $0xFFFFF000  }
0x9b7: {  	_ =	swait.ge [sflag:s14], $0x1000  }
0x9b8: {  	[sflag:s14] =	ssyncset.done $0x0  }
0x9b9: {  	[sflag:s14] =	ssyncadd.s32 $0xFFFFF000  }
0x9ba: {  	_ =	swait.ge [sflag:s14], $0x1000  }
0x9bb: {  	[sflag:s14] =	ssyncset.done $0x0  }
0x9bc: {  	[sflag:s14] =	ssyncadd.s32 $0xFFFFF000  }
0x9bd: {  	_ =	swait.ge [sflag:s23], $0x1000  }
0x9be: {  	[sflag:s23] =	ssyncset.done $0x0  }
0x9bf: {  	[sflag:s23] =	ssyncadd.s32 $0xFFFFF000  }
0x9c0: {  	[tilespmem:s15], [sflag:$0x2] =	stream.linear.gather [hbm4b:s1+s4], $0x1000, $0x38;
	[tilespmem:$0x1CA80] =	vst v63  }
0x9c1: {  	_ = 	snop  }
0x9c2: {  	[tilespmem:s16], [sflag:$0x2] =	stream.linear.gather [hbm4b:s2+s4], $0x1000, $0x38;
	[tilespmem:$0x1CA80] =	vst v63  }
0x9c3: {  	s26 =	simm.s32 $0x10040  }
0x9c4: {  	[tilespmem:s17], [sflag:$0x2] =	stream.linear.gather [hbm4b:s3+s4], $0x1000, $0x38;
	[tilespmem:$0x1CA80] =	vst v63  }
0x9c5: {  	v2 =	vld [tilespmem:s26+$0x30]  }
0x9c6: {  	v3 =	vld [tilespmem:s26+$0xFFFFFFD0]  }
0x9c7: {  	v4 =	vld [tilespmem:s26+$0xFFFFFFE0]  }
0x9c8: {  	v5 =	vld [tilespmem:s26+$0xFFFFFFF0]  }
0x9c9: {  	v7 =	vld [tilespmem:s26+$0x0]  }
0x9ca: {  	v8 =	vld [tilespmem:s26+$0x10]  }
0x9cb: {  	v9 =	vld [tilespmem:s26+$0x20]  }
0x9cc: {  	v10 =	vld [tilespmem:s26+$0xFFFFFFC0];
	s26 =	simm.s32 $0x12040  }
0x9cd: {  	v13 =	vld [tilespmem:s26+$0x30]  }
0x9ce: {  	v16 =	vld [tilespmem:s26+$0xFFFFFFD0]  }
0x9cf: {  	v11 =	vld [tilespmem:s26+$0xFFFFFFE0]  }
0x9d0: {  	v12 =	vld.idx.msk [tilespmem:v2+s4+$0x0], $0xffff  }
0x9d1: {  	v14 =	vld.idx.msk [tilespmem:v3+s4+$0x0], $0xffff  }
0x9d2: {  	v6 =	vld.idx.msk [tilespmem:v4+s4+$0x0], $0xffff  }
0x9d3: {  	v5 =	vld.idx.msk [tilespmem:v5+s4+$0x0], $0xffff  }
0x9d4: {  	v15 =	vld.idx.msk [tilespmem:v10+s4+$0x0], $0xffff  }
0x9d5: {  	v3 =	vld.idx.msk [tilespmem:v9+s4+$0x0], $0xffff  }
0x9d6: {  	v9 =	vld [tilespmem:s26+$0xFFFFFFC0]  }
0x9d7: {  	v4 =	vld.idx.msk [tilespmem:v7+s4+$0x0], $0xffff  }
0x9d8: {  	v2 =	vld.idx.msk [tilespmem:v8+s4+$0x0], $0xffff  }
0x9d9: {  	v10 =	vld [tilespmem:s26+$0xFFFFFFF0]  }
0x9da: {  	v8 =	vld [tilespmem:s26+$0x0];
	v12 =	vmul.f32 v13, v12  }
0x9db: {  	s28 =	simm.s32 $0x14040;
	v7 =	vld [tilespmem:s26+$0x10];
	v13 =	vmul.f32 v9, v15  }
0x9dc: {  	s29 =	simm.s32 $0x0;
	s30 =	simm.s32 $0x100C0;
	v9 =	vld [tilespmem:s26+$0x20];
	[tilespmem:s28+$0x30] =	vst v12;
	v12 =	vmul.f32 v16, v14  }
.LBB2_65:
0x9dd: {  	v14 =	vld [tilespmem:s30+$0x30];
	s29 =	sadd.s32 $0x8, s29;
	[tilespmem:s28+$0xFFFFFFC0] =	vst v13;
	v6 =	vmul.f32 v11, v6  }
0x9de: {  	v11 =	vld [tilespmem:s30+$0xFFFFFFD0];
	p0 =	slt.u32 s29, $0xF8;
	[tilespmem:s28+$0xFFFFFFD0] =	vst v12;
	v5 =	vmul.f32 v10, v5  }
0x9df: {  	v10 =	vld [tilespmem:s30+$0xFFFFFFE0];
	[tilespmem:s28+$0xFFFFFFE0] =	vst v6;
	v4 =	vmul.f32 v8, v4  }
0x9e0: {  	v8 =	vld [tilespmem:s30+$0xFFFFFFF0];
	[tilespmem:s28+$0xFFFFFFF0] =	vst v5;
	v2 =	vmul.f32 v7, v2  }
0x9e1: {  	v7 =	vld [tilespmem:s30+$0x0];
	[tilespmem:s28+$0x0] =	vst v4;
	v3 =	vmul.f32 v9, v3  }
0x9e2: {  	v9 =	vld [tilespmem:s30+$0x10];
	[tilespmem:s28+$0x10] =	vst v2  }
0x9e3: {  	v12 =	vld [tilespmem:s30+$0x20];
	[tilespmem:s28+$0x20] =	vst v3  }
0x9e4: {  	v3 =	vld [tilespmem:s30+$0xFFFFFFC0]  }
0x9e5: {  	s26 =	sadd.s32 $0x80, s26;
	v13 =	vld.idx.msk [tilespmem:v14+s4+$0x0], $0xffff  }
0x9e6: {  	v14 =	vld [tilespmem:s26+$0x30]  }
0x9e7: {  	v15 =	vld.idx.msk [tilespmem:v11+s4+$0x0], $0xffff  }
0x9e8: {  	v6 =	vld.idx.msk [tilespmem:v10+s4+$0x0], $0xffff  }
0x9e9: {  	v5 =	vld.idx.msk [tilespmem:v8+s4+$0x0], $0xffff  }
0x9ea: {  	v4 =	vld.idx.msk [tilespmem:v7+s4+$0x0], $0xffff  }
0x9eb: {  	v2 =	vld.idx.msk [tilespmem:v9+s4+$0x0], $0xffff;
	v7 =	vmul.f32 v14, v13  }
0x9ec: {  	s28 =	sadd.s32 $0x80, s28;
	v9 =	vld.idx.msk [tilespmem:v3+s4+$0x0], $0xffff  }
0x9ed: {  	v3 =	vld.idx.msk [tilespmem:v12+s4+$0x0], $0xffff;
	[tilespmem:s28+$0x30] =	vst v7  }
0x9ee: {  	v7 =	vld [tilespmem:s26+$0xFFFFFFC0]  }
0x9ef: {  	v12 =	vld [tilespmem:s26+$0xFFFFFFD0]  }
.Ltmp33:
0x9f0: {  	v11 =	vld [tilespmem:s26+$0xFFFFFFE0];
	(pc) =	sbr.rel @p0 .LBB2_65-.Ltmp33, $4  }
0x9f1: {  	v10 =	vld [tilespmem:s26+$0xFFFFFFF0]  }
0x9f2: {  	v8 =	vld [tilespmem:s26+$0x0]  }
0x9f3: {  	v13 =	vmul.f32 v7, v9;
	v7 =	vld [tilespmem:s26+$0x10]  }
0x9f4: {  	s30 =	sadd.s32 $0x80, s30;
	v12 =	vmul.f32 v12, v15;
	v9 =	vld [tilespmem:s26+$0x20]  }
0x9f5: {  	[tilespmem:s28+$0xFFFFFFC0] =	vst v13;
	v6 =	vmul.f32 v11, v6  }
0x9f6: {  	[tilespmem:s28+$0xFFFFFFD0] =	vst v12;
	v5 =	vmul.f32 v10, v5  }
0x9f7: {  	[tilespmem:s28+$0xFFFFFFE0] =	vst v6;
	v4 =	vmul.f32 v8, v4  }
0x9f8: {  	[tilespmem:s28+$0xFFFFFFF0] =	vst v5;
	v2 =	vmul.f32 v7, v2  }
0x9f9: {  	[tilespmem:s28+$0x0] =	vst v4;
	v3 =	vmul.f32 v9, v3  }
0x9fa: {  	[tilespmem:s28+$0x10] =	vst v2  }
0x9fb: {  	[tilespmem:s28+$0x20] =	vst v3  }
0x9fc: {  	[spmem:s5] =	stream.indirect.scatter.add.f32 [tilespmem:s19], [sflag:$0x3], $0x1, s13, s18, $0xb8;
	[tilespmem:$0x1CA80] =	vst v63  }
0x9fd: {  	_ =	swait.ge [sflag:s20], $0x1000  }
0x9fe: {  	[sflag:s20] =	ssyncset.done $0x0  }
0x9ff: {  	[sflag:s20] =	ssyncadd.s32 $0xFFFFF000  }
0xa00: {  	_ =	swait.ge [sflag:s20], $0x1000  }
0xa01: {  	[sflag:s20] =	ssyncset.done $0x0  }
0xa02: {  	[sflag:s20] =	ssyncadd.s32 $0xFFFFF000  }
0xa03: {  	_ =	swait.ge [sflag:s20], $0x1000  }
0xa04: {  	[sflag:s20] =	ssyncset.done $0x0  }
0xa05: {  	[sflag:s20] =	ssyncadd.s32 $0xFFFFF000  }
0xa06: {  	_ =	swait.ge [sflag:s21], $0x1000  }
0xa07: {  	[sflag:s21] =	ssyncset.done $0x0  }
0xa08: {  	[sflag:s21] =	ssyncadd.s32 $0xFFFFF000  }
0xa09: {  	[tilespmem:s11], [sflag:$0x1] =	stream.linear.gather [hbm4b:s6+s4], $0x1000, $0x38;
	[tilespmem:$0x1CA80] =	vst v63  }
0xa0a: {  	_ = 	snop  }
0xa0b: {  	[tilespmem:s12], [sflag:$0x1] =	stream.linear.gather [hbm4b:s7+s4], $0x1000, $0x38;
	[tilespmem:$0x1CA80] =	vst v63  }
0xa0c: {  	s26 =	simm.s32 $0x11040  }
0xa0d: {  	[tilespmem:s13], [sflag:$0x1] =	stream.linear.gather [hbm4b:s8+s4], $0x1000, $0x38;
	[tilespmem:$0x1CA80] =	vst v63  }
0xa0e: {  	v2 =	vld [tilespmem:s26+$0x30]  }
0xa0f: {  	v3 =	vld [tilespmem:s26+$0xFFFFFFD0]  }
0xa10: {  	v4 =	vld [tilespmem:s26+$0xFFFFFFE0]  }
0xa11: {  	v5 =	vld [tilespmem:s26+$0xFFFFFFF0]  }
0xa12: {  	v7 =	vld [tilespmem:s26+$0x0]  }
0xa13: {  	v8 =	vld [tilespmem:s26+$0x10]  }
0xa14: {  	v9 =	vld [tilespmem:s26+$0x20]  }
0xa15: {  	v10 =	vld [tilespmem:s26+$0xFFFFFFC0];
	s26 =	simm.s32 $0x13040  }
0xa16: {  	v13 =	vld [tilespmem:s26+$0x30]  }
0xa17: {  	v16 =	vld [tilespmem:s26+$0xFFFFFFD0]  }
0xa18: {  	v11 =	vld [tilespmem:s26+$0xFFFFFFE0]  }
0xa19: {  	v12 =	vld.idx.msk [tilespmem:v2+s4+$0x0], $0xffff  }
0xa1a: {  	v14 =	vld.idx.msk [tilespmem:v3+s4+$0x0], $0xffff  }
0xa1b: {  	v6 =	vld.idx.msk [tilespmem:v4+s4+$0x0], $0xffff  }
0xa1c: {  	v5 =	vld.idx.msk [tilespmem:v5+s4+$0x0], $0xffff  }
0xa1d: {  	v15 =	vld.idx.msk [tilespmem:v10+s4+$0x0], $0xffff  }
0xa1e: {  	v3 =	vld.idx.msk [tilespmem:v9+s4+$0x0], $0xffff  }
0xa1f: {  	v9 =	vld [tilespmem:s26+$0xFFFFFFC0]  }
0xa20: {  	v4 =	vld.idx.msk [tilespmem:v7+s4+$0x0], $0xffff  }
0xa21: {  	v2 =	vld.idx.msk [tilespmem:v8+s4+$0x0], $0xffff  }
0xa22: {  	v10 =	vld [tilespmem:s26+$0xFFFFFFF0]  }
0xa23: {  	v8 =	vld [tilespmem:s26+$0x0];
	v12 =	vmul.f32 v13, v12  }
0xa24: {  	s28 =	simm.s32 $0x15040;
	v7 =	vld [tilespmem:s26+$0x10];
	v13 =	vmul.f32 v9, v15  }
0xa25: {  	s29 =	simm.s32 $0x0;
	s30 =	simm.s32 $0x110C0;
	v9 =	vld [tilespmem:s26+$0x20];
	[tilespmem:s28+$0x30] =	vst v12;
	v12 =	vmul.f32 v16, v14  }
.LBB2_67:
0xa26: {  	v14 =	vld [tilespmem:s30+$0x30];
	s29 =	sadd.s32 $0x8, s29;
	[tilespmem:s28+$0xFFFFFFC0] =	vst v13;
	v6 =	vmul.f32 v11, v6  }
0xa27: {  	v11 =	vld [tilespmem:s30+$0xFFFFFFD0];
	p0 =	slt.u32 s29, $0xF8;
	[tilespmem:s28+$0xFFFFFFD0] =	vst v12;
	v5 =	vmul.f32 v10, v5  }
0xa28: {  	v10 =	vld [tilespmem:s30+$0xFFFFFFE0];
	[tilespmem:s28+$0xFFFFFFE0] =	vst v6;
	v4 =	vmul.f32 v8, v4  }
0xa29: {  	v8 =	vld [tilespmem:s30+$0xFFFFFFF0];
	[tilespmem:s28+$0xFFFFFFF0] =	vst v5;
	v2 =	vmul.f32 v7, v2  }
0xa2a: {  	v7 =	vld [tilespmem:s30+$0x0];
	[tilespmem:s28+$0x0] =	vst v4;
	v3 =	vmul.f32 v9, v3  }
0xa2b: {  	v9 =	vld [tilespmem:s30+$0x10];
	[tilespmem:s28+$0x10] =	vst v2  }
0xa2c: {  	v12 =	vld [tilespmem:s30+$0x20];
	[tilespmem:s28+$0x20] =	vst v3  }
0xa2d: {  	v3 =	vld [tilespmem:s30+$0xFFFFFFC0]  }
0xa2e: {  	s26 =	sadd.s32 $0x80, s26;
	v13 =	vld.idx.msk [tilespmem:v14+s4+$0x0], $0xffff  }
0xa2f: {  	v14 =	vld [tilespmem:s26+$0x30]  }
0xa30: {  	v15 =	vld.idx.msk [tilespmem:v11+s4+$0x0], $0xffff  }
0xa31: {  	v6 =	vld.idx.msk [tilespmem:v10+s4+$0x0], $0xffff  }
0xa32: {  	v5 =	vld.idx.msk [tilespmem:v8+s4+$0x0], $0xffff  }
0xa33: {  	v4 =	vld.idx.msk [tilespmem:v7+s4+$0x0], $0xffff  }
0xa34: {  	v2 =	vld.idx.msk [tilespmem:v9+s4+$0x0], $0xffff;
	v7 =	vmul.f32 v14, v13  }
0xa35: {  	s28 =	sadd.s32 $0x80, s28;
	v9 =	vld.idx.msk [tilespmem:v3+s4+$0x0], $0xffff  }
0xa36: {  	v3 =	vld.idx.msk [tilespmem:v12+s4+$0x0], $0xffff;
	[tilespmem:s28+$0x30] =	vst v7  }
0xa37: {  	v7 =	vld [tilespmem:s26+$0xFFFFFFC0]  }
0xa38: {  	v12 =	vld [tilespmem:s26+$0xFFFFFFD0]  }
.Ltmp34:
0xa39: {  	v11 =	vld [tilespmem:s26+$0xFFFFFFE0];
	(pc) =	sbr.rel @p0 .LBB2_67-.Ltmp34, $4  }
0xa3a: {  	v10 =	vld [tilespmem:s26+$0xFFFFFFF0]  }
0xa3b: {  	v8 =	vld [tilespmem:s26+$0x0]  }
0xa3c: {  	v13 =	vmul.f32 v7, v9;
	v7 =	vld [tilespmem:s26+$0x10]  }
0xa3d: {  	s30 =	sadd.s32 $0x80, s30;
	v12 =	vmul.f32 v12, v15;
	v9 =	vld [tilespmem:s26+$0x20]  }
0xa3e: {  	[tilespmem:s28+$0xFFFFFFC0] =	vst v13;
	v6 =	vmul.f32 v11, v6  }
0xa3f: {  	[tilespmem:s28+$0xFFFFFFD0] =	vst v12;
	v5 =	vmul.f32 v10, v5  }
0xa40: {  	[tilespmem:s28+$0xFFFFFFE0] =	vst v6;
	v4 =	vmul.f32 v8, v4  }
0xa41: {  	[tilespmem:s28+$0xFFFFFFF0] =	vst v5;
	v2 =	vmul.f32 v7, v2  }
0xa42: {  	[tilespmem:s28+$0x0] =	vst v4;
	v3 =	vmul.f32 v9, v3  }
0xa43: {  	[tilespmem:s28+$0x10] =	vst v2  }
0xa44: {  	[tilespmem:s28+$0x20] =	vst v3  }
0xa45: {  	[spmem:s5] =	stream.indirect.scatter.add.f32 [tilespmem:s22], [sflag:$0x4], $0x1, s17, s18, $0xb8;
	[tilespmem:$0x1CA80] =	vst v63  }
0xa46: {  	_ =	swait.ge [sflag:s14], $0x1000  }
0xa47: {  	[sflag:s14] =	ssyncset.done $0x0  }
0xa48: {  	[sflag:s14] =	ssyncadd.s32 $0xFFFFF000  }
0xa49: {  	_ =	swait.ge [sflag:s14], $0x1000  }
0xa4a: {  	[sflag:s14] =	ssyncset.done $0x0  }
0xa4b: {  	[sflag:s14] =	ssyncadd.s32 $0xFFFFF000  }
0xa4c: {  	_ =	swait.ge [sflag:s14], $0x1000  }
0xa4d: {  	[sflag:s14] =	ssyncset.done $0x0  }
0xa4e: {  	[sflag:s14] =	ssyncadd.s32 $0xFFFFF000  }
0xa4f: {  	_ =	swait.ge [sflag:s23], $0x1000  }
0xa50: {  	[sflag:s23] =	ssyncset.done $0x0  }
0xa51: {  	s26 =	simm.s32 $0x10040;
	[sflag:s23] =	ssyncadd.s32 $0xFFFFF000  }
0xa52: {  	v2 =	vld [tilespmem:s26+$0x30]  }
0xa53: {  	v3 =	vld [tilespmem:s26+$0xFFFFFFD0]  }
0xa54: {  	v4 =	vld [tilespmem:s26+$0xFFFFFFE0]  }
0xa55: {  	v5 =	vld [tilespmem:s26+$0xFFFFFFF0]  }
0xa56: {  	v7 =	vld [tilespmem:s26+$0x0]  }
0xa57: {  	v8 =	vld [tilespmem:s26+$0x10]  }
0xa58: {  	v9 =	vld [tilespmem:s26+$0x20]  }
0xa59: {  	v10 =	vld [tilespmem:s26+$0xFFFFFFC0];
	s26 =	simm.s32 $0x12040  }
0xa5a: {  	v13 =	vld [tilespmem:s26+$0x30]  }
0xa5b: {  	v16 =	vld [tilespmem:s26+$0xFFFFFFD0]  }
0xa5c: {  	v11 =	vld [tilespmem:s26+$0xFFFFFFE0]  }
0xa5d: {  	v12 =	vld.idx.msk [tilespmem:v2+s4+$0x0], $0xffff  }
0xa5e: {  	v14 =	vld.idx.msk [tilespmem:v3+s4+$0x0], $0xffff  }
0xa5f: {  	v6 =	vld.idx.msk [tilespmem:v4+s4+$0x0], $0xffff  }
0xa60: {  	v5 =	vld.idx.msk [tilespmem:v5+s4+$0x0], $0xffff  }
0xa61: {  	v15 =	vld.idx.msk [tilespmem:v10+s4+$0x0], $0xffff  }
0xa62: {  	v3 =	vld.idx.msk [tilespmem:v9+s4+$0x0], $0xffff  }
0xa63: {  	v9 =	vld [tilespmem:s26+$0xFFFFFFC0]  }
0xa64: {  	v4 =	vld.idx.msk [tilespmem:v7+s4+$0x0], $0xffff  }
0xa65: {  	v2 =	vld.idx.msk [tilespmem:v8+s4+$0x0], $0xffff  }
0xa66: {  	v10 =	vld [tilespmem:s26+$0xFFFFFFF0]  }
0xa67: {  	v8 =	vld [tilespmem:s26+$0x0];
	v12 =	vmul.f32 v13, v12  }
0xa68: {  	s28 =	simm.s32 $0x14040;
	v7 =	vld [tilespmem:s26+$0x10];
	v13 =	vmul.f32 v9, v15  }
0xa69: {  	s29 =	simm.s32 $0x0;
	s30 =	simm.s32 $0x100C0;
	v9 =	vld [tilespmem:s26+$0x20];
	[tilespmem:s28+$0x30] =	vst v12;
	v12 =	vmul.f32 v16, v14  }
.LBB2_69:
0xa6a: {  	v14 =	vld [tilespmem:s30+$0x30];
	s29 =	sadd.s32 $0x8, s29;
	[tilespmem:s28+$0xFFFFFFC0] =	vst v13;
	v6 =	vmul.f32 v11, v6  }
0xa6b: {  	v11 =	vld [tilespmem:s30+$0xFFFFFFD0];
	p0 =	slt.u32 s29, $0xF8;
	[tilespmem:s28+$0xFFFFFFD0] =	vst v12;
	v5 =	vmul.f32 v10, v5  }
0xa6c: {  	v10 =	vld [tilespmem:s30+$0xFFFFFFE0];
	[tilespmem:s28+$0xFFFFFFE0] =	vst v6;
	v4 =	vmul.f32 v8, v4  }
0xa6d: {  	v8 =	vld [tilespmem:s30+$0xFFFFFFF0];
	[tilespmem:s28+$0xFFFFFFF0] =	vst v5;
	v2 =	vmul.f32 v7, v2  }
0xa6e: {  	v7 =	vld [tilespmem:s30+$0x0];
	[tilespmem:s28+$0x0] =	vst v4;
	v3 =	vmul.f32 v9, v3  }
0xa6f: {  	v9 =	vld [tilespmem:s30+$0x10];
	[tilespmem:s28+$0x10] =	vst v2  }
0xa70: {  	v12 =	vld [tilespmem:s30+$0x20];
	[tilespmem:s28+$0x20] =	vst v3  }
0xa71: {  	v3 =	vld [tilespmem:s30+$0xFFFFFFC0]  }
0xa72: {  	s26 =	sadd.s32 $0x80, s26;
	v13 =	vld.idx.msk [tilespmem:v14+s4+$0x0], $0xffff  }
0xa73: {  	v14 =	vld [tilespmem:s26+$0x30]  }
0xa74: {  	v15 =	vld.idx.msk [tilespmem:v11+s4+$0x0], $0xffff  }
0xa75: {  	v6 =	vld.idx.msk [tilespmem:v10+s4+$0x0], $0xffff  }
0xa76: {  	v5 =	vld.idx.msk [tilespmem:v8+s4+$0x0], $0xffff  }
0xa77: {  	v4 =	vld.idx.msk [tilespmem:v7+s4+$0x0], $0xffff  }
0xa78: {  	v2 =	vld.idx.msk [tilespmem:v9+s4+$0x0], $0xffff;
	v7 =	vmul.f32 v14, v13  }
0xa79: {  	s28 =	sadd.s32 $0x80, s28;
	v9 =	vld.idx.msk [tilespmem:v3+s4+$0x0], $0xffff  }
0xa7a: {  	v3 =	vld.idx.msk [tilespmem:v12+s4+$0x0], $0xffff;
	[tilespmem:s28+$0x30] =	vst v7  }
0xa7b: {  	v7 =	vld [tilespmem:s26+$0xFFFFFFC0]  }
0xa7c: {  	v12 =	vld [tilespmem:s26+$0xFFFFFFD0]  }
.Ltmp35:
0xa7d: {  	v11 =	vld [tilespmem:s26+$0xFFFFFFE0];
	(pc) =	sbr.rel @p0 .LBB2_69-.Ltmp35, $4  }
0xa7e: {  	v10 =	vld [tilespmem:s26+$0xFFFFFFF0]  }
0xa7f: {  	v8 =	vld [tilespmem:s26+$0x0]  }
0xa80: {  	v13 =	vmul.f32 v7, v9;
	v7 =	vld [tilespmem:s26+$0x10]  }
0xa81: {  	s30 =	sadd.s32 $0x80, s30;
	v12 =	vmul.f32 v12, v15;
	v9 =	vld [tilespmem:s26+$0x20]  }
0xa82: {  	[tilespmem:s28+$0xFFFFFFC0] =	vst v13;
	v6 =	vmul.f32 v11, v6  }
0xa83: {  	[tilespmem:s28+$0xFFFFFFD0] =	vst v12;
	v5 =	vmul.f32 v10, v5  }
0xa84: {  	[tilespmem:s28+$0xFFFFFFE0] =	vst v6;
	v4 =	vmul.f32 v8, v4  }
0xa85: {  	[tilespmem:s28+$0xFFFFFFF0] =	vst v5;
	v2 =	vmul.f32 v7, v2  }
0xa86: {  	[tilespmem:s28+$0x0] =	vst v4;
	v3 =	vmul.f32 v9, v3  }
0xa87: {  	[tilespmem:s28+$0x10] =	vst v2  }
0xa88: {  	p0 =	seq.s32 s25, $0x2;
	[tilespmem:s28+$0x20] =	vst v3  }
0xa89: {  	[spmem:s5] =	stream.indirect.scatter.add.f32 [tilespmem:s19], [sflag:$0x3], $0x1, s13, s18, $0xb8;
	[tilespmem:$0x1CA80] =	vst v63  }
.Ltmp36:
0xa8a: {  	_ =	swait.ge [sflag:s21], $0x1000;
	(pc) =	sbr.rel @p0 .LBB2_72-.Ltmp36, $3  }
0xa8b: {  	[sflag:s21] =	ssyncset.done $0x0  }
0xa8c: {  	[sflag:s21] =	ssyncadd.s32 $0xFFFFF000  }
0xa8d: {  	[bflag:$0x0] =	sbarrier.arrive $0xFFFF;
	_ =	sdelay $0x1  }
0xa8e: {  	s26 =	stileid.u32;
	s30 =	sld [smem:$0x7F5]  }
0xa8f: {  	s26 =	sshll.u32 s26, $0x6  }
0xa90: {  	s29 =	sshrl.u32 s9, $0x3;
	s0 =	simm.s32 $0x10;
	s28 =	sor.u32 $0x1C06, s26  }
0xa91: {  	[hbm:s30@s31], [sflag:s28] =	dma.strided [spmem:s29@s0], $0x200, s14, $0x10   }
0xa92: {  	_ =	swait.ge [sflag:s10], $0x200  }
0xa93: {  	[sflag:s10] =	ssyncset.done $0x0  }
0xa94: {  	[sflag:s10] =	ssyncadd.s32 $0xFFFFFE00  }
0xa95: {  	[bflag:$0x0] =	sbarrier.arrive $0xFFFF  }
0xa96: {  	s30 =	simm.s32 $0x100000;
	_ =	strace $0x80000048  }
0xa97: {  	[smem:s30], [sflag:$0x0] =	smem.add.s32 $0x0  }
0xa98: {  	_ =	swait.done [sflag:s4]  }
0xa99: {  	s0 =	ssyncread [sflag:$0x0]  }
0xa9a: {  	s30 =	sld [smem:$0x7F9];
	_ =	sdelay $0x2  }
0xa9b: {  	s28 =	sadd.s32 s30, s0;
	s0 =	sld [smem:$0x7FC];
	_ =	sdelay $0x2  }
0xa9c: {  	s28 =	sshll.u32 s28, $0x11;
	s26 =	sor.u32 s0, s26  }
0xa9d: {  	[sflag:s4] =	ssyncset.s32 $0x0;
	s26 =	sor.u32 s28, s26  }
0xa9e: {  	[sflag:s4] =	ssyncset.done $0x0;
	s26 =	sor.u32 $0x1C05, s26  }
0xa9f: {  	[sflag:s26] =	ssyncadd.remote.s32 $0x1  }
0xaa0: {  	_ =	swait.ge [sflag:s24], $0x1  }
0xaa1: {  	[sflag:s24] =	ssyncset.done $0x0  }
0xaa2: {  	[sflag:s24] =	ssyncadd.s32 $0xFFFFFFFF  }
0xaa3: {  	_ =	strace $0x90000048  }
0xaa4: {  	s26 =	sld [smem:$0x7F6];
	_ =	sdelay $0x1  }
0xaa5: {  	s29 =	simm.s32 $0x19A80;
	s30 =	simm.s32 $0x100;
	s0 =	simm.s32 $0x80  }
0xaa6: {  	[tilespmem:s29], [sflag:$0x6] =	stream.strided.gather [hbm4b:s26+s0], $0x1000, s30, s0, $0x38;
	[tilespmem:$0x1CA80] =	vst v63  }
0xaa7: {  	_ =	swait.ge [sflag:s10], $0x1000  }
0xaa8: {  	[sflag:s10] =	ssyncset.done $0x0  }
0xaa9: {  	s30 =	simm.s32 $0x1AA80;
	[sflag:s10] =	ssyncadd.s32 $0xFFFFF000  }
0xaaa: {  	[spmem:s5] =	stream.indirect.scatter.add.f32 [tilespmem:s29], [sflag:$0x6], $0x1, s30, s18, $0xb8;
	[tilespmem:$0x1CA80] =	vst v63  }
.Ltmp37:
0xaab: {  	_ =	swait.ge [sflag:s10], $0x1000;
	(pc) =	sbr.rel .LBB2_4-.Ltmp37, $4  }
0xaac: {  	[sflag:s10] =	ssyncset.done $0x0  }
0xaad: {  	[sflag:s10] =	ssyncadd.s32 $0xFFFFF000  }
0xaae: {  	[bflag:$0x0] =	sbarrier.arrive $0xFFFF  }
0xaaf: {  	s25 =	sadd.s32 $0x1, s25  }
.LBB2_73:
0xab0: {  	_ =	sfence.sel $0x180000  }
0xab1: {  	[bflag:$0x0] =	sbarrier.arrive $0xFFFF  }
0xab2: {  	_ =	strace $0x90000047  }
0xab3: {  	s0 =	stileid.u32;
	[bflag:$0x2] =	sbarrier.arrive $0xFFFF  }
0xab4: {  	p0 =	sne.s32 s0, $0x0;
	s0 =	rddreg [dreg:$0x7]  }
0xab5: {  	s0 =	sadd.s32 @!p0 $0x100000, s0  }
0xab6: {  	[sflag:s0] =	ssyncadd.tile.s32 @!p0 $0x1;
	_ =	shalt  }
.Lfunc_end2:
_tile_overlayer_lowered:
.L_overlay_start_2:
0xab7: {  	(tag) =	ssettag $0x2  }
0xab8: {  	s0 =	rddreg [dreg:$0x0];
	s2 =	stileid.u32  }
0xab9: {  	s1 =	rddreg [dreg:$0x1];
	p0 =	sne.s32 s2, $0x0  }
0xaba: {  	s3 =	rddreg [dreg:$0x2];
	[bflag:$0x3] =	sbarrier.arrive $0xFFFF;
	s2 =	simm.s32 @!p0 $0x1C06  }
0xabb: {  	[timem:s3], [sflag:s2] =	dma.local @!p0 [hbm:s0], s1  }
0xabc: {  	s0 =	simm.s32 @!p0 $0x6  }
0xabd: {  	_ =	swait.ge @!p0 [sflag:s0], s1  }
0xabe: {  	s1 =	ssub.s32 @!p0 $0x0, s1;
	[sflag:s0] =	ssyncset.done @!p0 $0x0  }
0xabf: {  	[sflag:s0] =	ssyncadd.s32 @!p0 s1  }
0xac0: {  	[bflag:$0x3] =	sbarrier.arrive $0xFFFF  }
0xac1: {  	_ =	shalt  }

</sc_bundles>
